<compile_context>
chip_gen: v7x
topology: tpu7x:2x2x1
jax: 0.10.2.dev20260603
libtpu: 0.0.44.dev20260713+nightly
codegen_flags: <defaults>
</compile_context>

<pallas_src>
import functools

import jax
import jax.numpy as jnp
from jax import lax
from jax.experimental import pallas as pl
from jax.experimental.pallas import tpu as pltpu
from jax.experimental.pallas import tpu_sc as plsc

NUM_TEAMS = 1000000
EMBED_DIM = 16
NUM_FEATURES = 22
BATCH = 16384

NC, NS = 2, 16
NW = NC * NS
CHUNK = 128
B2 = 2 * BATCH
D_SC = EMBED_DIM // NC
T_W = B2 // NS
KJ = T_W // CHUNK

DSTRIDE = 1 << 20
TLIN = EMBED_DIM * DSTRIDE

DT_C = 41600
DT_K = 12
DT_HALF = DT_C * DT_K
DT_REM = NUM_TEAMS - 2 * DT_HALF

_sc_mesh = plsc.VectorSubcoreMesh(
    core_axis_name="c", subcore_axis_name="s", num_cores=NC, num_subcores=NS
)


def _gather_body(tt_hbm, idxo_hbm, out_hbm, scr_hbm,
                 buf0, buf1, rem, idx_v, rows_v,
                 sr0, sr1, sw0, sw1, sg0, sg1):
  c = lax.axis_index("c")
  s = lax.axis_index("s")

  d = c * D_SC + s // 2
  h = s % 2
  col0 = h * DT_HALF
  dst0 = d * DSTRIDE + col0
  bufs = (buf0, buf1)
  srs = (sr0, sr1)
  sws = (sw0, sw1)

  def rd(k):
    return pltpu.make_async_copy(
        tt_hbm.at[d, pl.ds(col0 + k * DT_C, DT_C)], bufs[k % 2], srs[k % 2]
    )

  def wr(k):
    return pltpu.make_async_copy(
        bufs[k % 2], scr_hbm.at[pl.ds(dst0 + k * DT_C, DT_C)], sws[k % 2]
    )

  rd(0).start()
  rd(1).start()
  for k in range(DT_K):
    rd(k).wait()
    wr(k).start()
    if k + 2 < DT_K:
      wr(k).wait()
      rd(k + 2).start()
  wr(DT_K - 2).wait()
  wr(DT_K - 1).wait()

  @pl.when(h == 1)
  def _():
    pltpu.sync_copy(tt_hbm.at[d, pl.ds(2 * DT_HALF, DT_REM)], rem)
    pltpu.sync_copy(rem, scr_hbm.at[pl.ds(d * DSTRIDE + 2 * DT_HALF, DT_REM)])

  plsc.subcore_barrier()

  pltpu.sync_copy(idxo_hbm.at[s, pl.ds(c * D_SC, D_SC)], idx_v)
  sgs = (sg0, sg1)

  def wave(j):
    return [
        pltpu.make_async_copy(
            scr_hbm.at[idx_v.at[dl, j]],
            rows_v.at[dl, pl.ds(j * CHUNK, CHUNK)],
            sgs[j % 2],
        )
        for dl in range(D_SC)
    ]

  prev = wave(0)
  for cp in prev:
    cp.start()
  for j in range(1, KJ):
    cur = wave(j)
    for cp in cur:
      cp.start()
    for cp in prev:
      cp.wait()
    prev = cur
  for cp in prev:
    cp.wait()
  pltpu.sync_copy(
      rows_v, out_hbm.at[pl.ds(c * D_SC, D_SC), pl.ds(s * T_W, T_W)]
  )


_gather = pl.kernel(
    _gather_body,
    out_type=[
        jax.ShapeDtypeStruct((EMBED_DIM, B2), jnp.float32),
        jax.ShapeDtypeStruct((TLIN,), jnp.float32),
    ],
    mesh=_sc_mesh,
    scratch_types=[
        pltpu.VMEM((DT_C,), jnp.float32),
        pltpu.VMEM((DT_C,), jnp.float32),
        pltpu.VMEM((DT_REM,), jnp.float32),
        pltpu.VMEM((D_SC, KJ, CHUNK), jnp.int32),
        pltpu.VMEM((D_SC, T_W), jnp.float32),
        pltpu.SemaphoreType.DMA,
        pltpu.SemaphoreType.DMA,
        pltpu.SemaphoreType.DMA,
        pltpu.SemaphoreType.DMA,
        pltpu.SemaphoreType.DMA,
        pltpu.SemaphoreType.DMA,
    ],
    compiler_params=pltpu.CompilerParams(use_tc_tiling_on_sc=True),
)

BM = 16384
NB = BATCH // BM


def _mlp_body(gft, home, away, w1t, b1c, w2t, b2c, w3ht, w3at, w3ft, b3c,
              w4t, b4c, out):
  h = jnp.maximum(
      jnp.dot(w1t[:], gft[:], preferred_element_type=jnp.float32) + b1c[:], 0.0
  )
  fo = jnp.dot(w2t[:], h, preferred_element_type=jnp.float32) + b2c[:]
  pre = (
      jnp.dot(w3ht[:], home[:], preferred_element_type=jnp.float32)
      + jnp.dot(w3at[:], away[:], preferred_element_type=jnp.float32)
      + jnp.dot(w3ft[:], fo, preferred_element_type=jnp.float32)
      + b3c[:]
  )
  g = jnp.maximum(pre, 0.0)
  out[:] = jnp.dot(w4t[:], g, preferred_element_type=jnp.float32) + b4c[:]


def _full(shape):
  return pl.BlockSpec(shape, lambda i: (0,) * len(shape))


_mlp = pl.pallas_call(
    _mlp_body,
    grid=(NB,),
    in_specs=[
        pl.BlockSpec((NUM_FEATURES, BM), lambda i: (0, i)),
        pl.BlockSpec((EMBED_DIM, BM), lambda i: (0, i)),
        pl.BlockSpec((EMBED_DIM, BM), lambda i: (0, i + NB)),
        _full((16, NUM_FEATURES)),
        _full((16, 1)),
        _full((8, 16)),
        _full((8, 1)),
        _full((8, EMBED_DIM)),
        _full((8, EMBED_DIM)),
        _full((8, 8)),
        _full((8, 1)),
        _full((1, 8)),
        _full((1, 1)),
    ],
    out_specs=pl.BlockSpec((1, BM), lambda i: (0, i)),
    out_shape=jax.ShapeDtypeStruct((1, BATCH), jnp.float32),
)


@jax.jit
def kernel(home_team_id, away_team_id, game_features, table,
           W1, b1, W2, b2, W3, b3, W4, b4):
  idx = jnp.concatenate(
      [home_team_id.astype(jnp.int32), away_team_id.astype(jnp.int32)]
  ).reshape(NS, 1, KJ, CHUNK)
  dim_offs = (jnp.arange(EMBED_DIM, dtype=jnp.int32) * DSTRIDE)[
      None, :, None, None
  ]
  idxo = idx + dim_offs
  embt, _ = _gather(table.T, idxo)
  out_t = _mlp(
      game_features.T,
      embt,
      embt,
      W1.T,
      b1.reshape(16, 1),
      W2.T,
      b2.reshape(8, 1),
      W3[:EMBED_DIM].T,
      W3[EMBED_DIM : 2 * EMBED_DIM].T,
      W3[2 * EMBED_DIM :].T,
      b3.reshape(8, 1),
      W4.T,
      b4.reshape(1, 1),
  )
  return out_t.reshape(BATCH, 1)

# --- scband reference (transcript-rebuilt; emitter-appended) ---
"""Pipeline reference for scband-team-embeddings-24558622998864 (READ-ONLY COPY).

The authoritative reference and input builder live on the scoring server;
editing this copy changes nothing except your own understanding.
"""

import jax, jax.numpy as jnp
import numpy as np

NUM_TEAMS = 1000000
EMBED_DIM = 16
NUM_FEATURES = 22
BATCH = 16384


def setup_inputs(seed: int = 0) -> dict:
    key = jax.random.key(seed)
    ks = jax.random.split(key, 12)
    home_team_id = jax.random.randint(ks[0], (BATCH,), 0, NUM_TEAMS, dtype=jnp.int32).astype(jnp.int64)
    away_team_id = jax.random.randint(ks[1], (BATCH,), 0, NUM_TEAMS, dtype=jnp.int32).astype(jnp.int64)
    game_features = jax.random.normal(ks[2], (BATCH, NUM_FEATURES), dtype=jnp.float32)
    table = jax.random.normal(ks[3], (NUM_TEAMS, EMBED_DIM), dtype=jnp.float32) * 0.1
    W1 = jax.random.normal(ks[4], (NUM_FEATURES, 16), dtype=jnp.float32) * 0.1
    b1 = jnp.zeros((16,), dtype=jnp.float32)
    W2 = jax.random.normal(ks[5], (16, 8), dtype=jnp.float32) * 0.1
    b2 = jnp.zeros((8,), dtype=jnp.float32)
    combined_size = EMBED_DIM * 2 + 8
    W3 = jax.random.normal(ks[6], (combined_size, 8), dtype=jnp.float32) * 0.1
    b3 = jnp.zeros((8,), dtype=jnp.float32)
    W4 = jax.random.normal(ks[7], (8, 1), dtype=jnp.float32) * 0.1
    b4 = jnp.zeros((1,), dtype=jnp.float32)
    return {
        "home_team_id": home_team_id,
        "away_team_id": away_team_id,
        "game_features": game_features,
        "table": table,
        "W1": W1, "b1": b1,
        "W2": W2, "b2": b2,
        "W3": W3, "b3": b3,
        "W4": W4, "b4": b4,
    }


def reference(home_team_id, away_team_id, game_features, table, W1, b1, W2, b2, W3, b3, W4, b4):
    home_embed = jnp.take(table, home_team_id, axis=0)
    away_embed = jnp.take(table, away_team_id, axis=0)
    h = jnp.dot(game_features, W1) + b1
    h = jax.nn.relu(h)
    feature_out = jnp.dot(h, W2) + b2
    combined = jnp.concatenate([home_embed, away_embed, feature_out], axis=-1)
    g = jnp.dot(combined, W3) + b3
    g = jax.nn.relu(g)
    points = jnp.dot(g, W4) + b4
    return points

if __name__ == "__main__":
    import jax
    _d = setup_inputs()
    print(jax.jit(kernel)(*tuple(_d.values())))

</pallas_src>

<mosaic_0001>
#map = affine_map<(d0, d1) -> (0, 0)>
#map1 = affine_map<(d0, d1) -> (0, 0, 0, 0)>
#map2 = affine_map<(d0, d1) -> (0)>
module attributes {stable_mosaic.version = 14 : i64} {
  func.func @_gather_body(%arg0: i32, %arg1: i32, %arg2: memref<16x1000000xf32, #tpu.memory_space<hbm>>, %arg3: memref<16x16x16x128xi32, #tpu.memory_space<hbm>>, %arg4: memref<16x32768xf32, #tpu.memory_space<hbm>>, %arg5: memref<16777216xf32, #tpu.memory_space<hbm>>, %arg6: memref<41600xf32, #tpu.memory_space<vmem>>, %arg7: memref<41600xf32, #tpu.memory_space<vmem>>, %arg8: memref<1600xf32, #tpu.memory_space<vmem>>, %arg9: memref<8x16x128xi32, #tpu.memory_space<vmem>>, %arg10: memref<8x2048xf32, #tpu.memory_space<vmem>>, %arg11: memref<!tpu.dma_semaphore, #tpu.memory_space<semaphore_mem>>, %arg12: memref<!tpu.dma_semaphore, #tpu.memory_space<semaphore_mem>>, %arg13: memref<!tpu.dma_semaphore, #tpu.memory_space<semaphore_mem>>, %arg14: memref<!tpu.dma_semaphore, #tpu.memory_space<semaphore_mem>>, %arg15: memref<!tpu.dma_semaphore, #tpu.memory_space<semaphore_mem>>, %arg16: memref<!tpu.dma_semaphore, #tpu.memory_space<semaphore_mem>>) attributes {dimension_semantics = [#tpu.dimension_semantics<core_parallel>, #tpu.dimension_semantics<subcore_parallel>], iteration_bounds = array<i64: 2, 16>, scalar_prefetch = 0 : i64, scratch_operands = 11 : i64, tpu.core_type = #tpu.core_type<sc_vector_subcore>, window_params = [{transform_indices = #map}, {transform_indices = #map1}, {transform_indices = #map}, {transform_indices = #map2}]} {
    %mul3A = arith.constant 8 : i32
    %mul3A_0 = arith.muli %arg0, %mul3A : i32
    %jit3A = arith.constant 2 : i32
    %div3A = arith.divsi %arg1, %jit3A : i32
    %sign3A = arith.constant 0 : i32
    %sign3A_1 = arith.cmpi sgt, %arg1, %sign3A : i32
    %sign3A_2 = arith.extui %sign3A_1 : i1 to i32
    %sign3A_3 = arith.constant 0 : i32
    %sign3A_4 = arith.cmpi slt, %arg1, %sign3A_3 : i32
    %sign3A_5 = arith.extui %sign3A_4 : i1 to i32
    %sign3A_6 = arith.subi %sign3A_2, %sign3A_5 : i32
    %sign3A_7 = arith.constant 0 : i32
    %sign3A_8 = arith.cmpi sgt, %jit3A, %sign3A_7 : i32
    %sign3A_9 = arith.extui %sign3A_8 : i1 to i32
    %sign3A_10 = arith.constant 0 : i32
    %sign3A_11 = arith.cmpi slt, %jit3A, %sign3A_10 : i32
    %sign3A_12 = arith.extui %sign3A_11 : i1 to i32
    %sign3A_13 = arith.subi %sign3A_9, %sign3A_12 : i32
    %ne3A = arith.cmpi ne, %sign3A_6, %sign3A_13 : i32
    %rem3A = arith.remsi %arg1, %jit3A : i32
    %ne3A_14 = arith.constant 0 : i32
    %ne3A_15 = arith.cmpi ne, %rem3A, %ne3A_14 : i32
    %and3A = arith.andi %ne3A, %ne3A_15 : i1
    %sub3A = arith.constant 1 : i32
    %sub3A_16 = arith.subi %div3A, %sub3A : i32
    %select_n3A = arith.select %and3A, %sub3A_16, %div3A : i32
    %add3A = arith.addi %mul3A_0, %select_n3A : i32
    %jit3A_17 = arith.constant 2 : i32
    %eq3A = arith.constant 0 : i32
    %eq3A_18 = arith.cmpi eq, %jit3A_17, %eq3A : i32
    %jit3A_19 = arith.constant 1 : i32
    %select_n3A_20 = arith.select %eq3A_18, %jit3A_19, %jit3A_17 : i32
    %rem3A_21 = arith.remsi %arg1, %select_n3A_20 : i32
    %ne3A_22 = arith.constant 0 : i32
    %ne3A_23 = arith.cmpi ne, %rem3A_21, %ne3A_22 : i32
    %lt3A = arith.constant 0 : i32
    %lt3A_24 = arith.cmpi slt, %rem3A_21, %lt3A : i32
    %lt3A_25 = arith.constant 0 : i32
    %lt3A_26 = arith.cmpi slt, %select_n3A_20, %lt3A_25 : i32
    %ne3A_27 = arith.xori %lt3A_24, %lt3A_26 : i1
    %and3A_28 = arith.andi %ne3A_27, %ne3A_23 : i1
    %add3A_29 = arith.addi %rem3A_21, %select_n3A_20 : i32
    %select_n3A_30 = arith.select %and3A_28, %add3A_29, %rem3A_21 : i32
    %mul3A_31 = arith.constant 499200 : i32
    %mul3A_32 = arith.muli %select_n3A_30, %mul3A_31 : i32
    %mul3A_33 = arith.constant 1048576 : i32
    %mul3A_34 = arith.muli %add3A, %mul3A_33 : i32
    %add3A_35 = arith.addi %mul3A_34, %mul3A_32 : i32
    %add3A_36 = arith.constant 0 : i32
    %add3A_37 = arith.addi %mul3A_32, %add3A_36 : i32
    %dma_start3A = tpu.memref_slice %arg2[%add3A, %add3A_37] : memref<16x1000000xf32, #tpu.memory_space<hbm>> -> memref<1x41600xf32, #tpu.memory_space<hbm>>
    %dma_start3A_38 = tpu.memref_squeeze %dma_start3A : memref<1x41600xf32, #tpu.memory_space<hbm>> -> memref<41600xf32, #tpu.memory_space<hbm>>
    %dma_start3A_39 = tpu.memref_slice %arg2[%add3A, %add3A_37] : memref<16x1000000xf32, #tpu.memory_space<hbm>> -> memref<1x41600xf32, #tpu.memory_space<hbm>>
    %dma_start3A_40 = tpu.memref_squeeze %dma_start3A_39 : memref<1x41600xf32, #tpu.memory_space<hbm>> -> memref<41600xf32, #tpu.memory_space<hbm>>
    tpu.enqueue_dma source(%dma_start3A_40 : memref<41600xf32, #tpu.memory_space<hbm>>) target(%arg6 : memref<41600xf32, #tpu.memory_space<vmem>>) target_semaphore(%arg11 : memref<!tpu.dma_semaphore, #tpu.memory_space<semaphore_mem>>)
    %add3A_41 = arith.constant 41600 : i32
    %add3A_42 = arith.addi %mul3A_32, %add3A_41 : i32
    %dma_start3A_43 = tpu.memref_slice %arg2[%add3A, %add3A_42] : memref<16x1000000xf32, #tpu.memory_space<hbm>> -> memref<1x41600xf32, #tpu.memory_space<hbm>>
    %dma_start3A_44 = tpu.memref_squeeze %dma_start3A_43 : memref<1x41600xf32, #tpu.memory_space<hbm>> -> memref<41600xf32, #tpu.memory_space<hbm>>
    %dma_start3A_45 = tpu.memref_slice %arg2[%add3A, %add3A_42] : memref<16x1000000xf32, #tpu.memory_space<hbm>> -> memref<1x41600xf32, #tpu.memory_space<hbm>>
    %dma_start3A_46 = tpu.memref_squeeze %dma_start3A_45 : memref<1x41600xf32, #tpu.memory_space<hbm>> -> memref<41600xf32, #tpu.memory_space<hbm>>
    tpu.enqueue_dma source(%dma_start3A_46 : memref<41600xf32, #tpu.memory_space<hbm>>) target(%arg7 : memref<41600xf32, #tpu.memory_space<vmem>>) target_semaphore(%arg12 : memref<!tpu.dma_semaphore, #tpu.memory_space<semaphore_mem>>)
    %add3A_47 = arith.constant 0 : i32
    %add3A_48 = arith.addi %mul3A_32, %add3A_47 : i32
    %dma_wait3A = tpu.memref_slice %arg2[%add3A, %add3A_48] : memref<16x1000000xf32, #tpu.memory_space<hbm>> -> memref<1x41600xf32, #tpu.memory_space<hbm>>
    %dma_wait3A_49 = tpu.memref_squeeze %dma_wait3A : memref<1x41600xf32, #tpu.memory_space<hbm>> -> memref<41600xf32, #tpu.memory_space<hbm>>
    %dma_wait3A_50 = tpu.memref_slice %arg2[%add3A, %add3A_48] : memref<16x1000000xf32, #tpu.memory_space<hbm>> -> memref<1x41600xf32, #tpu.memory_space<hbm>>
    %dma_wait3A_51 = tpu.memref_squeeze %dma_wait3A_50 : memref<1x41600xf32, #tpu.memory_space<hbm>> -> memref<41600xf32, #tpu.memory_space<hbm>>
    tpu.wait_dma2 semaphore(%arg11 : memref<!tpu.dma_semaphore, #tpu.memory_space<semaphore_mem>>) src(%dma_wait3A_51 : memref<41600xf32, #tpu.memory_space<hbm>>) dst(%arg6 : memref<41600xf32, #tpu.memory_space<vmem>>)
    %add3A_52 = arith.constant 0 : i32
    %add3A_53 = arith.addi %add3A_35, %add3A_52 : i32
    %dma_start3A_54 = tpu.memref_slice %arg5[%add3A_53] : memref<16777216xf32, #tpu.memory_space<hbm>> -> memref<41600xf32, #tpu.memory_space<hbm>>
    %dma_start3A_55 = tpu.memref_slice %arg5[%add3A_53] : memref<16777216xf32, #tpu.memory_space<hbm>> -> memref<41600xf32, #tpu.memory_space<hbm>>
    tpu.enqueue_dma source(%arg6 : memref<41600xf32, #tpu.memory_space<vmem>>) target(%dma_start3A_55 : memref<41600xf32, #tpu.memory_space<hbm>>) target_semaphore(%arg13 : memref<!tpu.dma_semaphore, #tpu.memory_space<semaphore_mem>>)
    %add3A_56 = arith.constant 0 : i32
    %add3A_57 = arith.addi %add3A_35, %add3A_56 : i32
    %dma_wait3A_58 = tpu.memref_slice %arg5[%add3A_57] : memref<16777216xf32, #tpu.memory_space<hbm>> -> memref<41600xf32, #tpu.memory_space<hbm>>
    %dma_wait3A_59 = tpu.memref_slice %arg5[%add3A_57] : memref<16777216xf32, #tpu.memory_space<hbm>> -> memref<41600xf32, #tpu.memory_space<hbm>>
    tpu.wait_dma2 semaphore(%arg13 : memref<!tpu.dma_semaphore, #tpu.memory_space<semaphore_mem>>) src(%arg6 : memref<41600xf32, #tpu.memory_space<vmem>>) dst(%dma_wait3A_59 : memref<41600xf32, #tpu.memory_space<hbm>>)
    %add3A_60 = arith.constant 83200 : i32
    %add3A_61 = arith.addi %mul3A_32, %add3A_60 : i32
    %dma_start3A_62 = tpu.memref_slice %arg2[%add3A, %add3A_61] : memref<16x1000000xf32, #tpu.memory_space<hbm>> -> memref<1x41600xf32, #tpu.memory_space<hbm>>
    %dma_start3A_63 = tpu.memref_squeeze %dma_start3A_62 : memref<1x41600xf32, #tpu.memory_space<hbm>> -> memref<41600xf32, #tpu.memory_space<hbm>>
    %dma_start3A_64 = tpu.memref_slice %arg2[%add3A, %add3A_61] : memref<16x1000000xf32, #tpu.memory_space<hbm>> -> memref<1x41600xf32, #tpu.memory_space<hbm>>
    %dma_start3A_65 = tpu.memref_squeeze %dma_start3A_64 : memref<1x41600xf32, #tpu.memory_space<hbm>> -> memref<41600xf32, #tpu.memory_space<hbm>>
    tpu.enqueue_dma source(%dma_start3A_65 : memref<41600xf32, #tpu.memory_space<hbm>>) target(%arg6 : memref<41600xf32, #tpu.memory_space<vmem>>) target_semaphore(%arg11 : memref<!tpu.dma_semaphore, #tpu.memory_space<semaphore_mem>>)
    %add3A_66 = arith.constant 41600 : i32
    %add3A_67 = arith.addi %mul3A_32, %add3A_66 : i32
    %dma_wait3A_68 = tpu.memref_slice %arg2[%add3A, %add3A_67] : memref<16x1000000xf32, #tpu.memory_space<hbm>> -> memref<1x41600xf32, #tpu.memory_space<hbm>>
    %dma_wait3A_69 = tpu.memref_squeeze %dma_wait3A_68 : memref<1x41600xf32, #tpu.memory_space<hbm>> -> memref<41600xf32, #tpu.memory_space<hbm>>
    %dma_wait3A_70 = tpu.memref_slice %arg2[%add3A, %add3A_67] : memref<16x1000000xf32, #tpu.memory_space<hbm>> -> memref<1x41600xf32, #tpu.memory_space<hbm>>
    %dma_wait3A_71 = tpu.memref_squeeze %dma_wait3A_70 : memref<1x41600xf32, #tpu.memory_space<hbm>> -> memref<41600xf32, #tpu.memory_space<hbm>>
    tpu.wait_dma2 semaphore(%arg12 : memref<!tpu.dma_semaphore, #tpu.memory_space<semaphore_mem>>) src(%dma_wait3A_71 : memref<41600xf32, #tpu.memory_space<hbm>>) dst(%arg7 : memref<41600xf32, #tpu.memory_space<vmem>>)
    %add3A_72 = arith.constant 41600 : i32
    %add3A_73 = arith.addi %add3A_35, %add3A_72 : i32
    %dma_start3A_74 = tpu.memref_slice %arg5[%add3A_73] : memref<16777216xf32, #tpu.memory_space<hbm>> -> memref<41600xf32, #tpu.memory_space<hbm>>
    %dma_start3A_75 = tpu.memref_slice %arg5[%add3A_73] : memref<16777216xf32, #tpu.memory_space<hbm>> -> memref<41600xf32, #tpu.memory_space<hbm>>
    tpu.enqueue_dma source(%arg7 : memref<41600xf32, #tpu.memory_space<vmem>>) target(%dma_start3A_75 : memref<41600xf32, #tpu.memory_space<hbm>>) target_semaphore(%arg14 : memref<!tpu.dma_semaphore, #tpu.memory_space<semaphore_mem>>)
    %add3A_76 = arith.constant 41600 : i32
    %add3A_77 = arith.addi %add3A_35, %add3A_76 : i32
    %dma_wait3A_78 = tpu.memref_slice %arg5[%add3A_77] : memref<16777216xf32, #tpu.memory_space<hbm>> -> memref<41600xf32, #tpu.memory_space<hbm>>
    %dma_wait3A_79 = tpu.memref_slice %arg5[%add3A_77] : memref<16777216xf32, #tpu.memory_space<hbm>> -> memref<41600xf32, #tpu.memory_space<hbm>>
    tpu.wait_dma2 semaphore(%arg14 : memref<!tpu.dma_semaphore, #tpu.memory_space<semaphore_mem>>) src(%arg7 : memref<41600xf32, #tpu.memory_space<vmem>>) dst(%dma_wait3A_79 : memref<41600xf32, #tpu.memory_space<hbm>>)
    %add3A_80 = arith.constant 124800 : i32
    %add3A_81 = arith.addi %mul3A_32, %add3A_80 : i32
    %dma_start3A_82 = tpu.memref_slice %arg2[%add3A, %add3A_81] : memref<16x1000000xf32, #tpu.memory_space<hbm>> -> memref<1x41600xf32, #tpu.memory_space<hbm>>
    %dma_start3A_83 = tpu.memref_squeeze %dma_start3A_82 : memref<1x41600xf32, #tpu.memory_space<hbm>> -> memref<41600xf32, #tpu.memory_space<hbm>>
    %dma_start3A_84 = tpu.memref_slice %arg2[%add3A, %add3A_81] : memref<16x1000000xf32, #tpu.memory_space<hbm>> -> memref<1x41600xf32, #tpu.memory_space<hbm>>
    %dma_start3A_85 = tpu.memref_squeeze %dma_start3A_84 : memref<1x41600xf32, #tpu.memory_space<hbm>> -> memref<41600xf32, #tpu.memory_space<hbm>>
    tpu.enqueue_dma source(%dma_start3A_85 : memref<41600xf32, #tpu.memory_space<hbm>>) target(%arg7 : memref<41600xf32, #tpu.memory_space<vmem>>) target_semaphore(%arg12 : memref<!tpu.dma_semaphore, #tpu.memory_space<semaphore_mem>>)
    %add3A_86 = arith.constant 83200 : i32
    %add3A_87 = arith.addi %mul3A_32, %add3A_86 : i32
    %dma_wait3A_88 = tpu.memref_slice %arg2[%add3A, %add3A_87] : memref<16x1000000xf32, #tpu.memory_space<hbm>> -> memref<1x41600xf32, #tpu.memory_space<hbm>>
    %dma_wait3A_89 = tpu.memref_squeeze %dma_wait3A_88 : memref<1x41600xf32, #tpu.memory_space<hbm>> -> memref<41600xf32, #tpu.memory_space<hbm>>
    %dma_wait3A_90 = tpu.memref_slice %arg2[%add3A, %add3A_87] : memref<16x1000000xf32, #tpu.memory_space<hbm>> -> memref<1x41600xf32, #tpu.memory_space<hbm>>
    %dma_wait3A_91 = tpu.memref_squeeze %dma_wait3A_90 : memref<1x41600xf32, #tpu.memory_space<hbm>> -> memref<41600xf32, #tpu.memory_space<hbm>>
    tpu.wait_dma2 semaphore(%arg11 : memref<!tpu.dma_semaphore, #tpu.memory_space<semaphore_mem>>) src(%dma_wait3A_91 : memref<41600xf32, #tpu.memory_space<hbm>>) dst(%arg6 : memref<41600xf32, #tpu.memory_space<vmem>>)
    %add3A_92 = arith.constant 83200 : i32
    %add3A_93 = arith.addi %add3A_35, %add3A_92 : i32
    %dma_start3A_94 = tpu.memref_slice %arg5[%add3A_93] : memref<16777216xf32, #tpu.memory_space<hbm>> -> memref<41600xf32, #tpu.memory_space<hbm>>
    %dma_start3A_95 = tpu.memref_slice %arg5[%add3A_93] : memref<16777216xf32, #tpu.memory_space<hbm>> -> memref<41600xf32, #tpu.memory_space<hbm>>
    tpu.enqueue_dma source(%arg6 : memref<41600xf32, #tpu.memory_space<vmem>>) target(%dma_start3A_95 : memref<41600xf32, #tpu.memory_space<hbm>>) target_semaphore(%arg13 : memref<!tpu.dma_semaphore, #tpu.memory_space<semaphore_mem>>)
    %add3A_96 = arith.constant 83200 : i32
    %add3A_97 = arith.addi %add3A_35, %add3A_96 : i32
    %dma_wait3A_98 = tpu.memref_slice %arg5[%add3A_97] : memref<16777216xf32, #tpu.memory_space<hbm>> -> memref<41600xf32, #tpu.memory_space<hbm>>
    %dma_wait3A_99 = tpu.memref_slice %arg5[%add3A_97] : memref<16777216xf32, #tpu.memory_space<hbm>> -> memref<41600xf32, #tpu.memory_space<hbm>>
    tpu.wait_dma2 semaphore(%arg13 : memref<!tpu.dma_semaphore, #tpu.memory_space<semaphore_mem>>) src(%arg6 : memref<41600xf32, #tpu.memory_space<vmem>>) dst(%dma_wait3A_99 : memref<41600xf32, #tpu.memory_space<hbm>>)
    %add3A_100 = arith.constant 166400 : i32
    %add3A_101 = arith.addi %mul3A_32, %add3A_100 : i32
    %dma_start3A_102 = tpu.memref_slice %arg2[%add3A, %add3A_101] : memref<16x1000000xf32, #tpu.memory_space<hbm>> -> memref<1x41600xf32, #tpu.memory_space<hbm>>
    %dma_start3A_103 = tpu.memref_squeeze %dma_start3A_102 : memref<1x41600xf32, #tpu.memory_space<hbm>> -> memref<41600xf32, #tpu.memory_space<hbm>>
    %dma_start3A_104 = tpu.memref_slice %arg2[%add3A, %add3A_101] : memref<16x1000000xf32, #tpu.memory_space<hbm>> -> memref<1x41600xf32, #tpu.memory_space<hbm>>
    %dma_start3A_105 = tpu.memref_squeeze %dma_start3A_104 : memref<1x41600xf32, #tpu.memory_space<hbm>> -> memref<41600xf32, #tpu.memory_space<hbm>>
    tpu.enqueue_dma source(%dma_start3A_105 : memref<41600xf32, #tpu.memory_space<hbm>>) target(%arg6 : memref<41600xf32, #tpu.memory_space<vmem>>) target_semaphore(%arg11 : memref<!tpu.dma_semaphore, #tpu.memory_space<semaphore_mem>>)
    %add3A_106 = arith.constant 124800 : i32
    %add3A_107 = arith.addi %mul3A_32, %add3A_106 : i32
    %dma_wait3A_108 = tpu.memref_slice %arg2[%add3A, %add3A_107] : memref<16x1000000xf32, #tpu.memory_space<hbm>> -> memref<1x41600xf32, #tpu.memory_space<hbm>>
    %dma_wait3A_109 = tpu.memref_squeeze %dma_wait3A_108 : memref<1x41600xf32, #tpu.memory_space<hbm>> -> memref<41600xf32, #tpu.memory_space<hbm>>
    %dma_wait3A_110 = tpu.memref_slice %arg2[%add3A, %add3A_107] : memref<16x1000000xf32, #tpu.memory_space<hbm>> -> memref<1x41600xf32, #tpu.memory_space<hbm>>
    %dma_wait3A_111 = tpu.memref_squeeze %dma_wait3A_110 : memref<1x41600xf32, #tpu.memory_space<hbm>> -> memref<41600xf32, #tpu.memory_space<hbm>>
    tpu.wait_dma2 semaphore(%arg12 : memref<!tpu.dma_semaphore, #tpu.memory_space<semaphore_mem>>) src(%dma_wait3A_111 : memref<41600xf32, #tpu.memory_space<hbm>>) dst(%arg7 : memref<41600xf32, #tpu.memory_space<vmem>>)
    %add3A_112 = arith.constant 124800 : i32
    %add3A_113 = arith.addi %add3A_35, %add3A_112 : i32
    %dma_start3A_114 = tpu.memref_slice %arg5[%add3A_113] : memref<16777216xf32, #tpu.memory_space<hbm>> -> memref<41600xf32, #tpu.memory_space<hbm>>
    %dma_start3A_115 = tpu.memref_slice %arg5[%add3A_113] : memref<16777216xf32, #tpu.memory_space<hbm>> -> memref<41600xf32, #tpu.memory_space<hbm>>
    tpu.enqueue_dma source(%arg7 : memref<41600xf32, #tpu.memory_space<vmem>>) target(%dma_start3A_115 : memref<41600xf32, #tpu.memory_space<hbm>>) target_semaphore(%arg14 : memref<!tpu.dma_semaphore, #tpu.memory_space<semaphore_mem>>)
    %add3A_116 = arith.constant 124800 : i32
    %add3A_117 = arith.addi %add3A_35, %add3A_116 : i32
    %dma_wait3A_118 = tpu.memref_slice %arg5[%add3A_117] : memref<16777216xf32, #tpu.memory_space<hbm>> -> memref<41600xf32, #tpu.memory_space<hbm>>
    %dma_wait3A_119 = tpu.memref_slice %arg5[%add3A_117] : memref<16777216xf32, #tpu.memory_space<hbm>> -> memref<41600xf32, #tpu.memory_space<hbm>>
    tpu.wait_dma2 semaphore(%arg14 : memref<!tpu.dma_semaphore, #tpu.memory_space<semaphore_mem>>) src(%arg7 : memref<41600xf32, #tpu.memory_space<vmem>>) dst(%dma_wait3A_119 : memref<41600xf32, #tpu.memory_space<hbm>>)
    %add3A_120 = arith.constant 208000 : i32
    %add3A_121 = arith.addi %mul3A_32, %add3A_120 : i32
    %dma_start3A_122 = tpu.memref_slice %arg2[%add3A, %add3A_121] : memref<16x1000000xf32, #tpu.memory_space<hbm>> -> memref<1x41600xf32, #tpu.memory_space<hbm>>
    %dma_start3A_123 = tpu.memref_squeeze %dma_start3A_122 : memref<1x41600xf32, #tpu.memory_space<hbm>> -> memref<41600xf32, #tpu.memory_space<hbm>>
    %dma_start3A_124 = tpu.memref_slice %arg2[%add3A, %add3A_121] : memref<16x1000000xf32, #tpu.memory_space<hbm>> -> memref<1x41600xf32, #tpu.memory_space<hbm>>
    %dma_start3A_125 = tpu.memref_squeeze %dma_start3A_124 : memref<1x41600xf32, #tpu.memory_space<hbm>> -> memref<41600xf32, #tpu.memory_space<hbm>>
    tpu.enqueue_dma source(%dma_start3A_125 : memref<41600xf32, #tpu.memory_space<hbm>>) target(%arg7 : memref<41600xf32, #tpu.memory_space<vmem>>) target_semaphore(%arg12 : memref<!tpu.dma_semaphore, #tpu.memory_space<semaphore_mem>>)
    %add3A_126 = arith.constant 166400 : i32
    %add3A_127 = arith.addi %mul3A_32, %add3A_126 : i32
    %dma_wait3A_128 = tpu.memref_slice %arg2[%add3A, %add3A_127] : memref<16x1000000xf32, #tpu.memory_space<hbm>> -> memref<1x41600xf32, #tpu.memory_space<hbm>>
    %dma_wait3A_129 = tpu.memref_squeeze %dma_wait3A_128 : memref<1x41600xf32, #tpu.memory_space<hbm>> -> memref<41600xf32, #tpu.memory_space<hbm>>
    %dma_wait3A_130 = tpu.memref_slice %arg2[%add3A, %add3A_127] : memref<16x1000000xf32, #tpu.memory_space<hbm>> -> memref<1x41600xf32, #tpu.memory_space<hbm>>
    %dma_wait3A_131 = tpu.memref_squeeze %dma_wait3A_130 : memref<1x41600xf32, #tpu.memory_space<hbm>> -> memref<41600xf32, #tpu.memory_space<hbm>>
    tpu.wait_dma2 semaphore(%arg11 : memref<!tpu.dma_semaphore, #tpu.memory_space<semaphore_mem>>) src(%dma_wait3A_131 : memref<41600xf32, #tpu.memory_space<hbm>>) dst(%arg6 : memref<41600xf32, #tpu.memory_space<vmem>>)
    %add3A_132 = arith.constant 166400 : i32
    %add3A_133 = arith.addi %add3A_35, %add3A_132 : i32
    %dma_start3A_134 = tpu.memref_slice %arg5[%add3A_133] : memref<16777216xf32, #tpu.memory_space<hbm>> -> memref<41600xf32, #tpu.memory_space<hbm>>
    %dma_start3A_135 = tpu.memref_slice %arg5[%add3A_133] : memref<16777216xf32, #tpu.memory_space<hbm>> -> memref<41600xf32, #tpu.memory_space<hbm>>
    tpu.enqueue_dma source(%arg6 : memref<41600xf32, #tpu.memory_space<vmem>>) target(%dma_start3A_135 : memref<41600xf32, #tpu.memory_space<hbm>>) target_semaphore(%arg13 : memref<!tpu.dma_semaphore, #tpu.memory_space<semaphore_mem>>)
    %add3A_136 = arith.constant 166400 : i32
    %add3A_137 = arith.addi %add3A_35, %add3A_136 : i32
    %dma_wait3A_138 = tpu.memref_slice %arg5[%add3A_137] : memref<16777216xf32, #tpu.memory_space<hbm>> -> memref<41600xf32, #tpu.memory_space<hbm>>
    %dma_wait3A_139 = tpu.memref_slice %arg5[%add3A_137] : memref<16777216xf32, #tpu.memory_space<hbm>> -> memref<41600xf32, #tpu.memory_space<hbm>>
    tpu.wait_dma2 semaphore(%arg13 : memref<!tpu.dma_semaphore, #tpu.memory_space<semaphore_mem>>) src(%arg6 : memref<41600xf32, #tpu.memory_space<vmem>>) dst(%dma_wait3A_139 : memref<41600xf32, #tpu.memory_space<hbm>>)
    %add3A_140 = arith.constant 249600 : i32
    %add3A_141 = arith.addi %mul3A_32, %add3A_140 : i32
    %dma_start3A_142 = tpu.memref_slice %arg2[%add3A, %add3A_141] : memref<16x1000000xf32, #tpu.memory_space<hbm>> -> memref<1x41600xf32, #tpu.memory_space<hbm>>
    %dma_start3A_143 = tpu.memref_squeeze %dma_start3A_142 : memref<1x41600xf32, #tpu.memory_space<hbm>> -> memref<41600xf32, #tpu.memory_space<hbm>>
    %dma_start3A_144 = tpu.memref_slice %arg2[%add3A, %add3A_141] : memref<16x1000000xf32, #tpu.memory_space<hbm>> -> memref<1x41600xf32, #tpu.memory_space<hbm>>
    %dma_start3A_145 = tpu.memref_squeeze %dma_start3A_144 : memref<1x41600xf32, #tpu.memory_space<hbm>> -> memref<41600xf32, #tpu.memory_space<hbm>>
    tpu.enqueue_dma source(%dma_start3A_145 : memref<41600xf32, #tpu.memory_space<hbm>>) target(%arg6 : memref<41600xf32, #tpu.memory_space<vmem>>) target_semaphore(%arg11 : memref<!tpu.dma_semaphore, #tpu.memory_space<semaphore_mem>>)
    %add3A_146 = arith.constant 208000 : i32
    %add3A_147 = arith.addi %mul3A_32, %add3A_146 : i32
    %dma_wait3A_148 = tpu.memref_slice %arg2[%add3A, %add3A_147] : memref<16x1000000xf32, #tpu.memory_space<hbm>> -> memref<1x41600xf32, #tpu.memory_space<hbm>>
    %dma_wait3A_149 = tpu.memref_squeeze %dma_wait3A_148 : memref<1x41600xf32, #tpu.memory_space<hbm>> -> memref<41600xf32, #tpu.memory_space<hbm>>
    %dma_wait3A_150 = tpu.memref_slice %arg2[%add3A, %add3A_147] : memref<16x1000000xf32, #tpu.memory_space<hbm>> -> memref<1x41600xf32, #tpu.memory_space<hbm>>
    %dma_wait3A_151 = tpu.memref_squeeze %dma_wait3A_150 : memref<1x41600xf32, #tpu.memory_space<hbm>> -> memref<41600xf32, #tpu.memory_space<hbm>>
    tpu.wait_dma2 semaphore(%arg12 : memref<!tpu.dma_semaphore, #tpu.memory_space<semaphore_mem>>) src(%dma_wait3A_151 : memref<41600xf32, #tpu.memory_space<hbm>>) dst(%arg7 : memref<41600xf32, #tpu.memory_space<vmem>>)
    %add3A_152 = arith.constant 208000 : i32
    %add3A_153 = arith.addi %add3A_35, %add3A_152 : i32
    %dma_start3A_154 = tpu.memref_slice %arg5[%add3A_153] : memref<16777216xf32, #tpu.memory_space<hbm>> -> memref<41600xf32, #tpu.memory_space<hbm>>
    %dma_start3A_155 = tpu.memref_slice %arg5[%add3A_153] : memref<16777216xf32, #tpu.memory_space<hbm>> -> memref<41600xf32, #tpu.memory_space<hbm>>
    tpu.enqueue_dma source(%arg7 : memref<41600xf32, #tpu.memory_space<vmem>>) target(%dma_start3A_155 : memref<41600xf32, #tpu.memory_space<hbm>>) target_semaphore(%arg14 : memref<!tpu.dma_semaphore, #tpu.memory_space<semaphore_mem>>)
    %add3A_156 = arith.constant 208000 : i32
    %add3A_157 = arith.addi %add3A_35, %add3A_156 : i32
    %dma_wait3A_158 = tpu.memref_slice %arg5[%add3A_157] : memref<16777216xf32, #tpu.memory_space<hbm>> -> memref<41600xf32, #tpu.memory_space<hbm>>
    %dma_wait3A_159 = tpu.memref_slice %arg5[%add3A_157] : memref<16777216xf32, #tpu.memory_space<hbm>> -> memref<41600xf32, #tpu.memory_space<hbm>>
    tpu.wait_dma2 semaphore(%arg14 : memref<!tpu.dma_semaphore, #tpu.memory_space<semaphore_mem>>) src(%arg7 : memref<41600xf32, #tpu.memory_space<vmem>>) dst(%dma_wait3A_159 : memref<41600xf32, #tpu.memory_space<hbm>>)
    %add3A_160 = arith.constant 291200 : i32
    %add3A_161 = arith.addi %mul3A_32, %add3A_160 : i32
    %dma_start3A_162 = tpu.memref_slice %arg2[%add3A, %add3A_161] : memref<16x1000000xf32, #tpu.memory_space<hbm>> -> memref<1x41600xf32, #tpu.memory_space<hbm>>
    %dma_start3A_163 = tpu.memref_squeeze %dma_start3A_162 : memref<1x41600xf32, #tpu.memory_space<hbm>> -> memref<41600xf32, #tpu.memory_space<hbm>>
    %dma_start3A_164 = tpu.memref_slice %arg2[%add3A, %add3A_161] : memref<16x1000000xf32, #tpu.memory_space<hbm>> -> memref<1x41600xf32, #tpu.memory_space<hbm>>
    %dma_start3A_165 = tpu.memref_squeeze %dma_start3A_164 : memref<1x41600xf32, #tpu.memory_space<hbm>> -> memref<41600xf32, #tpu.memory_space<hbm>>
    tpu.enqueue_dma source(%dma_start3A_165 : memref<41600xf32, #tpu.memory_space<hbm>>) target(%arg7 : memref<41600xf32, #tpu.memory_space<vmem>>) target_semaphore(%arg12 : memref<!tpu.dma_semaphore, #tpu.memory_space<semaphore_mem>>)
    %add3A_166 = arith.constant 249600 : i32
    %add3A_167 = arith.addi %mul3A_32, %add3A_166 : i32
    %dma_wait3A_168 = tpu.memref_slice %arg2[%add3A, %add3A_167] : memref<16x1000000xf32, #tpu.memory_space<hbm>> -> memref<1x41600xf32, #tpu.memory_space<hbm>>
    %dma_wait3A_169 = tpu.memref_squeeze %dma_wait3A_168 : memref<1x41600xf32, #tpu.memory_space<hbm>> -> memref<41600xf32, #tpu.memory_space<hbm>>
    %dma_wait3A_170 = tpu.memref_slice %arg2[%add3A, %add3A_167] : memref<16x1000000xf32, #tpu.memory_space<hbm>> -> memref<1x41600xf32, #tpu.memory_space<hbm>>
    %dma_wait3A_171 = tpu.memref_squeeze %dma_wait3A_170 : memref<1x41600xf32, #tpu.memory_space<hbm>> -> memref<41600xf32, #tpu.memory_space<hbm>>
    tpu.wait_dma2 semaphore(%arg11 : memref<!tpu.dma_semaphore, #tpu.memory_space<semaphore_mem>>) src(%dma_wait3A_171 : memref<41600xf32, #tpu.memory_space<hbm>>) dst(%arg6 : memref<41600xf32, #tpu.memory_space<vmem>>)
    %add3A_172 = arith.constant 249600 : i32
    %add3A_173 = arith.addi %add3A_35, %add3A_172 : i32
    %dma_start3A_174 = tpu.memref_slice %arg5[%add3A_173] : memref<16777216xf32, #tpu.memory_space<hbm>> -> memref<41600xf32, #tpu.memory_space<hbm>>
    %dma_start3A_175 = tpu.memref_slice %arg5[%add3A_173] : memref<16777216xf32, #tpu.memory_space<hbm>> -> memref<41600xf32, #tpu.memory_space<hbm>>
    tpu.enqueue_dma source(%arg6 : memref<41600xf32, #tpu.memory_space<vmem>>) target(%dma_start3A_175 : memref<41600xf32, #tpu.memory_space<hbm>>) target_semaphore(%arg13 : memref<!tpu.dma_semaphore, #tpu.memory_space<semaphore_mem>>)
    %add3A_176 = arith.constant 249600 : i32
    %add3A_177 = arith.addi %add3A_35, %add3A_176 : i32
    %dma_wait3A_178 = tpu.memref_slice %arg5[%add3A_177] : memref<16777216xf32, #tpu.memory_space<hbm>> -> memref<41600xf32, #tpu.memory_space<hbm>>
    %dma_wait3A_179 = tpu.memref_slice %arg5[%add3A_177] : memref<16777216xf32, #tpu.memory_space<hbm>> -> memref<41600xf32, #tpu.memory_space<hbm>>
    tpu.wait_dma2 semaphore(%arg13 : memref<!tpu.dma_semaphore, #tpu.memory_space<semaphore_mem>>) src(%arg6 : memref<41600xf32, #tpu.memory_space<vmem>>) dst(%dma_wait3A_179 : memref<41600xf32, #tpu.memory_space<hbm>>)
    %add3A_180 = arith.constant 332800 : i32
    %add3A_181 = arith.addi %mul3A_32, %add3A_180 : i32
    %dma_start3A_182 = tpu.memref_slice %arg2[%add3A, %add3A_181] : memref<16x1000000xf32, #tpu.memory_space<hbm>> -> memref<1x41600xf32, #tpu.memory_space<hbm>>
    %dma_start3A_183 = tpu.memref_squeeze %dma_start3A_182 : memref<1x41600xf32, #tpu.memory_space<hbm>> -> memref<41600xf32, #tpu.memory_space<hbm>>
    %dma_start3A_184 = tpu.memref_slice %arg2[%add3A, %add3A_181] : memref<16x1000000xf32, #tpu.memory_space<hbm>> -> memref<1x41600xf32, #tpu.memory_space<hbm>>
    %dma_start3A_185 = tpu.memref_squeeze %dma_start3A_184 : memref<1x41600xf32, #tpu.memory_space<hbm>> -> memref<41600xf32, #tpu.memory_space<hbm>>
    tpu.enqueue_dma source(%dma_start3A_185 : memref<41600xf32, #tpu.memory_space<hbm>>) target(%arg6 : memref<41600xf32, #tpu.memory_space<vmem>>) target_semaphore(%arg11 : memref<!tpu.dma_semaphore, #tpu.memory_space<semaphore_mem>>)
    %add3A_186 = arith.constant 291200 : i32
    %add3A_187 = arith.addi %mul3A_32, %add3A_186 : i32
    %dma_wait3A_188 = tpu.memref_slice %arg2[%add3A, %add3A_187] : memref<16x1000000xf32, #tpu.memory_space<hbm>> -> memref<1x41600xf32, #tpu.memory_space<hbm>>
    %dma_wait3A_189 = tpu.memref_squeeze %dma_wait3A_188 : memref<1x41600xf32, #tpu.memory_space<hbm>> -> memref<41600xf32, #tpu.memory_space<hbm>>
    %dma_wait3A_190 = tpu.memref_slice %arg2[%add3A, %add3A_187] : memref<16x1000000xf32, #tpu.memory_space<hbm>> -> memref<1x41600xf32, #tpu.memory_space<hbm>>
    %dma_wait3A_191 = tpu.memref_squeeze %dma_wait3A_190 : memref<1x41600xf32, #tpu.memory_space<hbm>> -> memref<41600xf32, #tpu.memory_space<hbm>>
    tpu.wait_dma2 semaphore(%arg12 : memref<!tpu.dma_semaphore, #tpu.memory_space<semaphore_mem>>) src(%dma_wait3A_191 : memref<41600xf32, #tpu.memory_space<hbm>>) dst(%arg7 : memref<41600xf32, #tpu.memory_space<vmem>>)
    %add3A_192 = arith.constant 291200 : i32
    %add3A_193 = arith.addi %add3A_35, %add3A_192 : i32
    %dma_start3A_194 = tpu.memref_slice %arg5[%add3A_193] : memref<16777216xf32, #tpu.memory_space<hbm>> -> memref<41600xf32, #tpu.memory_space<hbm>>
    %dma_start3A_195 = tpu.memref_slice %arg5[%add3A_193] : memref<16777216xf32, #tpu.memory_space<hbm>> -> memref<41600xf32, #tpu.memory_space<hbm>>
    tpu.enqueue_dma source(%arg7 : memref<41600xf32, #tpu.memory_space<vmem>>) target(%dma_start3A_195 : memref<41600xf32, #tpu.memory_space<hbm>>) target_semaphore(%arg14 : memref<!tpu.dma_semaphore, #tpu.memory_space<semaphore_mem>>)
    %add3A_196 = arith.constant 291200 : i32
    %add3A_197 = arith.addi %add3A_35, %add3A_196 : i32
    %dma_wait3A_198 = tpu.memref_slice %arg5[%add3A_197] : memref<16777216xf32, #tpu.memory_space<hbm>> -> memref<41600xf32, #tpu.memory_space<hbm>>
    %dma_wait3A_199 = tpu.memref_slice %arg5[%add3A_197] : memref<16777216xf32, #tpu.memory_space<hbm>> -> memref<41600xf32, #tpu.memory_space<hbm>>
    tpu.wait_dma2 semaphore(%arg14 : memref<!tpu.dma_semaphore, #tpu.memory_space<semaphore_mem>>) src(%arg7 : memref<41600xf32, #tpu.memory_space<vmem>>) dst(%dma_wait3A_199 : memref<41600xf32, #tpu.memory_space<hbm>>)
    %add3A_200 = arith.constant 374400 : i32
    %add3A_201 = arith.addi %mul3A_32, %add3A_200 : i32
    %dma_start3A_202 = tpu.memref_slice %arg2[%add3A, %add3A_201] : memref<16x1000000xf32, #tpu.memory_space<hbm>> -> memref<1x41600xf32, #tpu.memory_space<hbm>>
    %dma_start3A_203 = tpu.memref_squeeze %dma_start3A_202 : memref<1x41600xf32, #tpu.memory_space<hbm>> -> memref<41600xf32, #tpu.memory_space<hbm>>
    %dma_start3A_204 = tpu.memref_slice %arg2[%add3A, %add3A_201] : memref<16x1000000xf32, #tpu.memory_space<hbm>> -> memref<1x41600xf32, #tpu.memory_space<hbm>>
    %dma_start3A_205 = tpu.memref_squeeze %dma_start3A_204 : memref<1x41600xf32, #tpu.memory_space<hbm>> -> memref<41600xf32, #tpu.memory_space<hbm>>
    tpu.enqueue_dma source(%dma_start3A_205 : memref<41600xf32, #tpu.memory_space<hbm>>) target(%arg7 : memref<41600xf32, #tpu.memory_space<vmem>>) target_semaphore(%arg12 : memref<!tpu.dma_semaphore, #tpu.memory_space<semaphore_mem>>)
    %add3A_206 = arith.constant 332800 : i32
    %add3A_207 = arith.addi %mul3A_32, %add3A_206 : i32
    %dma_wait3A_208 = tpu.memref_slice %arg2[%add3A, %add3A_207] : memref<16x1000000xf32, #tpu.memory_space<hbm>> -> memref<1x41600xf32, #tpu.memory_space<hbm>>
    %dma_wait3A_209 = tpu.memref_squeeze %dma_wait3A_208 : memref<1x41600xf32, #tpu.memory_space<hbm>> -> memref<41600xf32, #tpu.memory_space<hbm>>
    %dma_wait3A_210 = tpu.memref_slice %arg2[%add3A, %add3A_207] : memref<16x1000000xf32, #tpu.memory_space<hbm>> -> memref<1x41600xf32, #tpu.memory_space<hbm>>
    %dma_wait3A_211 = tpu.memref_squeeze %dma_wait3A_210 : memref<1x41600xf32, #tpu.memory_space<hbm>> -> memref<41600xf32, #tpu.memory_space<hbm>>
    tpu.wait_dma2 semaphore(%arg11 : memref<!tpu.dma_semaphore, #tpu.memory_space<semaphore_mem>>) src(%dma_wait3A_211 : memref<41600xf32, #tpu.memory_space<hbm>>) dst(%arg6 : memref<41600xf32, #tpu.memory_space<vmem>>)
    %add3A_212 = arith.constant 332800 : i32
    %add3A_213 = arith.addi %add3A_35, %add3A_212 : i32
    %dma_start3A_214 = tpu.memref_slice %arg5[%add3A_213] : memref<16777216xf32, #tpu.memory_space<hbm>> -> memref<41600xf32, #tpu.memory_space<hbm>>
    %dma_start3A_215 = tpu.memref_slice %arg5[%add3A_213] : memref<16777216xf32, #tpu.memory_space<hbm>> -> memref<41600xf32, #tpu.memory_space<hbm>>
    tpu.enqueue_dma source(%arg6 : memref<41600xf32, #tpu.memory_space<vmem>>) target(%dma_start3A_215 : memref<41600xf32, #tpu.memory_space<hbm>>) target_semaphore(%arg13 : memref<!tpu.dma_semaphore, #tpu.memory_space<semaphore_mem>>)
    %add3A_216 = arith.constant 332800 : i32
    %add3A_217 = arith.addi %add3A_35, %add3A_216 : i32
    %dma_wait3A_218 = tpu.memref_slice %arg5[%add3A_217] : memref<16777216xf32, #tpu.memory_space<hbm>> -> memref<41600xf32, #tpu.memory_space<hbm>>
    %dma_wait3A_219 = tpu.memref_slice %arg5[%add3A_217] : memref<16777216xf32, #tpu.memory_space<hbm>> -> memref<41600xf32, #tpu.memory_space<hbm>>
    tpu.wait_dma2 semaphore(%arg13 : memref<!tpu.dma_semaphore, #tpu.memory_space<semaphore_mem>>) src(%arg6 : memref<41600xf32, #tpu.memory_space<vmem>>) dst(%dma_wait3A_219 : memref<41600xf32, #tpu.memory_space<hbm>>)
    %add3A_220 = arith.constant 416000 : i32
    %add3A_221 = arith.addi %mul3A_32, %add3A_220 : i32
    %dma_start3A_222 = tpu.memref_slice %arg2[%add3A, %add3A_221] : memref<16x1000000xf32, #tpu.memory_space<hbm>> -> memref<1x41600xf32, #tpu.memory_space<hbm>>
    %dma_start3A_223 = tpu.memref_squeeze %dma_start3A_222 : memref<1x41600xf32, #tpu.memory_space<hbm>> -> memref<41600xf32, #tpu.memory_space<hbm>>
    %dma_start3A_224 = tpu.memref_slice %arg2[%add3A, %add3A_221] : memref<16x1000000xf32, #tpu.memory_space<hbm>> -> memref<1x41600xf32, #tpu.memory_space<hbm>>
    %dma_start3A_225 = tpu.memref_squeeze %dma_start3A_224 : memref<1x41600xf32, #tpu.memory_space<hbm>> -> memref<41600xf32, #tpu.memory_space<hbm>>
    tpu.enqueue_dma source(%dma_start3A_225 : memref<41600xf32, #tpu.memory_space<hbm>>) target(%arg6 : memref<41600xf32, #tpu.memory_space<vmem>>) target_semaphore(%arg11 : memref<!tpu.dma_semaphore, #tpu.memory_space<semaphore_mem>>)
    %add3A_226 = arith.constant 374400 : i32
    %add3A_227 = arith.addi %mul3A_32, %add3A_226 : i32
    %dma_wait3A_228 = tpu.memref_slice %arg2[%add3A, %add3A_227] : memref<16x1000000xf32, #tpu.memory_space<hbm>> -> memref<1x41600xf32, #tpu.memory_space<hbm>>
    %dma_wait3A_229 = tpu.memref_squeeze %dma_wait3A_228 : memref<1x41600xf32, #tpu.memory_space<hbm>> -> memref<41600xf32, #tpu.memory_space<hbm>>
    %dma_wait3A_230 = tpu.memref_slice %arg2[%add3A, %add3A_227] : memref<16x1000000xf32, #tpu.memory_space<hbm>> -> memref<1x41600xf32, #tpu.memory_space<hbm>>
    %dma_wait3A_231 = tpu.memref_squeeze %dma_wait3A_230 : memref<1x41600xf32, #tpu.memory_space<hbm>> -> memref<41600xf32, #tpu.memory_space<hbm>>
    tpu.wait_dma2 semaphore(%arg12 : memref<!tpu.dma_semaphore, #tpu.memory_space<semaphore_mem>>) src(%dma_wait3A_231 : memref<41600xf32, #tpu.memory_space<hbm>>) dst(%arg7 : memref<41600xf32, #tpu.memory_space<vmem>>)
    %add3A_232 = arith.constant 374400 : i32
    %add3A_233 = arith.addi %add3A_35, %add3A_232 : i32
    %dma_start3A_234 = tpu.memref_slice %arg5[%add3A_233] : memref<16777216xf32, #tpu.memory_space<hbm>> -> memref<41600xf32, #tpu.memory_space<hbm>>
    %dma_start3A_235 = tpu.memref_slice %arg5[%add3A_233] : memref<16777216xf32, #tpu.memory_space<hbm>> -> memref<41600xf32, #tpu.memory_space<hbm>>
    tpu.enqueue_dma source(%arg7 : memref<41600xf32, #tpu.memory_space<vmem>>) target(%dma_start3A_235 : memref<41600xf32, #tpu.memory_space<hbm>>) target_semaphore(%arg14 : memref<!tpu.dma_semaphore, #tpu.memory_space<semaphore_mem>>)
    %add3A_236 = arith.constant 374400 : i32
    %add3A_237 = arith.addi %add3A_35, %add3A_236 : i32
    %dma_wait3A_238 = tpu.memref_slice %arg5[%add3A_237] : memref<16777216xf32, #tpu.memory_space<hbm>> -> memref<41600xf32, #tpu.memory_space<hbm>>
    %dma_wait3A_239 = tpu.memref_slice %arg5[%add3A_237] : memref<16777216xf32, #tpu.memory_space<hbm>> -> memref<41600xf32, #tpu.memory_space<hbm>>
    tpu.wait_dma2 semaphore(%arg14 : memref<!tpu.dma_semaphore, #tpu.memory_space<semaphore_mem>>) src(%arg7 : memref<41600xf32, #tpu.memory_space<vmem>>) dst(%dma_wait3A_239 : memref<41600xf32, #tpu.memory_space<hbm>>)
    %add3A_240 = arith.constant 457600 : i32
    %add3A_241 = arith.addi %mul3A_32, %add3A_240 : i32
    %dma_start3A_242 = tpu.memref_slice %arg2[%add3A, %add3A_241] : memref<16x1000000xf32, #tpu.memory_space<hbm>> -> memref<1x41600xf32, #tpu.memory_space<hbm>>
    %dma_start3A_243 = tpu.memref_squeeze %dma_start3A_242 : memref<1x41600xf32, #tpu.memory_space<hbm>> -> memref<41600xf32, #tpu.memory_space<hbm>>
    %dma_start3A_244 = tpu.memref_slice %arg2[%add3A, %add3A_241] : memref<16x1000000xf32, #tpu.memory_space<hbm>> -> memref<1x41600xf32, #tpu.memory_space<hbm>>
    %dma_start3A_245 = tpu.memref_squeeze %dma_start3A_244 : memref<1x41600xf32, #tpu.memory_space<hbm>> -> memref<41600xf32, #tpu.memory_space<hbm>>
    tpu.enqueue_dma source(%dma_start3A_245 : memref<41600xf32, #tpu.memory_space<hbm>>) target(%arg7 : memref<41600xf32, #tpu.memory_space<vmem>>) target_semaphore(%arg12 : memref<!tpu.dma_semaphore, #tpu.memory_space<semaphore_mem>>)
    %add3A_246 = arith.constant 416000 : i32
    %add3A_247 = arith.addi %mul3A_32, %add3A_246 : i32
    %dma_wait3A_248 = tpu.memref_slice %arg2[%add3A, %add3A_247] : memref<16x1000000xf32, #tpu.memory_space<hbm>> -> memref<1x41600xf32, #tpu.memory_space<hbm>>
    %dma_wait3A_249 = tpu.memref_squeeze %dma_wait3A_248 : memref<1x41600xf32, #tpu.memory_space<hbm>> -> memref<41600xf32, #tpu.memory_space<hbm>>
    %dma_wait3A_250 = tpu.memref_slice %arg2[%add3A, %add3A_247] : memref<16x1000000xf32, #tpu.memory_space<hbm>> -> memref<1x41600xf32, #tpu.memory_space<hbm>>
    %dma_wait3A_251 = tpu.memref_squeeze %dma_wait3A_250 : memref<1x41600xf32, #tpu.memory_space<hbm>> -> memref<41600xf32, #tpu.memory_space<hbm>>
    tpu.wait_dma2 semaphore(%arg11 : memref<!tpu.dma_semaphore, #tpu.memory_space<semaphore_mem>>) src(%dma_wait3A_251 : memref<41600xf32, #tpu.memory_space<hbm>>) dst(%arg6 : memref<41600xf32, #tpu.memory_space<vmem>>)
    %add3A_252 = arith.constant 416000 : i32
    %add3A_253 = arith.addi %add3A_35, %add3A_252 : i32
    %dma_start3A_254 = tpu.memref_slice %arg5[%add3A_253] : memref<16777216xf32, #tpu.memory_space<hbm>> -> memref<41600xf32, #tpu.memory_space<hbm>>
    %dma_start3A_255 = tpu.memref_slice %arg5[%add3A_253] : memref<16777216xf32, #tpu.memory_space<hbm>> -> memref<41600xf32, #tpu.memory_space<hbm>>
    tpu.enqueue_dma source(%arg6 : memref<41600xf32, #tpu.memory_space<vmem>>) target(%dma_start3A_255 : memref<41600xf32, #tpu.memory_space<hbm>>) target_semaphore(%arg13 : memref<!tpu.dma_semaphore, #tpu.memory_space<semaphore_mem>>)
    %add3A_256 = arith.constant 457600 : i32
    %add3A_257 = arith.addi %mul3A_32, %add3A_256 : i32
    %dma_wait3A_258 = tpu.memref_slice %arg2[%add3A, %add3A_257] : memref<16x1000000xf32, #tpu.memory_space<hbm>> -> memref<1x41600xf32, #tpu.memory_space<hbm>>
    %dma_wait3A_259 = tpu.memref_squeeze %dma_wait3A_258 : memref<1x41600xf32, #tpu.memory_space<hbm>> -> memref<41600xf32, #tpu.memory_space<hbm>>
    %dma_wait3A_260 = tpu.memref_slice %arg2[%add3A, %add3A_257] : memref<16x1000000xf32, #tpu.memory_space<hbm>> -> memref<1x41600xf32, #tpu.memory_space<hbm>>
    %dma_wait3A_261 = tpu.memref_squeeze %dma_wait3A_260 : memref<1x41600xf32, #tpu.memory_space<hbm>> -> memref<41600xf32, #tpu.memory_space<hbm>>
    tpu.wait_dma2 semaphore(%arg12 : memref<!tpu.dma_semaphore, #tpu.memory_space<semaphore_mem>>) src(%dma_wait3A_261 : memref<41600xf32, #tpu.memory_space<hbm>>) dst(%arg7 : memref<41600xf32, #tpu.memory_space<vmem>>)
    %add3A_262 = arith.constant 457600 : i32
    %add3A_263 = arith.addi %add3A_35, %add3A_262 : i32
    %dma_start3A_264 = tpu.memref_slice %arg5[%add3A_263] : memref<16777216xf32, #tpu.memory_space<hbm>> -> memref<41600xf32, #tpu.memory_space<hbm>>
    %dma_start3A_265 = tpu.memref_slice %arg5[%add3A_263] : memref<16777216xf32, #tpu.memory_space<hbm>> -> memref<41600xf32, #tpu.memory_space<hbm>>
    tpu.enqueue_dma source(%arg7 : memref<41600xf32, #tpu.memory_space<vmem>>) target(%dma_start3A_265 : memref<41600xf32, #tpu.memory_space<hbm>>) target_semaphore(%arg14 : memref<!tpu.dma_semaphore, #tpu.memory_space<semaphore_mem>>)
    %add3A_266 = arith.constant 416000 : i32
    %add3A_267 = arith.addi %add3A_35, %add3A_266 : i32
    %dma_wait3A_268 = tpu.memref_slice %arg5[%add3A_267] : memref<16777216xf32, #tpu.memory_space<hbm>> -> memref<41600xf32, #tpu.memory_space<hbm>>
    %dma_wait3A_269 = tpu.memref_slice %arg5[%add3A_267] : memref<16777216xf32, #tpu.memory_space<hbm>> -> memref<41600xf32, #tpu.memory_space<hbm>>
    tpu.wait_dma2 semaphore(%arg13 : memref<!tpu.dma_semaphore, #tpu.memory_space<semaphore_mem>>) src(%arg6 : memref<41600xf32, #tpu.memory_space<vmem>>) dst(%dma_wait3A_269 : memref<41600xf32, #tpu.memory_space<hbm>>)
    %add3A_270 = arith.constant 457600 : i32
    %add3A_271 = arith.addi %add3A_35, %add3A_270 : i32
    %dma_wait3A_272 = tpu.memref_slice %arg5[%add3A_271] : memref<16777216xf32, #tpu.memory_space<hbm>> -> memref<41600xf32, #tpu.memory_space<hbm>>
    %dma_wait3A_273 = tpu.memref_slice %arg5[%add3A_271] : memref<16777216xf32, #tpu.memory_space<hbm>> -> memref<41600xf32, #tpu.memory_space<hbm>>
    tpu.wait_dma2 semaphore(%arg14 : memref<!tpu.dma_semaphore, #tpu.memory_space<semaphore_mem>>) src(%arg7 : memref<41600xf32, #tpu.memory_space<vmem>>) dst(%dma_wait3A_273 : memref<41600xf32, #tpu.memory_space<hbm>>)
    %eq3A_274 = arith.constant 1 : i32
    %eq3A_275 = arith.cmpi eq, %select_n3A_30, %eq3A_274 : i32
    %convert_element_type3A = arith.extui %eq3A_275 : i1 to i32
    %cond3A = arith.constant 0 : i32
    %cond3A_276 = arith.cmpi ne, %convert_element_type3A, %cond3A : i32
    scf.if %cond3A_276 {
      "tpu.region"() ({
        %run_scoped3A = tpu.sem_alloc : memref<!tpu.dma_semaphore, #tpu.memory_space<semaphore_mem>>
        %dma_start3A_3103 = arith.constant 998400 : i32
        %dma_start3A_3104 = tpu.memref_slice %arg2[%add3A, %dma_start3A_3103] : memref<16x1000000xf32, #tpu.memory_space<hbm>> -> memref<1x1600xf32, #tpu.memory_space<hbm>>
        %dma_start3A_3105 = tpu.memref_squeeze %dma_start3A_3104 : memref<1x1600xf32, #tpu.memory_space<hbm>> -> memref<1600xf32, #tpu.memory_space<hbm>>
        %dma_start3A_3106 = arith.constant 998400 : i32
        %dma_start3A_3107 = tpu.memref_slice %arg2[%add3A, %dma_start3A_3106] : memref<16x1000000xf32, #tpu.memory_space<hbm>> -> memref<1x1600xf32, #tpu.memory_space<hbm>>
        %dma_start3A_3108 = tpu.memref_squeeze %dma_start3A_3107 : memref<1x1600xf32, #tpu.memory_space<hbm>> -> memref<1600xf32, #tpu.memory_space<hbm>>
        tpu.enqueue_dma source(%dma_start3A_3108 : memref<1600xf32, #tpu.memory_space<hbm>>) target(%arg8 : memref<1600xf32, #tpu.memory_space<vmem>>) target_semaphore(%run_scoped3A : memref<!tpu.dma_semaphore, #tpu.memory_space<semaphore_mem>>)
        %dma_wait3A_3109 = arith.constant 998400 : i32
        %dma_wait3A_3110 = tpu.memref_slice %arg2[%add3A, %dma_wait3A_3109] : memref<16x1000000xf32, #tpu.memory_space<hbm>> -> memref<1x1600xf32, #tpu.memory_space<hbm>>
        %dma_wait3A_3111 = tpu.memref_squeeze %dma_wait3A_3110 : memref<1x1600xf32, #tpu.memory_space<hbm>> -> memref<1600xf32, #tpu.memory_space<hbm>>
        %dma_wait3A_3112 = arith.constant 998400 : i32
        %dma_wait3A_3113 = tpu.memref_slice %arg2[%add3A, %dma_wait3A_3112] : memref<16x1000000xf32, #tpu.memory_space<hbm>> -> memref<1x1600xf32, #tpu.memory_space<hbm>>
        %dma_wait3A_3114 = tpu.memref_squeeze %dma_wait3A_3113 : memref<1x1600xf32, #tpu.memory_space<hbm>> -> memref<1600xf32, #tpu.memory_space<hbm>>
        tpu.wait_dma2 semaphore(%run_scoped3A : memref<!tpu.dma_semaphore, #tpu.memory_space<semaphore_mem>>) src(%dma_wait3A_3114 : memref<1600xf32, #tpu.memory_space<hbm>>) dst(%arg8 : memref<1600xf32, #tpu.memory_space<vmem>>)
        tpu.yield
      }) : () -> ()
      %mul3A_3099 = arith.constant 1048576 : i32
      %mul3A_3100 = arith.muli %add3A, %mul3A_3099 : i32
      %add3A_3101 = arith.constant 998400 : i32
      %add3A_3102 = arith.addi %mul3A_3100, %add3A_3101 : i32
      "tpu.region"() ({
        %run_scoped3A = tpu.sem_alloc : memref<!tpu.dma_semaphore, #tpu.memory_space<semaphore_mem>>
        %dma_start3A_3103 = tpu.memref_slice %arg5[%add3A_3102] : memref<16777216xf32, #tpu.memory_space<hbm>> -> memref<1600xf32, #tpu.memory_space<hbm>>
        %dma_start3A_3104 = tpu.memref_slice %arg5[%add3A_3102] : memref<16777216xf32, #tpu.memory_space<hbm>> -> memref<1600xf32, #tpu.memory_space<hbm>>
        tpu.enqueue_dma source(%arg8 : memref<1600xf32, #tpu.memory_space<vmem>>) target(%dma_start3A_3104 : memref<1600xf32, #tpu.memory_space<hbm>>) target_semaphore(%run_scoped3A : memref<!tpu.dma_semaphore, #tpu.memory_space<semaphore_mem>>)
        %dma_wait3A_3105 = tpu.memref_slice %arg5[%add3A_3102] : memref<16777216xf32, #tpu.memory_space<hbm>> -> memref<1600xf32, #tpu.memory_space<hbm>>
        %dma_wait3A_3106 = tpu.memref_slice %arg5[%add3A_3102] : memref<16777216xf32, #tpu.memory_space<hbm>> -> memref<1600xf32, #tpu.memory_space<hbm>>
        tpu.wait_dma2 semaphore(%run_scoped3A : memref<!tpu.dma_semaphore, #tpu.memory_space<semaphore_mem>>) src(%arg8 : memref<1600xf32, #tpu.memory_space<vmem>>) dst(%dma_wait3A_3106 : memref<1600xf32, #tpu.memory_space<hbm>>)
        tpu.yield
      }) : () -> ()
    } else {
    }
    %barrier3A = arith.constant 0 : index
    tpu.barrier barrier_id(%barrier3A)
    %mul3A_277 = arith.constant 8 : i32
    %mul3A_278 = arith.muli %arg0, %mul3A_277 : i32
    "tpu.region"() ({
      %run_scoped3A = tpu.sem_alloc : memref<!tpu.dma_semaphore, #tpu.memory_space<semaphore_mem>>
      %dma_start3A_3099 = arith.constant 0 : i32
      %dma_start3A_3100 = arith.constant 0 : i32
      %dma_start3A_3101 = tpu.memref_slice %arg3[%arg1, %mul3A_278, %dma_start3A_3099, %dma_start3A_3100] : memref<16x16x16x128xi32, #tpu.memory_space<hbm>> -> memref<1x8x16x128xi32, #tpu.memory_space<hbm>>
      %dma_start3A_3102 = tpu.memref_squeeze %dma_start3A_3101 : memref<1x8x16x128xi32, #tpu.memory_space<hbm>> -> memref<8x16x128xi32, #tpu.memory_space<hbm>>
      %dma_start3A_3103 = arith.constant 0 : i32
      %dma_start3A_3104 = arith.constant 0 : i32
      %dma_start3A_3105 = tpu.memref_slice %arg3[%arg1, %mul3A_278, %dma_start3A_3103, %dma_start3A_3104] : memref<16x16x16x128xi32, #tpu.memory_space<hbm>> -> memref<1x8x16x128xi32, #tpu.memory_space<hbm>>
      %dma_start3A_3106 = tpu.memref_squeeze %dma_start3A_3105 : memref<1x8x16x128xi32, #tpu.memory_space<hbm>> -> memref<8x16x128xi32, #tpu.memory_space<hbm>>
      tpu.enqueue_dma source(%dma_start3A_3106 : memref<8x16x128xi32, #tpu.memory_space<hbm>>) target(%arg9 : memref<8x16x128xi32, #tpu.memory_space<vmem>>) target_semaphore(%run_scoped3A : memref<!tpu.dma_semaphore, #tpu.memory_space<semaphore_mem>>)
      %dma_wait3A_3107 = arith.constant 0 : i32
      %dma_wait3A_3108 = arith.constant 0 : i32
      %dma_wait3A_3109 = tpu.memref_slice %arg3[%arg1, %mul3A_278, %dma_wait3A_3107, %dma_wait3A_3108] : memref<16x16x16x128xi32, #tpu.memory_space<hbm>> -> memref<1x8x16x128xi32, #tpu.memory_space<hbm>>
      %dma_wait3A_3110 = tpu.memref_squeeze %dma_wait3A_3109 : memref<1x8x16x128xi32, #tpu.memory_space<hbm>> -> memref<8x16x128xi32, #tpu.memory_space<hbm>>
      %dma_wait3A_3111 = arith.constant 0 : i32
      %dma_wait3A_3112 = arith.constant 0 : i32
      %dma_wait3A_3113 = tpu.memref_slice %arg3[%arg1, %mul3A_278, %dma_wait3A_3111, %dma_wait3A_3112] : memref<16x16x16x128xi32, #tpu.memory_space<hbm>> -> memref<1x8x16x128xi32, #tpu.memory_space<hbm>>
      %dma_wait3A_3114 = tpu.memref_squeeze %dma_wait3A_3113 : memref<1x8x16x128xi32, #tpu.memory_space<hbm>> -> memref<8x16x128xi32, #tpu.memory_space<hbm>>
      tpu.wait_dma2 semaphore(%run_scoped3A : memref<!tpu.dma_semaphore, #tpu.memory_space<semaphore_mem>>) src(%dma_wait3A_3114 : memref<8x16x128xi32, #tpu.memory_space<hbm>>) dst(%arg9 : memref<8x16x128xi32, #tpu.memory_space<vmem>>)
      tpu.yield
    }) : () -> ()
    %dma_start3A_279 = arith.constant 0 : i32
    %dma_start3A_280 = arith.constant 0 : i32
    %dma_start3A_281 = arith.constant 0 : i32
    %dma_start3A_282 = arith.constant 0 : i32
    %dma_start3A_283 = tpu.memref_slice %arg10[%dma_start3A_281, %dma_start3A_282] : memref<8x2048xf32, #tpu.memory_space<vmem>> -> memref<1x128xf32, #tpu.memory_space<vmem>>
    %dma_start3A_284 = tpu.memref_squeeze %dma_start3A_283 : memref<1x128xf32, #tpu.memory_space<vmem>> -> memref<128xf32, #tpu.memory_space<vmem>>
    %dma_start3A_285 = arith.constant 0 : i32
    %dma_start3A_286 = tpu.memref_slice %arg9[%dma_start3A_279, %dma_start3A_280, %dma_start3A_285] : memref<8x16x128xi32, #tpu.memory_space<vmem>> -> memref<1x1x128xi32, #tpu.memory_space<vmem>>
    %dma_start3A_287 = tpu.memref_squeeze %dma_start3A_286 : memref<1x1x128xi32, #tpu.memory_space<vmem>> -> memref<128xi32, #tpu.memory_space<vmem>>
    %dma_start3A_288 = arith.constant 0 : i32
    %dma_start3A_289 = tpu.memref_slice %arg5[%dma_start3A_288] : memref<16777216xf32, #tpu.memory_space<hbm>> -> memref<16777216xf32, #tpu.memory_space<hbm>>
    tpu.enqueue_indirect_dma source(%dma_start3A_289 : memref<16777216xf32, #tpu.memory_space<hbm>>) target(%dma_start3A_284 : memref<128xf32, #tpu.memory_space<vmem>>) offsets(%dma_start3A_287 : memref<128xi32, #tpu.memory_space<vmem>>) semaphore(%arg15 : memref<!tpu.dma_semaphore, #tpu.memory_space<semaphore_mem>>)
    %dma_start3A_290 = arith.constant 1 : i32
    %dma_start3A_291 = arith.constant 0 : i32
    %dma_start3A_292 = arith.constant 1 : i32
    %dma_start3A_293 = arith.constant 0 : i32
    %dma_start3A_294 = tpu.memref_slice %arg10[%dma_start3A_292, %dma_start3A_293] : memref<8x2048xf32, #tpu.memory_space<vmem>> -> memref<1x128xf32, #tpu.memory_space<vmem>>
    %dma_start3A_295 = tpu.memref_squeeze %dma_start3A_294 : memref<1x128xf32, #tpu.memory_space<vmem>> -> memref<128xf32, #tpu.memory_space<vmem>>
    %dma_start3A_296 = arith.constant 0 : i32
    %dma_start3A_297 = tpu.memref_slice %arg9[%dma_start3A_290, %dma_start3A_291, %dma_start3A_296] : memref<8x16x128xi32, #tpu.memory_space<vmem>> -> memref<1x1x128xi32, #tpu.memory_space<vmem>>
    %dma_start3A_298 = tpu.memref_squeeze %dma_start3A_297 : memref<1x1x128xi32, #tpu.memory_space<vmem>> -> memref<128xi32, #tpu.memory_space<vmem>>
    %dma_start3A_299 = arith.constant 0 : i32
    %dma_start3A_300 = tpu.memref_slice %arg5[%dma_start3A_299] : memref<16777216xf32, #tpu.memory_space<hbm>> -> memref<16777216xf32, #tpu.memory_space<hbm>>
    tpu.enqueue_indirect_dma source(%dma_start3A_300 : memref<16777216xf32, #tpu.memory_space<hbm>>) target(%dma_start3A_295 : memref<128xf32, #tpu.memory_space<vmem>>) offsets(%dma_start3A_298 : memref<128xi32, #tpu.memory_space<vmem>>) semaphore(%arg15 : memref<!tpu.dma_semaphore, #tpu.memory_space<semaphore_mem>>)
    %dma_start3A_301 = arith.constant 2 : i32
    %dma_start3A_302 = arith.constant 0 : i32
    %dma_start3A_303 = arith.constant 2 : i32
    %dma_start3A_304 = arith.constant 0 : i32
    %dma_start3A_305 = tpu.memref_slice %arg10[%dma_start3A_303, %dma_start3A_304] : memref<8x2048xf32, #tpu.memory_space<vmem>> -> memref<1x128xf32, #tpu.memory_space<vmem>>
    %dma_start3A_306 = tpu.memref_squeeze %dma_start3A_305 : memref<1x128xf32, #tpu.memory_space<vmem>> -> memref<128xf32, #tpu.memory_space<vmem>>
    %dma_start3A_307 = arith.constant 0 : i32
    %dma_start3A_308 = tpu.memref_slice %arg9[%dma_start3A_301, %dma_start3A_302, %dma_start3A_307] : memref<8x16x128xi32, #tpu.memory_space<vmem>> -> memref<1x1x128xi32, #tpu.memory_space<vmem>>
    %dma_start3A_309 = tpu.memref_squeeze %dma_start3A_308 : memref<1x1x128xi32, #tpu.memory_space<vmem>> -> memref<128xi32, #tpu.memory_space<vmem>>
    %dma_start3A_310 = arith.constant 0 : i32
    %dma_start3A_311 = tpu.memref_slice %arg5[%dma_start3A_310] : memref<16777216xf32, #tpu.memory_space<hbm>> -> memref<16777216xf32, #tpu.memory_space<hbm>>
    tpu.enqueue_indirect_dma source(%dma_start3A_311 : memref<16777216xf32, #tpu.memory_space<hbm>>) target(%dma_start3A_306 : memref<128xf32, #tpu.memory_space<vmem>>) offsets(%dma_start3A_309 : memref<128xi32, #tpu.memory_space<vmem>>) semaphore(%arg15 : memref<!tpu.dma_semaphore, #tpu.memory_space<semaphore_mem>>)
    %dma_start3A_312 = arith.constant 3 : i32
    %dma_start3A_313 = arith.constant 0 : i32
    %dma_start3A_314 = arith.constant 3 : i32
    %dma_start3A_315 = arith.constant 0 : i32
    %dma_start3A_316 = tpu.memref_slice %arg10[%dma_start3A_314, %dma_start3A_315] : memref<8x2048xf32, #tpu.memory_space<vmem>> -> memref<1x128xf32, #tpu.memory_space<vmem>>
    %dma_start3A_317 = tpu.memref_squeeze %dma_start3A_316 : memref<1x128xf32, #tpu.memory_space<vmem>> -> memref<128xf32, #tpu.memory_space<vmem>>
    %dma_start3A_318 = arith.constant 0 : i32
    %dma_start3A_319 = tpu.memref_slice %arg9[%dma_start3A_312, %dma_start3A_313, %dma_start3A_318] : memref<8x16x128xi32, #tpu.memory_space<vmem>> -> memref<1x1x128xi32, #tpu.memory_space<vmem>>
    %dma_start3A_320 = tpu.memref_squeeze %dma_start3A_319 : memref<1x1x128xi32, #tpu.memory_space<vmem>> -> memref<128xi32, #tpu.memory_space<vmem>>
    %dma_start3A_321 = arith.constant 0 : i32
    %dma_start3A_322 = tpu.memref_slice %arg5[%dma_start3A_321] : memref<16777216xf32, #tpu.memory_space<hbm>> -> memref<16777216xf32, #tpu.memory_space<hbm>>
    tpu.enqueue_indirect_dma source(%dma_start3A_322 : memref<16777216xf32, #tpu.memory_space<hbm>>) target(%dma_start3A_317 : memref<128xf32, #tpu.memory_space<vmem>>) offsets(%dma_start3A_320 : memref<128xi32, #tpu.memory_space<vmem>>) semaphore(%arg15 : memref<!tpu.dma_semaphore, #tpu.memory_space<semaphore_mem>>)
    %dma_start3A_323 = arith.constant 4 : i32
    %dma_start3A_324 = arith.constant 0 : i32
    %dma_start3A_325 = arith.constant 4 : i32
    %dma_start3A_326 = arith.constant 0 : i32
    %dma_start3A_327 = tpu.memref_slice %arg10[%dma_start3A_325, %dma_start3A_326] : memref<8x2048xf32, #tpu.memory_space<vmem>> -> memref<1x128xf32, #tpu.memory_space<vmem>>
    %dma_start3A_328 = tpu.memref_squeeze %dma_start3A_327 : memref<1x128xf32, #tpu.memory_space<vmem>> -> memref<128xf32, #tpu.memory_space<vmem>>
    %dma_start3A_329 = arith.constant 0 : i32
    %dma_start3A_330 = tpu.memref_slice %arg9[%dma_start3A_323, %dma_start3A_324, %dma_start3A_329] : memref<8x16x128xi32, #tpu.memory_space<vmem>> -> memref<1x1x128xi32, #tpu.memory_space<vmem>>
    %dma_start3A_331 = tpu.memref_squeeze %dma_start3A_330 : memref<1x1x128xi32, #tpu.memory_space<vmem>> -> memref<128xi32, #tpu.memory_space<vmem>>
    %dma_start3A_332 = arith.constant 0 : i32
    %dma_start3A_333 = tpu.memref_slice %arg5[%dma_start3A_332] : memref<16777216xf32, #tpu.memory_space<hbm>> -> memref<16777216xf32, #tpu.memory_space<hbm>>
    tpu.enqueue_indirect_dma source(%dma_start3A_333 : memref<16777216xf32, #tpu.memory_space<hbm>>) target(%dma_start3A_328 : memref<128xf32, #tpu.memory_space<vmem>>) offsets(%dma_start3A_331 : memref<128xi32, #tpu.memory_space<vmem>>) semaphore(%arg15 : memref<!tpu.dma_semaphore, #tpu.memory_space<semaphore_mem>>)
    %dma_start3A_334 = arith.constant 5 : i32
    %dma_start3A_335 = arith.constant 0 : i32
    %dma_start3A_336 = arith.constant 5 : i32
    %dma_start3A_337 = arith.constant 0 : i32
    %dma_start3A_338 = tpu.memref_slice %arg10[%dma_start3A_336, %dma_start3A_337] : memref<8x2048xf32, #tpu.memory_space<vmem>> -> memref<1x128xf32, #tpu.memory_space<vmem>>
    %dma_start3A_339 = tpu.memref_squeeze %dma_start3A_338 : memref<1x128xf32, #tpu.memory_space<vmem>> -> memref<128xf32, #tpu.memory_space<vmem>>
    %dma_start3A_340 = arith.constant 0 : i32
    %dma_start3A_341 = tpu.memref_slice %arg9[%dma_start3A_334, %dma_start3A_335, %dma_start3A_340] : memref<8x16x128xi32, #tpu.memory_space<vmem>> -> memref<1x1x128xi32, #tpu.memory_space<vmem>>
    %dma_start3A_342 = tpu.memref_squeeze %dma_start3A_341 : memref<1x1x128xi32, #tpu.memory_space<vmem>> -> memref<128xi32, #tpu.memory_space<vmem>>
    %dma_start3A_343 = arith.constant 0 : i32
    %dma_start3A_344 = tpu.memref_slice %arg5[%dma_start3A_343] : memref<16777216xf32, #tpu.memory_space<hbm>> -> memref<16777216xf32, #tpu.memory_space<hbm>>
    tpu.enqueue_indirect_dma source(%dma_start3A_344 : memref<16777216xf32, #tpu.memory_space<hbm>>) target(%dma_start3A_339 : memref<128xf32, #tpu.memory_space<vmem>>) offsets(%dma_start3A_342 : memref<128xi32, #tpu.memory_space<vmem>>) semaphore(%arg15 : memref<!tpu.dma_semaphore, #tpu.memory_space<semaphore_mem>>)
    %dma_start3A_345 = arith.constant 6 : i32
    %dma_start3A_346 = arith.constant 0 : i32
    %dma_start3A_347 = arith.constant 6 : i32
    %dma_start3A_348 = arith.constant 0 : i32
    %dma_start3A_349 = tpu.memref_slice %arg10[%dma_start3A_347, %dma_start3A_348] : memref<8x2048xf32, #tpu.memory_space<vmem>> -> memref<1x128xf32, #tpu.memory_space<vmem>>
    %dma_start3A_350 = tpu.memref_squeeze %dma_start3A_349 : memref<1x128xf32, #tpu.memory_space<vmem>> -> memref<128xf32, #tpu.memory_space<vmem>>
    %dma_start3A_351 = arith.constant 0 : i32
    %dma_start3A_352 = tpu.memref_slice %arg9[%dma_start3A_345, %dma_start3A_346, %dma_start3A_351] : memref<8x16x128xi32, #tpu.memory_space<vmem>> -> memref<1x1x128xi32, #tpu.memory_space<vmem>>
    %dma_start3A_353 = tpu.memref_squeeze %dma_start3A_352 : memref<1x1x128xi32, #tpu.memory_space<vmem>> -> memref<128xi32, #tpu.memory_space<vmem>>
    %dma_start3A_354 = arith.constant 0 : i32
    %dma_start3A_355 = tpu.memref_slice %arg5[%dma_start3A_354] : memref<16777216xf32, #tpu.memory_space<hbm>> -> memref<16777216xf32, #tpu.memory_space<hbm>>
    tpu.enqueue_indirect_dma source(%dma_start3A_355 : memref<16777216xf32, #tpu.memory_space<hbm>>) target(%dma_start3A_350 : memref<128xf32, #tpu.memory_space<vmem>>) offsets(%dma_start3A_353 : memref<128xi32, #tpu.memory_space<vmem>>) semaphore(%arg15 : memref<!tpu.dma_semaphore, #tpu.memory_space<semaphore_mem>>)
    %dma_start3A_356 = arith.constant 7 : i32
    %dma_start3A_357 = arith.constant 0 : i32
    %dma_start3A_358 = arith.constant 7 : i32
    %dma_start3A_359 = arith.constant 0 : i32
    %dma_start3A_360 = tpu.memref_slice %arg10[%dma_start3A_358, %dma_start3A_359] : memref<8x2048xf32, #tpu.memory_space<vmem>> -> memref<1x128xf32, #tpu.memory_space<vmem>>
    %dma_start3A_361 = tpu.memref_squeeze %dma_start3A_360 : memref<1x128xf32, #tpu.memory_space<vmem>> -> memref<128xf32, #tpu.memory_space<vmem>>
    %dma_start3A_362 = arith.constant 0 : i32
    %dma_start3A_363 = tpu.memref_slice %arg9[%dma_start3A_356, %dma_start3A_357, %dma_start3A_362] : memref<8x16x128xi32, #tpu.memory_space<vmem>> -> memref<1x1x128xi32, #tpu.memory_space<vmem>>
    %dma_start3A_364 = tpu.memref_squeeze %dma_start3A_363 : memref<1x1x128xi32, #tpu.memory_space<vmem>> -> memref<128xi32, #tpu.memory_space<vmem>>
    %dma_start3A_365 = arith.constant 0 : i32
    %dma_start3A_366 = tpu.memref_slice %arg5[%dma_start3A_365] : memref<16777216xf32, #tpu.memory_space<hbm>> -> memref<16777216xf32, #tpu.memory_space<hbm>>
    tpu.enqueue_indirect_dma source(%dma_start3A_366 : memref<16777216xf32, #tpu.memory_space<hbm>>) target(%dma_start3A_361 : memref<128xf32, #tpu.memory_space<vmem>>) offsets(%dma_start3A_364 : memref<128xi32, #tpu.memory_space<vmem>>) semaphore(%arg15 : memref<!tpu.dma_semaphore, #tpu.memory_space<semaphore_mem>>)
    %dma_start3A_367 = arith.constant 0 : i32
    %dma_start3A_368 = arith.constant 1 : i32
    %dma_start3A_369 = arith.constant 0 : i32
    %dma_start3A_370 = arith.constant 128 : i32
    %dma_start3A_371 = tpu.memref_slice %arg10[%dma_start3A_369, %dma_start3A_370] : memref<8x2048xf32, #tpu.memory_space<vmem>> -> memref<1x128xf32, #tpu.memory_space<vmem>>
    %dma_start3A_372 = tpu.memref_squeeze %dma_start3A_371 : memref<1x128xf32, #tpu.memory_space<vmem>> -> memref<128xf32, #tpu.memory_space<vmem>>
    %dma_start3A_373 = arith.constant 0 : i32
    %dma_start3A_374 = tpu.memref_slice %arg9[%dma_start3A_367, %dma_start3A_368, %dma_start3A_373] : memref<8x16x128xi32, #tpu.memory_space<vmem>> -> memref<1x1x128xi32, #tpu.memory_space<vmem>>
    %dma_start3A_375 = tpu.memref_squeeze %dma_start3A_374 : memref<1x1x128xi32, #tpu.memory_space<vmem>> -> memref<128xi32, #tpu.memory_space<vmem>>
    %dma_start3A_376 = arith.constant 0 : i32
    %dma_start3A_377 = tpu.memref_slice %arg5[%dma_start3A_376] : memref<16777216xf32, #tpu.memory_space<hbm>> -> memref<16777216xf32, #tpu.memory_space<hbm>>
    tpu.enqueue_indirect_dma source(%dma_start3A_377 : memref<16777216xf32, #tpu.memory_space<hbm>>) target(%dma_start3A_372 : memref<128xf32, #tpu.memory_space<vmem>>) offsets(%dma_start3A_375 : memref<128xi32, #tpu.memory_space<vmem>>) semaphore(%arg16 : memref<!tpu.dma_semaphore, #tpu.memory_space<semaphore_mem>>)
    %dma_start3A_378 = arith.constant 1 : i32
    %dma_start3A_379 = arith.constant 1 : i32
    %dma_start3A_380 = arith.constant 1 : i32
    %dma_start3A_381 = arith.constant 128 : i32
    %dma_start3A_382 = tpu.memref_slice %arg10[%dma_start3A_380, %dma_start3A_381] : memref<8x2048xf32, #tpu.memory_space<vmem>> -> memref<1x128xf32, #tpu.memory_space<vmem>>
    %dma_start3A_383 = tpu.memref_squeeze %dma_start3A_382 : memref<1x128xf32, #tpu.memory_space<vmem>> -> memref<128xf32, #tpu.memory_space<vmem>>
    %dma_start3A_384 = arith.constant 0 : i32
    %dma_start3A_385 = tpu.memref_slice %arg9[%dma_start3A_378, %dma_start3A_379, %dma_start3A_384] : memref<8x16x128xi32, #tpu.memory_space<vmem>> -> memref<1x1x128xi32, #tpu.memory_space<vmem>>
    %dma_start3A_386 = tpu.memref_squeeze %dma_start3A_385 : memref<1x1x128xi32, #tpu.memory_space<vmem>> -> memref<128xi32, #tpu.memory_space<vmem>>
    %dma_start3A_387 = arith.constant 0 : i32
    %dma_start3A_388 = tpu.memref_slice %arg5[%dma_start3A_387] : memref<16777216xf32, #tpu.memory_space<hbm>> -> memref<16777216xf32, #tpu.memory_space<hbm>>
    tpu.enqueue_indirect_dma source(%dma_start3A_388 : memref<16777216xf32, #tpu.memory_space<hbm>>) target(%dma_start3A_383 : memref<128xf32, #tpu.memory_space<vmem>>) offsets(%dma_start3A_386 : memref<128xi32, #tpu.memory_space<vmem>>) semaphore(%arg16 : memref<!tpu.dma_semaphore, #tpu.memory_space<semaphore_mem>>)
    %dma_start3A_389 = arith.constant 2 : i32
    %dma_start3A_390 = arith.constant 1 : i32
    %dma_start3A_391 = arith.constant 2 : i32
    %dma_start3A_392 = arith.constant 128 : i32
    %dma_start3A_393 = tpu.memref_slice %arg10[%dma_start3A_391, %dma_start3A_392] : memref<8x2048xf32, #tpu.memory_space<vmem>> -> memref<1x128xf32, #tpu.memory_space<vmem>>
    %dma_start3A_394 = tpu.memref_squeeze %dma_start3A_393 : memref<1x128xf32, #tpu.memory_space<vmem>> -> memref<128xf32, #tpu.memory_space<vmem>>
    %dma_start3A_395 = arith.constant 0 : i32
    %dma_start3A_396 = tpu.memref_slice %arg9[%dma_start3A_389, %dma_start3A_390, %dma_start3A_395] : memref<8x16x128xi32, #tpu.memory_space<vmem>> -> memref<1x1x128xi32, #tpu.memory_space<vmem>>
    %dma_start3A_397 = tpu.memref_squeeze %dma_start3A_396 : memref<1x1x128xi32, #tpu.memory_space<vmem>> -> memref<128xi32, #tpu.memory_space<vmem>>
    %dma_start3A_398 = arith.constant 0 : i32
    %dma_start3A_399 = tpu.memref_slice %arg5[%dma_start3A_398] : memref<16777216xf32, #tpu.memory_space<hbm>> -> memref<16777216xf32, #tpu.memory_space<hbm>>
    tpu.enqueue_indirect_dma source(%dma_start3A_399 : memref<16777216xf32, #tpu.memory_space<hbm>>) target(%dma_start3A_394 : memref<128xf32, #tpu.memory_space<vmem>>) offsets(%dma_start3A_397 : memref<128xi32, #tpu.memory_space<vmem>>) semaphore(%arg16 : memref<!tpu.dma_semaphore, #tpu.memory_space<semaphore_mem>>)
    %dma_start3A_400 = arith.constant 3 : i32
    %dma_start3A_401 = arith.constant 1 : i32
    %dma_start3A_402 = arith.constant 3 : i32
    %dma_start3A_403 = arith.constant 128 : i32
    %dma_start3A_404 = tpu.memref_slice %arg10[%dma_start3A_402, %dma_start3A_403] : memref<8x2048xf32, #tpu.memory_space<vmem>> -> memref<1x128xf32, #tpu.memory_space<vmem>>
    %dma_start3A_405 = tpu.memref_squeeze %dma_start3A_404 : memref<1x128xf32, #tpu.memory_space<vmem>> -> memref<128xf32, #tpu.memory_space<vmem>>
    %dma_start3A_406 = arith.constant 0 : i32
    %dma_start3A_407 = tpu.memref_slice %arg9[%dma_start3A_400, %dma_start3A_401, %dma_start3A_406] : memref<8x16x128xi32, #tpu.memory_space<vmem>> -> memref<1x1x128xi32, #tpu.memory_space<vmem>>
    %dma_start3A_408 = tpu.memref_squeeze %dma_start3A_407 : memref<1x1x128xi32, #tpu.memory_space<vmem>> -> memref<128xi32, #tpu.memory_space<vmem>>
    %dma_start3A_409 = arith.constant 0 : i32
    %dma_start3A_410 = tpu.memref_slice %arg5[%dma_start3A_409] : memref<16777216xf32, #tpu.memory_space<hbm>> -> memref<16777216xf32, #tpu.memory_space<hbm>>
    tpu.enqueue_indirect_dma source(%dma_start3A_410 : memref<16777216xf32, #tpu.memory_space<hbm>>) target(%dma_start3A_405 : memref<128xf32, #tpu.memory_space<vmem>>) offsets(%dma_start3A_408 : memref<128xi32, #tpu.memory_space<vmem>>) semaphore(%arg16 : memref<!tpu.dma_semaphore, #tpu.memory_space<semaphore_mem>>)
    %dma_start3A_411 = arith.constant 4 : i32
    %dma_start3A_412 = arith.constant 1 : i32
    %dma_start3A_413 = arith.constant 4 : i32
    %dma_start3A_414 = arith.constant 128 : i32
    %dma_start3A_415 = tpu.memref_slice %arg10[%dma_start3A_413, %dma_start3A_414] : memref<8x2048xf32, #tpu.memory_space<vmem>> -> memref<1x128xf32, #tpu.memory_space<vmem>>
    %dma_start3A_416 = tpu.memref_squeeze %dma_start3A_415 : memref<1x128xf32, #tpu.memory_space<vmem>> -> memref<128xf32, #tpu.memory_space<vmem>>
    %dma_start3A_417 = arith.constant 0 : i32
    %dma_start3A_418 = tpu.memref_slice %arg9[%dma_start3A_411, %dma_start3A_412, %dma_start3A_417] : memref<8x16x128xi32, #tpu.memory_space<vmem>> -> memref<1x1x128xi32, #tpu.memory_space<vmem>>
    %dma_start3A_419 = tpu.memref_squeeze %dma_start3A_418 : memref<1x1x128xi32, #tpu.memory_space<vmem>> -> memref<128xi32, #tpu.memory_space<vmem>>
    %dma_start3A_420 = arith.constant 0 : i32
    %dma_start3A_421 = tpu.memref_slice %arg5[%dma_start3A_420] : memref<16777216xf32, #tpu.memory_space<hbm>> -> memref<16777216xf32, #tpu.memory_space<hbm>>
    tpu.enqueue_indirect_dma source(%dma_start3A_421 : memref<16777216xf32, #tpu.memory_space<hbm>>) target(%dma_start3A_416 : memref<128xf32, #tpu.memory_space<vmem>>) offsets(%dma_start3A_419 : memref<128xi32, #tpu.memory_space<vmem>>) semaphore(%arg16 : memref<!tpu.dma_semaphore, #tpu.memory_space<semaphore_mem>>)
    %dma_start3A_422 = arith.constant 5 : i32
    %dma_start3A_423 = arith.constant 1 : i32
    %dma_start3A_424 = arith.constant 5 : i32
    %dma_start3A_425 = arith.constant 128 : i32
    %dma_start3A_426 = tpu.memref_slice %arg10[%dma_start3A_424, %dma_start3A_425] : memref<8x2048xf32, #tpu.memory_space<vmem>> -> memref<1x128xf32, #tpu.memory_space<vmem>>
    %dma_start3A_427 = tpu.memref_squeeze %dma_start3A_426 : memref<1x128xf32, #tpu.memory_space<vmem>> -> memref<128xf32, #tpu.memory_space<vmem>>
    %dma_start3A_428 = arith.constant 0 : i32
    %dma_start3A_429 = tpu.memref_slice %arg9[%dma_start3A_422, %dma_start3A_423, %dma_start3A_428] : memref<8x16x128xi32, #tpu.memory_space<vmem>> -> memref<1x1x128xi32, #tpu.memory_space<vmem>>
    %dma_start3A_430 = tpu.memref_squeeze %dma_start3A_429 : memref<1x1x128xi32, #tpu.memory_space<vmem>> -> memref<128xi32, #tpu.memory_space<vmem>>
    %dma_start3A_431 = arith.constant 0 : i32
    %dma_start3A_432 = tpu.memref_slice %arg5[%dma_start3A_431] : memref<16777216xf32, #tpu.memory_space<hbm>> -> memref<16777216xf32, #tpu.memory_space<hbm>>
    tpu.enqueue_indirect_dma source(%dma_start3A_432 : memref<16777216xf32, #tpu.memory_space<hbm>>) target(%dma_start3A_427 : memref<128xf32, #tpu.memory_space<vmem>>) offsets(%dma_start3A_430 : memref<128xi32, #tpu.memory_space<vmem>>) semaphore(%arg16 : memref<!tpu.dma_semaphore, #tpu.memory_space<semaphore_mem>>)
    %dma_start3A_433 = arith.constant 6 : i32
    %dma_start3A_434 = arith.constant 1 : i32
    %dma_start3A_435 = arith.constant 6 : i32
    %dma_start3A_436 = arith.constant 128 : i32
    %dma_start3A_437 = tpu.memref_slice %arg10[%dma_start3A_435, %dma_start3A_436] : memref<8x2048xf32, #tpu.memory_space<vmem>> -> memref<1x128xf32, #tpu.memory_space<vmem>>
    %dma_start3A_438 = tpu.memref_squeeze %dma_start3A_437 : memref<1x128xf32, #tpu.memory_space<vmem>> -> memref<128xf32, #tpu.memory_space<vmem>>
    %dma_start3A_439 = arith.constant 0 : i32
    %dma_start3A_440 = tpu.memref_slice %arg9[%dma_start3A_433, %dma_start3A_434, %dma_start3A_439] : memref<8x16x128xi32, #tpu.memory_space<vmem>> -> memref<1x1x128xi32, #tpu.memory_space<vmem>>
    %dma_start3A_441 = tpu.memref_squeeze %dma_start3A_440 : memref<1x1x128xi32, #tpu.memory_space<vmem>> -> memref<128xi32, #tpu.memory_space<vmem>>
    %dma_start3A_442 = arith.constant 0 : i32
    %dma_start3A_443 = tpu.memref_slice %arg5[%dma_start3A_442] : memref<16777216xf32, #tpu.memory_space<hbm>> -> memref<16777216xf32, #tpu.memory_space<hbm>>
    tpu.enqueue_indirect_dma source(%dma_start3A_443 : memref<16777216xf32, #tpu.memory_space<hbm>>) target(%dma_start3A_438 : memref<128xf32, #tpu.memory_space<vmem>>) offsets(%dma_start3A_441 : memref<128xi32, #tpu.memory_space<vmem>>) semaphore(%arg16 : memref<!tpu.dma_semaphore, #tpu.memory_space<semaphore_mem>>)
    %dma_start3A_444 = arith.constant 7 : i32
    %dma_start3A_445 = arith.constant 1 : i32
    %dma_start3A_446 = arith.constant 7 : i32
    %dma_start3A_447 = arith.constant 128 : i32
    %dma_start3A_448 = tpu.memref_slice %arg10[%dma_start3A_446, %dma_start3A_447] : memref<8x2048xf32, #tpu.memory_space<vmem>> -> memref<1x128xf32, #tpu.memory_space<vmem>>
    %dma_start3A_449 = tpu.memref_squeeze %dma_start3A_448 : memref<1x128xf32, #tpu.memory_space<vmem>> -> memref<128xf32, #tpu.memory_space<vmem>>
    %dma_start3A_450 = arith.constant 0 : i32
    %dma_start3A_451 = tpu.memref_slice %arg9[%dma_start3A_444, %dma_start3A_445, %dma_start3A_450] : memref<8x16x128xi32, #tpu.memory_space<vmem>> -> memref<1x1x128xi32, #tpu.memory_space<vmem>>
    %dma_start3A_452 = tpu.memref_squeeze %dma_start3A_451 : memref<1x1x128xi32, #tpu.memory_space<vmem>> -> memref<128xi32, #tpu.memory_space<vmem>>
    %dma_start3A_453 = arith.constant 0 : i32
    %dma_start3A_454 = tpu.memref_slice %arg5[%dma_start3A_453] : memref<16777216xf32, #tpu.memory_space<hbm>> -> memref<16777216xf32, #tpu.memory_space<hbm>>
    tpu.enqueue_indirect_dma source(%dma_start3A_454 : memref<16777216xf32, #tpu.memory_space<hbm>>) target(%dma_start3A_449 : memref<128xf32, #tpu.memory_space<vmem>>) offsets(%dma_start3A_452 : memref<128xi32, #tpu.memory_space<vmem>>) semaphore(%arg16 : memref<!tpu.dma_semaphore, #tpu.memory_space<semaphore_mem>>)
    %dma_wait3A_455 = arith.constant 0 : i32
    %dma_wait3A_456 = arith.constant 0 : i32
    %dma_wait3A_457 = arith.constant 0 : i32
    %dma_wait3A_458 = arith.constant 0 : i32
    %dma_wait3A_459 = tpu.memref_slice %arg10[%dma_wait3A_457, %dma_wait3A_458] : memref<8x2048xf32, #tpu.memory_space<vmem>> -> memref<1x128xf32, #tpu.memory_space<vmem>>
    %dma_wait3A_460 = tpu.memref_squeeze %dma_wait3A_459 : memref<1x128xf32, #tpu.memory_space<vmem>> -> memref<128xf32, #tpu.memory_space<vmem>>
    %dma_wait3A_461 = arith.constant 0 : i32
    %dma_wait3A_462 = tpu.memref_slice %arg9[%dma_wait3A_455, %dma_wait3A_456, %dma_wait3A_461] : memref<8x16x128xi32, #tpu.memory_space<vmem>> -> memref<1x1x128xi32, #tpu.memory_space<vmem>>
    %dma_wait3A_463 = tpu.memref_squeeze %dma_wait3A_462 : memref<1x1x128xi32, #tpu.memory_space<vmem>> -> memref<128xi32, #tpu.memory_space<vmem>>
    %dma_wait3A_464 = arith.constant 0 : i32
    %dma_wait3A_465 = tpu.memref_slice %arg5[%dma_wait3A_464] : memref<16777216xf32, #tpu.memory_space<hbm>> -> memref<16777216xf32, #tpu.memory_space<hbm>>
    tpu.wait_indirect_dma semaphore(%arg15 : memref<!tpu.dma_semaphore, #tpu.memory_space<semaphore_mem>>) src(%dma_wait3A_465 : memref<16777216xf32, #tpu.memory_space<hbm>>) dst(%dma_wait3A_460 : memref<128xf32, #tpu.memory_space<vmem>>)
    %dma_wait3A_466 = arith.constant 1 : i32
    %dma_wait3A_467 = arith.constant 0 : i32
    %dma_wait3A_468 = arith.constant 1 : i32
    %dma_wait3A_469 = arith.constant 0 : i32
    %dma_wait3A_470 = tpu.memref_slice %arg10[%dma_wait3A_468, %dma_wait3A_469] : memref<8x2048xf32, #tpu.memory_space<vmem>> -> memref<1x128xf32, #tpu.memory_space<vmem>>
    %dma_wait3A_471 = tpu.memref_squeeze %dma_wait3A_470 : memref<1x128xf32, #tpu.memory_space<vmem>> -> memref<128xf32, #tpu.memory_space<vmem>>
    %dma_wait3A_472 = arith.constant 0 : i32
    %dma_wait3A_473 = tpu.memref_slice %arg9[%dma_wait3A_466, %dma_wait3A_467, %dma_wait3A_472] : memref<8x16x128xi32, #tpu.memory_space<vmem>> -> memref<1x1x128xi32, #tpu.memory_space<vmem>>
    %dma_wait3A_474 = tpu.memref_squeeze %dma_wait3A_473 : memref<1x1x128xi32, #tpu.memory_space<vmem>> -> memref<128xi32, #tpu.memory_space<vmem>>
    %dma_wait3A_475 = arith.constant 0 : i32
    %dma_wait3A_476 = tpu.memref_slice %arg5[%dma_wait3A_475] : memref<16777216xf32, #tpu.memory_space<hbm>> -> memref<16777216xf32, #tpu.memory_space<hbm>>
    tpu.wait_indirect_dma semaphore(%arg15 : memref<!tpu.dma_semaphore, #tpu.memory_space<semaphore_mem>>) src(%dma_wait3A_476 : memref<16777216xf32, #tpu.memory_space<hbm>>) dst(%dma_wait3A_471 : memref<128xf32, #tpu.memory_space<vmem>>)
    %dma_wait3A_477 = arith.constant 2 : i32
    %dma_wait3A_478 = arith.constant 0 : i32
    %dma_wait3A_479 = arith.constant 2 : i32
    %dma_wait3A_480 = arith.constant 0 : i32
    %dma_wait3A_481 = tpu.memref_slice %arg10[%dma_wait3A_479, %dma_wait3A_480] : memref<8x2048xf32, #tpu.memory_space<vmem>> -> memref<1x128xf32, #tpu.memory_space<vmem>>
    %dma_wait3A_482 = tpu.memref_squeeze %dma_wait3A_481 : memref<1x128xf32, #tpu.memory_space<vmem>> -> memref<128xf32, #tpu.memory_space<vmem>>
    %dma_wait3A_483 = arith.constant 0 : i32
    %dma_wait3A_484 = tpu.memref_slice %arg9[%dma_wait3A_477, %dma_wait3A_478, %dma_wait3A_483] : memref<8x16x128xi32, #tpu.memory_space<vmem>> -> memref<1x1x128xi32, #tpu.memory_space<vmem>>
    %dma_wait3A_485 = tpu.memref_squeeze %dma_wait3A_484 : memref<1x1x128xi32, #tpu.memory_space<vmem>> -> memref<128xi32, #tpu.memory_space<vmem>>
    %dma_wait3A_486 = arith.constant 0 : i32
    %dma_wait3A_487 = tpu.memref_slice %arg5[%dma_wait3A_486] : memref<16777216xf32, #tpu.memory_space<hbm>> -> memref<16777216xf32, #tpu.memory_space<hbm>>
    tpu.wait_indirect_dma semaphore(%arg15 : memref<!tpu.dma_semaphore, #tpu.memory_space<semaphore_mem>>) src(%dma_wait3A_487 : memref<16777216xf32, #tpu.memory_space<hbm>>) dst(%dma_wait3A_482 : memref<128xf32, #tpu.memory_space<vmem>>)
    %dma_wait3A_488 = arith.constant 3 : i32
    %dma_wait3A_489 = arith.constant 0 : i32
    %dma_wait3A_490 = arith.constant 3 : i32
    %dma_wait3A_491 = arith.constant 0 : i32
    %dma_wait3A_492 = tpu.memref_slice %arg10[%dma_wait3A_490, %dma_wait3A_491] : memref<8x2048xf32, #tpu.memory_space<vmem>> -> memref<1x128xf32, #tpu.memory_space<vmem>>
    %dma_wait3A_493 = tpu.memref_squeeze %dma_wait3A_492 : memref<1x128xf32, #tpu.memory_space<vmem>> -> memref<128xf32, #tpu.memory_space<vmem>>
    %dma_wait3A_494 = arith.constant 0 : i32
    %dma_wait3A_495 = tpu.memref_slice %arg9[%dma_wait3A_488, %dma_wait3A_489, %dma_wait3A_494] : memref<8x16x128xi32, #tpu.memory_space<vmem>> -> memref<1x1x128xi32, #tpu.memory_space<vmem>>
    %dma_wait3A_496 = tpu.memref_squeeze %dma_wait3A_495 : memref<1x1x128xi32, #tpu.memory_space<vmem>> -> memref<128xi32, #tpu.memory_space<vmem>>
    %dma_wait3A_497 = arith.constant 0 : i32
    %dma_wait3A_498 = tpu.memref_slice %arg5[%dma_wait3A_497] : memref<16777216xf32, #tpu.memory_space<hbm>> -> memref<16777216xf32, #tpu.memory_space<hbm>>
    tpu.wait_indirect_dma semaphore(%arg15 : memref<!tpu.dma_semaphore, #tpu.memory_space<semaphore_mem>>) src(%dma_wait3A_498 : memref<16777216xf32, #tpu.memory_space<hbm>>) dst(%dma_wait3A_493 : memref<128xf32, #tpu.memory_space<vmem>>)
    %dma_wait3A_499 = arith.constant 4 : i32
    %dma_wait3A_500 = arith.constant 0 : i32
    %dma_wait3A_501 = arith.constant 4 : i32
    %dma_wait3A_502 = arith.constant 0 : i32
    %dma_wait3A_503 = tpu.memref_slice %arg10[%dma_wait3A_501, %dma_wait3A_502] : memref<8x2048xf32, #tpu.memory_space<vmem>> -> memref<1x128xf32, #tpu.memory_space<vmem>>
    %dma_wait3A_504 = tpu.memref_squeeze %dma_wait3A_503 : memref<1x128xf32, #tpu.memory_space<vmem>> -> memref<128xf32, #tpu.memory_space<vmem>>
    %dma_wait3A_505 = arith.constant 0 : i32
    %dma_wait3A_506 = tpu.memref_slice %arg9[%dma_wait3A_499, %dma_wait3A_500, %dma_wait3A_505] : memref<8x16x128xi32, #tpu.memory_space<vmem>> -> memref<1x1x128xi32, #tpu.memory_space<vmem>>
    %dma_wait3A_507 = tpu.memref_squeeze %dma_wait3A_506 : memref<1x1x128xi32, #tpu.memory_space<vmem>> -> memref<128xi32, #tpu.memory_space<vmem>>
    %dma_wait3A_508 = arith.constant 0 : i32
    %dma_wait3A_509 = tpu.memref_slice %arg5[%dma_wait3A_508] : memref<16777216xf32, #tpu.memory_space<hbm>> -> memref<16777216xf32, #tpu.memory_space<hbm>>
    tpu.wait_indirect_dma semaphore(%arg15 : memref<!tpu.dma_semaphore, #tpu.memory_space<semaphore_mem>>) src(%dma_wait3A_509 : memref<16777216xf32, #tpu.memory_space<hbm>>) dst(%dma_wait3A_504 : memref<128xf32, #tpu.memory_space<vmem>>)
    %dma_wait3A_510 = arith.constant 5 : i32
    %dma_wait3A_511 = arith.constant 0 : i32
    %dma_wait3A_512 = arith.constant 5 : i32
    %dma_wait3A_513 = arith.constant 0 : i32
    %dma_wait3A_514 = tpu.memref_slice %arg10[%dma_wait3A_512, %dma_wait3A_513] : memref<8x2048xf32, #tpu.memory_space<vmem>> -> memref<1x128xf32, #tpu.memory_space<vmem>>
    %dma_wait3A_515 = tpu.memref_squeeze %dma_wait3A_514 : memref<1x128xf32, #tpu.memory_space<vmem>> -> memref<128xf32, #tpu.memory_space<vmem>>
    %dma_wait3A_516 = arith.constant 0 : i32
    %dma_wait3A_517 = tpu.memref_slice %arg9[%dma_wait3A_510, %dma_wait3A_511, %dma_wait3A_516] : memref<8x16x128xi32, #tpu.memory_space<vmem>> -> memref<1x1x128xi32, #tpu.memory_space<vmem>>
    %dma_wait3A_518 = tpu.memref_squeeze %dma_wait3A_517 : memref<1x1x128xi32, #tpu.memory_space<vmem>> -> memref<128xi32, #tpu.memory_space<vmem>>
    %dma_wait3A_519 = arith.constant 0 : i32
    %dma_wait3A_520 = tpu.memref_slice %arg5[%dma_wait3A_519] : memref<16777216xf32, #tpu.memory_space<hbm>> -> memref<16777216xf32, #tpu.memory_space<hbm>>
    tpu.wait_indirect_dma semaphore(%arg15 : memref<!tpu.dma_semaphore, #tpu.memory_space<semaphore_mem>>) src(%dma_wait3A_520 : memref<16777216xf32, #tpu.memory_space<hbm>>) dst(%dma_wait3A_515 : memref<128xf32, #tpu.memory_space<vmem>>)
    %dma_wait3A_521 = arith.constant 6 : i32
    %dma_wait3A_522 = arith.constant 0 : i32
    %dma_wait3A_523 = arith.constant 6 : i32
    %dma_wait3A_524 = arith.constant 0 : i32
    %dma_wait3A_525 = tpu.memref_slice %arg10[%dma_wait3A_523, %dma_wait3A_524] : memref<8x2048xf32, #tpu.memory_space<vmem>> -> memref<1x128xf32, #tpu.memory_space<vmem>>
    %dma_wait3A_526 = tpu.memref_squeeze %dma_wait3A_525 : memref<1x128xf32, #tpu.memory_space<vmem>> -> memref<128xf32, #tpu.memory_space<vmem>>
    %dma_wait3A_527 = arith.constant 0 : i32
    %dma_wait3A_528 = tpu.memref_slice %arg9[%dma_wait3A_521, %dma_wait3A_522, %dma_wait3A_527] : memref<8x16x128xi32, #tpu.memory_space<vmem>> -> memref<1x1x128xi32, #tpu.memory_space<vmem>>
    %dma_wait3A_529 = tpu.memref_squeeze %dma_wait3A_528 : memref<1x1x128xi32, #tpu.memory_space<vmem>> -> memref<128xi32, #tpu.memory_space<vmem>>
    %dma_wait3A_530 = arith.constant 0 : i32
    %dma_wait3A_531 = tpu.memref_slice %arg5[%dma_wait3A_530] : memref<16777216xf32, #tpu.memory_space<hbm>> -> memref<16777216xf32, #tpu.memory_space<hbm>>
    tpu.wait_indirect_dma semaphore(%arg15 : memref<!tpu.dma_semaphore, #tpu.memory_space<semaphore_mem>>) src(%dma_wait3A_531 : memref<16777216xf32, #tpu.memory_space<hbm>>) dst(%dma_wait3A_526 : memref<128xf32, #tpu.memory_space<vmem>>)
    %dma_wait3A_532 = arith.constant 7 : i32
    %dma_wait3A_533 = arith.constant 0 : i32
    %dma_wait3A_534 = arith.constant 7 : i32
    %dma_wait3A_535 = arith.constant 0 : i32
    %dma_wait3A_536 = tpu.memref_slice %arg10[%dma_wait3A_534, %dma_wait3A_535] : memref<8x2048xf32, #tpu.memory_space<vmem>> -> memref<1x128xf32, #tpu.memory_space<vmem>>
    %dma_wait3A_537 = tpu.memref_squeeze %dma_wait3A_536 : memref<1x128xf32, #tpu.memory_space<vmem>> -> memref<128xf32, #tpu.memory_space<vmem>>
    %dma_wait3A_538 = arith.constant 0 : i32
    %dma_wait3A_539 = tpu.memref_slice %arg9[%dma_wait3A_532, %dma_wait3A_533, %dma_wait3A_538] : memref<8x16x128xi32, #tpu.memory_space<vmem>> -> memref<1x1x128xi32, #tpu.memory_space<vmem>>
    %dma_wait3A_540 = tpu.memref_squeeze %dma_wait3A_539 : memref<1x1x128xi32, #tpu.memory_space<vmem>> -> memref<128xi32, #tpu.memory_space<vmem>>
    %dma_wait3A_541 = arith.constant 0 : i32
    %dma_wait3A_542 = tpu.memref_slice %arg5[%dma_wait3A_541] : memref<16777216xf32, #tpu.memory_space<hbm>> -> memref<16777216xf32, #tpu.memory_space<hbm>>
    tpu.wait_indirect_dma semaphore(%arg15 : memref<!tpu.dma_semaphore, #tpu.memory_space<semaphore_mem>>) src(%dma_wait3A_542 : memref<16777216xf32, #tpu.memory_space<hbm>>) dst(%dma_wait3A_537 : memref<128xf32, #tpu.memory_space<vmem>>)
    %dma_start3A_543 = arith.constant 0 : i32
    %dma_start3A_544 = arith.constant 2 : i32
    %dma_start3A_545 = arith.constant 0 : i32
    %dma_start3A_546 = arith.constant 256 : i32
    %dma_start3A_547 = tpu.memref_slice %arg10[%dma_start3A_545, %dma_start3A_546] : memref<8x2048xf32, #tpu.memory_space<vmem>> -> memref<1x128xf32, #tpu.memory_space<vmem>>
    %dma_start3A_548 = tpu.memref_squeeze %dma_start3A_547 : memref<1x128xf32, #tpu.memory_space<vmem>> -> memref<128xf32, #tpu.memory_space<vmem>>
    %dma_start3A_549 = arith.constant 0 : i32
    %dma_start3A_550 = tpu.memref_slice %arg9[%dma_start3A_543, %dma_start3A_544, %dma_start3A_549] : memref<8x16x128xi32, #tpu.memory_space<vmem>> -> memref<1x1x128xi32, #tpu.memory_space<vmem>>
    %dma_start3A_551 = tpu.memref_squeeze %dma_start3A_550 : memref<1x1x128xi32, #tpu.memory_space<vmem>> -> memref<128xi32, #tpu.memory_space<vmem>>
    %dma_start3A_552 = arith.constant 0 : i32
    %dma_start3A_553 = tpu.memref_slice %arg5[%dma_start3A_552] : memref<16777216xf32, #tpu.memory_space<hbm>> -> memref<16777216xf32, #tpu.memory_space<hbm>>
    tpu.enqueue_indirect_dma source(%dma_start3A_553 : memref<16777216xf32, #tpu.memory_space<hbm>>) target(%dma_start3A_548 : memref<128xf32, #tpu.memory_space<vmem>>) offsets(%dma_start3A_551 : memref<128xi32, #tpu.memory_space<vmem>>) semaphore(%arg15 : memref<!tpu.dma_semaphore, #tpu.memory_space<semaphore_mem>>)
    %dma_start3A_554 = arith.constant 1 : i32
    %dma_start3A_555 = arith.constant 2 : i32
    %dma_start3A_556 = arith.constant 1 : i32
    %dma_start3A_557 = arith.constant 256 : i32
    %dma_start3A_558 = tpu.memref_slice %arg10[%dma_start3A_556, %dma_start3A_557] : memref<8x2048xf32, #tpu.memory_space<vmem>> -> memref<1x128xf32, #tpu.memory_space<vmem>>
    %dma_start3A_559 = tpu.memref_squeeze %dma_start3A_558 : memref<1x128xf32, #tpu.memory_space<vmem>> -> memref<128xf32, #tpu.memory_space<vmem>>
    %dma_start3A_560 = arith.constant 0 : i32
    %dma_start3A_561 = tpu.memref_slice %arg9[%dma_start3A_554, %dma_start3A_555, %dma_start3A_560] : memref<8x16x128xi32, #tpu.memory_space<vmem>> -> memref<1x1x128xi32, #tpu.memory_space<vmem>>
    %dma_start3A_562 = tpu.memref_squeeze %dma_start3A_561 : memref<1x1x128xi32, #tpu.memory_space<vmem>> -> memref<128xi32, #tpu.memory_space<vmem>>
    %dma_start3A_563 = arith.constant 0 : i32
    %dma_start3A_564 = tpu.memref_slice %arg5[%dma_start3A_563] : memref<16777216xf32, #tpu.memory_space<hbm>> -> memref<16777216xf32, #tpu.memory_space<hbm>>
    tpu.enqueue_indirect_dma source(%dma_start3A_564 : memref<16777216xf32, #tpu.memory_space<hbm>>) target(%dma_start3A_559 : memref<128xf32, #tpu.memory_space<vmem>>) offsets(%dma_start3A_562 : memref<128xi32, #tpu.memory_space<vmem>>) semaphore(%arg15 : memref<!tpu.dma_semaphore, #tpu.memory_space<semaphore_mem>>)
    %dma_start3A_565 = arith.constant 2 : i32
    %dma_start3A_566 = arith.constant 2 : i32
    %dma_start3A_567 = arith.constant 2 : i32
    %dma_start3A_568 = arith.constant 256 : i32
    %dma_start3A_569 = tpu.memref_slice %arg10[%dma_start3A_567, %dma_start3A_568] : memref<8x2048xf32, #tpu.memory_space<vmem>> -> memref<1x128xf32, #tpu.memory_space<vmem>>
    %dma_start3A_570 = tpu.memref_squeeze %dma_start3A_569 : memref<1x128xf32, #tpu.memory_space<vmem>> -> memref<128xf32, #tpu.memory_space<vmem>>
    %dma_start3A_571 = arith.constant 0 : i32
    %dma_start3A_572 = tpu.memref_slice %arg9[%dma_start3A_565, %dma_start3A_566, %dma_start3A_571] : memref<8x16x128xi32, #tpu.memory_space<vmem>> -> memref<1x1x128xi32, #tpu.memory_space<vmem>>
    %dma_start3A_573 = tpu.memref_squeeze %dma_start3A_572 : memref<1x1x128xi32, #tpu.memory_space<vmem>> -> memref<128xi32, #tpu.memory_space<vmem>>
    %dma_start3A_574 = arith.constant 0 : i32
    %dma_start3A_575 = tpu.memref_slice %arg5[%dma_start3A_574] : memref<16777216xf32, #tpu.memory_space<hbm>> -> memref<16777216xf32, #tpu.memory_space<hbm>>
    tpu.enqueue_indirect_dma source(%dma_start3A_575 : memref<16777216xf32, #tpu.memory_space<hbm>>) target(%dma_start3A_570 : memref<128xf32, #tpu.memory_space<vmem>>) offsets(%dma_start3A_573 : memref<128xi32, #tpu.memory_space<vmem>>) semaphore(%arg15 : memref<!tpu.dma_semaphore, #tpu.memory_space<semaphore_mem>>)
    %dma_start3A_576 = arith.constant 3 : i32
    %dma_start3A_577 = arith.constant 2 : i32
    %dma_start3A_578 = arith.constant 3 : i32
    %dma_start3A_579 = arith.constant 256 : i32
    %dma_start3A_580 = tpu.memref_slice %arg10[%dma_start3A_578, %dma_start3A_579] : memref<8x2048xf32, #tpu.memory_space<vmem>> -> memref<1x128xf32, #tpu.memory_space<vmem>>
    %dma_start3A_581 = tpu.memref_squeeze %dma_start3A_580 : memref<1x128xf32, #tpu.memory_space<vmem>> -> memref<128xf32, #tpu.memory_space<vmem>>
    %dma_start3A_582 = arith.constant 0 : i32
    %dma_start3A_583 = tpu.memref_slice %arg9[%dma_start3A_576, %dma_start3A_577, %dma_start3A_582] : memref<8x16x128xi32, #tpu.memory_space<vmem>> -> memref<1x1x128xi32, #tpu.memory_space<vmem>>
    %dma_start3A_584 = tpu.memref_squeeze %dma_start3A_583 : memref<1x1x128xi32, #tpu.memory_space<vmem>> -> memref<128xi32, #tpu.memory_space<vmem>>
    %dma_start3A_585 = arith.constant 0 : i32
    %dma_start3A_586 = tpu.memref_slice %arg5[%dma_start3A_585] : memref<16777216xf32, #tpu.memory_space<hbm>> -> memref<16777216xf32, #tpu.memory_space<hbm>>
    tpu.enqueue_indirect_dma source(%dma_start3A_586 : memref<16777216xf32, #tpu.memory_space<hbm>>) target(%dma_start3A_581 : memref<128xf32, #tpu.memory_space<vmem>>) offsets(%dma_start3A_584 : memref<128xi32, #tpu.memory_space<vmem>>) semaphore(%arg15 : memref<!tpu.dma_semaphore, #tpu.memory_space<semaphore_mem>>)
    %dma_start3A_587 = arith.constant 4 : i32
    %dma_start3A_588 = arith.constant 2 : i32
    %dma_start3A_589 = arith.constant 4 : i32
    %dma_start3A_590 = arith.constant 256 : i32
    %dma_start3A_591 = tpu.memref_slice %arg10[%dma_start3A_589, %dma_start3A_590] : memref<8x2048xf32, #tpu.memory_space<vmem>> -> memref<1x128xf32, #tpu.memory_space<vmem>>
    %dma_start3A_592 = tpu.memref_squeeze %dma_start3A_591 : memref<1x128xf32, #tpu.memory_space<vmem>> -> memref<128xf32, #tpu.memory_space<vmem>>
    %dma_start3A_593 = arith.constant 0 : i32
    %dma_start3A_594 = tpu.memref_slice %arg9[%dma_start3A_587, %dma_start3A_588, %dma_start3A_593] : memref<8x16x128xi32, #tpu.memory_space<vmem>> -> memref<1x1x128xi32, #tpu.memory_space<vmem>>
    %dma_start3A_595 = tpu.memref_squeeze %dma_start3A_594 : memref<1x1x128xi32, #tpu.memory_space<vmem>> -> memref<128xi32, #tpu.memory_space<vmem>>
    %dma_start3A_596 = arith.constant 0 : i32
    %dma_start3A_597 = tpu.memref_slice %arg5[%dma_start3A_596] : memref<16777216xf32, #tpu.memory_space<hbm>> -> memref<16777216xf32, #tpu.memory_space<hbm>>
    tpu.enqueue_indirect_dma source(%dma_start3A_597 : memref<16777216xf32, #tpu.memory_space<hbm>>) target(%dma_start3A_592 : memref<128xf32, #tpu.memory_space<vmem>>) offsets(%dma_start3A_595 : memref<128xi32, #tpu.memory_space<vmem>>) semaphore(%arg15 : memref<!tpu.dma_semaphore, #tpu.memory_space<semaphore_mem>>)
    %dma_start3A_598 = arith.constant 5 : i32
    %dma_start3A_599 = arith.constant 2 : i32
    %dma_start3A_600 = arith.constant 5 : i32
    %dma_start3A_601 = arith.constant 256 : i32
    %dma_start3A_602 = tpu.memref_slice %arg10[%dma_start3A_600, %dma_start3A_601] : memref<8x2048xf32, #tpu.memory_space<vmem>> -> memref<1x128xf32, #tpu.memory_space<vmem>>
    %dma_start3A_603 = tpu.memref_squeeze %dma_start3A_602 : memref<1x128xf32, #tpu.memory_space<vmem>> -> memref<128xf32, #tpu.memory_space<vmem>>
    %dma_start3A_604 = arith.constant 0 : i32
    %dma_start3A_605 = tpu.memref_slice %arg9[%dma_start3A_598, %dma_start3A_599, %dma_start3A_604] : memref<8x16x128xi32, #tpu.memory_space<vmem>> -> memref<1x1x128xi32, #tpu.memory_space<vmem>>
    %dma_start3A_606 = tpu.memref_squeeze %dma_start3A_605 : memref<1x1x128xi32, #tpu.memory_space<vmem>> -> memref<128xi32, #tpu.memory_space<vmem>>
    %dma_start3A_607 = arith.constant 0 : i32
    %dma_start3A_608 = tpu.memref_slice %arg5[%dma_start3A_607] : memref<16777216xf32, #tpu.memory_space<hbm>> -> memref<16777216xf32, #tpu.memory_space<hbm>>
    tpu.enqueue_indirect_dma source(%dma_start3A_608 : memref<16777216xf32, #tpu.memory_space<hbm>>) target(%dma_start3A_603 : memref<128xf32, #tpu.memory_space<vmem>>) offsets(%dma_start3A_606 : memref<128xi32, #tpu.memory_space<vmem>>) semaphore(%arg15 : memref<!tpu.dma_semaphore, #tpu.memory_space<semaphore_mem>>)
    %dma_start3A_609 = arith.constant 6 : i32
    %dma_start3A_610 = arith.constant 2 : i32
    %dma_start3A_611 = arith.constant 6 : i32
    %dma_start3A_612 = arith.constant 256 : i32
    %dma_start3A_613 = tpu.memref_slice %arg10[%dma_start3A_611, %dma_start3A_612] : memref<8x2048xf32, #tpu.memory_space<vmem>> -> memref<1x128xf32, #tpu.memory_space<vmem>>
    %dma_start3A_614 = tpu.memref_squeeze %dma_start3A_613 : memref<1x128xf32, #tpu.memory_space<vmem>> -> memref<128xf32, #tpu.memory_space<vmem>>
    %dma_start3A_615 = arith.constant 0 : i32
    %dma_start3A_616 = tpu.memref_slice %arg9[%dma_start3A_609, %dma_start3A_610, %dma_start3A_615] : memref<8x16x128xi32, #tpu.memory_space<vmem>> -> memref<1x1x128xi32, #tpu.memory_space<vmem>>
    %dma_start3A_617 = tpu.memref_squeeze %dma_start3A_616 : memref<1x1x128xi32, #tpu.memory_space<vmem>> -> memref<128xi32, #tpu.memory_space<vmem>>
    %dma_start3A_618 = arith.constant 0 : i32
    %dma_start3A_619 = tpu.memref_slice %arg5[%dma_start3A_618] : memref<16777216xf32, #tpu.memory_space<hbm>> -> memref<16777216xf32, #tpu.memory_space<hbm>>
    tpu.enqueue_indirect_dma source(%dma_start3A_619 : memref<16777216xf32, #tpu.memory_space<hbm>>) target(%dma_start3A_614 : memref<128xf32, #tpu.memory_space<vmem>>) offsets(%dma_start3A_617 : memref<128xi32, #tpu.memory_space<vmem>>) semaphore(%arg15 : memref<!tpu.dma_semaphore, #tpu.memory_space<semaphore_mem>>)
    %dma_start3A_620 = arith.constant 7 : i32
    %dma_start3A_621 = arith.constant 2 : i32
    %dma_start3A_622 = arith.constant 7 : i32
    %dma_start3A_623 = arith.constant 256 : i32
    %dma_start3A_624 = tpu.memref_slice %arg10[%dma_start3A_622, %dma_start3A_623] : memref<8x2048xf32, #tpu.memory_space<vmem>> -> memref<1x128xf32, #tpu.memory_space<vmem>>
    %dma_start3A_625 = tpu.memref_squeeze %dma_start3A_624 : memref<1x128xf32, #tpu.memory_space<vmem>> -> memref<128xf32, #tpu.memory_space<vmem>>
    %dma_start3A_626 = arith.constant 0 : i32
    %dma_start3A_627 = tpu.memref_slice %arg9[%dma_start3A_620, %dma_start3A_621, %dma_start3A_626] : memref<8x16x128xi32, #tpu.memory_space<vmem>> -> memref<1x1x128xi32, #tpu.memory_space<vmem>>
    %dma_start3A_628 = tpu.memref_squeeze %dma_start3A_627 : memref<1x1x128xi32, #tpu.memory_space<vmem>> -> memref<128xi32, #tpu.memory_space<vmem>>
    %dma_start3A_629 = arith.constant 0 : i32
    %dma_start3A_630 = tpu.memref_slice %arg5[%dma_start3A_629] : memref<16777216xf32, #tpu.memory_space<hbm>> -> memref<16777216xf32, #tpu.memory_space<hbm>>
    tpu.enqueue_indirect_dma source(%dma_start3A_630 : memref<16777216xf32, #tpu.memory_space<hbm>>) target(%dma_start3A_625 : memref<128xf32, #tpu.memory_space<vmem>>) offsets(%dma_start3A_628 : memref<128xi32, #tpu.memory_space<vmem>>) semaphore(%arg15 : memref<!tpu.dma_semaphore, #tpu.memory_space<semaphore_mem>>)
    %dma_wait3A_631 = arith.constant 0 : i32
    %dma_wait3A_632 = arith.constant 1 : i32
    %dma_wait3A_633 = arith.constant 0 : i32
    %dma_wait3A_634 = arith.constant 128 : i32
    %dma_wait3A_635 = tpu.memref_slice %arg10[%dma_wait3A_633, %dma_wait3A_634] : memref<8x2048xf32, #tpu.memory_space<vmem>> -> memref<1x128xf32, #tpu.memory_space<vmem>>
    %dma_wait3A_636 = tpu.memref_squeeze %dma_wait3A_635 : memref<1x128xf32, #tpu.memory_space<vmem>> -> memref<128xf32, #tpu.memory_space<vmem>>
    %dma_wait3A_637 = arith.constant 0 : i32
    %dma_wait3A_638 = tpu.memref_slice %arg9[%dma_wait3A_631, %dma_wait3A_632, %dma_wait3A_637] : memref<8x16x128xi32, #tpu.memory_space<vmem>> -> memref<1x1x128xi32, #tpu.memory_space<vmem>>
    %dma_wait3A_639 = tpu.memref_squeeze %dma_wait3A_638 : memref<1x1x128xi32, #tpu.memory_space<vmem>> -> memref<128xi32, #tpu.memory_space<vmem>>
    %dma_wait3A_640 = arith.constant 0 : i32
    %dma_wait3A_641 = tpu.memref_slice %arg5[%dma_wait3A_640] : memref<16777216xf32, #tpu.memory_space<hbm>> -> memref<16777216xf32, #tpu.memory_space<hbm>>
    tpu.wait_indirect_dma semaphore(%arg16 : memref<!tpu.dma_semaphore, #tpu.memory_space<semaphore_mem>>) src(%dma_wait3A_641 : memref<16777216xf32, #tpu.memory_space<hbm>>) dst(%dma_wait3A_636 : memref<128xf32, #tpu.memory_space<vmem>>)
    %dma_wait3A_642 = arith.constant 1 : i32
    %dma_wait3A_643 = arith.constant 1 : i32
    %dma_wait3A_644 = arith.constant 1 : i32
    %dma_wait3A_645 = arith.constant 128 : i32
    %dma_wait3A_646 = tpu.memref_slice %arg10[%dma_wait3A_644, %dma_wait3A_645] : memref<8x2048xf32, #tpu.memory_space<vmem>> -> memref<1x128xf32, #tpu.memory_space<vmem>>
    %dma_wait3A_647 = tpu.memref_squeeze %dma_wait3A_646 : memref<1x128xf32, #tpu.memory_space<vmem>> -> memref<128xf32, #tpu.memory_space<vmem>>
    %dma_wait3A_648 = arith.constant 0 : i32
    %dma_wait3A_649 = tpu.memref_slice %arg9[%dma_wait3A_642, %dma_wait3A_643, %dma_wait3A_648] : memref<8x16x128xi32, #tpu.memory_space<vmem>> -> memref<1x1x128xi32, #tpu.memory_space<vmem>>
    %dma_wait3A_650 = tpu.memref_squeeze %dma_wait3A_649 : memref<1x1x128xi32, #tpu.memory_space<vmem>> -> memref<128xi32, #tpu.memory_space<vmem>>
    %dma_wait3A_651 = arith.constant 0 : i32
    %dma_wait3A_652 = tpu.memref_slice %arg5[%dma_wait3A_651] : memref<16777216xf32, #tpu.memory_space<hbm>> -> memref<16777216xf32, #tpu.memory_space<hbm>>
    tpu.wait_indirect_dma semaphore(%arg16 : memref<!tpu.dma_semaphore, #tpu.memory_space<semaphore_mem>>) src(%dma_wait3A_652 : memref<16777216xf32, #tpu.memory_space<hbm>>) dst(%dma_wait3A_647 : memref<128xf32, #tpu.memory_space<vmem>>)
    %dma_wait3A_653 = arith.constant 2 : i32
    %dma_wait3A_654 = arith.constant 1 : i32
    %dma_wait3A_655 = arith.constant 2 : i32
    %dma_wait3A_656 = arith.constant 128 : i32
    %dma_wait3A_657 = tpu.memref_slice %arg10[%dma_wait3A_655, %dma_wait3A_656] : memref<8x2048xf32, #tpu.memory_space<vmem>> -> memref<1x128xf32, #tpu.memory_space<vmem>>
    %dma_wait3A_658 = tpu.memref_squeeze %dma_wait3A_657 : memref<1x128xf32, #tpu.memory_space<vmem>> -> memref<128xf32, #tpu.memory_space<vmem>>
    %dma_wait3A_659 = arith.constant 0 : i32
    %dma_wait3A_660 = tpu.memref_slice %arg9[%dma_wait3A_653, %dma_wait3A_654, %dma_wait3A_659] : memref<8x16x128xi32, #tpu.memory_space<vmem>> -> memref<1x1x128xi32, #tpu.memory_space<vmem>>
    %dma_wait3A_661 = tpu.memref_squeeze %dma_wait3A_660 : memref<1x1x128xi32, #tpu.memory_space<vmem>> -> memref<128xi32, #tpu.memory_space<vmem>>
    %dma_wait3A_662 = arith.constant 0 : i32
    %dma_wait3A_663 = tpu.memref_slice %arg5[%dma_wait3A_662] : memref<16777216xf32, #tpu.memory_space<hbm>> -> memref<16777216xf32, #tpu.memory_space<hbm>>
    tpu.wait_indirect_dma semaphore(%arg16 : memref<!tpu.dma_semaphore, #tpu.memory_space<semaphore_mem>>) src(%dma_wait3A_663 : memref<16777216xf32, #tpu.memory_space<hbm>>) dst(%dma_wait3A_658 : memref<128xf32, #tpu.memory_space<vmem>>)
    %dma_wait3A_664 = arith.constant 3 : i32
    %dma_wait3A_665 = arith.constant 1 : i32
    %dma_wait3A_666 = arith.constant 3 : i32
    %dma_wait3A_667 = arith.constant 128 : i32
    %dma_wait3A_668 = tpu.memref_slice %arg10[%dma_wait3A_666, %dma_wait3A_667] : memref<8x2048xf32, #tpu.memory_space<vmem>> -> memref<1x128xf32, #tpu.memory_space<vmem>>
    %dma_wait3A_669 = tpu.memref_squeeze %dma_wait3A_668 : memref<1x128xf32, #tpu.memory_space<vmem>> -> memref<128xf32, #tpu.memory_space<vmem>>
    %dma_wait3A_670 = arith.constant 0 : i32
    %dma_wait3A_671 = tpu.memref_slice %arg9[%dma_wait3A_664, %dma_wait3A_665, %dma_wait3A_670] : memref<8x16x128xi32, #tpu.memory_space<vmem>> -> memref<1x1x128xi32, #tpu.memory_space<vmem>>
    %dma_wait3A_672 = tpu.memref_squeeze %dma_wait3A_671 : memref<1x1x128xi32, #tpu.memory_space<vmem>> -> memref<128xi32, #tpu.memory_space<vmem>>
    %dma_wait3A_673 = arith.constant 0 : i32
    %dma_wait3A_674 = tpu.memref_slice %arg5[%dma_wait3A_673] : memref<16777216xf32, #tpu.memory_space<hbm>> -> memref<16777216xf32, #tpu.memory_space<hbm>>
    tpu.wait_indirect_dma semaphore(%arg16 : memref<!tpu.dma_semaphore, #tpu.memory_space<semaphore_mem>>) src(%dma_wait3A_674 : memref<16777216xf32, #tpu.memory_space<hbm>>) dst(%dma_wait3A_669 : memref<128xf32, #tpu.memory_space<vmem>>)
    %dma_wait3A_675 = arith.constant 4 : i32
    %dma_wait3A_676 = arith.constant 1 : i32
    %dma_wait3A_677 = arith.constant 4 : i32
    %dma_wait3A_678 = arith.constant 128 : i32
    %dma_wait3A_679 = tpu.memref_slice %arg10[%dma_wait3A_677, %dma_wait3A_678] : memref<8x2048xf32, #tpu.memory_space<vmem>> -> memref<1x128xf32, #tpu.memory_space<vmem>>
    %dma_wait3A_680 = tpu.memref_squeeze %dma_wait3A_679 : memref<1x128xf32, #tpu.memory_space<vmem>> -> memref<128xf32, #tpu.memory_space<vmem>>
    %dma_wait3A_681 = arith.constant 0 : i32
    %dma_wait3A_682 = tpu.memref_slice %arg9[%dma_wait3A_675, %dma_wait3A_676, %dma_wait3A_681] : memref<8x16x128xi32, #tpu.memory_space<vmem>> -> memref<1x1x128xi32, #tpu.memory_space<vmem>>
    %dma_wait3A_683 = tpu.memref_squeeze %dma_wait3A_682 : memref<1x1x128xi32, #tpu.memory_space<vmem>> -> memref<128xi32, #tpu.memory_space<vmem>>
    %dma_wait3A_684 = arith.constant 0 : i32
    %dma_wait3A_685 = tpu.memref_slice %arg5[%dma_wait3A_684] : memref<16777216xf32, #tpu.memory_space<hbm>> -> memref<16777216xf32, #tpu.memory_space<hbm>>
    tpu.wait_indirect_dma semaphore(%arg16 : memref<!tpu.dma_semaphore, #tpu.memory_space<semaphore_mem>>) src(%dma_wait3A_685 : memref<16777216xf32, #tpu.memory_space<hbm>>) dst(%dma_wait3A_680 : memref<128xf32, #tpu.memory_space<vmem>>)
    %dma_wait3A_686 = arith.constant 5 : i32
    %dma_wait3A_687 = arith.constant 1 : i32
    %dma_wait3A_688 = arith.constant 5 : i32
    %dma_wait3A_689 = arith.constant 128 : i32
    %dma_wait3A_690 = tpu.memref_slice %arg10[%dma_wait3A_688, %dma_wait3A_689] : memref<8x2048xf32, #tpu.memory_space<vmem>> -> memref<1x128xf32, #tpu.memory_space<vmem>>
    %dma_wait3A_691 = tpu.memref_squeeze %dma_wait3A_690 : memref<1x128xf32, #tpu.memory_space<vmem>> -> memref<128xf32, #tpu.memory_space<vmem>>
    %dma_wait3A_692 = arith.constant 0 : i32
    %dma_wait3A_693 = tpu.memref_slice %arg9[%dma_wait3A_686, %dma_wait3A_687, %dma_wait3A_692] : memref<8x16x128xi32, #tpu.memory_space<vmem>> -> memref<1x1x128xi32, #tpu.memory_space<vmem>>
    %dma_wait3A_694 = tpu.memref_squeeze %dma_wait3A_693 : memref<1x1x128xi32, #tpu.memory_space<vmem>> -> memref<128xi32, #tpu.memory_space<vmem>>
    %dma_wait3A_695 = arith.constant 0 : i32
    %dma_wait3A_696 = tpu.memref_slice %arg5[%dma_wait3A_695] : memref<16777216xf32, #tpu.memory_space<hbm>> -> memref<16777216xf32, #tpu.memory_space<hbm>>
    tpu.wait_indirect_dma semaphore(%arg16 : memref<!tpu.dma_semaphore, #tpu.memory_space<semaphore_mem>>) src(%dma_wait3A_696 : memref<16777216xf32, #tpu.memory_space<hbm>>) dst(%dma_wait3A_691 : memref<128xf32, #tpu.memory_space<vmem>>)
    %dma_wait3A_697 = arith.constant 6 : i32
    %dma_wait3A_698 = arith.constant 1 : i32
    %dma_wait3A_699 = arith.constant 6 : i32
    %dma_wait3A_700 = arith.constant 128 : i32
    %dma_wait3A_701 = tpu.memref_slice %arg10[%dma_wait3A_699, %dma_wait3A_700] : memref<8x2048xf32, #tpu.memory_space<vmem>> -> memref<1x128xf32, #tpu.memory_space<vmem>>
    %dma_wait3A_702 = tpu.memref_squeeze %dma_wait3A_701 : memref<1x128xf32, #tpu.memory_space<vmem>> -> memref<128xf32, #tpu.memory_space<vmem>>
    %dma_wait3A_703 = arith.constant 0 : i32
    %dma_wait3A_704 = tpu.memref_slice %arg9[%dma_wait3A_697, %dma_wait3A_698, %dma_wait3A_703] : memref<8x16x128xi32, #tpu.memory_space<vmem>> -> memref<1x1x128xi32, #tpu.memory_space<vmem>>
    %dma_wait3A_705 = tpu.memref_squeeze %dma_wait3A_704 : memref<1x1x128xi32, #tpu.memory_space<vmem>> -> memref<128xi32, #tpu.memory_space<vmem>>
    %dma_wait3A_706 = arith.constant 0 : i32
    %dma_wait3A_707 = tpu.memref_slice %arg5[%dma_wait3A_706] : memref<16777216xf32, #tpu.memory_space<hbm>> -> memref<16777216xf32, #tpu.memory_space<hbm>>
    tpu.wait_indirect_dma semaphore(%arg16 : memref<!tpu.dma_semaphore, #tpu.memory_space<semaphore_mem>>) src(%dma_wait3A_707 : memref<16777216xf32, #tpu.memory_space<hbm>>) dst(%dma_wait3A_702 : memref<128xf32, #tpu.memory_space<vmem>>)
    %dma_wait3A_708 = arith.constant 7 : i32
    %dma_wait3A_709 = arith.constant 1 : i32
    %dma_wait3A_710 = arith.constant 7 : i32
    %dma_wait3A_711 = arith.constant 128 : i32
    %dma_wait3A_712 = tpu.memref_slice %arg10[%dma_wait3A_710, %dma_wait3A_711] : memref<8x2048xf32, #tpu.memory_space<vmem>> -> memref<1x128xf32, #tpu.memory_space<vmem>>
    %dma_wait3A_713 = tpu.memref_squeeze %dma_wait3A_712 : memref<1x128xf32, #tpu.memory_space<vmem>> -> memref<128xf32, #tpu.memory_space<vmem>>
    %dma_wait3A_714 = arith.constant 0 : i32
    %dma_wait3A_715 = tpu.memref_slice %arg9[%dma_wait3A_708, %dma_wait3A_709, %dma_wait3A_714] : memref<8x16x128xi32, #tpu.memory_space<vmem>> -> memref<1x1x128xi32, #tpu.memory_space<vmem>>
    %dma_wait3A_716 = tpu.memref_squeeze %dma_wait3A_715 : memref<1x1x128xi32, #tpu.memory_space<vmem>> -> memref<128xi32, #tpu.memory_space<vmem>>
    %dma_wait3A_717 = arith.constant 0 : i32
    %dma_wait3A_718 = tpu.memref_slice %arg5[%dma_wait3A_717] : memref<16777216xf32, #tpu.memory_space<hbm>> -> memref<16777216xf32, #tpu.memory_space<hbm>>
    tpu.wait_indirect_dma semaphore(%arg16 : memref<!tpu.dma_semaphore, #tpu.memory_space<semaphore_mem>>) src(%dma_wait3A_718 : memref<16777216xf32, #tpu.memory_space<hbm>>) dst(%dma_wait3A_713 : memref<128xf32, #tpu.memory_space<vmem>>)
    %dma_start3A_719 = arith.constant 0 : i32
    %dma_start3A_720 = arith.constant 3 : i32
    %dma_start3A_721 = arith.constant 0 : i32
    %dma_start3A_722 = arith.constant 384 : i32
    %dma_start3A_723 = tpu.memref_slice %arg10[%dma_start3A_721, %dma_start3A_722] : memref<8x2048xf32, #tpu.memory_space<vmem>> -> memref<1x128xf32, #tpu.memory_space<vmem>>
    %dma_start3A_724 = tpu.memref_squeeze %dma_start3A_723 : memref<1x128xf32, #tpu.memory_space<vmem>> -> memref<128xf32, #tpu.memory_space<vmem>>
    %dma_start3A_725 = arith.constant 0 : i32
    %dma_start3A_726 = tpu.memref_slice %arg9[%dma_start3A_719, %dma_start3A_720, %dma_start3A_725] : memref<8x16x128xi32, #tpu.memory_space<vmem>> -> memref<1x1x128xi32, #tpu.memory_space<vmem>>
    %dma_start3A_727 = tpu.memref_squeeze %dma_start3A_726 : memref<1x1x128xi32, #tpu.memory_space<vmem>> -> memref<128xi32, #tpu.memory_space<vmem>>
    %dma_start3A_728 = arith.constant 0 : i32
    %dma_start3A_729 = tpu.memref_slice %arg5[%dma_start3A_728] : memref<16777216xf32, #tpu.memory_space<hbm>> -> memref<16777216xf32, #tpu.memory_space<hbm>>
    tpu.enqueue_indirect_dma source(%dma_start3A_729 : memref<16777216xf32, #tpu.memory_space<hbm>>) target(%dma_start3A_724 : memref<128xf32, #tpu.memory_space<vmem>>) offsets(%dma_start3A_727 : memref<128xi32, #tpu.memory_space<vmem>>) semaphore(%arg16 : memref<!tpu.dma_semaphore, #tpu.memory_space<semaphore_mem>>)
    %dma_start3A_730 = arith.constant 1 : i32
    %dma_start3A_731 = arith.constant 3 : i32
    %dma_start3A_732 = arith.constant 1 : i32
    %dma_start3A_733 = arith.constant 384 : i32
    %dma_start3A_734 = tpu.memref_slice %arg10[%dma_start3A_732, %dma_start3A_733] : memref<8x2048xf32, #tpu.memory_space<vmem>> -> memref<1x128xf32, #tpu.memory_space<vmem>>
    %dma_start3A_735 = tpu.memref_squeeze %dma_start3A_734 : memref<1x128xf32, #tpu.memory_space<vmem>> -> memref<128xf32, #tpu.memory_space<vmem>>
    %dma_start3A_736 = arith.constant 0 : i32
    %dma_start3A_737 = tpu.memref_slice %arg9[%dma_start3A_730, %dma_start3A_731, %dma_start3A_736] : memref<8x16x128xi32, #tpu.memory_space<vmem>> -> memref<1x1x128xi32, #tpu.memory_space<vmem>>
    %dma_start3A_738 = tpu.memref_squeeze %dma_start3A_737 : memref<1x1x128xi32, #tpu.memory_space<vmem>> -> memref<128xi32, #tpu.memory_space<vmem>>
    %dma_start3A_739 = arith.constant 0 : i32
    %dma_start3A_740 = tpu.memref_slice %arg5[%dma_start3A_739] : memref<16777216xf32, #tpu.memory_space<hbm>> -> memref<16777216xf32, #tpu.memory_space<hbm>>
    tpu.enqueue_indirect_dma source(%dma_start3A_740 : memref<16777216xf32, #tpu.memory_space<hbm>>) target(%dma_start3A_735 : memref<128xf32, #tpu.memory_space<vmem>>) offsets(%dma_start3A_738 : memref<128xi32, #tpu.memory_space<vmem>>) semaphore(%arg16 : memref<!tpu.dma_semaphore, #tpu.memory_space<semaphore_mem>>)
    %dma_start3A_741 = arith.constant 2 : i32
    %dma_start3A_742 = arith.constant 3 : i32
    %dma_start3A_743 = arith.constant 2 : i32
    %dma_start3A_744 = arith.constant 384 : i32
    %dma_start3A_745 = tpu.memref_slice %arg10[%dma_start3A_743, %dma_start3A_744] : memref<8x2048xf32, #tpu.memory_space<vmem>> -> memref<1x128xf32, #tpu.memory_space<vmem>>
    %dma_start3A_746 = tpu.memref_squeeze %dma_start3A_745 : memref<1x128xf32, #tpu.memory_space<vmem>> -> memref<128xf32, #tpu.memory_space<vmem>>
    %dma_start3A_747 = arith.constant 0 : i32
    %dma_start3A_748 = tpu.memref_slice %arg9[%dma_start3A_741, %dma_start3A_742, %dma_start3A_747] : memref<8x16x128xi32, #tpu.memory_space<vmem>> -> memref<1x1x128xi32, #tpu.memory_space<vmem>>
    %dma_start3A_749 = tpu.memref_squeeze %dma_start3A_748 : memref<1x1x128xi32, #tpu.memory_space<vmem>> -> memref<128xi32, #tpu.memory_space<vmem>>
    %dma_start3A_750 = arith.constant 0 : i32
    %dma_start3A_751 = tpu.memref_slice %arg5[%dma_start3A_750] : memref<16777216xf32, #tpu.memory_space<hbm>> -> memref<16777216xf32, #tpu.memory_space<hbm>>
    tpu.enqueue_indirect_dma source(%dma_start3A_751 : memref<16777216xf32, #tpu.memory_space<hbm>>) target(%dma_start3A_746 : memref<128xf32, #tpu.memory_space<vmem>>) offsets(%dma_start3A_749 : memref<128xi32, #tpu.memory_space<vmem>>) semaphore(%arg16 : memref<!tpu.dma_semaphore, #tpu.memory_space<semaphore_mem>>)
    %dma_start3A_752 = arith.constant 3 : i32
    %dma_start3A_753 = arith.constant 3 : i32
    %dma_start3A_754 = arith.constant 3 : i32
    %dma_start3A_755 = arith.constant 384 : i32
    %dma_start3A_756 = tpu.memref_slice %arg10[%dma_start3A_754, %dma_start3A_755] : memref<8x2048xf32, #tpu.memory_space<vmem>> -> memref<1x128xf32, #tpu.memory_space<vmem>>
    %dma_start3A_757 = tpu.memref_squeeze %dma_start3A_756 : memref<1x128xf32, #tpu.memory_space<vmem>> -> memref<128xf32, #tpu.memory_space<vmem>>
    %dma_start3A_758 = arith.constant 0 : i32
    %dma_start3A_759 = tpu.memref_slice %arg9[%dma_start3A_752, %dma_start3A_753, %dma_start3A_758] : memref<8x16x128xi32, #tpu.memory_space<vmem>> -> memref<1x1x128xi32, #tpu.memory_space<vmem>>
    %dma_start3A_760 = tpu.memref_squeeze %dma_start3A_759 : memref<1x1x128xi32, #tpu.memory_space<vmem>> -> memref<128xi32, #tpu.memory_space<vmem>>
    %dma_start3A_761 = arith.constant 0 : i32
    %dma_start3A_762 = tpu.memref_slice %arg5[%dma_start3A_761] : memref<16777216xf32, #tpu.memory_space<hbm>> -> memref<16777216xf32, #tpu.memory_space<hbm>>
    tpu.enqueue_indirect_dma source(%dma_start3A_762 : memref<16777216xf32, #tpu.memory_space<hbm>>) target(%dma_start3A_757 : memref<128xf32, #tpu.memory_space<vmem>>) offsets(%dma_start3A_760 : memref<128xi32, #tpu.memory_space<vmem>>) semaphore(%arg16 : memref<!tpu.dma_semaphore, #tpu.memory_space<semaphore_mem>>)
    %dma_start3A_763 = arith.constant 4 : i32
    %dma_start3A_764 = arith.constant 3 : i32
    %dma_start3A_765 = arith.constant 4 : i32
    %dma_start3A_766 = arith.constant 384 : i32
    %dma_start3A_767 = tpu.memref_slice %arg10[%dma_start3A_765, %dma_start3A_766] : memref<8x2048xf32, #tpu.memory_space<vmem>> -> memref<1x128xf32, #tpu.memory_space<vmem>>
    %dma_start3A_768 = tpu.memref_squeeze %dma_start3A_767 : memref<1x128xf32, #tpu.memory_space<vmem>> -> memref<128xf32, #tpu.memory_space<vmem>>
    %dma_start3A_769 = arith.constant 0 : i32
    %dma_start3A_770 = tpu.memref_slice %arg9[%dma_start3A_763, %dma_start3A_764, %dma_start3A_769] : memref<8x16x128xi32, #tpu.memory_space<vmem>> -> memref<1x1x128xi32, #tpu.memory_space<vmem>>
    %dma_start3A_771 = tpu.memref_squeeze %dma_start3A_770 : memref<1x1x128xi32, #tpu.memory_space<vmem>> -> memref<128xi32, #tpu.memory_space<vmem>>
    %dma_start3A_772 = arith.constant 0 : i32
    %dma_start3A_773 = tpu.memref_slice %arg5[%dma_start3A_772] : memref<16777216xf32, #tpu.memory_space<hbm>> -> memref<16777216xf32, #tpu.memory_space<hbm>>
    tpu.enqueue_indirect_dma source(%dma_start3A_773 : memref<16777216xf32, #tpu.memory_space<hbm>>) target(%dma_start3A_768 : memref<128xf32, #tpu.memory_space<vmem>>) offsets(%dma_start3A_771 : memref<128xi32, #tpu.memory_space<vmem>>) semaphore(%arg16 : memref<!tpu.dma_semaphore, #tpu.memory_space<semaphore_mem>>)
    %dma_start3A_774 = arith.constant 5 : i32
    %dma_start3A_775 = arith.constant 3 : i32
    %dma_start3A_776 = arith.constant 5 : i32
    %dma_start3A_777 = arith.constant 384 : i32
    %dma_start3A_778 = tpu.memref_slice %arg10[%dma_start3A_776, %dma_start3A_777] : memref<8x2048xf32, #tpu.memory_space<vmem>> -> memref<1x128xf32, #tpu.memory_space<vmem>>
    %dma_start3A_779 = tpu.memref_squeeze %dma_start3A_778 : memref<1x128xf32, #tpu.memory_space<vmem>> -> memref<128xf32, #tpu.memory_space<vmem>>
    %dma_start3A_780 = arith.constant 0 : i32
    %dma_start3A_781 = tpu.memref_slice %arg9[%dma_start3A_774, %dma_start3A_775, %dma_start3A_780] : memref<8x16x128xi32, #tpu.memory_space<vmem>> -> memref<1x1x128xi32, #tpu.memory_space<vmem>>
    %dma_start3A_782 = tpu.memref_squeeze %dma_start3A_781 : memref<1x1x128xi32, #tpu.memory_space<vmem>> -> memref<128xi32, #tpu.memory_space<vmem>>
    %dma_start3A_783 = arith.constant 0 : i32
    %dma_start3A_784 = tpu.memref_slice %arg5[%dma_start3A_783] : memref<16777216xf32, #tpu.memory_space<hbm>> -> memref<16777216xf32, #tpu.memory_space<hbm>>
    tpu.enqueue_indirect_dma source(%dma_start3A_784 : memref<16777216xf32, #tpu.memory_space<hbm>>) target(%dma_start3A_779 : memref<128xf32, #tpu.memory_space<vmem>>) offsets(%dma_start3A_782 : memref<128xi32, #tpu.memory_space<vmem>>) semaphore(%arg16 : memref<!tpu.dma_semaphore, #tpu.memory_space<semaphore_mem>>)
    %dma_start3A_785 = arith.constant 6 : i32
    %dma_start3A_786 = arith.constant 3 : i32
    %dma_start3A_787 = arith.constant 6 : i32
    %dma_start3A_788 = arith.constant 384 : i32
    %dma_start3A_789 = tpu.memref_slice %arg10[%dma_start3A_787, %dma_start3A_788] : memref<8x2048xf32, #tpu.memory_space<vmem>> -> memref<1x128xf32, #tpu.memory_space<vmem>>
    %dma_start3A_790 = tpu.memref_squeeze %dma_start3A_789 : memref<1x128xf32, #tpu.memory_space<vmem>> -> memref<128xf32, #tpu.memory_space<vmem>>
    %dma_start3A_791 = arith.constant 0 : i32
    %dma_start3A_792 = tpu.memref_slice %arg9[%dma_start3A_785, %dma_start3A_786, %dma_start3A_791] : memref<8x16x128xi32, #tpu.memory_space<vmem>> -> memref<1x1x128xi32, #tpu.memory_space<vmem>>
    %dma_start3A_793 = tpu.memref_squeeze %dma_start3A_792 : memref<1x1x128xi32, #tpu.memory_space<vmem>> -> memref<128xi32, #tpu.memory_space<vmem>>
    %dma_start3A_794 = arith.constant 0 : i32
    %dma_start3A_795 = tpu.memref_slice %arg5[%dma_start3A_794] : memref<16777216xf32, #tpu.memory_space<hbm>> -> memref<16777216xf32, #tpu.memory_space<hbm>>
    tpu.enqueue_indirect_dma source(%dma_start3A_795 : memref<16777216xf32, #tpu.memory_space<hbm>>) target(%dma_start3A_790 : memref<128xf32, #tpu.memory_space<vmem>>) offsets(%dma_start3A_793 : memref<128xi32, #tpu.memory_space<vmem>>) semaphore(%arg16 : memref<!tpu.dma_semaphore, #tpu.memory_space<semaphore_mem>>)
    %dma_start3A_796 = arith.constant 7 : i32
    %dma_start3A_797 = arith.constant 3 : i32
    %dma_start3A_798 = arith.constant 7 : i32
    %dma_start3A_799 = arith.constant 384 : i32
    %dma_start3A_800 = tpu.memref_slice %arg10[%dma_start3A_798, %dma_start3A_799] : memref<8x2048xf32, #tpu.memory_space<vmem>> -> memref<1x128xf32, #tpu.memory_space<vmem>>
    %dma_start3A_801 = tpu.memref_squeeze %dma_start3A_800 : memref<1x128xf32, #tpu.memory_space<vmem>> -> memref<128xf32, #tpu.memory_space<vmem>>
    %dma_start3A_802 = arith.constant 0 : i32
    %dma_start3A_803 = tpu.memref_slice %arg9[%dma_start3A_796, %dma_start3A_797, %dma_start3A_802] : memref<8x16x128xi32, #tpu.memory_space<vmem>> -> memref<1x1x128xi32, #tpu.memory_space<vmem>>
    %dma_start3A_804 = tpu.memref_squeeze %dma_start3A_803 : memref<1x1x128xi32, #tpu.memory_space<vmem>> -> memref<128xi32, #tpu.memory_space<vmem>>
    %dma_start3A_805 = arith.constant 0 : i32
    %dma_start3A_806 = tpu.memref_slice %arg5[%dma_start3A_805] : memref<16777216xf32, #tpu.memory_space<hbm>> -> memref<16777216xf32, #tpu.memory_space<hbm>>
    tpu.enqueue_indirect_dma source(%dma_start3A_806 : memref<16777216xf32, #tpu.memory_space<hbm>>) target(%dma_start3A_801 : memref<128xf32, #tpu.memory_space<vmem>>) offsets(%dma_start3A_804 : memref<128xi32, #tpu.memory_space<vmem>>) semaphore(%arg16 : memref<!tpu.dma_semaphore, #tpu.memory_space<semaphore_mem>>)
    %dma_wait3A_807 = arith.constant 0 : i32
    %dma_wait3A_808 = arith.constant 2 : i32
    %dma_wait3A_809 = arith.constant 0 : i32
    %dma_wait3A_810 = arith.constant 256 : i32
    %dma_wait3A_811 = tpu.memref_slice %arg10[%dma_wait3A_809, %dma_wait3A_810] : memref<8x2048xf32, #tpu.memory_space<vmem>> -> memref<1x128xf32, #tpu.memory_space<vmem>>
    %dma_wait3A_812 = tpu.memref_squeeze %dma_wait3A_811 : memref<1x128xf32, #tpu.memory_space<vmem>> -> memref<128xf32, #tpu.memory_space<vmem>>
    %dma_wait3A_813 = arith.constant 0 : i32
    %dma_wait3A_814 = tpu.memref_slice %arg9[%dma_wait3A_807, %dma_wait3A_808, %dma_wait3A_813] : memref<8x16x128xi32, #tpu.memory_space<vmem>> -> memref<1x1x128xi32, #tpu.memory_space<vmem>>
    %dma_wait3A_815 = tpu.memref_squeeze %dma_wait3A_814 : memref<1x1x128xi32, #tpu.memory_space<vmem>> -> memref<128xi32, #tpu.memory_space<vmem>>
    %dma_wait3A_816 = arith.constant 0 : i32
    %dma_wait3A_817 = tpu.memref_slice %arg5[%dma_wait3A_816] : memref<16777216xf32, #tpu.memory_space<hbm>> -> memref<16777216xf32, #tpu.memory_space<hbm>>
    tpu.wait_indirect_dma semaphore(%arg15 : memref<!tpu.dma_semaphore, #tpu.memory_space<semaphore_mem>>) src(%dma_wait3A_817 : memref<16777216xf32, #tpu.memory_space<hbm>>) dst(%dma_wait3A_812 : memref<128xf32, #tpu.memory_space<vmem>>)
    %dma_wait3A_818 = arith.constant 1 : i32
    %dma_wait3A_819 = arith.constant 2 : i32
    %dma_wait3A_820 = arith.constant 1 : i32
    %dma_wait3A_821 = arith.constant 256 : i32
    %dma_wait3A_822 = tpu.memref_slice %arg10[%dma_wait3A_820, %dma_wait3A_821] : memref<8x2048xf32, #tpu.memory_space<vmem>> -> memref<1x128xf32, #tpu.memory_space<vmem>>
    %dma_wait3A_823 = tpu.memref_squeeze %dma_wait3A_822 : memref<1x128xf32, #tpu.memory_space<vmem>> -> memref<128xf32, #tpu.memory_space<vmem>>
    %dma_wait3A_824 = arith.constant 0 : i32
    %dma_wait3A_825 = tpu.memref_slice %arg9[%dma_wait3A_818, %dma_wait3A_819, %dma_wait3A_824] : memref<8x16x128xi32, #tpu.memory_space<vmem>> -> memref<1x1x128xi32, #tpu.memory_space<vmem>>
    %dma_wait3A_826 = tpu.memref_squeeze %dma_wait3A_825 : memref<1x1x128xi32, #tpu.memory_space<vmem>> -> memref<128xi32, #tpu.memory_space<vmem>>
    %dma_wait3A_827 = arith.constant 0 : i32
    %dma_wait3A_828 = tpu.memref_slice %arg5[%dma_wait3A_827] : memref<16777216xf32, #tpu.memory_space<hbm>> -> memref<16777216xf32, #tpu.memory_space<hbm>>
    tpu.wait_indirect_dma semaphore(%arg15 : memref<!tpu.dma_semaphore, #tpu.memory_space<semaphore_mem>>) src(%dma_wait3A_828 : memref<16777216xf32, #tpu.memory_space<hbm>>) dst(%dma_wait3A_823 : memref<128xf32, #tpu.memory_space<vmem>>)
    %dma_wait3A_829 = arith.constant 2 : i32
    %dma_wait3A_830 = arith.constant 2 : i32
    %dma_wait3A_831 = arith.constant 2 : i32
    %dma_wait3A_832 = arith.constant 256 : i32
    %dma_wait3A_833 = tpu.memref_slice %arg10[%dma_wait3A_831, %dma_wait3A_832] : memref<8x2048xf32, #tpu.memory_space<vmem>> -> memref<1x128xf32, #tpu.memory_space<vmem>>
    %dma_wait3A_834 = tpu.memref_squeeze %dma_wait3A_833 : memref<1x128xf32, #tpu.memory_space<vmem>> -> memref<128xf32, #tpu.memory_space<vmem>>
    %dma_wait3A_835 = arith.constant 0 : i32
    %dma_wait3A_836 = tpu.memref_slice %arg9[%dma_wait3A_829, %dma_wait3A_830, %dma_wait3A_835] : memref<8x16x128xi32, #tpu.memory_space<vmem>> -> memref<1x1x128xi32, #tpu.memory_space<vmem>>
    %dma_wait3A_837 = tpu.memref_squeeze %dma_wait3A_836 : memref<1x1x128xi32, #tpu.memory_space<vmem>> -> memref<128xi32, #tpu.memory_space<vmem>>
    %dma_wait3A_838 = arith.constant 0 : i32
    %dma_wait3A_839 = tpu.memref_slice %arg5[%dma_wait3A_838] : memref<16777216xf32, #tpu.memory_space<hbm>> -> memref<16777216xf32, #tpu.memory_space<hbm>>
    tpu.wait_indirect_dma semaphore(%arg15 : memref<!tpu.dma_semaphore, #tpu.memory_space<semaphore_mem>>) src(%dma_wait3A_839 : memref<16777216xf32, #tpu.memory_space<hbm>>) dst(%dma_wait3A_834 : memref<128xf32, #tpu.memory_space<vmem>>)
    %dma_wait3A_840 = arith.constant 3 : i32
    %dma_wait3A_841 = arith.constant 2 : i32
    %dma_wait3A_842 = arith.constant 3 : i32
    %dma_wait3A_843 = arith.constant 256 : i32
    %dma_wait3A_844 = tpu.memref_slice %arg10[%dma_wait3A_842, %dma_wait3A_843] : memref<8x2048xf32, #tpu.memory_space<vmem>> -> memref<1x128xf32, #tpu.memory_space<vmem>>
    %dma_wait3A_845 = tpu.memref_squeeze %dma_wait3A_844 : memref<1x128xf32, #tpu.memory_space<vmem>> -> memref<128xf32, #tpu.memory_space<vmem>>
    %dma_wait3A_846 = arith.constant 0 : i32
    %dma_wait3A_847 = tpu.memref_slice %arg9[%dma_wait3A_840, %dma_wait3A_841, %dma_wait3A_846] : memref<8x16x128xi32, #tpu.memory_space<vmem>> -> memref<1x1x128xi32, #tpu.memory_space<vmem>>
    %dma_wait3A_848 = tpu.memref_squeeze %dma_wait3A_847 : memref<1x1x128xi32, #tpu.memory_space<vmem>> -> memref<128xi32, #tpu.memory_space<vmem>>
    %dma_wait3A_849 = arith.constant 0 : i32
    %dma_wait3A_850 = tpu.memref_slice %arg5[%dma_wait3A_849] : memref<16777216xf32, #tpu.memory_space<hbm>> -> memref<16777216xf32, #tpu.memory_space<hbm>>
    tpu.wait_indirect_dma semaphore(%arg15 : memref<!tpu.dma_semaphore, #tpu.memory_space<semaphore_mem>>) src(%dma_wait3A_850 : memref<16777216xf32, #tpu.memory_space<hbm>>) dst(%dma_wait3A_845 : memref<128xf32, #tpu.memory_space<vmem>>)
    %dma_wait3A_851 = arith.constant 4 : i32
    %dma_wait3A_852 = arith.constant 2 : i32
    %dma_wait3A_853 = arith.constant 4 : i32
    %dma_wait3A_854 = arith.constant 256 : i32
    %dma_wait3A_855 = tpu.memref_slice %arg10[%dma_wait3A_853, %dma_wait3A_854] : memref<8x2048xf32, #tpu.memory_space<vmem>> -> memref<1x128xf32, #tpu.memory_space<vmem>>
    %dma_wait3A_856 = tpu.memref_squeeze %dma_wait3A_855 : memref<1x128xf32, #tpu.memory_space<vmem>> -> memref<128xf32, #tpu.memory_space<vmem>>
    %dma_wait3A_857 = arith.constant 0 : i32
    %dma_wait3A_858 = tpu.memref_slice %arg9[%dma_wait3A_851, %dma_wait3A_852, %dma_wait3A_857] : memref<8x16x128xi32, #tpu.memory_space<vmem>> -> memref<1x1x128xi32, #tpu.memory_space<vmem>>
    %dma_wait3A_859 = tpu.memref_squeeze %dma_wait3A_858 : memref<1x1x128xi32, #tpu.memory_space<vmem>> -> memref<128xi32, #tpu.memory_space<vmem>>
    %dma_wait3A_860 = arith.constant 0 : i32
    %dma_wait3A_861 = tpu.memref_slice %arg5[%dma_wait3A_860] : memref<16777216xf32, #tpu.memory_space<hbm>> -> memref<16777216xf32, #tpu.memory_space<hbm>>
    tpu.wait_indirect_dma semaphore(%arg15 : memref<!tpu.dma_semaphore, #tpu.memory_space<semaphore_mem>>) src(%dma_wait3A_861 : memref<16777216xf32, #tpu.memory_space<hbm>>) dst(%dma_wait3A_856 : memref<128xf32, #tpu.memory_space<vmem>>)
    %dma_wait3A_862 = arith.constant 5 : i32
    %dma_wait3A_863 = arith.constant 2 : i32
    %dma_wait3A_864 = arith.constant 5 : i32
    %dma_wait3A_865 = arith.constant 256 : i32
    %dma_wait3A_866 = tpu.memref_slice %arg10[%dma_wait3A_864, %dma_wait3A_865] : memref<8x2048xf32, #tpu.memory_space<vmem>> -> memref<1x128xf32, #tpu.memory_space<vmem>>
    %dma_wait3A_867 = tpu.memref_squeeze %dma_wait3A_866 : memref<1x128xf32, #tpu.memory_space<vmem>> -> memref<128xf32, #tpu.memory_space<vmem>>
    %dma_wait3A_868 = arith.constant 0 : i32
    %dma_wait3A_869 = tpu.memref_slice %arg9[%dma_wait3A_862, %dma_wait3A_863, %dma_wait3A_868] : memref<8x16x128xi32, #tpu.memory_space<vmem>> -> memref<1x1x128xi32, #tpu.memory_space<vmem>>
    %dma_wait3A_870 = tpu.memref_squeeze %dma_wait3A_869 : memref<1x1x128xi32, #tpu.memory_space<vmem>> -> memref<128xi32, #tpu.memory_space<vmem>>
    %dma_wait3A_871 = arith.constant 0 : i32
    %dma_wait3A_872 = tpu.memref_slice %arg5[%dma_wait3A_871] : memref<16777216xf32, #tpu.memory_space<hbm>> -> memref<16777216xf32, #tpu.memory_space<hbm>>
    tpu.wait_indirect_dma semaphore(%arg15 : memref<!tpu.dma_semaphore, #tpu.memory_space<semaphore_mem>>) src(%dma_wait3A_872 : memref<16777216xf32, #tpu.memory_space<hbm>>) dst(%dma_wait3A_867 : memref<128xf32, #tpu.memory_space<vmem>>)
    %dma_wait3A_873 = arith.constant 6 : i32
    %dma_wait3A_874 = arith.constant 2 : i32
    %dma_wait3A_875 = arith.constant 6 : i32
    %dma_wait3A_876 = arith.constant 256 : i32
    %dma_wait3A_877 = tpu.memref_slice %arg10[%dma_wait3A_875, %dma_wait3A_876] : memref<8x2048xf32, #tpu.memory_space<vmem>> -> memref<1x128xf32, #tpu.memory_space<vmem>>
    %dma_wait3A_878 = tpu.memref_squeeze %dma_wait3A_877 : memref<1x128xf32, #tpu.memory_space<vmem>> -> memref<128xf32, #tpu.memory_space<vmem>>
    %dma_wait3A_879 = arith.constant 0 : i32
    %dma_wait3A_880 = tpu.memref_slice %arg9[%dma_wait3A_873, %dma_wait3A_874, %dma_wait3A_879] : memref<8x16x128xi32, #tpu.memory_space<vmem>> -> memref<1x1x128xi32, #tpu.memory_space<vmem>>
    %dma_wait3A_881 = tpu.memref_squeeze %dma_wait3A_880 : memref<1x1x128xi32, #tpu.memory_space<vmem>> -> memref<128xi32, #tpu.memory_space<vmem>>
    %dma_wait3A_882 = arith.constant 0 : i32
    %dma_wait3A_883 = tpu.memref_slice %arg5[%dma_wait3A_882] : memref<16777216xf32, #tpu.memory_space<hbm>> -> memref<16777216xf32, #tpu.memory_space<hbm>>
    tpu.wait_indirect_dma semaphore(%arg15 : memref<!tpu.dma_semaphore, #tpu.memory_space<semaphore_mem>>) src(%dma_wait3A_883 : memref<16777216xf32, #tpu.memory_space<hbm>>) dst(%dma_wait3A_878 : memref<128xf32, #tpu.memory_space<vmem>>)
    %dma_wait3A_884 = arith.constant 7 : i32
    %dma_wait3A_885 = arith.constant 2 : i32
    %dma_wait3A_886 = arith.constant 7 : i32
    %dma_wait3A_887 = arith.constant 256 : i32
    %dma_wait3A_888 = tpu.memref_slice %arg10[%dma_wait3A_886, %dma_wait3A_887] : memref<8x2048xf32, #tpu.memory_space<vmem>> -> memref<1x128xf32, #tpu.memory_space<vmem>>
    %dma_wait3A_889 = tpu.memref_squeeze %dma_wait3A_888 : memref<1x128xf32, #tpu.memory_space<vmem>> -> memref<128xf32, #tpu.memory_space<vmem>>
    %dma_wait3A_890 = arith.constant 0 : i32
    %dma_wait3A_891 = tpu.memref_slice %arg9[%dma_wait3A_884, %dma_wait3A_885, %dma_wait3A_890] : memref<8x16x128xi32, #tpu.memory_space<vmem>> -> memref<1x1x128xi32, #tpu.memory_space<vmem>>
    %dma_wait3A_892 = tpu.memref_squeeze %dma_wait3A_891 : memref<1x1x128xi32, #tpu.memory_space<vmem>> -> memref<128xi32, #tpu.memory_space<vmem>>
    %dma_wait3A_893 = arith.constant 0 : i32
    %dma_wait3A_894 = tpu.memref_slice %arg5[%dma_wait3A_893] : memref<16777216xf32, #tpu.memory_space<hbm>> -> memref<16777216xf32, #tpu.memory_space<hbm>>
    tpu.wait_indirect_dma semaphore(%arg15 : memref<!tpu.dma_semaphore, #tpu.memory_space<semaphore_mem>>) src(%dma_wait3A_894 : memref<16777216xf32, #tpu.memory_space<hbm>>) dst(%dma_wait3A_889 : memref<128xf32, #tpu.memory_space<vmem>>)
    %dma_start3A_895 = arith.constant 0 : i32
    %dma_start3A_896 = arith.constant 4 : i32
    %dma_start3A_897 = arith.constant 0 : i32
    %dma_start3A_898 = arith.constant 512 : i32
    %dma_start3A_899 = tpu.memref_slice %arg10[%dma_start3A_897, %dma_start3A_898] : memref<8x2048xf32, #tpu.memory_space<vmem>> -> memref<1x128xf32, #tpu.memory_space<vmem>>
    %dma_start3A_900 = tpu.memref_squeeze %dma_start3A_899 : memref<1x128xf32, #tpu.memory_space<vmem>> -> memref<128xf32, #tpu.memory_space<vmem>>
    %dma_start3A_901 = arith.constant 0 : i32
    %dma_start3A_902 = tpu.memref_slice %arg9[%dma_start3A_895, %dma_start3A_896, %dma_start3A_901] : memref<8x16x128xi32, #tpu.memory_space<vmem>> -> memref<1x1x128xi32, #tpu.memory_space<vmem>>
    %dma_start3A_903 = tpu.memref_squeeze %dma_start3A_902 : memref<1x1x128xi32, #tpu.memory_space<vmem>> -> memref<128xi32, #tpu.memory_space<vmem>>
    %dma_start3A_904 = arith.constant 0 : i32
    %dma_start3A_905 = tpu.memref_slice %arg5[%dma_start3A_904] : memref<16777216xf32, #tpu.memory_space<hbm>> -> memref<16777216xf32, #tpu.memory_space<hbm>>
    tpu.enqueue_indirect_dma source(%dma_start3A_905 : memref<16777216xf32, #tpu.memory_space<hbm>>) target(%dma_start3A_900 : memref<128xf32, #tpu.memory_space<vmem>>) offsets(%dma_start3A_903 : memref<128xi32, #tpu.memory_space<vmem>>) semaphore(%arg15 : memref<!tpu.dma_semaphore, #tpu.memory_space<semaphore_mem>>)
    %dma_start3A_906 = arith.constant 1 : i32
    %dma_start3A_907 = arith.constant 4 : i32
    %dma_start3A_908 = arith.constant 1 : i32
    %dma_start3A_909 = arith.constant 512 : i32
    %dma_start3A_910 = tpu.memref_slice %arg10[%dma_start3A_908, %dma_start3A_909] : memref<8x2048xf32, #tpu.memory_space<vmem>> -> memref<1x128xf32, #tpu.memory_space<vmem>>
    %dma_start3A_911 = tpu.memref_squeeze %dma_start3A_910 : memref<1x128xf32, #tpu.memory_space<vmem>> -> memref<128xf32, #tpu.memory_space<vmem>>
    %dma_start3A_912 = arith.constant 0 : i32
    %dma_start3A_913 = tpu.memref_slice %arg9[%dma_start3A_906, %dma_start3A_907, %dma_start3A_912] : memref<8x16x128xi32, #tpu.memory_space<vmem>> -> memref<1x1x128xi32, #tpu.memory_space<vmem>>
    %dma_start3A_914 = tpu.memref_squeeze %dma_start3A_913 : memref<1x1x128xi32, #tpu.memory_space<vmem>> -> memref<128xi32, #tpu.memory_space<vmem>>
    %dma_start3A_915 = arith.constant 0 : i32
    %dma_start3A_916 = tpu.memref_slice %arg5[%dma_start3A_915] : memref<16777216xf32, #tpu.memory_space<hbm>> -> memref<16777216xf32, #tpu.memory_space<hbm>>
    tpu.enqueue_indirect_dma source(%dma_start3A_916 : memref<16777216xf32, #tpu.memory_space<hbm>>) target(%dma_start3A_911 : memref<128xf32, #tpu.memory_space<vmem>>) offsets(%dma_start3A_914 : memref<128xi32, #tpu.memory_space<vmem>>) semaphore(%arg15 : memref<!tpu.dma_semaphore, #tpu.memory_space<semaphore_mem>>)
    %dma_start3A_917 = arith.constant 2 : i32
    %dma_start3A_918 = arith.constant 4 : i32
    %dma_start3A_919 = arith.constant 2 : i32
    %dma_start3A_920 = arith.constant 512 : i32
    %dma_start3A_921 = tpu.memref_slice %arg10[%dma_start3A_919, %dma_start3A_920] : memref<8x2048xf32, #tpu.memory_space<vmem>> -> memref<1x128xf32, #tpu.memory_space<vmem>>
    %dma_start3A_922 = tpu.memref_squeeze %dma_start3A_921 : memref<1x128xf32, #tpu.memory_space<vmem>> -> memref<128xf32, #tpu.memory_space<vmem>>
    %dma_start3A_923 = arith.constant 0 : i32
    %dma_start3A_924 = tpu.memref_slice %arg9[%dma_start3A_917, %dma_start3A_918, %dma_start3A_923] : memref<8x16x128xi32, #tpu.memory_space<vmem>> -> memref<1x1x128xi32, #tpu.memory_space<vmem>>
    %dma_start3A_925 = tpu.memref_squeeze %dma_start3A_924 : memref<1x1x128xi32, #tpu.memory_space<vmem>> -> memref<128xi32, #tpu.memory_space<vmem>>
    %dma_start3A_926 = arith.constant 0 : i32
    %dma_start3A_927 = tpu.memref_slice %arg5[%dma_start3A_926] : memref<16777216xf32, #tpu.memory_space<hbm>> -> memref<16777216xf32, #tpu.memory_space<hbm>>
    tpu.enqueue_indirect_dma source(%dma_start3A_927 : memref<16777216xf32, #tpu.memory_space<hbm>>) target(%dma_start3A_922 : memref<128xf32, #tpu.memory_space<vmem>>) offsets(%dma_start3A_925 : memref<128xi32, #tpu.memory_space<vmem>>) semaphore(%arg15 : memref<!tpu.dma_semaphore, #tpu.memory_space<semaphore_mem>>)
    %dma_start3A_928 = arith.constant 3 : i32
    %dma_start3A_929 = arith.constant 4 : i32
    %dma_start3A_930 = arith.constant 3 : i32
    %dma_start3A_931 = arith.constant 512 : i32
    %dma_start3A_932 = tpu.memref_slice %arg10[%dma_start3A_930, %dma_start3A_931] : memref<8x2048xf32, #tpu.memory_space<vmem>> -> memref<1x128xf32, #tpu.memory_space<vmem>>
    %dma_start3A_933 = tpu.memref_squeeze %dma_start3A_932 : memref<1x128xf32, #tpu.memory_space<vmem>> -> memref<128xf32, #tpu.memory_space<vmem>>
    %dma_start3A_934 = arith.constant 0 : i32
    %dma_start3A_935 = tpu.memref_slice %arg9[%dma_start3A_928, %dma_start3A_929, %dma_start3A_934] : memref<8x16x128xi32, #tpu.memory_space<vmem>> -> memref<1x1x128xi32, #tpu.memory_space<vmem>>
    %dma_start3A_936 = tpu.memref_squeeze %dma_start3A_935 : memref<1x1x128xi32, #tpu.memory_space<vmem>> -> memref<128xi32, #tpu.memory_space<vmem>>
    %dma_start3A_937 = arith.constant 0 : i32
    %dma_start3A_938 = tpu.memref_slice %arg5[%dma_start3A_937] : memref<16777216xf32, #tpu.memory_space<hbm>> -> memref<16777216xf32, #tpu.memory_space<hbm>>
    tpu.enqueue_indirect_dma source(%dma_start3A_938 : memref<16777216xf32, #tpu.memory_space<hbm>>) target(%dma_start3A_933 : memref<128xf32, #tpu.memory_space<vmem>>) offsets(%dma_start3A_936 : memref<128xi32, #tpu.memory_space<vmem>>) semaphore(%arg15 : memref<!tpu.dma_semaphore, #tpu.memory_space<semaphore_mem>>)
    %dma_start3A_939 = arith.constant 4 : i32
    %dma_start3A_940 = arith.constant 4 : i32
    %dma_start3A_941 = arith.constant 4 : i32
    %dma_start3A_942 = arith.constant 512 : i32
    %dma_start3A_943 = tpu.memref_slice %arg10[%dma_start3A_941, %dma_start3A_942] : memref<8x2048xf32, #tpu.memory_space<vmem>> -> memref<1x128xf32, #tpu.memory_space<vmem>>
    %dma_start3A_944 = tpu.memref_squeeze %dma_start3A_943 : memref<1x128xf32, #tpu.memory_space<vmem>> -> memref<128xf32, #tpu.memory_space<vmem>>
    %dma_start3A_945 = arith.constant 0 : i32
    %dma_start3A_946 = tpu.memref_slice %arg9[%dma_start3A_939, %dma_start3A_940, %dma_start3A_945] : memref<8x16x128xi32, #tpu.memory_space<vmem>> -> memref<1x1x128xi32, #tpu.memory_space<vmem>>
    %dma_start3A_947 = tpu.memref_squeeze %dma_start3A_946 : memref<1x1x128xi32, #tpu.memory_space<vmem>> -> memref<128xi32, #tpu.memory_space<vmem>>
    %dma_start3A_948 = arith.constant 0 : i32
    %dma_start3A_949 = tpu.memref_slice %arg5[%dma_start3A_948] : memref<16777216xf32, #tpu.memory_space<hbm>> -> memref<16777216xf32, #tpu.memory_space<hbm>>
    tpu.enqueue_indirect_dma source(%dma_start3A_949 : memref<16777216xf32, #tpu.memory_space<hbm>>) target(%dma_start3A_944 : memref<128xf32, #tpu.memory_space<vmem>>) offsets(%dma_start3A_947 : memref<128xi32, #tpu.memory_space<vmem>>) semaphore(%arg15 : memref<!tpu.dma_semaphore, #tpu.memory_space<semaphore_mem>>)
    %dma_start3A_950 = arith.constant 5 : i32
    %dma_start3A_951 = arith.constant 4 : i32
    %dma_start3A_952 = arith.constant 5 : i32
    %dma_start3A_953 = arith.constant 512 : i32
    %dma_start3A_954 = tpu.memref_slice %arg10[%dma_start3A_952, %dma_start3A_953] : memref<8x2048xf32, #tpu.memory_space<vmem>> -> memref<1x128xf32, #tpu.memory_space<vmem>>
    %dma_start3A_955 = tpu.memref_squeeze %dma_start3A_954 : memref<1x128xf32, #tpu.memory_space<vmem>> -> memref<128xf32, #tpu.memory_space<vmem>>
    %dma_start3A_956 = arith.constant 0 : i32
    %dma_start3A_957 = tpu.memref_slice %arg9[%dma_start3A_950, %dma_start3A_951, %dma_start3A_956] : memref<8x16x128xi32, #tpu.memory_space<vmem>> -> memref<1x1x128xi32, #tpu.memory_space<vmem>>
    %dma_start3A_958 = tpu.memref_squeeze %dma_start3A_957 : memref<1x1x128xi32, #tpu.memory_space<vmem>> -> memref<128xi32, #tpu.memory_space<vmem>>
    %dma_start3A_959 = arith.constant 0 : i32
    %dma_start3A_960 = tpu.memref_slice %arg5[%dma_start3A_959] : memref<16777216xf32, #tpu.memory_space<hbm>> -> memref<16777216xf32, #tpu.memory_space<hbm>>
    tpu.enqueue_indirect_dma source(%dma_start3A_960 : memref<16777216xf32, #tpu.memory_space<hbm>>) target(%dma_start3A_955 : memref<128xf32, #tpu.memory_space<vmem>>) offsets(%dma_start3A_958 : memref<128xi32, #tpu.memory_space<vmem>>) semaphore(%arg15 : memref<!tpu.dma_semaphore, #tpu.memory_space<semaphore_mem>>)
    %dma_start3A_961 = arith.constant 6 : i32
    %dma_start3A_962 = arith.constant 4 : i32
    %dma_start3A_963 = arith.constant 6 : i32
    %dma_start3A_964 = arith.constant 512 : i32
    %dma_start3A_965 = tpu.memref_slice %arg10[%dma_start3A_963, %dma_start3A_964] : memref<8x2048xf32, #tpu.memory_space<vmem>> -> memref<1x128xf32, #tpu.memory_space<vmem>>
    %dma_start3A_966 = tpu.memref_squeeze %dma_start3A_965 : memref<1x128xf32, #tpu.memory_space<vmem>> -> memref<128xf32, #tpu.memory_space<vmem>>
    %dma_start3A_967 = arith.constant 0 : i32
    %dma_start3A_968 = tpu.memref_slice %arg9[%dma_start3A_961, %dma_start3A_962, %dma_start3A_967] : memref<8x16x128xi32, #tpu.memory_space<vmem>> -> memref<1x1x128xi32, #tpu.memory_space<vmem>>
    %dma_start3A_969 = tpu.memref_squeeze %dma_start3A_968 : memref<1x1x128xi32, #tpu.memory_space<vmem>> -> memref<128xi32, #tpu.memory_space<vmem>>
    %dma_start3A_970 = arith.constant 0 : i32
    %dma_start3A_971 = tpu.memref_slice %arg5[%dma_start3A_970] : memref<16777216xf32, #tpu.memory_space<hbm>> -> memref<16777216xf32, #tpu.memory_space<hbm>>
    tpu.enqueue_indirect_dma source(%dma_start3A_971 : memref<16777216xf32, #tpu.memory_space<hbm>>) target(%dma_start3A_966 : memref<128xf32, #tpu.memory_space<vmem>>) offsets(%dma_start3A_969 : memref<128xi32, #tpu.memory_space<vmem>>) semaphore(%arg15 : memref<!tpu.dma_semaphore, #tpu.memory_space<semaphore_mem>>)
    %dma_start3A_972 = arith.constant 7 : i32
    %dma_start3A_973 = arith.constant 4 : i32
    %dma_start3A_974 = arith.constant 7 : i32
    %dma_start3A_975 = arith.constant 512 : i32
    %dma_start3A_976 = tpu.memref_slice %arg10[%dma_start3A_974, %dma_start3A_975] : memref<8x2048xf32, #tpu.memory_space<vmem>> -> memref<1x128xf32, #tpu.memory_space<vmem>>
    %dma_start3A_977 = tpu.memref_squeeze %dma_start3A_976 : memref<1x128xf32, #tpu.memory_space<vmem>> -> memref<128xf32, #tpu.memory_space<vmem>>
    %dma_start3A_978 = arith.constant 0 : i32
    %dma_start3A_979 = tpu.memref_slice %arg9[%dma_start3A_972, %dma_start3A_973, %dma_start3A_978] : memref<8x16x128xi32, #tpu.memory_space<vmem>> -> memref<1x1x128xi32, #tpu.memory_space<vmem>>
    %dma_start3A_980 = tpu.memref_squeeze %dma_start3A_979 : memref<1x1x128xi32, #tpu.memory_space<vmem>> -> memref<128xi32, #tpu.memory_space<vmem>>
    %dma_start3A_981 = arith.constant 0 : i32
    %dma_start3A_982 = tpu.memref_slice %arg5[%dma_start3A_981] : memref<16777216xf32, #tpu.memory_space<hbm>> -> memref<16777216xf32, #tpu.memory_space<hbm>>
    tpu.enqueue_indirect_dma source(%dma_start3A_982 : memref<16777216xf32, #tpu.memory_space<hbm>>) target(%dma_start3A_977 : memref<128xf32, #tpu.memory_space<vmem>>) offsets(%dma_start3A_980 : memref<128xi32, #tpu.memory_space<vmem>>) semaphore(%arg15 : memref<!tpu.dma_semaphore, #tpu.memory_space<semaphore_mem>>)
    %dma_wait3A_983 = arith.constant 0 : i32
    %dma_wait3A_984 = arith.constant 3 : i32
    %dma_wait3A_985 = arith.constant 0 : i32
    %dma_wait3A_986 = arith.constant 384 : i32
    %dma_wait3A_987 = tpu.memref_slice %arg10[%dma_wait3A_985, %dma_wait3A_986] : memref<8x2048xf32, #tpu.memory_space<vmem>> -> memref<1x128xf32, #tpu.memory_space<vmem>>
    %dma_wait3A_988 = tpu.memref_squeeze %dma_wait3A_987 : memref<1x128xf32, #tpu.memory_space<vmem>> -> memref<128xf32, #tpu.memory_space<vmem>>
    %dma_wait3A_989 = arith.constant 0 : i32
    %dma_wait3A_990 = tpu.memref_slice %arg9[%dma_wait3A_983, %dma_wait3A_984, %dma_wait3A_989] : memref<8x16x128xi32, #tpu.memory_space<vmem>> -> memref<1x1x128xi32, #tpu.memory_space<vmem>>
    %dma_wait3A_991 = tpu.memref_squeeze %dma_wait3A_990 : memref<1x1x128xi32, #tpu.memory_space<vmem>> -> memref<128xi32, #tpu.memory_space<vmem>>
    %dma_wait3A_992 = arith.constant 0 : i32
    %dma_wait3A_993 = tpu.memref_slice %arg5[%dma_wait3A_992] : memref<16777216xf32, #tpu.memory_space<hbm>> -> memref<16777216xf32, #tpu.memory_space<hbm>>
    tpu.wait_indirect_dma semaphore(%arg16 : memref<!tpu.dma_semaphore, #tpu.memory_space<semaphore_mem>>) src(%dma_wait3A_993 : memref<16777216xf32, #tpu.memory_space<hbm>>) dst(%dma_wait3A_988 : memref<128xf32, #tpu.memory_space<vmem>>)
    %dma_wait3A_994 = arith.constant 1 : i32
    %dma_wait3A_995 = arith.constant 3 : i32
    %dma_wait3A_996 = arith.constant 1 : i32
    %dma_wait3A_997 = arith.constant 384 : i32
    %dma_wait3A_998 = tpu.memref_slice %arg10[%dma_wait3A_996, %dma_wait3A_997] : memref<8x2048xf32, #tpu.memory_space<vmem>> -> memref<1x128xf32, #tpu.memory_space<vmem>>
    %dma_wait3A_999 = tpu.memref_squeeze %dma_wait3A_998 : memref<1x128xf32, #tpu.memory_space<vmem>> -> memref<128xf32, #tpu.memory_space<vmem>>
    %dma_wait3A_1000 = arith.constant 0 : i32
    %dma_wait3A_1001 = tpu.memref_slice %arg9[%dma_wait3A_994, %dma_wait3A_995, %dma_wait3A_1000] : memref<8x16x128xi32, #tpu.memory_space<vmem>> -> memref<1x1x128xi32, #tpu.memory_space<vmem>>
    %dma_wait3A_1002 = tpu.memref_squeeze %dma_wait3A_1001 : memref<1x1x128xi32, #tpu.memory_space<vmem>> -> memref<128xi32, #tpu.memory_space<vmem>>
    %dma_wait3A_1003 = arith.constant 0 : i32
    %dma_wait3A_1004 = tpu.memref_slice %arg5[%dma_wait3A_1003] : memref<16777216xf32, #tpu.memory_space<hbm>> -> memref<16777216xf32, #tpu.memory_space<hbm>>
    tpu.wait_indirect_dma semaphore(%arg16 : memref<!tpu.dma_semaphore, #tpu.memory_space<semaphore_mem>>) src(%dma_wait3A_1004 : memref<16777216xf32, #tpu.memory_space<hbm>>) dst(%dma_wait3A_999 : memref<128xf32, #tpu.memory_space<vmem>>)
    %dma_wait3A_1005 = arith.constant 2 : i32
    %dma_wait3A_1006 = arith.constant 3 : i32
    %dma_wait3A_1007 = arith.constant 2 : i32
    %dma_wait3A_1008 = arith.constant 384 : i32
    %dma_wait3A_1009 = tpu.memref_slice %arg10[%dma_wait3A_1007, %dma_wait3A_1008] : memref<8x2048xf32, #tpu.memory_space<vmem>> -> memref<1x128xf32, #tpu.memory_space<vmem>>
    %dma_wait3A_1010 = tpu.memref_squeeze %dma_wait3A_1009 : memref<1x128xf32, #tpu.memory_space<vmem>> -> memref<128xf32, #tpu.memory_space<vmem>>
    %dma_wait3A_1011 = arith.constant 0 : i32
    %dma_wait3A_1012 = tpu.memref_slice %arg9[%dma_wait3A_1005, %dma_wait3A_1006, %dma_wait3A_1011] : memref<8x16x128xi32, #tpu.memory_space<vmem>> -> memref<1x1x128xi32, #tpu.memory_space<vmem>>
    %dma_wait3A_1013 = tpu.memref_squeeze %dma_wait3A_1012 : memref<1x1x128xi32, #tpu.memory_space<vmem>> -> memref<128xi32, #tpu.memory_space<vmem>>
    %dma_wait3A_1014 = arith.constant 0 : i32
    %dma_wait3A_1015 = tpu.memref_slice %arg5[%dma_wait3A_1014] : memref<16777216xf32, #tpu.memory_space<hbm>> -> memref<16777216xf32, #tpu.memory_space<hbm>>
    tpu.wait_indirect_dma semaphore(%arg16 : memref<!tpu.dma_semaphore, #tpu.memory_space<semaphore_mem>>) src(%dma_wait3A_1015 : memref<16777216xf32, #tpu.memory_space<hbm>>) dst(%dma_wait3A_1010 : memref<128xf32, #tpu.memory_space<vmem>>)
    %dma_wait3A_1016 = arith.constant 3 : i32
    %dma_wait3A_1017 = arith.constant 3 : i32
    %dma_wait3A_1018 = arith.constant 3 : i32
    %dma_wait3A_1019 = arith.constant 384 : i32
    %dma_wait3A_1020 = tpu.memref_slice %arg10[%dma_wait3A_1018, %dma_wait3A_1019] : memref<8x2048xf32, #tpu.memory_space<vmem>> -> memref<1x128xf32, #tpu.memory_space<vmem>>
    %dma_wait3A_1021 = tpu.memref_squeeze %dma_wait3A_1020 : memref<1x128xf32, #tpu.memory_space<vmem>> -> memref<128xf32, #tpu.memory_space<vmem>>
    %dma_wait3A_1022 = arith.constant 0 : i32
    %dma_wait3A_1023 = tpu.memref_slice %arg9[%dma_wait3A_1016, %dma_wait3A_1017, %dma_wait3A_1022] : memref<8x16x128xi32, #tpu.memory_space<vmem>> -> memref<1x1x128xi32, #tpu.memory_space<vmem>>
    %dma_wait3A_1024 = tpu.memref_squeeze %dma_wait3A_1023 : memref<1x1x128xi32, #tpu.memory_space<vmem>> -> memref<128xi32, #tpu.memory_space<vmem>>
    %dma_wait3A_1025 = arith.constant 0 : i32
    %dma_wait3A_1026 = tpu.memref_slice %arg5[%dma_wait3A_1025] : memref<16777216xf32, #tpu.memory_space<hbm>> -> memref<16777216xf32, #tpu.memory_space<hbm>>
    tpu.wait_indirect_dma semaphore(%arg16 : memref<!tpu.dma_semaphore, #tpu.memory_space<semaphore_mem>>) src(%dma_wait3A_1026 : memref<16777216xf32, #tpu.memory_space<hbm>>) dst(%dma_wait3A_1021 : memref<128xf32, #tpu.memory_space<vmem>>)
    %dma_wait3A_1027 = arith.constant 4 : i32
    %dma_wait3A_1028 = arith.constant 3 : i32
    %dma_wait3A_1029 = arith.constant 4 : i32
    %dma_wait3A_1030 = arith.constant 384 : i32
    %dma_wait3A_1031 = tpu.memref_slice %arg10[%dma_wait3A_1029, %dma_wait3A_1030] : memref<8x2048xf32, #tpu.memory_space<vmem>> -> memref<1x128xf32, #tpu.memory_space<vmem>>
    %dma_wait3A_1032 = tpu.memref_squeeze %dma_wait3A_1031 : memref<1x128xf32, #tpu.memory_space<vmem>> -> memref<128xf32, #tpu.memory_space<vmem>>
    %dma_wait3A_1033 = arith.constant 0 : i32
    %dma_wait3A_1034 = tpu.memref_slice %arg9[%dma_wait3A_1027, %dma_wait3A_1028, %dma_wait3A_1033] : memref<8x16x128xi32, #tpu.memory_space<vmem>> -> memref<1x1x128xi32, #tpu.memory_space<vmem>>
    %dma_wait3A_1035 = tpu.memref_squeeze %dma_wait3A_1034 : memref<1x1x128xi32, #tpu.memory_space<vmem>> -> memref<128xi32, #tpu.memory_space<vmem>>
    %dma_wait3A_1036 = arith.constant 0 : i32
    %dma_wait3A_1037 = tpu.memref_slice %arg5[%dma_wait3A_1036] : memref<16777216xf32, #tpu.memory_space<hbm>> -> memref<16777216xf32, #tpu.memory_space<hbm>>
    tpu.wait_indirect_dma semaphore(%arg16 : memref<!tpu.dma_semaphore, #tpu.memory_space<semaphore_mem>>) src(%dma_wait3A_1037 : memref<16777216xf32, #tpu.memory_space<hbm>>) dst(%dma_wait3A_1032 : memref<128xf32, #tpu.memory_space<vmem>>)
    %dma_wait3A_1038 = arith.constant 5 : i32
    %dma_wait3A_1039 = arith.constant 3 : i32
    %dma_wait3A_1040 = arith.constant 5 : i32
    %dma_wait3A_1041 = arith.constant 384 : i32
    %dma_wait3A_1042 = tpu.memref_slice %arg10[%dma_wait3A_1040, %dma_wait3A_1041] : memref<8x2048xf32, #tpu.memory_space<vmem>> -> memref<1x128xf32, #tpu.memory_space<vmem>>
    %dma_wait3A_1043 = tpu.memref_squeeze %dma_wait3A_1042 : memref<1x128xf32, #tpu.memory_space<vmem>> -> memref<128xf32, #tpu.memory_space<vmem>>
    %dma_wait3A_1044 = arith.constant 0 : i32
    %dma_wait3A_1045 = tpu.memref_slice %arg9[%dma_wait3A_1038, %dma_wait3A_1039, %dma_wait3A_1044] : memref<8x16x128xi32, #tpu.memory_space<vmem>> -> memref<1x1x128xi32, #tpu.memory_space<vmem>>
    %dma_wait3A_1046 = tpu.memref_squeeze %dma_wait3A_1045 : memref<1x1x128xi32, #tpu.memory_space<vmem>> -> memref<128xi32, #tpu.memory_space<vmem>>
    %dma_wait3A_1047 = arith.constant 0 : i32
    %dma_wait3A_1048 = tpu.memref_slice %arg5[%dma_wait3A_1047] : memref<16777216xf32, #tpu.memory_space<hbm>> -> memref<16777216xf32, #tpu.memory_space<hbm>>
    tpu.wait_indirect_dma semaphore(%arg16 : memref<!tpu.dma_semaphore, #tpu.memory_space<semaphore_mem>>) src(%dma_wait3A_1048 : memref<16777216xf32, #tpu.memory_space<hbm>>) dst(%dma_wait3A_1043 : memref<128xf32, #tpu.memory_space<vmem>>)
    %dma_wait3A_1049 = arith.constant 6 : i32
    %dma_wait3A_1050 = arith.constant 3 : i32
    %dma_wait3A_1051 = arith.constant 6 : i32
    %dma_wait3A_1052 = arith.constant 384 : i32
    %dma_wait3A_1053 = tpu.memref_slice %arg10[%dma_wait3A_1051, %dma_wait3A_1052] : memref<8x2048xf32, #tpu.memory_space<vmem>> -> memref<1x128xf32, #tpu.memory_space<vmem>>
    %dma_wait3A_1054 = tpu.memref_squeeze %dma_wait3A_1053 : memref<1x128xf32, #tpu.memory_space<vmem>> -> memref<128xf32, #tpu.memory_space<vmem>>
    %dma_wait3A_1055 = arith.constant 0 : i32
    %dma_wait3A_1056 = tpu.memref_slice %arg9[%dma_wait3A_1049, %dma_wait3A_1050, %dma_wait3A_1055] : memref<8x16x128xi32, #tpu.memory_space<vmem>> -> memref<1x1x128xi32, #tpu.memory_space<vmem>>
    %dma_wait3A_1057 = tpu.memref_squeeze %dma_wait3A_1056 : memref<1x1x128xi32, #tpu.memory_space<vmem>> -> memref<128xi32, #tpu.memory_space<vmem>>
    %dma_wait3A_1058 = arith.constant 0 : i32
    %dma_wait3A_1059 = tpu.memref_slice %arg5[%dma_wait3A_1058] : memref<16777216xf32, #tpu.memory_space<hbm>> -> memref<16777216xf32, #tpu.memory_space<hbm>>
    tpu.wait_indirect_dma semaphore(%arg16 : memref<!tpu.dma_semaphore, #tpu.memory_space<semaphore_mem>>) src(%dma_wait3A_1059 : memref<16777216xf32, #tpu.memory_space<hbm>>) dst(%dma_wait3A_1054 : memref<128xf32, #tpu.memory_space<vmem>>)
    %dma_wait3A_1060 = arith.constant 7 : i32
    %dma_wait3A_1061 = arith.constant 3 : i32
    %dma_wait3A_1062 = arith.constant 7 : i32
    %dma_wait3A_1063 = arith.constant 384 : i32
    %dma_wait3A_1064 = tpu.memref_slice %arg10[%dma_wait3A_1062, %dma_wait3A_1063] : memref<8x2048xf32, #tpu.memory_space<vmem>> -> memref<1x128xf32, #tpu.memory_space<vmem>>
    %dma_wait3A_1065 = tpu.memref_squeeze %dma_wait3A_1064 : memref<1x128xf32, #tpu.memory_space<vmem>> -> memref<128xf32, #tpu.memory_space<vmem>>
    %dma_wait3A_1066 = arith.constant 0 : i32
    %dma_wait3A_1067 = tpu.memref_slice %arg9[%dma_wait3A_1060, %dma_wait3A_1061, %dma_wait3A_1066] : memref<8x16x128xi32, #tpu.memory_space<vmem>> -> memref<1x1x128xi32, #tpu.memory_space<vmem>>
    %dma_wait3A_1068 = tpu.memref_squeeze %dma_wait3A_1067 : memref<1x1x128xi32, #tpu.memory_space<vmem>> -> memref<128xi32, #tpu.memory_space<vmem>>
    %dma_wait3A_1069 = arith.constant 0 : i32
    %dma_wait3A_1070 = tpu.memref_slice %arg5[%dma_wait3A_1069] : memref<16777216xf32, #tpu.memory_space<hbm>> -> memref<16777216xf32, #tpu.memory_space<hbm>>
    tpu.wait_indirect_dma semaphore(%arg16 : memref<!tpu.dma_semaphore, #tpu.memory_space<semaphore_mem>>) src(%dma_wait3A_1070 : memref<16777216xf32, #tpu.memory_space<hbm>>) dst(%dma_wait3A_1065 : memref<128xf32, #tpu.memory_space<vmem>>)
    %dma_start3A_1071 = arith.constant 0 : i32
    %dma_start3A_1072 = arith.constant 5 : i32
    %dma_start3A_1073 = arith.constant 0 : i32
    %dma_start3A_1074 = arith.constant 640 : i32
    %dma_start3A_1075 = tpu.memref_slice %arg10[%dma_start3A_1073, %dma_start3A_1074] : memref<8x2048xf32, #tpu.memory_space<vmem>> -> memref<1x128xf32, #tpu.memory_space<vmem>>
    %dma_start3A_1076 = tpu.memref_squeeze %dma_start3A_1075 : memref<1x128xf32, #tpu.memory_space<vmem>> -> memref<128xf32, #tpu.memory_space<vmem>>
    %dma_start3A_1077 = arith.constant 0 : i32
    %dma_start3A_1078 = tpu.memref_slice %arg9[%dma_start3A_1071, %dma_start3A_1072, %dma_start3A_1077] : memref<8x16x128xi32, #tpu.memory_space<vmem>> -> memref<1x1x128xi32, #tpu.memory_space<vmem>>
    %dma_start3A_1079 = tpu.memref_squeeze %dma_start3A_1078 : memref<1x1x128xi32, #tpu.memory_space<vmem>> -> memref<128xi32, #tpu.memory_space<vmem>>
    %dma_start3A_1080 = arith.constant 0 : i32
    %dma_start3A_1081 = tpu.memref_slice %arg5[%dma_start3A_1080] : memref<16777216xf32, #tpu.memory_space<hbm>> -> memref<16777216xf32, #tpu.memory_space<hbm>>
    tpu.enqueue_indirect_dma source(%dma_start3A_1081 : memref<16777216xf32, #tpu.memory_space<hbm>>) target(%dma_start3A_1076 : memref<128xf32, #tpu.memory_space<vmem>>) offsets(%dma_start3A_1079 : memref<128xi32, #tpu.memory_space<vmem>>) semaphore(%arg16 : memref<!tpu.dma_semaphore, #tpu.memory_space<semaphore_mem>>)
    %dma_start3A_1082 = arith.constant 1 : i32
    %dma_start3A_1083 = arith.constant 5 : i32
    %dma_start3A_1084 = arith.constant 1 : i32
    %dma_start3A_1085 = arith.constant 640 : i32
    %dma_start3A_1086 = tpu.memref_slice %arg10[%dma_start3A_1084, %dma_start3A_1085] : memref<8x2048xf32, #tpu.memory_space<vmem>> -> memref<1x128xf32, #tpu.memory_space<vmem>>
    %dma_start3A_1087 = tpu.memref_squeeze %dma_start3A_1086 : memref<1x128xf32, #tpu.memory_space<vmem>> -> memref<128xf32, #tpu.memory_space<vmem>>
    %dma_start3A_1088 = arith.constant 0 : i32
    %dma_start3A_1089 = tpu.memref_slice %arg9[%dma_start3A_1082, %dma_start3A_1083, %dma_start3A_1088] : memref<8x16x128xi32, #tpu.memory_space<vmem>> -> memref<1x1x128xi32, #tpu.memory_space<vmem>>
    %dma_start3A_1090 = tpu.memref_squeeze %dma_start3A_1089 : memref<1x1x128xi32, #tpu.memory_space<vmem>> -> memref<128xi32, #tpu.memory_space<vmem>>
    %dma_start3A_1091 = arith.constant 0 : i32
    %dma_start3A_1092 = tpu.memref_slice %arg5[%dma_start3A_1091] : memref<16777216xf32, #tpu.memory_space<hbm>> -> memref<16777216xf32, #tpu.memory_space<hbm>>
    tpu.enqueue_indirect_dma source(%dma_start3A_1092 : memref<16777216xf32, #tpu.memory_space<hbm>>) target(%dma_start3A_1087 : memref<128xf32, #tpu.memory_space<vmem>>) offsets(%dma_start3A_1090 : memref<128xi32, #tpu.memory_space<vmem>>) semaphore(%arg16 : memref<!tpu.dma_semaphore, #tpu.memory_space<semaphore_mem>>)
    %dma_start3A_1093 = arith.constant 2 : i32
    %dma_start3A_1094 = arith.constant 5 : i32
    %dma_start3A_1095 = arith.constant 2 : i32
    %dma_start3A_1096 = arith.constant 640 : i32
    %dma_start3A_1097 = tpu.memref_slice %arg10[%dma_start3A_1095, %dma_start3A_1096] : memref<8x2048xf32, #tpu.memory_space<vmem>> -> memref<1x128xf32, #tpu.memory_space<vmem>>
    %dma_start3A_1098 = tpu.memref_squeeze %dma_start3A_1097 : memref<1x128xf32, #tpu.memory_space<vmem>> -> memref<128xf32, #tpu.memory_space<vmem>>
    %dma_start3A_1099 = arith.constant 0 : i32
    %dma_start3A_1100 = tpu.memref_slice %arg9[%dma_start3A_1093, %dma_start3A_1094, %dma_start3A_1099] : memref<8x16x128xi32, #tpu.memory_space<vmem>> -> memref<1x1x128xi32, #tpu.memory_space<vmem>>
    %dma_start3A_1101 = tpu.memref_squeeze %dma_start3A_1100 : memref<1x1x128xi32, #tpu.memory_space<vmem>> -> memref<128xi32, #tpu.memory_space<vmem>>
    %dma_start3A_1102 = arith.constant 0 : i32
    %dma_start3A_1103 = tpu.memref_slice %arg5[%dma_start3A_1102] : memref<16777216xf32, #tpu.memory_space<hbm>> -> memref<16777216xf32, #tpu.memory_space<hbm>>
    tpu.enqueue_indirect_dma source(%dma_start3A_1103 : memref<16777216xf32, #tpu.memory_space<hbm>>) target(%dma_start3A_1098 : memref<128xf32, #tpu.memory_space<vmem>>) offsets(%dma_start3A_1101 : memref<128xi32, #tpu.memory_space<vmem>>) semaphore(%arg16 : memref<!tpu.dma_semaphore, #tpu.memory_space<semaphore_mem>>)
    %dma_start3A_1104 = arith.constant 3 : i32
    %dma_start3A_1105 = arith.constant 5 : i32
    %dma_start3A_1106 = arith.constant 3 : i32
    %dma_start3A_1107 = arith.constant 640 : i32
    %dma_start3A_1108 = tpu.memref_slice %arg10[%dma_start3A_1106, %dma_start3A_1107] : memref<8x2048xf32, #tpu.memory_space<vmem>> -> memref<1x128xf32, #tpu.memory_space<vmem>>
    %dma_start3A_1109 = tpu.memref_squeeze %dma_start3A_1108 : memref<1x128xf32, #tpu.memory_space<vmem>> -> memref<128xf32, #tpu.memory_space<vmem>>
    %dma_start3A_1110 = arith.constant 0 : i32
    %dma_start3A_1111 = tpu.memref_slice %arg9[%dma_start3A_1104, %dma_start3A_1105, %dma_start3A_1110] : memref<8x16x128xi32, #tpu.memory_space<vmem>> -> memref<1x1x128xi32, #tpu.memory_space<vmem>>
    %dma_start3A_1112 = tpu.memref_squeeze %dma_start3A_1111 : memref<1x1x128xi32, #tpu.memory_space<vmem>> -> memref<128xi32, #tpu.memory_space<vmem>>
    %dma_start3A_1113 = arith.constant 0 : i32
    %dma_start3A_1114 = tpu.memref_slice %arg5[%dma_start3A_1113] : memref<16777216xf32, #tpu.memory_space<hbm>> -> memref<16777216xf32, #tpu.memory_space<hbm>>
    tpu.enqueue_indirect_dma source(%dma_start3A_1114 : memref<16777216xf32, #tpu.memory_space<hbm>>) target(%dma_start3A_1109 : memref<128xf32, #tpu.memory_space<vmem>>) offsets(%dma_start3A_1112 : memref<128xi32, #tpu.memory_space<vmem>>) semaphore(%arg16 : memref<!tpu.dma_semaphore, #tpu.memory_space<semaphore_mem>>)
    %dma_start3A_1115 = arith.constant 4 : i32
    %dma_start3A_1116 = arith.constant 5 : i32
    %dma_start3A_1117 = arith.constant 4 : i32
    %dma_start3A_1118 = arith.constant 640 : i32
    %dma_start3A_1119 = tpu.memref_slice %arg10[%dma_start3A_1117, %dma_start3A_1118] : memref<8x2048xf32, #tpu.memory_space<vmem>> -> memref<1x128xf32, #tpu.memory_space<vmem>>
    %dma_start3A_1120 = tpu.memref_squeeze %dma_start3A_1119 : memref<1x128xf32, #tpu.memory_space<vmem>> -> memref<128xf32, #tpu.memory_space<vmem>>
    %dma_start3A_1121 = arith.constant 0 : i32
    %dma_start3A_1122 = tpu.memref_slice %arg9[%dma_start3A_1115, %dma_start3A_1116, %dma_start3A_1121] : memref<8x16x128xi32, #tpu.memory_space<vmem>> -> memref<1x1x128xi32, #tpu.memory_space<vmem>>
    %dma_start3A_1123 = tpu.memref_squeeze %dma_start3A_1122 : memref<1x1x128xi32, #tpu.memory_space<vmem>> -> memref<128xi32, #tpu.memory_space<vmem>>
    %dma_start3A_1124 = arith.constant 0 : i32
    %dma_start3A_1125 = tpu.memref_slice %arg5[%dma_start3A_1124] : memref<16777216xf32, #tpu.memory_space<hbm>> -> memref<16777216xf32, #tpu.memory_space<hbm>>
    tpu.enqueue_indirect_dma source(%dma_start3A_1125 : memref<16777216xf32, #tpu.memory_space<hbm>>) target(%dma_start3A_1120 : memref<128xf32, #tpu.memory_space<vmem>>) offsets(%dma_start3A_1123 : memref<128xi32, #tpu.memory_space<vmem>>) semaphore(%arg16 : memref<!tpu.dma_semaphore, #tpu.memory_space<semaphore_mem>>)
    %dma_start3A_1126 = arith.constant 5 : i32
    %dma_start3A_1127 = arith.constant 5 : i32
    %dma_start3A_1128 = arith.constant 5 : i32
    %dma_start3A_1129 = arith.constant 640 : i32
    %dma_start3A_1130 = tpu.memref_slice %arg10[%dma_start3A_1128, %dma_start3A_1129] : memref<8x2048xf32, #tpu.memory_space<vmem>> -> memref<1x128xf32, #tpu.memory_space<vmem>>
    %dma_start3A_1131 = tpu.memref_squeeze %dma_start3A_1130 : memref<1x128xf32, #tpu.memory_space<vmem>> -> memref<128xf32, #tpu.memory_space<vmem>>
    %dma_start3A_1132 = arith.constant 0 : i32
    %dma_start3A_1133 = tpu.memref_slice %arg9[%dma_start3A_1126, %dma_start3A_1127, %dma_start3A_1132] : memref<8x16x128xi32, #tpu.memory_space<vmem>> -> memref<1x1x128xi32, #tpu.memory_space<vmem>>
    %dma_start3A_1134 = tpu.memref_squeeze %dma_start3A_1133 : memref<1x1x128xi32, #tpu.memory_space<vmem>> -> memref<128xi32, #tpu.memory_space<vmem>>
    %dma_start3A_1135 = arith.constant 0 : i32
    %dma_start3A_1136 = tpu.memref_slice %arg5[%dma_start3A_1135] : memref<16777216xf32, #tpu.memory_space<hbm>> -> memref<16777216xf32, #tpu.memory_space<hbm>>
    tpu.enqueue_indirect_dma source(%dma_start3A_1136 : memref<16777216xf32, #tpu.memory_space<hbm>>) target(%dma_start3A_1131 : memref<128xf32, #tpu.memory_space<vmem>>) offsets(%dma_start3A_1134 : memref<128xi32, #tpu.memory_space<vmem>>) semaphore(%arg16 : memref<!tpu.dma_semaphore, #tpu.memory_space<semaphore_mem>>)
    %dma_start3A_1137 = arith.constant 6 : i32
    %dma_start3A_1138 = arith.constant 5 : i32
    %dma_start3A_1139 = arith.constant 6 : i32
    %dma_start3A_1140 = arith.constant 640 : i32
    %dma_start3A_1141 = tpu.memref_slice %arg10[%dma_start3A_1139, %dma_start3A_1140] : memref<8x2048xf32, #tpu.memory_space<vmem>> -> memref<1x128xf32, #tpu.memory_space<vmem>>
    %dma_start3A_1142 = tpu.memref_squeeze %dma_start3A_1141 : memref<1x128xf32, #tpu.memory_space<vmem>> -> memref<128xf32, #tpu.memory_space<vmem>>
    %dma_start3A_1143 = arith.constant 0 : i32
    %dma_start3A_1144 = tpu.memref_slice %arg9[%dma_start3A_1137, %dma_start3A_1138, %dma_start3A_1143] : memref<8x16x128xi32, #tpu.memory_space<vmem>> -> memref<1x1x128xi32, #tpu.memory_space<vmem>>
    %dma_start3A_1145 = tpu.memref_squeeze %dma_start3A_1144 : memref<1x1x128xi32, #tpu.memory_space<vmem>> -> memref<128xi32, #tpu.memory_space<vmem>>
    %dma_start3A_1146 = arith.constant 0 : i32
    %dma_start3A_1147 = tpu.memref_slice %arg5[%dma_start3A_1146] : memref<16777216xf32, #tpu.memory_space<hbm>> -> memref<16777216xf32, #tpu.memory_space<hbm>>
    tpu.enqueue_indirect_dma source(%dma_start3A_1147 : memref<16777216xf32, #tpu.memory_space<hbm>>) target(%dma_start3A_1142 : memref<128xf32, #tpu.memory_space<vmem>>) offsets(%dma_start3A_1145 : memref<128xi32, #tpu.memory_space<vmem>>) semaphore(%arg16 : memref<!tpu.dma_semaphore, #tpu.memory_space<semaphore_mem>>)
    %dma_start3A_1148 = arith.constant 7 : i32
    %dma_start3A_1149 = arith.constant 5 : i32
    %dma_start3A_1150 = arith.constant 7 : i32
    %dma_start3A_1151 = arith.constant 640 : i32
    %dma_start3A_1152 = tpu.memref_slice %arg10[%dma_start3A_1150, %dma_start3A_1151] : memref<8x2048xf32, #tpu.memory_space<vmem>> -> memref<1x128xf32, #tpu.memory_space<vmem>>
    %dma_start3A_1153 = tpu.memref_squeeze %dma_start3A_1152 : memref<1x128xf32, #tpu.memory_space<vmem>> -> memref<128xf32, #tpu.memory_space<vmem>>
    %dma_start3A_1154 = arith.constant 0 : i32
    %dma_start3A_1155 = tpu.memref_slice %arg9[%dma_start3A_1148, %dma_start3A_1149, %dma_start3A_1154] : memref<8x16x128xi32, #tpu.memory_space<vmem>> -> memref<1x1x128xi32, #tpu.memory_space<vmem>>
    %dma_start3A_1156 = tpu.memref_squeeze %dma_start3A_1155 : memref<1x1x128xi32, #tpu.memory_space<vmem>> -> memref<128xi32, #tpu.memory_space<vmem>>
    %dma_start3A_1157 = arith.constant 0 : i32
    %dma_start3A_1158 = tpu.memref_slice %arg5[%dma_start3A_1157] : memref<16777216xf32, #tpu.memory_space<hbm>> -> memref<16777216xf32, #tpu.memory_space<hbm>>
    tpu.enqueue_indirect_dma source(%dma_start3A_1158 : memref<16777216xf32, #tpu.memory_space<hbm>>) target(%dma_start3A_1153 : memref<128xf32, #tpu.memory_space<vmem>>) offsets(%dma_start3A_1156 : memref<128xi32, #tpu.memory_space<vmem>>) semaphore(%arg16 : memref<!tpu.dma_semaphore, #tpu.memory_space<semaphore_mem>>)
    %dma_wait3A_1159 = arith.constant 0 : i32
    %dma_wait3A_1160 = arith.constant 4 : i32
    %dma_wait3A_1161 = arith.constant 0 : i32
    %dma_wait3A_1162 = arith.constant 512 : i32
    %dma_wait3A_1163 = tpu.memref_slice %arg10[%dma_wait3A_1161, %dma_wait3A_1162] : memref<8x2048xf32, #tpu.memory_space<vmem>> -> memref<1x128xf32, #tpu.memory_space<vmem>>
    %dma_wait3A_1164 = tpu.memref_squeeze %dma_wait3A_1163 : memref<1x128xf32, #tpu.memory_space<vmem>> -> memref<128xf32, #tpu.memory_space<vmem>>
    %dma_wait3A_1165 = arith.constant 0 : i32
    %dma_wait3A_1166 = tpu.memref_slice %arg9[%dma_wait3A_1159, %dma_wait3A_1160, %dma_wait3A_1165] : memref<8x16x128xi32, #tpu.memory_space<vmem>> -> memref<1x1x128xi32, #tpu.memory_space<vmem>>
    %dma_wait3A_1167 = tpu.memref_squeeze %dma_wait3A_1166 : memref<1x1x128xi32, #tpu.memory_space<vmem>> -> memref<128xi32, #tpu.memory_space<vmem>>
    %dma_wait3A_1168 = arith.constant 0 : i32
    %dma_wait3A_1169 = tpu.memref_slice %arg5[%dma_wait3A_1168] : memref<16777216xf32, #tpu.memory_space<hbm>> -> memref<16777216xf32, #tpu.memory_space<hbm>>
    tpu.wait_indirect_dma semaphore(%arg15 : memref<!tpu.dma_semaphore, #tpu.memory_space<semaphore_mem>>) src(%dma_wait3A_1169 : memref<16777216xf32, #tpu.memory_space<hbm>>) dst(%dma_wait3A_1164 : memref<128xf32, #tpu.memory_space<vmem>>)
    %dma_wait3A_1170 = arith.constant 1 : i32
    %dma_wait3A_1171 = arith.constant 4 : i32
    %dma_wait3A_1172 = arith.constant 1 : i32
    %dma_wait3A_1173 = arith.constant 512 : i32
    %dma_wait3A_1174 = tpu.memref_slice %arg10[%dma_wait3A_1172, %dma_wait3A_1173] : memref<8x2048xf32, #tpu.memory_space<vmem>> -> memref<1x128xf32, #tpu.memory_space<vmem>>
    %dma_wait3A_1175 = tpu.memref_squeeze %dma_wait3A_1174 : memref<1x128xf32, #tpu.memory_space<vmem>> -> memref<128xf32, #tpu.memory_space<vmem>>
    %dma_wait3A_1176 = arith.constant 0 : i32
    %dma_wait3A_1177 = tpu.memref_slice %arg9[%dma_wait3A_1170, %dma_wait3A_1171, %dma_wait3A_1176] : memref<8x16x128xi32, #tpu.memory_space<vmem>> -> memref<1x1x128xi32, #tpu.memory_space<vmem>>
    %dma_wait3A_1178 = tpu.memref_squeeze %dma_wait3A_1177 : memref<1x1x128xi32, #tpu.memory_space<vmem>> -> memref<128xi32, #tpu.memory_space<vmem>>
    %dma_wait3A_1179 = arith.constant 0 : i32
    %dma_wait3A_1180 = tpu.memref_slice %arg5[%dma_wait3A_1179] : memref<16777216xf32, #tpu.memory_space<hbm>> -> memref<16777216xf32, #tpu.memory_space<hbm>>
    tpu.wait_indirect_dma semaphore(%arg15 : memref<!tpu.dma_semaphore, #tpu.memory_space<semaphore_mem>>) src(%dma_wait3A_1180 : memref<16777216xf32, #tpu.memory_space<hbm>>) dst(%dma_wait3A_1175 : memref<128xf32, #tpu.memory_space<vmem>>)
    %dma_wait3A_1181 = arith.constant 2 : i32
    %dma_wait3A_1182 = arith.constant 4 : i32
    %dma_wait3A_1183 = arith.constant 2 : i32
    %dma_wait3A_1184 = arith.constant 512 : i32
    %dma_wait3A_1185 = tpu.memref_slice %arg10[%dma_wait3A_1183, %dma_wait3A_1184] : memref<8x2048xf32, #tpu.memory_space<vmem>> -> memref<1x128xf32, #tpu.memory_space<vmem>>
    %dma_wait3A_1186 = tpu.memref_squeeze %dma_wait3A_1185 : memref<1x128xf32, #tpu.memory_space<vmem>> -> memref<128xf32, #tpu.memory_space<vmem>>
    %dma_wait3A_1187 = arith.constant 0 : i32
    %dma_wait3A_1188 = tpu.memref_slice %arg9[%dma_wait3A_1181, %dma_wait3A_1182, %dma_wait3A_1187] : memref<8x16x128xi32, #tpu.memory_space<vmem>> -> memref<1x1x128xi32, #tpu.memory_space<vmem>>
    %dma_wait3A_1189 = tpu.memref_squeeze %dma_wait3A_1188 : memref<1x1x128xi32, #tpu.memory_space<vmem>> -> memref<128xi32, #tpu.memory_space<vmem>>
    %dma_wait3A_1190 = arith.constant 0 : i32
    %dma_wait3A_1191 = tpu.memref_slice %arg5[%dma_wait3A_1190] : memref<16777216xf32, #tpu.memory_space<hbm>> -> memref<16777216xf32, #tpu.memory_space<hbm>>
    tpu.wait_indirect_dma semaphore(%arg15 : memref<!tpu.dma_semaphore, #tpu.memory_space<semaphore_mem>>) src(%dma_wait3A_1191 : memref<16777216xf32, #tpu.memory_space<hbm>>) dst(%dma_wait3A_1186 : memref<128xf32, #tpu.memory_space<vmem>>)
    %dma_wait3A_1192 = arith.constant 3 : i32
    %dma_wait3A_1193 = arith.constant 4 : i32
    %dma_wait3A_1194 = arith.constant 3 : i32
    %dma_wait3A_1195 = arith.constant 512 : i32
    %dma_wait3A_1196 = tpu.memref_slice %arg10[%dma_wait3A_1194, %dma_wait3A_1195] : memref<8x2048xf32, #tpu.memory_space<vmem>> -> memref<1x128xf32, #tpu.memory_space<vmem>>
    %dma_wait3A_1197 = tpu.memref_squeeze %dma_wait3A_1196 : memref<1x128xf32, #tpu.memory_space<vmem>> -> memref<128xf32, #tpu.memory_space<vmem>>
    %dma_wait3A_1198 = arith.constant 0 : i32
    %dma_wait3A_1199 = tpu.memref_slice %arg9[%dma_wait3A_1192, %dma_wait3A_1193, %dma_wait3A_1198] : memref<8x16x128xi32, #tpu.memory_space<vmem>> -> memref<1x1x128xi32, #tpu.memory_space<vmem>>
    %dma_wait3A_1200 = tpu.memref_squeeze %dma_wait3A_1199 : memref<1x1x128xi32, #tpu.memory_space<vmem>> -> memref<128xi32, #tpu.memory_space<vmem>>
    %dma_wait3A_1201 = arith.constant 0 : i32
    %dma_wait3A_1202 = tpu.memref_slice %arg5[%dma_wait3A_1201] : memref<16777216xf32, #tpu.memory_space<hbm>> -> memref<16777216xf32, #tpu.memory_space<hbm>>
    tpu.wait_indirect_dma semaphore(%arg15 : memref<!tpu.dma_semaphore, #tpu.memory_space<semaphore_mem>>) src(%dma_wait3A_1202 : memref<16777216xf32, #tpu.memory_space<hbm>>) dst(%dma_wait3A_1197 : memref<128xf32, #tpu.memory_space<vmem>>)
    %dma_wait3A_1203 = arith.constant 4 : i32
    %dma_wait3A_1204 = arith.constant 4 : i32
    %dma_wait3A_1205 = arith.constant 4 : i32
    %dma_wait3A_1206 = arith.constant 512 : i32
    %dma_wait3A_1207 = tpu.memref_slice %arg10[%dma_wait3A_1205, %dma_wait3A_1206] : memref<8x2048xf32, #tpu.memory_space<vmem>> -> memref<1x128xf32, #tpu.memory_space<vmem>>
    %dma_wait3A_1208 = tpu.memref_squeeze %dma_wait3A_1207 : memref<1x128xf32, #tpu.memory_space<vmem>> -> memref<128xf32, #tpu.memory_space<vmem>>
    %dma_wait3A_1209 = arith.constant 0 : i32
    %dma_wait3A_1210 = tpu.memref_slice %arg9[%dma_wait3A_1203, %dma_wait3A_1204, %dma_wait3A_1209] : memref<8x16x128xi32, #tpu.memory_space<vmem>> -> memref<1x1x128xi32, #tpu.memory_space<vmem>>
    %dma_wait3A_1211 = tpu.memref_squeeze %dma_wait3A_1210 : memref<1x1x128xi32, #tpu.memory_space<vmem>> -> memref<128xi32, #tpu.memory_space<vmem>>
    %dma_wait3A_1212 = arith.constant 0 : i32
    %dma_wait3A_1213 = tpu.memref_slice %arg5[%dma_wait3A_1212] : memref<16777216xf32, #tpu.memory_space<hbm>> -> memref<16777216xf32, #tpu.memory_space<hbm>>
    tpu.wait_indirect_dma semaphore(%arg15 : memref<!tpu.dma_semaphore, #tpu.memory_space<semaphore_mem>>) src(%dma_wait3A_1213 : memref<16777216xf32, #tpu.memory_space<hbm>>) dst(%dma_wait3A_1208 : memref<128xf32, #tpu.memory_space<vmem>>)
    %dma_wait3A_1214 = arith.constant 5 : i32
    %dma_wait3A_1215 = arith.constant 4 : i32
    %dma_wait3A_1216 = arith.constant 5 : i32
    %dma_wait3A_1217 = arith.constant 512 : i32
    %dma_wait3A_1218 = tpu.memref_slice %arg10[%dma_wait3A_1216, %dma_wait3A_1217] : memref<8x2048xf32, #tpu.memory_space<vmem>> -> memref<1x128xf32, #tpu.memory_space<vmem>>
    %dma_wait3A_1219 = tpu.memref_squeeze %dma_wait3A_1218 : memref<1x128xf32, #tpu.memory_space<vmem>> -> memref<128xf32, #tpu.memory_space<vmem>>
    %dma_wait3A_1220 = arith.constant 0 : i32
    %dma_wait3A_1221 = tpu.memref_slice %arg9[%dma_wait3A_1214, %dma_wait3A_1215, %dma_wait3A_1220] : memref<8x16x128xi32, #tpu.memory_space<vmem>> -> memref<1x1x128xi32, #tpu.memory_space<vmem>>
    %dma_wait3A_1222 = tpu.memref_squeeze %dma_wait3A_1221 : memref<1x1x128xi32, #tpu.memory_space<vmem>> -> memref<128xi32, #tpu.memory_space<vmem>>
    %dma_wait3A_1223 = arith.constant 0 : i32
    %dma_wait3A_1224 = tpu.memref_slice %arg5[%dma_wait3A_1223] : memref<16777216xf32, #tpu.memory_space<hbm>> -> memref<16777216xf32, #tpu.memory_space<hbm>>
    tpu.wait_indirect_dma semaphore(%arg15 : memref<!tpu.dma_semaphore, #tpu.memory_space<semaphore_mem>>) src(%dma_wait3A_1224 : memref<16777216xf32, #tpu.memory_space<hbm>>) dst(%dma_wait3A_1219 : memref<128xf32, #tpu.memory_space<vmem>>)
    %dma_wait3A_1225 = arith.constant 6 : i32
    %dma_wait3A_1226 = arith.constant 4 : i32
    %dma_wait3A_1227 = arith.constant 6 : i32
    %dma_wait3A_1228 = arith.constant 512 : i32
    %dma_wait3A_1229 = tpu.memref_slice %arg10[%dma_wait3A_1227, %dma_wait3A_1228] : memref<8x2048xf32, #tpu.memory_space<vmem>> -> memref<1x128xf32, #tpu.memory_space<vmem>>
    %dma_wait3A_1230 = tpu.memref_squeeze %dma_wait3A_1229 : memref<1x128xf32, #tpu.memory_space<vmem>> -> memref<128xf32, #tpu.memory_space<vmem>>
    %dma_wait3A_1231 = arith.constant 0 : i32
    %dma_wait3A_1232 = tpu.memref_slice %arg9[%dma_wait3A_1225, %dma_wait3A_1226, %dma_wait3A_1231] : memref<8x16x128xi32, #tpu.memory_space<vmem>> -> memref<1x1x128xi32, #tpu.memory_space<vmem>>
    %dma_wait3A_1233 = tpu.memref_squeeze %dma_wait3A_1232 : memref<1x1x128xi32, #tpu.memory_space<vmem>> -> memref<128xi32, #tpu.memory_space<vmem>>
    %dma_wait3A_1234 = arith.constant 0 : i32
    %dma_wait3A_1235 = tpu.memref_slice %arg5[%dma_wait3A_1234] : memref<16777216xf32, #tpu.memory_space<hbm>> -> memref<16777216xf32, #tpu.memory_space<hbm>>
    tpu.wait_indirect_dma semaphore(%arg15 : memref<!tpu.dma_semaphore, #tpu.memory_space<semaphore_mem>>) src(%dma_wait3A_1235 : memref<16777216xf32, #tpu.memory_space<hbm>>) dst(%dma_wait3A_1230 : memref<128xf32, #tpu.memory_space<vmem>>)
    %dma_wait3A_1236 = arith.constant 7 : i32
    %dma_wait3A_1237 = arith.constant 4 : i32
    %dma_wait3A_1238 = arith.constant 7 : i32
    %dma_wait3A_1239 = arith.constant 512 : i32
    %dma_wait3A_1240 = tpu.memref_slice %arg10[%dma_wait3A_1238, %dma_wait3A_1239] : memref<8x2048xf32, #tpu.memory_space<vmem>> -> memref<1x128xf32, #tpu.memory_space<vmem>>
    %dma_wait3A_1241 = tpu.memref_squeeze %dma_wait3A_1240 : memref<1x128xf32, #tpu.memory_space<vmem>> -> memref<128xf32, #tpu.memory_space<vmem>>
    %dma_wait3A_1242 = arith.constant 0 : i32
    %dma_wait3A_1243 = tpu.memref_slice %arg9[%dma_wait3A_1236, %dma_wait3A_1237, %dma_wait3A_1242] : memref<8x16x128xi32, #tpu.memory_space<vmem>> -> memref<1x1x128xi32, #tpu.memory_space<vmem>>
    %dma_wait3A_1244 = tpu.memref_squeeze %dma_wait3A_1243 : memref<1x1x128xi32, #tpu.memory_space<vmem>> -> memref<128xi32, #tpu.memory_space<vmem>>
    %dma_wait3A_1245 = arith.constant 0 : i32
    %dma_wait3A_1246 = tpu.memref_slice %arg5[%dma_wait3A_1245] : memref<16777216xf32, #tpu.memory_space<hbm>> -> memref<16777216xf32, #tpu.memory_space<hbm>>
    tpu.wait_indirect_dma semaphore(%arg15 : memref<!tpu.dma_semaphore, #tpu.memory_space<semaphore_mem>>) src(%dma_wait3A_1246 : memref<16777216xf32, #tpu.memory_space<hbm>>) dst(%dma_wait3A_1241 : memref<128xf32, #tpu.memory_space<vmem>>)
    %dma_start3A_1247 = arith.constant 0 : i32
    %dma_start3A_1248 = arith.constant 6 : i32
    %dma_start3A_1249 = arith.constant 0 : i32
    %dma_start3A_1250 = arith.constant 768 : i32
    %dma_start3A_1251 = tpu.memref_slice %arg10[%dma_start3A_1249, %dma_start3A_1250] : memref<8x2048xf32, #tpu.memory_space<vmem>> -> memref<1x128xf32, #tpu.memory_space<vmem>>
    %dma_start3A_1252 = tpu.memref_squeeze %dma_start3A_1251 : memref<1x128xf32, #tpu.memory_space<vmem>> -> memref<128xf32, #tpu.memory_space<vmem>>
    %dma_start3A_1253 = arith.constant 0 : i32
    %dma_start3A_1254 = tpu.memref_slice %arg9[%dma_start3A_1247, %dma_start3A_1248, %dma_start3A_1253] : memref<8x16x128xi32, #tpu.memory_space<vmem>> -> memref<1x1x128xi32, #tpu.memory_space<vmem>>
    %dma_start3A_1255 = tpu.memref_squeeze %dma_start3A_1254 : memref<1x1x128xi32, #tpu.memory_space<vmem>> -> memref<128xi32, #tpu.memory_space<vmem>>
    %dma_start3A_1256 = arith.constant 0 : i32
    %dma_start3A_1257 = tpu.memref_slice %arg5[%dma_start3A_1256] : memref<16777216xf32, #tpu.memory_space<hbm>> -> memref<16777216xf32, #tpu.memory_space<hbm>>
    tpu.enqueue_indirect_dma source(%dma_start3A_1257 : memref<16777216xf32, #tpu.memory_space<hbm>>) target(%dma_start3A_1252 : memref<128xf32, #tpu.memory_space<vmem>>) offsets(%dma_start3A_1255 : memref<128xi32, #tpu.memory_space<vmem>>) semaphore(%arg15 : memref<!tpu.dma_semaphore, #tpu.memory_space<semaphore_mem>>)
    %dma_start3A_1258 = arith.constant 1 : i32
    %dma_start3A_1259 = arith.constant 6 : i32
    %dma_start3A_1260 = arith.constant 1 : i32
    %dma_start3A_1261 = arith.constant 768 : i32
    %dma_start3A_1262 = tpu.memref_slice %arg10[%dma_start3A_1260, %dma_start3A_1261] : memref<8x2048xf32, #tpu.memory_space<vmem>> -> memref<1x128xf32, #tpu.memory_space<vmem>>
    %dma_start3A_1263 = tpu.memref_squeeze %dma_start3A_1262 : memref<1x128xf32, #tpu.memory_space<vmem>> -> memref<128xf32, #tpu.memory_space<vmem>>
    %dma_start3A_1264 = arith.constant 0 : i32
    %dma_start3A_1265 = tpu.memref_slice %arg9[%dma_start3A_1258, %dma_start3A_1259, %dma_start3A_1264] : memref<8x16x128xi32, #tpu.memory_space<vmem>> -> memref<1x1x128xi32, #tpu.memory_space<vmem>>
    %dma_start3A_1266 = tpu.memref_squeeze %dma_start3A_1265 : memref<1x1x128xi32, #tpu.memory_space<vmem>> -> memref<128xi32, #tpu.memory_space<vmem>>
    %dma_start3A_1267 = arith.constant 0 : i32
    %dma_start3A_1268 = tpu.memref_slice %arg5[%dma_start3A_1267] : memref<16777216xf32, #tpu.memory_space<hbm>> -> memref<16777216xf32, #tpu.memory_space<hbm>>
    tpu.enqueue_indirect_dma source(%dma_start3A_1268 : memref<16777216xf32, #tpu.memory_space<hbm>>) target(%dma_start3A_1263 : memref<128xf32, #tpu.memory_space<vmem>>) offsets(%dma_start3A_1266 : memref<128xi32, #tpu.memory_space<vmem>>) semaphore(%arg15 : memref<!tpu.dma_semaphore, #tpu.memory_space<semaphore_mem>>)
    %dma_start3A_1269 = arith.constant 2 : i32
    %dma_start3A_1270 = arith.constant 6 : i32
    %dma_start3A_1271 = arith.constant 2 : i32
    %dma_start3A_1272 = arith.constant 768 : i32
    %dma_start3A_1273 = tpu.memref_slice %arg10[%dma_start3A_1271, %dma_start3A_1272] : memref<8x2048xf32, #tpu.memory_space<vmem>> -> memref<1x128xf32, #tpu.memory_space<vmem>>
    %dma_start3A_1274 = tpu.memref_squeeze %dma_start3A_1273 : memref<1x128xf32, #tpu.memory_space<vmem>> -> memref<128xf32, #tpu.memory_space<vmem>>
    %dma_start3A_1275 = arith.constant 0 : i32
    %dma_start3A_1276 = tpu.memref_slice %arg9[%dma_start3A_1269, %dma_start3A_1270, %dma_start3A_1275] : memref<8x16x128xi32, #tpu.memory_space<vmem>> -> memref<1x1x128xi32, #tpu.memory_space<vmem>>
    %dma_start3A_1277 = tpu.memref_squeeze %dma_start3A_1276 : memref<1x1x128xi32, #tpu.memory_space<vmem>> -> memref<128xi32, #tpu.memory_space<vmem>>
    %dma_start3A_1278 = arith.constant 0 : i32
    %dma_start3A_1279 = tpu.memref_slice %arg5[%dma_start3A_1278] : memref<16777216xf32, #tpu.memory_space<hbm>> -> memref<16777216xf32, #tpu.memory_space<hbm>>
    tpu.enqueue_indirect_dma source(%dma_start3A_1279 : memref<16777216xf32, #tpu.memory_space<hbm>>) target(%dma_start3A_1274 : memref<128xf32, #tpu.memory_space<vmem>>) offsets(%dma_start3A_1277 : memref<128xi32, #tpu.memory_space<vmem>>) semaphore(%arg15 : memref<!tpu.dma_semaphore, #tpu.memory_space<semaphore_mem>>)
    %dma_start3A_1280 = arith.constant 3 : i32
    %dma_start3A_1281 = arith.constant 6 : i32
    %dma_start3A_1282 = arith.constant 3 : i32
    %dma_start3A_1283 = arith.constant 768 : i32
    %dma_start3A_1284 = tpu.memref_slice %arg10[%dma_start3A_1282, %dma_start3A_1283] : memref<8x2048xf32, #tpu.memory_space<vmem>> -> memref<1x128xf32, #tpu.memory_space<vmem>>
    %dma_start3A_1285 = tpu.memref_squeeze %dma_start3A_1284 : memref<1x128xf32, #tpu.memory_space<vmem>> -> memref<128xf32, #tpu.memory_space<vmem>>
    %dma_start3A_1286 = arith.constant 0 : i32
    %dma_start3A_1287 = tpu.memref_slice %arg9[%dma_start3A_1280, %dma_start3A_1281, %dma_start3A_1286] : memref<8x16x128xi32, #tpu.memory_space<vmem>> -> memref<1x1x128xi32, #tpu.memory_space<vmem>>
    %dma_start3A_1288 = tpu.memref_squeeze %dma_start3A_1287 : memref<1x1x128xi32, #tpu.memory_space<vmem>> -> memref<128xi32, #tpu.memory_space<vmem>>
    %dma_start3A_1289 = arith.constant 0 : i32
    %dma_start3A_1290 = tpu.memref_slice %arg5[%dma_start3A_1289] : memref<16777216xf32, #tpu.memory_space<hbm>> -> memref<16777216xf32, #tpu.memory_space<hbm>>
    tpu.enqueue_indirect_dma source(%dma_start3A_1290 : memref<16777216xf32, #tpu.memory_space<hbm>>) target(%dma_start3A_1285 : memref<128xf32, #tpu.memory_space<vmem>>) offsets(%dma_start3A_1288 : memref<128xi32, #tpu.memory_space<vmem>>) semaphore(%arg15 : memref<!tpu.dma_semaphore, #tpu.memory_space<semaphore_mem>>)
    %dma_start3A_1291 = arith.constant 4 : i32
    %dma_start3A_1292 = arith.constant 6 : i32
    %dma_start3A_1293 = arith.constant 4 : i32
    %dma_start3A_1294 = arith.constant 768 : i32
    %dma_start3A_1295 = tpu.memref_slice %arg10[%dma_start3A_1293, %dma_start3A_1294] : memref<8x2048xf32, #tpu.memory_space<vmem>> -> memref<1x128xf32, #tpu.memory_space<vmem>>
    %dma_start3A_1296 = tpu.memref_squeeze %dma_start3A_1295 : memref<1x128xf32, #tpu.memory_space<vmem>> -> memref<128xf32, #tpu.memory_space<vmem>>
    %dma_start3A_1297 = arith.constant 0 : i32
    %dma_start3A_1298 = tpu.memref_slice %arg9[%dma_start3A_1291, %dma_start3A_1292, %dma_start3A_1297] : memref<8x16x128xi32, #tpu.memory_space<vmem>> -> memref<1x1x128xi32, #tpu.memory_space<vmem>>
    %dma_start3A_1299 = tpu.memref_squeeze %dma_start3A_1298 : memref<1x1x128xi32, #tpu.memory_space<vmem>> -> memref<128xi32, #tpu.memory_space<vmem>>
    %dma_start3A_1300 = arith.constant 0 : i32
    %dma_start3A_1301 = tpu.memref_slice %arg5[%dma_start3A_1300] : memref<16777216xf32, #tpu.memory_space<hbm>> -> memref<16777216xf32, #tpu.memory_space<hbm>>
    tpu.enqueue_indirect_dma source(%dma_start3A_1301 : memref<16777216xf32, #tpu.memory_space<hbm>>) target(%dma_start3A_1296 : memref<128xf32, #tpu.memory_space<vmem>>) offsets(%dma_start3A_1299 : memref<128xi32, #tpu.memory_space<vmem>>) semaphore(%arg15 : memref<!tpu.dma_semaphore, #tpu.memory_space<semaphore_mem>>)
    %dma_start3A_1302 = arith.constant 5 : i32
    %dma_start3A_1303 = arith.constant 6 : i32
    %dma_start3A_1304 = arith.constant 5 : i32
    %dma_start3A_1305 = arith.constant 768 : i32
    %dma_start3A_1306 = tpu.memref_slice %arg10[%dma_start3A_1304, %dma_start3A_1305] : memref<8x2048xf32, #tpu.memory_space<vmem>> -> memref<1x128xf32, #tpu.memory_space<vmem>>
    %dma_start3A_1307 = tpu.memref_squeeze %dma_start3A_1306 : memref<1x128xf32, #tpu.memory_space<vmem>> -> memref<128xf32, #tpu.memory_space<vmem>>
    %dma_start3A_1308 = arith.constant 0 : i32
    %dma_start3A_1309 = tpu.memref_slice %arg9[%dma_start3A_1302, %dma_start3A_1303, %dma_start3A_1308] : memref<8x16x128xi32, #tpu.memory_space<vmem>> -> memref<1x1x128xi32, #tpu.memory_space<vmem>>
    %dma_start3A_1310 = tpu.memref_squeeze %dma_start3A_1309 : memref<1x1x128xi32, #tpu.memory_space<vmem>> -> memref<128xi32, #tpu.memory_space<vmem>>
    %dma_start3A_1311 = arith.constant 0 : i32
    %dma_start3A_1312 = tpu.memref_slice %arg5[%dma_start3A_1311] : memref<16777216xf32, #tpu.memory_space<hbm>> -> memref<16777216xf32, #tpu.memory_space<hbm>>
    tpu.enqueue_indirect_dma source(%dma_start3A_1312 : memref<16777216xf32, #tpu.memory_space<hbm>>) target(%dma_start3A_1307 : memref<128xf32, #tpu.memory_space<vmem>>) offsets(%dma_start3A_1310 : memref<128xi32, #tpu.memory_space<vmem>>) semaphore(%arg15 : memref<!tpu.dma_semaphore, #tpu.memory_space<semaphore_mem>>)
    %dma_start3A_1313 = arith.constant 6 : i32
    %dma_start3A_1314 = arith.constant 6 : i32
    %dma_start3A_1315 = arith.constant 6 : i32
    %dma_start3A_1316 = arith.constant 768 : i32
    %dma_start3A_1317 = tpu.memref_slice %arg10[%dma_start3A_1315, %dma_start3A_1316] : memref<8x2048xf32, #tpu.memory_space<vmem>> -> memref<1x128xf32, #tpu.memory_space<vmem>>
    %dma_start3A_1318 = tpu.memref_squeeze %dma_start3A_1317 : memref<1x128xf32, #tpu.memory_space<vmem>> -> memref<128xf32, #tpu.memory_space<vmem>>
    %dma_start3A_1319 = arith.constant 0 : i32
    %dma_start3A_1320 = tpu.memref_slice %arg9[%dma_start3A_1313, %dma_start3A_1314, %dma_start3A_1319] : memref<8x16x128xi32, #tpu.memory_space<vmem>> -> memref<1x1x128xi32, #tpu.memory_space<vmem>>
    %dma_start3A_1321 = tpu.memref_squeeze %dma_start3A_1320 : memref<1x1x128xi32, #tpu.memory_space<vmem>> -> memref<128xi32, #tpu.memory_space<vmem>>
    %dma_start3A_1322 = arith.constant 0 : i32
    %dma_start3A_1323 = tpu.memref_slice %arg5[%dma_start3A_1322] : memref<16777216xf32, #tpu.memory_space<hbm>> -> memref<16777216xf32, #tpu.memory_space<hbm>>
    tpu.enqueue_indirect_dma source(%dma_start3A_1323 : memref<16777216xf32, #tpu.memory_space<hbm>>) target(%dma_start3A_1318 : memref<128xf32, #tpu.memory_space<vmem>>) offsets(%dma_start3A_1321 : memref<128xi32, #tpu.memory_space<vmem>>) semaphore(%arg15 : memref<!tpu.dma_semaphore, #tpu.memory_space<semaphore_mem>>)
    %dma_start3A_1324 = arith.constant 7 : i32
    %dma_start3A_1325 = arith.constant 6 : i32
    %dma_start3A_1326 = arith.constant 7 : i32
    %dma_start3A_1327 = arith.constant 768 : i32
    %dma_start3A_1328 = tpu.memref_slice %arg10[%dma_start3A_1326, %dma_start3A_1327] : memref<8x2048xf32, #tpu.memory_space<vmem>> -> memref<1x128xf32, #tpu.memory_space<vmem>>
    %dma_start3A_1329 = tpu.memref_squeeze %dma_start3A_1328 : memref<1x128xf32, #tpu.memory_space<vmem>> -> memref<128xf32, #tpu.memory_space<vmem>>
    %dma_start3A_1330 = arith.constant 0 : i32
    %dma_start3A_1331 = tpu.memref_slice %arg9[%dma_start3A_1324, %dma_start3A_1325, %dma_start3A_1330] : memref<8x16x128xi32, #tpu.memory_space<vmem>> -> memref<1x1x128xi32, #tpu.memory_space<vmem>>
    %dma_start3A_1332 = tpu.memref_squeeze %dma_start3A_1331 : memref<1x1x128xi32, #tpu.memory_space<vmem>> -> memref<128xi32, #tpu.memory_space<vmem>>
    %dma_start3A_1333 = arith.constant 0 : i32
    %dma_start3A_1334 = tpu.memref_slice %arg5[%dma_start3A_1333] : memref<16777216xf32, #tpu.memory_space<hbm>> -> memref<16777216xf32, #tpu.memory_space<hbm>>
    tpu.enqueue_indirect_dma source(%dma_start3A_1334 : memref<16777216xf32, #tpu.memory_space<hbm>>) target(%dma_start3A_1329 : memref<128xf32, #tpu.memory_space<vmem>>) offsets(%dma_start3A_1332 : memref<128xi32, #tpu.memory_space<vmem>>) semaphore(%arg15 : memref<!tpu.dma_semaphore, #tpu.memory_space<semaphore_mem>>)
    %dma_wait3A_1335 = arith.constant 0 : i32
    %dma_wait3A_1336 = arith.constant 5 : i32
    %dma_wait3A_1337 = arith.constant 0 : i32
    %dma_wait3A_1338 = arith.constant 640 : i32
    %dma_wait3A_1339 = tpu.memref_slice %arg10[%dma_wait3A_1337, %dma_wait3A_1338] : memref<8x2048xf32, #tpu.memory_space<vmem>> -> memref<1x128xf32, #tpu.memory_space<vmem>>
    %dma_wait3A_1340 = tpu.memref_squeeze %dma_wait3A_1339 : memref<1x128xf32, #tpu.memory_space<vmem>> -> memref<128xf32, #tpu.memory_space<vmem>>
    %dma_wait3A_1341 = arith.constant 0 : i32
    %dma_wait3A_1342 = tpu.memref_slice %arg9[%dma_wait3A_1335, %dma_wait3A_1336, %dma_wait3A_1341] : memref<8x16x128xi32, #tpu.memory_space<vmem>> -> memref<1x1x128xi32, #tpu.memory_space<vmem>>
    %dma_wait3A_1343 = tpu.memref_squeeze %dma_wait3A_1342 : memref<1x1x128xi32, #tpu.memory_space<vmem>> -> memref<128xi32, #tpu.memory_space<vmem>>
    %dma_wait3A_1344 = arith.constant 0 : i32
    %dma_wait3A_1345 = tpu.memref_slice %arg5[%dma_wait3A_1344] : memref<16777216xf32, #tpu.memory_space<hbm>> -> memref<16777216xf32, #tpu.memory_space<hbm>>
    tpu.wait_indirect_dma semaphore(%arg16 : memref<!tpu.dma_semaphore, #tpu.memory_space<semaphore_mem>>) src(%dma_wait3A_1345 : memref<16777216xf32, #tpu.memory_space<hbm>>) dst(%dma_wait3A_1340 : memref<128xf32, #tpu.memory_space<vmem>>)
    %dma_wait3A_1346 = arith.constant 1 : i32
    %dma_wait3A_1347 = arith.constant 5 : i32
    %dma_wait3A_1348 = arith.constant 1 : i32
    %dma_wait3A_1349 = arith.constant 640 : i32
    %dma_wait3A_1350 = tpu.memref_slice %arg10[%dma_wait3A_1348, %dma_wait3A_1349] : memref<8x2048xf32, #tpu.memory_space<vmem>> -> memref<1x128xf32, #tpu.memory_space<vmem>>
    %dma_wait3A_1351 = tpu.memref_squeeze %dma_wait3A_1350 : memref<1x128xf32, #tpu.memory_space<vmem>> -> memref<128xf32, #tpu.memory_space<vmem>>
    %dma_wait3A_1352 = arith.constant 0 : i32
    %dma_wait3A_1353 = tpu.memref_slice %arg9[%dma_wait3A_1346, %dma_wait3A_1347, %dma_wait3A_1352] : memref<8x16x128xi32, #tpu.memory_space<vmem>> -> memref<1x1x128xi32, #tpu.memory_space<vmem>>
    %dma_wait3A_1354 = tpu.memref_squeeze %dma_wait3A_1353 : memref<1x1x128xi32, #tpu.memory_space<vmem>> -> memref<128xi32, #tpu.memory_space<vmem>>
    %dma_wait3A_1355 = arith.constant 0 : i32
    %dma_wait3A_1356 = tpu.memref_slice %arg5[%dma_wait3A_1355] : memref<16777216xf32, #tpu.memory_space<hbm>> -> memref<16777216xf32, #tpu.memory_space<hbm>>
    tpu.wait_indirect_dma semaphore(%arg16 : memref<!tpu.dma_semaphore, #tpu.memory_space<semaphore_mem>>) src(%dma_wait3A_1356 : memref<16777216xf32, #tpu.memory_space<hbm>>) dst(%dma_wait3A_1351 : memref<128xf32, #tpu.memory_space<vmem>>)
    %dma_wait3A_1357 = arith.constant 2 : i32
    %dma_wait3A_1358 = arith.constant 5 : i32
    %dma_wait3A_1359 = arith.constant 2 : i32
    %dma_wait3A_1360 = arith.constant 640 : i32
    %dma_wait3A_1361 = tpu.memref_slice %arg10[%dma_wait3A_1359, %dma_wait3A_1360] : memref<8x2048xf32, #tpu.memory_space<vmem>> -> memref<1x128xf32, #tpu.memory_space<vmem>>
    %dma_wait3A_1362 = tpu.memref_squeeze %dma_wait3A_1361 : memref<1x128xf32, #tpu.memory_space<vmem>> -> memref<128xf32, #tpu.memory_space<vmem>>
    %dma_wait3A_1363 = arith.constant 0 : i32
    %dma_wait3A_1364 = tpu.memref_slice %arg9[%dma_wait3A_1357, %dma_wait3A_1358, %dma_wait3A_1363] : memref<8x16x128xi32, #tpu.memory_space<vmem>> -> memref<1x1x128xi32, #tpu.memory_space<vmem>>
    %dma_wait3A_1365 = tpu.memref_squeeze %dma_wait3A_1364 : memref<1x1x128xi32, #tpu.memory_space<vmem>> -> memref<128xi32, #tpu.memory_space<vmem>>
    %dma_wait3A_1366 = arith.constant 0 : i32
    %dma_wait3A_1367 = tpu.memref_slice %arg5[%dma_wait3A_1366] : memref<16777216xf32, #tpu.memory_space<hbm>> -> memref<16777216xf32, #tpu.memory_space<hbm>>
    tpu.wait_indirect_dma semaphore(%arg16 : memref<!tpu.dma_semaphore, #tpu.memory_space<semaphore_mem>>) src(%dma_wait3A_1367 : memref<16777216xf32, #tpu.memory_space<hbm>>) dst(%dma_wait3A_1362 : memref<128xf32, #tpu.memory_space<vmem>>)
    %dma_wait3A_1368 = arith.constant 3 : i32
    %dma_wait3A_1369 = arith.constant 5 : i32
    %dma_wait3A_1370 = arith.constant 3 : i32
    %dma_wait3A_1371 = arith.constant 640 : i32
    %dma_wait3A_1372 = tpu.memref_slice %arg10[%dma_wait3A_1370, %dma_wait3A_1371] : memref<8x2048xf32, #tpu.memory_space<vmem>> -> memref<1x128xf32, #tpu.memory_space<vmem>>
    %dma_wait3A_1373 = tpu.memref_squeeze %dma_wait3A_1372 : memref<1x128xf32, #tpu.memory_space<vmem>> -> memref<128xf32, #tpu.memory_space<vmem>>
    %dma_wait3A_1374 = arith.constant 0 : i32
    %dma_wait3A_1375 = tpu.memref_slice %arg9[%dma_wait3A_1368, %dma_wait3A_1369, %dma_wait3A_1374] : memref<8x16x128xi32, #tpu.memory_space<vmem>> -> memref<1x1x128xi32, #tpu.memory_space<vmem>>
    %dma_wait3A_1376 = tpu.memref_squeeze %dma_wait3A_1375 : memref<1x1x128xi32, #tpu.memory_space<vmem>> -> memref<128xi32, #tpu.memory_space<vmem>>
    %dma_wait3A_1377 = arith.constant 0 : i32
    %dma_wait3A_1378 = tpu.memref_slice %arg5[%dma_wait3A_1377] : memref<16777216xf32, #tpu.memory_space<hbm>> -> memref<16777216xf32, #tpu.memory_space<hbm>>
    tpu.wait_indirect_dma semaphore(%arg16 : memref<!tpu.dma_semaphore, #tpu.memory_space<semaphore_mem>>) src(%dma_wait3A_1378 : memref<16777216xf32, #tpu.memory_space<hbm>>) dst(%dma_wait3A_1373 : memref<128xf32, #tpu.memory_space<vmem>>)
    %dma_wait3A_1379 = arith.constant 4 : i32
    %dma_wait3A_1380 = arith.constant 5 : i32
    %dma_wait3A_1381 = arith.constant 4 : i32
    %dma_wait3A_1382 = arith.constant 640 : i32
    %dma_wait3A_1383 = tpu.memref_slice %arg10[%dma_wait3A_1381, %dma_wait3A_1382] : memref<8x2048xf32, #tpu.memory_space<vmem>> -> memref<1x128xf32, #tpu.memory_space<vmem>>
    %dma_wait3A_1384 = tpu.memref_squeeze %dma_wait3A_1383 : memref<1x128xf32, #tpu.memory_space<vmem>> -> memref<128xf32, #tpu.memory_space<vmem>>
    %dma_wait3A_1385 = arith.constant 0 : i32
    %dma_wait3A_1386 = tpu.memref_slice %arg9[%dma_wait3A_1379, %dma_wait3A_1380, %dma_wait3A_1385] : memref<8x16x128xi32, #tpu.memory_space<vmem>> -> memref<1x1x128xi32, #tpu.memory_space<vmem>>
    %dma_wait3A_1387 = tpu.memref_squeeze %dma_wait3A_1386 : memref<1x1x128xi32, #tpu.memory_space<vmem>> -> memref<128xi32, #tpu.memory_space<vmem>>
    %dma_wait3A_1388 = arith.constant 0 : i32
    %dma_wait3A_1389 = tpu.memref_slice %arg5[%dma_wait3A_1388] : memref<16777216xf32, #tpu.memory_space<hbm>> -> memref<16777216xf32, #tpu.memory_space<hbm>>
    tpu.wait_indirect_dma semaphore(%arg16 : memref<!tpu.dma_semaphore, #tpu.memory_space<semaphore_mem>>) src(%dma_wait3A_1389 : memref<16777216xf32, #tpu.memory_space<hbm>>) dst(%dma_wait3A_1384 : memref<128xf32, #tpu.memory_space<vmem>>)
    %dma_wait3A_1390 = arith.constant 5 : i32
    %dma_wait3A_1391 = arith.constant 5 : i32
    %dma_wait3A_1392 = arith.constant 5 : i32
    %dma_wait3A_1393 = arith.constant 640 : i32
    %dma_wait3A_1394 = tpu.memref_slice %arg10[%dma_wait3A_1392, %dma_wait3A_1393] : memref<8x2048xf32, #tpu.memory_space<vmem>> -> memref<1x128xf32, #tpu.memory_space<vmem>>
    %dma_wait3A_1395 = tpu.memref_squeeze %dma_wait3A_1394 : memref<1x128xf32, #tpu.memory_space<vmem>> -> memref<128xf32, #tpu.memory_space<vmem>>
    %dma_wait3A_1396 = arith.constant 0 : i32
    %dma_wait3A_1397 = tpu.memref_slice %arg9[%dma_wait3A_1390, %dma_wait3A_1391, %dma_wait3A_1396] : memref<8x16x128xi32, #tpu.memory_space<vmem>> -> memref<1x1x128xi32, #tpu.memory_space<vmem>>
    %dma_wait3A_1398 = tpu.memref_squeeze %dma_wait3A_1397 : memref<1x1x128xi32, #tpu.memory_space<vmem>> -> memref<128xi32, #tpu.memory_space<vmem>>
    %dma_wait3A_1399 = arith.constant 0 : i32
    %dma_wait3A_1400 = tpu.memref_slice %arg5[%dma_wait3A_1399] : memref<16777216xf32, #tpu.memory_space<hbm>> -> memref<16777216xf32, #tpu.memory_space<hbm>>
    tpu.wait_indirect_dma semaphore(%arg16 : memref<!tpu.dma_semaphore, #tpu.memory_space<semaphore_mem>>) src(%dma_wait3A_1400 : memref<16777216xf32, #tpu.memory_space<hbm>>) dst(%dma_wait3A_1395 : memref<128xf32, #tpu.memory_space<vmem>>)
    %dma_wait3A_1401 = arith.constant 6 : i32
    %dma_wait3A_1402 = arith.constant 5 : i32
    %dma_wait3A_1403 = arith.constant 6 : i32
    %dma_wait3A_1404 = arith.constant 640 : i32
    %dma_wait3A_1405 = tpu.memref_slice %arg10[%dma_wait3A_1403, %dma_wait3A_1404] : memref<8x2048xf32, #tpu.memory_space<vmem>> -> memref<1x128xf32, #tpu.memory_space<vmem>>
    %dma_wait3A_1406 = tpu.memref_squeeze %dma_wait3A_1405 : memref<1x128xf32, #tpu.memory_space<vmem>> -> memref<128xf32, #tpu.memory_space<vmem>>
    %dma_wait3A_1407 = arith.constant 0 : i32
    %dma_wait3A_1408 = tpu.memref_slice %arg9[%dma_wait3A_1401, %dma_wait3A_1402, %dma_wait3A_1407] : memref<8x16x128xi32, #tpu.memory_space<vmem>> -> memref<1x1x128xi32, #tpu.memory_space<vmem>>
    %dma_wait3A_1409 = tpu.memref_squeeze %dma_wait3A_1408 : memref<1x1x128xi32, #tpu.memory_space<vmem>> -> memref<128xi32, #tpu.memory_space<vmem>>
    %dma_wait3A_1410 = arith.constant 0 : i32
    %dma_wait3A_1411 = tpu.memref_slice %arg5[%dma_wait3A_1410] : memref<16777216xf32, #tpu.memory_space<hbm>> -> memref<16777216xf32, #tpu.memory_space<hbm>>
    tpu.wait_indirect_dma semaphore(%arg16 : memref<!tpu.dma_semaphore, #tpu.memory_space<semaphore_mem>>) src(%dma_wait3A_1411 : memref<16777216xf32, #tpu.memory_space<hbm>>) dst(%dma_wait3A_1406 : memref<128xf32, #tpu.memory_space<vmem>>)
    %dma_wait3A_1412 = arith.constant 7 : i32
    %dma_wait3A_1413 = arith.constant 5 : i32
    %dma_wait3A_1414 = arith.constant 7 : i32
    %dma_wait3A_1415 = arith.constant 640 : i32
    %dma_wait3A_1416 = tpu.memref_slice %arg10[%dma_wait3A_1414, %dma_wait3A_1415] : memref<8x2048xf32, #tpu.memory_space<vmem>> -> memref<1x128xf32, #tpu.memory_space<vmem>>
    %dma_wait3A_1417 = tpu.memref_squeeze %dma_wait3A_1416 : memref<1x128xf32, #tpu.memory_space<vmem>> -> memref<128xf32, #tpu.memory_space<vmem>>
    %dma_wait3A_1418 = arith.constant 0 : i32
    %dma_wait3A_1419 = tpu.memref_slice %arg9[%dma_wait3A_1412, %dma_wait3A_1413, %dma_wait3A_1418] : memref<8x16x128xi32, #tpu.memory_space<vmem>> -> memref<1x1x128xi32, #tpu.memory_space<vmem>>
    %dma_wait3A_1420 = tpu.memref_squeeze %dma_wait3A_1419 : memref<1x1x128xi32, #tpu.memory_space<vmem>> -> memref<128xi32, #tpu.memory_space<vmem>>
    %dma_wait3A_1421 = arith.constant 0 : i32
    %dma_wait3A_1422 = tpu.memref_slice %arg5[%dma_wait3A_1421] : memref<16777216xf32, #tpu.memory_space<hbm>> -> memref<16777216xf32, #tpu.memory_space<hbm>>
    tpu.wait_indirect_dma semaphore(%arg16 : memref<!tpu.dma_semaphore, #tpu.memory_space<semaphore_mem>>) src(%dma_wait3A_1422 : memref<16777216xf32, #tpu.memory_space<hbm>>) dst(%dma_wait3A_1417 : memref<128xf32, #tpu.memory_space<vmem>>)
    %dma_start3A_1423 = arith.constant 0 : i32
    %dma_start3A_1424 = arith.constant 7 : i32
    %dma_start3A_1425 = arith.constant 0 : i32
    %dma_start3A_1426 = arith.constant 896 : i32
    %dma_start3A_1427 = tpu.memref_slice %arg10[%dma_start3A_1425, %dma_start3A_1426] : memref<8x2048xf32, #tpu.memory_space<vmem>> -> memref<1x128xf32, #tpu.memory_space<vmem>>
    %dma_start3A_1428 = tpu.memref_squeeze %dma_start3A_1427 : memref<1x128xf32, #tpu.memory_space<vmem>> -> memref<128xf32, #tpu.memory_space<vmem>>
    %dma_start3A_1429 = arith.constant 0 : i32
    %dma_start3A_1430 = tpu.memref_slice %arg9[%dma_start3A_1423, %dma_start3A_1424, %dma_start3A_1429] : memref<8x16x128xi32, #tpu.memory_space<vmem>> -> memref<1x1x128xi32, #tpu.memory_space<vmem>>
    %dma_start3A_1431 = tpu.memref_squeeze %dma_start3A_1430 : memref<1x1x128xi32, #tpu.memory_space<vmem>> -> memref<128xi32, #tpu.memory_space<vmem>>
    %dma_start3A_1432 = arith.constant 0 : i32
    %dma_start3A_1433 = tpu.memref_slice %arg5[%dma_start3A_1432] : memref<16777216xf32, #tpu.memory_space<hbm>> -> memref<16777216xf32, #tpu.memory_space<hbm>>
    tpu.enqueue_indirect_dma source(%dma_start3A_1433 : memref<16777216xf32, #tpu.memory_space<hbm>>) target(%dma_start3A_1428 : memref<128xf32, #tpu.memory_space<vmem>>) offsets(%dma_start3A_1431 : memref<128xi32, #tpu.memory_space<vmem>>) semaphore(%arg16 : memref<!tpu.dma_semaphore, #tpu.memory_space<semaphore_mem>>)
    %dma_start3A_1434 = arith.constant 1 : i32
    %dma_start3A_1435 = arith.constant 7 : i32
    %dma_start3A_1436 = arith.constant 1 : i32
    %dma_start3A_1437 = arith.constant 896 : i32
    %dma_start3A_1438 = tpu.memref_slice %arg10[%dma_start3A_1436, %dma_start3A_1437] : memref<8x2048xf32, #tpu.memory_space<vmem>> -> memref<1x128xf32, #tpu.memory_space<vmem>>
    %dma_start3A_1439 = tpu.memref_squeeze %dma_start3A_1438 : memref<1x128xf32, #tpu.memory_space<vmem>> -> memref<128xf32, #tpu.memory_space<vmem>>
    %dma_start3A_1440 = arith.constant 0 : i32
    %dma_start3A_1441 = tpu.memref_slice %arg9[%dma_start3A_1434, %dma_start3A_1435, %dma_start3A_1440] : memref<8x16x128xi32, #tpu.memory_space<vmem>> -> memref<1x1x128xi32, #tpu.memory_space<vmem>>
    %dma_start3A_1442 = tpu.memref_squeeze %dma_start3A_1441 : memref<1x1x128xi32, #tpu.memory_space<vmem>> -> memref<128xi32, #tpu.memory_space<vmem>>
    %dma_start3A_1443 = arith.constant 0 : i32
    %dma_start3A_1444 = tpu.memref_slice %arg5[%dma_start3A_1443] : memref<16777216xf32, #tpu.memory_space<hbm>> -> memref<16777216xf32, #tpu.memory_space<hbm>>
    tpu.enqueue_indirect_dma source(%dma_start3A_1444 : memref<16777216xf32, #tpu.memory_space<hbm>>) target(%dma_start3A_1439 : memref<128xf32, #tpu.memory_space<vmem>>) offsets(%dma_start3A_1442 : memref<128xi32, #tpu.memory_space<vmem>>) semaphore(%arg16 : memref<!tpu.dma_semaphore, #tpu.memory_space<semaphore_mem>>)
    %dma_start3A_1445 = arith.constant 2 : i32
    %dma_start3A_1446 = arith.constant 7 : i32
    %dma_start3A_1447 = arith.constant 2 : i32
    %dma_start3A_1448 = arith.constant 896 : i32
    %dma_start3A_1449 = tpu.memref_slice %arg10[%dma_start3A_1447, %dma_start3A_1448] : memref<8x2048xf32, #tpu.memory_space<vmem>> -> memref<1x128xf32, #tpu.memory_space<vmem>>
    %dma_start3A_1450 = tpu.memref_squeeze %dma_start3A_1449 : memref<1x128xf32, #tpu.memory_space<vmem>> -> memref<128xf32, #tpu.memory_space<vmem>>
    %dma_start3A_1451 = arith.constant 0 : i32
    %dma_start3A_1452 = tpu.memref_slice %arg9[%dma_start3A_1445, %dma_start3A_1446, %dma_start3A_1451] : memref<8x16x128xi32, #tpu.memory_space<vmem>> -> memref<1x1x128xi32, #tpu.memory_space<vmem>>
    %dma_start3A_1453 = tpu.memref_squeeze %dma_start3A_1452 : memref<1x1x128xi32, #tpu.memory_space<vmem>> -> memref<128xi32, #tpu.memory_space<vmem>>
    %dma_start3A_1454 = arith.constant 0 : i32
    %dma_start3A_1455 = tpu.memref_slice %arg5[%dma_start3A_1454] : memref<16777216xf32, #tpu.memory_space<hbm>> -> memref<16777216xf32, #tpu.memory_space<hbm>>
    tpu.enqueue_indirect_dma source(%dma_start3A_1455 : memref<16777216xf32, #tpu.memory_space<hbm>>) target(%dma_start3A_1450 : memref<128xf32, #tpu.memory_space<vmem>>) offsets(%dma_start3A_1453 : memref<128xi32, #tpu.memory_space<vmem>>) semaphore(%arg16 : memref<!tpu.dma_semaphore, #tpu.memory_space<semaphore_mem>>)
    %dma_start3A_1456 = arith.constant 3 : i32
    %dma_start3A_1457 = arith.constant 7 : i32
    %dma_start3A_1458 = arith.constant 3 : i32
    %dma_start3A_1459 = arith.constant 896 : i32
    %dma_start3A_1460 = tpu.memref_slice %arg10[%dma_start3A_1458, %dma_start3A_1459] : memref<8x2048xf32, #tpu.memory_space<vmem>> -> memref<1x128xf32, #tpu.memory_space<vmem>>
    %dma_start3A_1461 = tpu.memref_squeeze %dma_start3A_1460 : memref<1x128xf32, #tpu.memory_space<vmem>> -> memref<128xf32, #tpu.memory_space<vmem>>
    %dma_start3A_1462 = arith.constant 0 : i32
    %dma_start3A_1463 = tpu.memref_slice %arg9[%dma_start3A_1456, %dma_start3A_1457, %dma_start3A_1462] : memref<8x16x128xi32, #tpu.memory_space<vmem>> -> memref<1x1x128xi32, #tpu.memory_space<vmem>>
    %dma_start3A_1464 = tpu.memref_squeeze %dma_start3A_1463 : memref<1x1x128xi32, #tpu.memory_space<vmem>> -> memref<128xi32, #tpu.memory_space<vmem>>
    %dma_start3A_1465 = arith.constant 0 : i32
    %dma_start3A_1466 = tpu.memref_slice %arg5[%dma_start3A_1465] : memref<16777216xf32, #tpu.memory_space<hbm>> -> memref<16777216xf32, #tpu.memory_space<hbm>>
    tpu.enqueue_indirect_dma source(%dma_start3A_1466 : memref<16777216xf32, #tpu.memory_space<hbm>>) target(%dma_start3A_1461 : memref<128xf32, #tpu.memory_space<vmem>>) offsets(%dma_start3A_1464 : memref<128xi32, #tpu.memory_space<vmem>>) semaphore(%arg16 : memref<!tpu.dma_semaphore, #tpu.memory_space<semaphore_mem>>)
    %dma_start3A_1467 = arith.constant 4 : i32
    %dma_start3A_1468 = arith.constant 7 : i32
    %dma_start3A_1469 = arith.constant 4 : i32
    %dma_start3A_1470 = arith.constant 896 : i32
    %dma_start3A_1471 = tpu.memref_slice %arg10[%dma_start3A_1469, %dma_start3A_1470] : memref<8x2048xf32, #tpu.memory_space<vmem>> -> memref<1x128xf32, #tpu.memory_space<vmem>>
    %dma_start3A_1472 = tpu.memref_squeeze %dma_start3A_1471 : memref<1x128xf32, #tpu.memory_space<vmem>> -> memref<128xf32, #tpu.memory_space<vmem>>
    %dma_start3A_1473 = arith.constant 0 : i32
    %dma_start3A_1474 = tpu.memref_slice %arg9[%dma_start3A_1467, %dma_start3A_1468, %dma_start3A_1473] : memref<8x16x128xi32, #tpu.memory_space<vmem>> -> memref<1x1x128xi32, #tpu.memory_space<vmem>>
    %dma_start3A_1475 = tpu.memref_squeeze %dma_start3A_1474 : memref<1x1x128xi32, #tpu.memory_space<vmem>> -> memref<128xi32, #tpu.memory_space<vmem>>
    %dma_start3A_1476 = arith.constant 0 : i32
    %dma_start3A_1477 = tpu.memref_slice %arg5[%dma_start3A_1476] : memref<16777216xf32, #tpu.memory_space<hbm>> -> memref<16777216xf32, #tpu.memory_space<hbm>>
    tpu.enqueue_indirect_dma source(%dma_start3A_1477 : memref<16777216xf32, #tpu.memory_space<hbm>>) target(%dma_start3A_1472 : memref<128xf32, #tpu.memory_space<vmem>>) offsets(%dma_start3A_1475 : memref<128xi32, #tpu.memory_space<vmem>>) semaphore(%arg16 : memref<!tpu.dma_semaphore, #tpu.memory_space<semaphore_mem>>)
    %dma_start3A_1478 = arith.constant 5 : i32
    %dma_start3A_1479 = arith.constant 7 : i32
    %dma_start3A_1480 = arith.constant 5 : i32
    %dma_start3A_1481 = arith.constant 896 : i32
    %dma_start3A_1482 = tpu.memref_slice %arg10[%dma_start3A_1480, %dma_start3A_1481] : memref<8x2048xf32, #tpu.memory_space<vmem>> -> memref<1x128xf32, #tpu.memory_space<vmem>>
    %dma_start3A_1483 = tpu.memref_squeeze %dma_start3A_1482 : memref<1x128xf32, #tpu.memory_space<vmem>> -> memref<128xf32, #tpu.memory_space<vmem>>
    %dma_start3A_1484 = arith.constant 0 : i32
    %dma_start3A_1485 = tpu.memref_slice %arg9[%dma_start3A_1478, %dma_start3A_1479, %dma_start3A_1484] : memref<8x16x128xi32, #tpu.memory_space<vmem>> -> memref<1x1x128xi32, #tpu.memory_space<vmem>>
    %dma_start3A_1486 = tpu.memref_squeeze %dma_start3A_1485 : memref<1x1x128xi32, #tpu.memory_space<vmem>> -> memref<128xi32, #tpu.memory_space<vmem>>
    %dma_start3A_1487 = arith.constant 0 : i32
    %dma_start3A_1488 = tpu.memref_slice %arg5[%dma_start3A_1487] : memref<16777216xf32, #tpu.memory_space<hbm>> -> memref<16777216xf32, #tpu.memory_space<hbm>>
    tpu.enqueue_indirect_dma source(%dma_start3A_1488 : memref<16777216xf32, #tpu.memory_space<hbm>>) target(%dma_start3A_1483 : memref<128xf32, #tpu.memory_space<vmem>>) offsets(%dma_start3A_1486 : memref<128xi32, #tpu.memory_space<vmem>>) semaphore(%arg16 : memref<!tpu.dma_semaphore, #tpu.memory_space<semaphore_mem>>)
    %dma_start3A_1489 = arith.constant 6 : i32
    %dma_start3A_1490 = arith.constant 7 : i32
    %dma_start3A_1491 = arith.constant 6 : i32
    %dma_start3A_1492 = arith.constant 896 : i32
    %dma_start3A_1493 = tpu.memref_slice %arg10[%dma_start3A_1491, %dma_start3A_1492] : memref<8x2048xf32, #tpu.memory_space<vmem>> -> memref<1x128xf32, #tpu.memory_space<vmem>>
    %dma_start3A_1494 = tpu.memref_squeeze %dma_start3A_1493 : memref<1x128xf32, #tpu.memory_space<vmem>> -> memref<128xf32, #tpu.memory_space<vmem>>
    %dma_start3A_1495 = arith.constant 0 : i32
    %dma_start3A_1496 = tpu.memref_slice %arg9[%dma_start3A_1489, %dma_start3A_1490, %dma_start3A_1495] : memref<8x16x128xi32, #tpu.memory_space<vmem>> -> memref<1x1x128xi32, #tpu.memory_space<vmem>>
    %dma_start3A_1497 = tpu.memref_squeeze %dma_start3A_1496 : memref<1x1x128xi32, #tpu.memory_space<vmem>> -> memref<128xi32, #tpu.memory_space<vmem>>
    %dma_start3A_1498 = arith.constant 0 : i32
    %dma_start3A_1499 = tpu.memref_slice %arg5[%dma_start3A_1498] : memref<16777216xf32, #tpu.memory_space<hbm>> -> memref<16777216xf32, #tpu.memory_space<hbm>>
    tpu.enqueue_indirect_dma source(%dma_start3A_1499 : memref<16777216xf32, #tpu.memory_space<hbm>>) target(%dma_start3A_1494 : memref<128xf32, #tpu.memory_space<vmem>>) offsets(%dma_start3A_1497 : memref<128xi32, #tpu.memory_space<vmem>>) semaphore(%arg16 : memref<!tpu.dma_semaphore, #tpu.memory_space<semaphore_mem>>)
    %dma_start3A_1500 = arith.constant 7 : i32
    %dma_start3A_1501 = arith.constant 7 : i32
    %dma_start3A_1502 = arith.constant 7 : i32
    %dma_start3A_1503 = arith.constant 896 : i32
    %dma_start3A_1504 = tpu.memref_slice %arg10[%dma_start3A_1502, %dma_start3A_1503] : memref<8x2048xf32, #tpu.memory_space<vmem>> -> memref<1x128xf32, #tpu.memory_space<vmem>>
    %dma_start3A_1505 = tpu.memref_squeeze %dma_start3A_1504 : memref<1x128xf32, #tpu.memory_space<vmem>> -> memref<128xf32, #tpu.memory_space<vmem>>
    %dma_start3A_1506 = arith.constant 0 : i32
    %dma_start3A_1507 = tpu.memref_slice %arg9[%dma_start3A_1500, %dma_start3A_1501, %dma_start3A_1506] : memref<8x16x128xi32, #tpu.memory_space<vmem>> -> memref<1x1x128xi32, #tpu.memory_space<vmem>>
    %dma_start3A_1508 = tpu.memref_squeeze %dma_start3A_1507 : memref<1x1x128xi32, #tpu.memory_space<vmem>> -> memref<128xi32, #tpu.memory_space<vmem>>
    %dma_start3A_1509 = arith.constant 0 : i32
    %dma_start3A_1510 = tpu.memref_slice %arg5[%dma_start3A_1509] : memref<16777216xf32, #tpu.memory_space<hbm>> -> memref<16777216xf32, #tpu.memory_space<hbm>>
    tpu.enqueue_indirect_dma source(%dma_start3A_1510 : memref<16777216xf32, #tpu.memory_space<hbm>>) target(%dma_start3A_1505 : memref<128xf32, #tpu.memory_space<vmem>>) offsets(%dma_start3A_1508 : memref<128xi32, #tpu.memory_space<vmem>>) semaphore(%arg16 : memref<!tpu.dma_semaphore, #tpu.memory_space<semaphore_mem>>)
    %dma_wait3A_1511 = arith.constant 0 : i32
    %dma_wait3A_1512 = arith.constant 6 : i32
    %dma_wait3A_1513 = arith.constant 0 : i32
    %dma_wait3A_1514 = arith.constant 768 : i32
    %dma_wait3A_1515 = tpu.memref_slice %arg10[%dma_wait3A_1513, %dma_wait3A_1514] : memref<8x2048xf32, #tpu.memory_space<vmem>> -> memref<1x128xf32, #tpu.memory_space<vmem>>
    %dma_wait3A_1516 = tpu.memref_squeeze %dma_wait3A_1515 : memref<1x128xf32, #tpu.memory_space<vmem>> -> memref<128xf32, #tpu.memory_space<vmem>>
    %dma_wait3A_1517 = arith.constant 0 : i32
    %dma_wait3A_1518 = tpu.memref_slice %arg9[%dma_wait3A_1511, %dma_wait3A_1512, %dma_wait3A_1517] : memref<8x16x128xi32, #tpu.memory_space<vmem>> -> memref<1x1x128xi32, #tpu.memory_space<vmem>>
    %dma_wait3A_1519 = tpu.memref_squeeze %dma_wait3A_1518 : memref<1x1x128xi32, #tpu.memory_space<vmem>> -> memref<128xi32, #tpu.memory_space<vmem>>
    %dma_wait3A_1520 = arith.constant 0 : i32
    %dma_wait3A_1521 = tpu.memref_slice %arg5[%dma_wait3A_1520] : memref<16777216xf32, #tpu.memory_space<hbm>> -> memref<16777216xf32, #tpu.memory_space<hbm>>
    tpu.wait_indirect_dma semaphore(%arg15 : memref<!tpu.dma_semaphore, #tpu.memory_space<semaphore_mem>>) src(%dma_wait3A_1521 : memref<16777216xf32, #tpu.memory_space<hbm>>) dst(%dma_wait3A_1516 : memref<128xf32, #tpu.memory_space<vmem>>)
    %dma_wait3A_1522 = arith.constant 1 : i32
    %dma_wait3A_1523 = arith.constant 6 : i32
    %dma_wait3A_1524 = arith.constant 1 : i32
    %dma_wait3A_1525 = arith.constant 768 : i32
    %dma_wait3A_1526 = tpu.memref_slice %arg10[%dma_wait3A_1524, %dma_wait3A_1525] : memref<8x2048xf32, #tpu.memory_space<vmem>> -> memref<1x128xf32, #tpu.memory_space<vmem>>
    %dma_wait3A_1527 = tpu.memref_squeeze %dma_wait3A_1526 : memref<1x128xf32, #tpu.memory_space<vmem>> -> memref<128xf32, #tpu.memory_space<vmem>>
    %dma_wait3A_1528 = arith.constant 0 : i32
    %dma_wait3A_1529 = tpu.memref_slice %arg9[%dma_wait3A_1522, %dma_wait3A_1523, %dma_wait3A_1528] : memref<8x16x128xi32, #tpu.memory_space<vmem>> -> memref<1x1x128xi32, #tpu.memory_space<vmem>>
    %dma_wait3A_1530 = tpu.memref_squeeze %dma_wait3A_1529 : memref<1x1x128xi32, #tpu.memory_space<vmem>> -> memref<128xi32, #tpu.memory_space<vmem>>
    %dma_wait3A_1531 = arith.constant 0 : i32
    %dma_wait3A_1532 = tpu.memref_slice %arg5[%dma_wait3A_1531] : memref<16777216xf32, #tpu.memory_space<hbm>> -> memref<16777216xf32, #tpu.memory_space<hbm>>
    tpu.wait_indirect_dma semaphore(%arg15 : memref<!tpu.dma_semaphore, #tpu.memory_space<semaphore_mem>>) src(%dma_wait3A_1532 : memref<16777216xf32, #tpu.memory_space<hbm>>) dst(%dma_wait3A_1527 : memref<128xf32, #tpu.memory_space<vmem>>)
    %dma_wait3A_1533 = arith.constant 2 : i32
    %dma_wait3A_1534 = arith.constant 6 : i32
    %dma_wait3A_1535 = arith.constant 2 : i32
    %dma_wait3A_1536 = arith.constant 768 : i32
    %dma_wait3A_1537 = tpu.memref_slice %arg10[%dma_wait3A_1535, %dma_wait3A_1536] : memref<8x2048xf32, #tpu.memory_space<vmem>> -> memref<1x128xf32, #tpu.memory_space<vmem>>
    %dma_wait3A_1538 = tpu.memref_squeeze %dma_wait3A_1537 : memref<1x128xf32, #tpu.memory_space<vmem>> -> memref<128xf32, #tpu.memory_space<vmem>>
    %dma_wait3A_1539 = arith.constant 0 : i32
    %dma_wait3A_1540 = tpu.memref_slice %arg9[%dma_wait3A_1533, %dma_wait3A_1534, %dma_wait3A_1539] : memref<8x16x128xi32, #tpu.memory_space<vmem>> -> memref<1x1x128xi32, #tpu.memory_space<vmem>>
    %dma_wait3A_1541 = tpu.memref_squeeze %dma_wait3A_1540 : memref<1x1x128xi32, #tpu.memory_space<vmem>> -> memref<128xi32, #tpu.memory_space<vmem>>
    %dma_wait3A_1542 = arith.constant 0 : i32
    %dma_wait3A_1543 = tpu.memref_slice %arg5[%dma_wait3A_1542] : memref<16777216xf32, #tpu.memory_space<hbm>> -> memref<16777216xf32, #tpu.memory_space<hbm>>
    tpu.wait_indirect_dma semaphore(%arg15 : memref<!tpu.dma_semaphore, #tpu.memory_space<semaphore_mem>>) src(%dma_wait3A_1543 : memref<16777216xf32, #tpu.memory_space<hbm>>) dst(%dma_wait3A_1538 : memref<128xf32, #tpu.memory_space<vmem>>)
    %dma_wait3A_1544 = arith.constant 3 : i32
    %dma_wait3A_1545 = arith.constant 6 : i32
    %dma_wait3A_1546 = arith.constant 3 : i32
    %dma_wait3A_1547 = arith.constant 768 : i32
    %dma_wait3A_1548 = tpu.memref_slice %arg10[%dma_wait3A_1546, %dma_wait3A_1547] : memref<8x2048xf32, #tpu.memory_space<vmem>> -> memref<1x128xf32, #tpu.memory_space<vmem>>
    %dma_wait3A_1549 = tpu.memref_squeeze %dma_wait3A_1548 : memref<1x128xf32, #tpu.memory_space<vmem>> -> memref<128xf32, #tpu.memory_space<vmem>>
    %dma_wait3A_1550 = arith.constant 0 : i32
    %dma_wait3A_1551 = tpu.memref_slice %arg9[%dma_wait3A_1544, %dma_wait3A_1545, %dma_wait3A_1550] : memref<8x16x128xi32, #tpu.memory_space<vmem>> -> memref<1x1x128xi32, #tpu.memory_space<vmem>>
    %dma_wait3A_1552 = tpu.memref_squeeze %dma_wait3A_1551 : memref<1x1x128xi32, #tpu.memory_space<vmem>> -> memref<128xi32, #tpu.memory_space<vmem>>
    %dma_wait3A_1553 = arith.constant 0 : i32
    %dma_wait3A_1554 = tpu.memref_slice %arg5[%dma_wait3A_1553] : memref<16777216xf32, #tpu.memory_space<hbm>> -> memref<16777216xf32, #tpu.memory_space<hbm>>
    tpu.wait_indirect_dma semaphore(%arg15 : memref<!tpu.dma_semaphore, #tpu.memory_space<semaphore_mem>>) src(%dma_wait3A_1554 : memref<16777216xf32, #tpu.memory_space<hbm>>) dst(%dma_wait3A_1549 : memref<128xf32, #tpu.memory_space<vmem>>)
    %dma_wait3A_1555 = arith.constant 4 : i32
    %dma_wait3A_1556 = arith.constant 6 : i32
    %dma_wait3A_1557 = arith.constant 4 : i32
    %dma_wait3A_1558 = arith.constant 768 : i32
    %dma_wait3A_1559 = tpu.memref_slice %arg10[%dma_wait3A_1557, %dma_wait3A_1558] : memref<8x2048xf32, #tpu.memory_space<vmem>> -> memref<1x128xf32, #tpu.memory_space<vmem>>
    %dma_wait3A_1560 = tpu.memref_squeeze %dma_wait3A_1559 : memref<1x128xf32, #tpu.memory_space<vmem>> -> memref<128xf32, #tpu.memory_space<vmem>>
    %dma_wait3A_1561 = arith.constant 0 : i32
    %dma_wait3A_1562 = tpu.memref_slice %arg9[%dma_wait3A_1555, %dma_wait3A_1556, %dma_wait3A_1561] : memref<8x16x128xi32, #tpu.memory_space<vmem>> -> memref<1x1x128xi32, #tpu.memory_space<vmem>>
    %dma_wait3A_1563 = tpu.memref_squeeze %dma_wait3A_1562 : memref<1x1x128xi32, #tpu.memory_space<vmem>> -> memref<128xi32, #tpu.memory_space<vmem>>
    %dma_wait3A_1564 = arith.constant 0 : i32
    %dma_wait3A_1565 = tpu.memref_slice %arg5[%dma_wait3A_1564] : memref<16777216xf32, #tpu.memory_space<hbm>> -> memref<16777216xf32, #tpu.memory_space<hbm>>
    tpu.wait_indirect_dma semaphore(%arg15 : memref<!tpu.dma_semaphore, #tpu.memory_space<semaphore_mem>>) src(%dma_wait3A_1565 : memref<16777216xf32, #tpu.memory_space<hbm>>) dst(%dma_wait3A_1560 : memref<128xf32, #tpu.memory_space<vmem>>)
    %dma_wait3A_1566 = arith.constant 5 : i32
    %dma_wait3A_1567 = arith.constant 6 : i32
    %dma_wait3A_1568 = arith.constant 5 : i32
    %dma_wait3A_1569 = arith.constant 768 : i32
    %dma_wait3A_1570 = tpu.memref_slice %arg10[%dma_wait3A_1568, %dma_wait3A_1569] : memref<8x2048xf32, #tpu.memory_space<vmem>> -> memref<1x128xf32, #tpu.memory_space<vmem>>
    %dma_wait3A_1571 = tpu.memref_squeeze %dma_wait3A_1570 : memref<1x128xf32, #tpu.memory_space<vmem>> -> memref<128xf32, #tpu.memory_space<vmem>>
    %dma_wait3A_1572 = arith.constant 0 : i32
    %dma_wait3A_1573 = tpu.memref_slice %arg9[%dma_wait3A_1566, %dma_wait3A_1567, %dma_wait3A_1572] : memref<8x16x128xi32, #tpu.memory_space<vmem>> -> memref<1x1x128xi32, #tpu.memory_space<vmem>>
    %dma_wait3A_1574 = tpu.memref_squeeze %dma_wait3A_1573 : memref<1x1x128xi32, #tpu.memory_space<vmem>> -> memref<128xi32, #tpu.memory_space<vmem>>
    %dma_wait3A_1575 = arith.constant 0 : i32
    %dma_wait3A_1576 = tpu.memref_slice %arg5[%dma_wait3A_1575] : memref<16777216xf32, #tpu.memory_space<hbm>> -> memref<16777216xf32, #tpu.memory_space<hbm>>
    tpu.wait_indirect_dma semaphore(%arg15 : memref<!tpu.dma_semaphore, #tpu.memory_space<semaphore_mem>>) src(%dma_wait3A_1576 : memref<16777216xf32, #tpu.memory_space<hbm>>) dst(%dma_wait3A_1571 : memref<128xf32, #tpu.memory_space<vmem>>)
    %dma_wait3A_1577 = arith.constant 6 : i32
    %dma_wait3A_1578 = arith.constant 6 : i32
    %dma_wait3A_1579 = arith.constant 6 : i32
    %dma_wait3A_1580 = arith.constant 768 : i32
    %dma_wait3A_1581 = tpu.memref_slice %arg10[%dma_wait3A_1579, %dma_wait3A_1580] : memref<8x2048xf32, #tpu.memory_space<vmem>> -> memref<1x128xf32, #tpu.memory_space<vmem>>
    %dma_wait3A_1582 = tpu.memref_squeeze %dma_wait3A_1581 : memref<1x128xf32, #tpu.memory_space<vmem>> -> memref<128xf32, #tpu.memory_space<vmem>>
    %dma_wait3A_1583 = arith.constant 0 : i32
    %dma_wait3A_1584 = tpu.memref_slice %arg9[%dma_wait3A_1577, %dma_wait3A_1578, %dma_wait3A_1583] : memref<8x16x128xi32, #tpu.memory_space<vmem>> -> memref<1x1x128xi32, #tpu.memory_space<vmem>>
    %dma_wait3A_1585 = tpu.memref_squeeze %dma_wait3A_1584 : memref<1x1x128xi32, #tpu.memory_space<vmem>> -> memref<128xi32, #tpu.memory_space<vmem>>
    %dma_wait3A_1586 = arith.constant 0 : i32
    %dma_wait3A_1587 = tpu.memref_slice %arg5[%dma_wait3A_1586] : memref<16777216xf32, #tpu.memory_space<hbm>> -> memref<16777216xf32, #tpu.memory_space<hbm>>
    tpu.wait_indirect_dma semaphore(%arg15 : memref<!tpu.dma_semaphore, #tpu.memory_space<semaphore_mem>>) src(%dma_wait3A_1587 : memref<16777216xf32, #tpu.memory_space<hbm>>) dst(%dma_wait3A_1582 : memref<128xf32, #tpu.memory_space<vmem>>)
    %dma_wait3A_1588 = arith.constant 7 : i32
    %dma_wait3A_1589 = arith.constant 6 : i32
    %dma_wait3A_1590 = arith.constant 7 : i32
    %dma_wait3A_1591 = arith.constant 768 : i32
    %dma_wait3A_1592 = tpu.memref_slice %arg10[%dma_wait3A_1590, %dma_wait3A_1591] : memref<8x2048xf32, #tpu.memory_space<vmem>> -> memref<1x128xf32, #tpu.memory_space<vmem>>
    %dma_wait3A_1593 = tpu.memref_squeeze %dma_wait3A_1592 : memref<1x128xf32, #tpu.memory_space<vmem>> -> memref<128xf32, #tpu.memory_space<vmem>>
    %dma_wait3A_1594 = arith.constant 0 : i32
    %dma_wait3A_1595 = tpu.memref_slice %arg9[%dma_wait3A_1588, %dma_wait3A_1589, %dma_wait3A_1594] : memref<8x16x128xi32, #tpu.memory_space<vmem>> -> memref<1x1x128xi32, #tpu.memory_space<vmem>>
    %dma_wait3A_1596 = tpu.memref_squeeze %dma_wait3A_1595 : memref<1x1x128xi32, #tpu.memory_space<vmem>> -> memref<128xi32, #tpu.memory_space<vmem>>
    %dma_wait3A_1597 = arith.constant 0 : i32
    %dma_wait3A_1598 = tpu.memref_slice %arg5[%dma_wait3A_1597] : memref<16777216xf32, #tpu.memory_space<hbm>> -> memref<16777216xf32, #tpu.memory_space<hbm>>
    tpu.wait_indirect_dma semaphore(%arg15 : memref<!tpu.dma_semaphore, #tpu.memory_space<semaphore_mem>>) src(%dma_wait3A_1598 : memref<16777216xf32, #tpu.memory_space<hbm>>) dst(%dma_wait3A_1593 : memref<128xf32, #tpu.memory_space<vmem>>)
    %dma_start3A_1599 = arith.constant 0 : i32
    %dma_start3A_1600 = arith.constant 8 : i32
    %dma_start3A_1601 = arith.constant 0 : i32
    %dma_start3A_1602 = arith.constant 1024 : i32
    %dma_start3A_1603 = tpu.memref_slice %arg10[%dma_start3A_1601, %dma_start3A_1602] : memref<8x2048xf32, #tpu.memory_space<vmem>> -> memref<1x128xf32, #tpu.memory_space<vmem>>
    %dma_start3A_1604 = tpu.memref_squeeze %dma_start3A_1603 : memref<1x128xf32, #tpu.memory_space<vmem>> -> memref<128xf32, #tpu.memory_space<vmem>>
    %dma_start3A_1605 = arith.constant 0 : i32
    %dma_start3A_1606 = tpu.memref_slice %arg9[%dma_start3A_1599, %dma_start3A_1600, %dma_start3A_1605] : memref<8x16x128xi32, #tpu.memory_space<vmem>> -> memref<1x1x128xi32, #tpu.memory_space<vmem>>
    %dma_start3A_1607 = tpu.memref_squeeze %dma_start3A_1606 : memref<1x1x128xi32, #tpu.memory_space<vmem>> -> memref<128xi32, #tpu.memory_space<vmem>>
    %dma_start3A_1608 = arith.constant 0 : i32
    %dma_start3A_1609 = tpu.memref_slice %arg5[%dma_start3A_1608] : memref<16777216xf32, #tpu.memory_space<hbm>> -> memref<16777216xf32, #tpu.memory_space<hbm>>
    tpu.enqueue_indirect_dma source(%dma_start3A_1609 : memref<16777216xf32, #tpu.memory_space<hbm>>) target(%dma_start3A_1604 : memref<128xf32, #tpu.memory_space<vmem>>) offsets(%dma_start3A_1607 : memref<128xi32, #tpu.memory_space<vmem>>) semaphore(%arg15 : memref<!tpu.dma_semaphore, #tpu.memory_space<semaphore_mem>>)
    %dma_start3A_1610 = arith.constant 1 : i32
    %dma_start3A_1611 = arith.constant 8 : i32
    %dma_start3A_1612 = arith.constant 1 : i32
    %dma_start3A_1613 = arith.constant 1024 : i32
    %dma_start3A_1614 = tpu.memref_slice %arg10[%dma_start3A_1612, %dma_start3A_1613] : memref<8x2048xf32, #tpu.memory_space<vmem>> -> memref<1x128xf32, #tpu.memory_space<vmem>>
    %dma_start3A_1615 = tpu.memref_squeeze %dma_start3A_1614 : memref<1x128xf32, #tpu.memory_space<vmem>> -> memref<128xf32, #tpu.memory_space<vmem>>
    %dma_start3A_1616 = arith.constant 0 : i32
    %dma_start3A_1617 = tpu.memref_slice %arg9[%dma_start3A_1610, %dma_start3A_1611, %dma_start3A_1616] : memref<8x16x128xi32, #tpu.memory_space<vmem>> -> memref<1x1x128xi32, #tpu.memory_space<vmem>>
    %dma_start3A_1618 = tpu.memref_squeeze %dma_start3A_1617 : memref<1x1x128xi32, #tpu.memory_space<vmem>> -> memref<128xi32, #tpu.memory_space<vmem>>
    %dma_start3A_1619 = arith.constant 0 : i32
    %dma_start3A_1620 = tpu.memref_slice %arg5[%dma_start3A_1619] : memref<16777216xf32, #tpu.memory_space<hbm>> -> memref<16777216xf32, #tpu.memory_space<hbm>>
    tpu.enqueue_indirect_dma source(%dma_start3A_1620 : memref<16777216xf32, #tpu.memory_space<hbm>>) target(%dma_start3A_1615 : memref<128xf32, #tpu.memory_space<vmem>>) offsets(%dma_start3A_1618 : memref<128xi32, #tpu.memory_space<vmem>>) semaphore(%arg15 : memref<!tpu.dma_semaphore, #tpu.memory_space<semaphore_mem>>)
    %dma_start3A_1621 = arith.constant 2 : i32
    %dma_start3A_1622 = arith.constant 8 : i32
    %dma_start3A_1623 = arith.constant 2 : i32
    %dma_start3A_1624 = arith.constant 1024 : i32
    %dma_start3A_1625 = tpu.memref_slice %arg10[%dma_start3A_1623, %dma_start3A_1624] : memref<8x2048xf32, #tpu.memory_space<vmem>> -> memref<1x128xf32, #tpu.memory_space<vmem>>
    %dma_start3A_1626 = tpu.memref_squeeze %dma_start3A_1625 : memref<1x128xf32, #tpu.memory_space<vmem>> -> memref<128xf32, #tpu.memory_space<vmem>>
    %dma_start3A_1627 = arith.constant 0 : i32
    %dma_start3A_1628 = tpu.memref_slice %arg9[%dma_start3A_1621, %dma_start3A_1622, %dma_start3A_1627] : memref<8x16x128xi32, #tpu.memory_space<vmem>> -> memref<1x1x128xi32, #tpu.memory_space<vmem>>
    %dma_start3A_1629 = tpu.memref_squeeze %dma_start3A_1628 : memref<1x1x128xi32, #tpu.memory_space<vmem>> -> memref<128xi32, #tpu.memory_space<vmem>>
    %dma_start3A_1630 = arith.constant 0 : i32
    %dma_start3A_1631 = tpu.memref_slice %arg5[%dma_start3A_1630] : memref<16777216xf32, #tpu.memory_space<hbm>> -> memref<16777216xf32, #tpu.memory_space<hbm>>
    tpu.enqueue_indirect_dma source(%dma_start3A_1631 : memref<16777216xf32, #tpu.memory_space<hbm>>) target(%dma_start3A_1626 : memref<128xf32, #tpu.memory_space<vmem>>) offsets(%dma_start3A_1629 : memref<128xi32, #tpu.memory_space<vmem>>) semaphore(%arg15 : memref<!tpu.dma_semaphore, #tpu.memory_space<semaphore_mem>>)
    %dma_start3A_1632 = arith.constant 3 : i32
    %dma_start3A_1633 = arith.constant 8 : i32
    %dma_start3A_1634 = arith.constant 3 : i32
    %dma_start3A_1635 = arith.constant 1024 : i32
    %dma_start3A_1636 = tpu.memref_slice %arg10[%dma_start3A_1634, %dma_start3A_1635] : memref<8x2048xf32, #tpu.memory_space<vmem>> -> memref<1x128xf32, #tpu.memory_space<vmem>>
    %dma_start3A_1637 = tpu.memref_squeeze %dma_start3A_1636 : memref<1x128xf32, #tpu.memory_space<vmem>> -> memref<128xf32, #tpu.memory_space<vmem>>
    %dma_start3A_1638 = arith.constant 0 : i32
    %dma_start3A_1639 = tpu.memref_slice %arg9[%dma_start3A_1632, %dma_start3A_1633, %dma_start3A_1638] : memref<8x16x128xi32, #tpu.memory_space<vmem>> -> memref<1x1x128xi32, #tpu.memory_space<vmem>>
    %dma_start3A_1640 = tpu.memref_squeeze %dma_start3A_1639 : memref<1x1x128xi32, #tpu.memory_space<vmem>> -> memref<128xi32, #tpu.memory_space<vmem>>
    %dma_start3A_1641 = arith.constant 0 : i32
    %dma_start3A_1642 = tpu.memref_slice %arg5[%dma_start3A_1641] : memref<16777216xf32, #tpu.memory_space<hbm>> -> memref<16777216xf32, #tpu.memory_space<hbm>>
    tpu.enqueue_indirect_dma source(%dma_start3A_1642 : memref<16777216xf32, #tpu.memory_space<hbm>>) target(%dma_start3A_1637 : memref<128xf32, #tpu.memory_space<vmem>>) offsets(%dma_start3A_1640 : memref<128xi32, #tpu.memory_space<vmem>>) semaphore(%arg15 : memref<!tpu.dma_semaphore, #tpu.memory_space<semaphore_mem>>)
    %dma_start3A_1643 = arith.constant 4 : i32
    %dma_start3A_1644 = arith.constant 8 : i32
    %dma_start3A_1645 = arith.constant 4 : i32
    %dma_start3A_1646 = arith.constant 1024 : i32
    %dma_start3A_1647 = tpu.memref_slice %arg10[%dma_start3A_1645, %dma_start3A_1646] : memref<8x2048xf32, #tpu.memory_space<vmem>> -> memref<1x128xf32, #tpu.memory_space<vmem>>
    %dma_start3A_1648 = tpu.memref_squeeze %dma_start3A_1647 : memref<1x128xf32, #tpu.memory_space<vmem>> -> memref<128xf32, #tpu.memory_space<vmem>>
    %dma_start3A_1649 = arith.constant 0 : i32
    %dma_start3A_1650 = tpu.memref_slice %arg9[%dma_start3A_1643, %dma_start3A_1644, %dma_start3A_1649] : memref<8x16x128xi32, #tpu.memory_space<vmem>> -> memref<1x1x128xi32, #tpu.memory_space<vmem>>
    %dma_start3A_1651 = tpu.memref_squeeze %dma_start3A_1650 : memref<1x1x128xi32, #tpu.memory_space<vmem>> -> memref<128xi32, #tpu.memory_space<vmem>>
    %dma_start3A_1652 = arith.constant 0 : i32
    %dma_start3A_1653 = tpu.memref_slice %arg5[%dma_start3A_1652] : memref<16777216xf32, #tpu.memory_space<hbm>> -> memref<16777216xf32, #tpu.memory_space<hbm>>
    tpu.enqueue_indirect_dma source(%dma_start3A_1653 : memref<16777216xf32, #tpu.memory_space<hbm>>) target(%dma_start3A_1648 : memref<128xf32, #tpu.memory_space<vmem>>) offsets(%dma_start3A_1651 : memref<128xi32, #tpu.memory_space<vmem>>) semaphore(%arg15 : memref<!tpu.dma_semaphore, #tpu.memory_space<semaphore_mem>>)
    %dma_start3A_1654 = arith.constant 5 : i32
    %dma_start3A_1655 = arith.constant 8 : i32
    %dma_start3A_1656 = arith.constant 5 : i32
    %dma_start3A_1657 = arith.constant 1024 : i32
    %dma_start3A_1658 = tpu.memref_slice %arg10[%dma_start3A_1656, %dma_start3A_1657] : memref<8x2048xf32, #tpu.memory_space<vmem>> -> memref<1x128xf32, #tpu.memory_space<vmem>>
    %dma_start3A_1659 = tpu.memref_squeeze %dma_start3A_1658 : memref<1x128xf32, #tpu.memory_space<vmem>> -> memref<128xf32, #tpu.memory_space<vmem>>
    %dma_start3A_1660 = arith.constant 0 : i32
    %dma_start3A_1661 = tpu.memref_slice %arg9[%dma_start3A_1654, %dma_start3A_1655, %dma_start3A_1660] : memref<8x16x128xi32, #tpu.memory_space<vmem>> -> memref<1x1x128xi32, #tpu.memory_space<vmem>>
    %dma_start3A_1662 = tpu.memref_squeeze %dma_start3A_1661 : memref<1x1x128xi32, #tpu.memory_space<vmem>> -> memref<128xi32, #tpu.memory_space<vmem>>
    %dma_start3A_1663 = arith.constant 0 : i32
    %dma_start3A_1664 = tpu.memref_slice %arg5[%dma_start3A_1663] : memref<16777216xf32, #tpu.memory_space<hbm>> -> memref<16777216xf32, #tpu.memory_space<hbm>>
    tpu.enqueue_indirect_dma source(%dma_start3A_1664 : memref<16777216xf32, #tpu.memory_space<hbm>>) target(%dma_start3A_1659 : memref<128xf32, #tpu.memory_space<vmem>>) offsets(%dma_start3A_1662 : memref<128xi32, #tpu.memory_space<vmem>>) semaphore(%arg15 : memref<!tpu.dma_semaphore, #tpu.memory_space<semaphore_mem>>)
    %dma_start3A_1665 = arith.constant 6 : i32
    %dma_start3A_1666 = arith.constant 8 : i32
    %dma_start3A_1667 = arith.constant 6 : i32
    %dma_start3A_1668 = arith.constant 1024 : i32
    %dma_start3A_1669 = tpu.memref_slice %arg10[%dma_start3A_1667, %dma_start3A_1668] : memref<8x2048xf32, #tpu.memory_space<vmem>> -> memref<1x128xf32, #tpu.memory_space<vmem>>
    %dma_start3A_1670 = tpu.memref_squeeze %dma_start3A_1669 : memref<1x128xf32, #tpu.memory_space<vmem>> -> memref<128xf32, #tpu.memory_space<vmem>>
    %dma_start3A_1671 = arith.constant 0 : i32
    %dma_start3A_1672 = tpu.memref_slice %arg9[%dma_start3A_1665, %dma_start3A_1666, %dma_start3A_1671] : memref<8x16x128xi32, #tpu.memory_space<vmem>> -> memref<1x1x128xi32, #tpu.memory_space<vmem>>
    %dma_start3A_1673 = tpu.memref_squeeze %dma_start3A_1672 : memref<1x1x128xi32, #tpu.memory_space<vmem>> -> memref<128xi32, #tpu.memory_space<vmem>>
    %dma_start3A_1674 = arith.constant 0 : i32
    %dma_start3A_1675 = tpu.memref_slice %arg5[%dma_start3A_1674] : memref<16777216xf32, #tpu.memory_space<hbm>> -> memref<16777216xf32, #tpu.memory_space<hbm>>
    tpu.enqueue_indirect_dma source(%dma_start3A_1675 : memref<16777216xf32, #tpu.memory_space<hbm>>) target(%dma_start3A_1670 : memref<128xf32, #tpu.memory_space<vmem>>) offsets(%dma_start3A_1673 : memref<128xi32, #tpu.memory_space<vmem>>) semaphore(%arg15 : memref<!tpu.dma_semaphore, #tpu.memory_space<semaphore_mem>>)
    %dma_start3A_1676 = arith.constant 7 : i32
    %dma_start3A_1677 = arith.constant 8 : i32
    %dma_start3A_1678 = arith.constant 7 : i32
    %dma_start3A_1679 = arith.constant 1024 : i32
    %dma_start3A_1680 = tpu.memref_slice %arg10[%dma_start3A_1678, %dma_start3A_1679] : memref<8x2048xf32, #tpu.memory_space<vmem>> -> memref<1x128xf32, #tpu.memory_space<vmem>>
    %dma_start3A_1681 = tpu.memref_squeeze %dma_start3A_1680 : memref<1x128xf32, #tpu.memory_space<vmem>> -> memref<128xf32, #tpu.memory_space<vmem>>
    %dma_start3A_1682 = arith.constant 0 : i32
    %dma_start3A_1683 = tpu.memref_slice %arg9[%dma_start3A_1676, %dma_start3A_1677, %dma_start3A_1682] : memref<8x16x128xi32, #tpu.memory_space<vmem>> -> memref<1x1x128xi32, #tpu.memory_space<vmem>>
    %dma_start3A_1684 = tpu.memref_squeeze %dma_start3A_1683 : memref<1x1x128xi32, #tpu.memory_space<vmem>> -> memref<128xi32, #tpu.memory_space<vmem>>
    %dma_start3A_1685 = arith.constant 0 : i32
    %dma_start3A_1686 = tpu.memref_slice %arg5[%dma_start3A_1685] : memref<16777216xf32, #tpu.memory_space<hbm>> -> memref<16777216xf32, #tpu.memory_space<hbm>>
    tpu.enqueue_indirect_dma source(%dma_start3A_1686 : memref<16777216xf32, #tpu.memory_space<hbm>>) target(%dma_start3A_1681 : memref<128xf32, #tpu.memory_space<vmem>>) offsets(%dma_start3A_1684 : memref<128xi32, #tpu.memory_space<vmem>>) semaphore(%arg15 : memref<!tpu.dma_semaphore, #tpu.memory_space<semaphore_mem>>)
    %dma_wait3A_1687 = arith.constant 0 : i32
    %dma_wait3A_1688 = arith.constant 7 : i32
    %dma_wait3A_1689 = arith.constant 0 : i32
    %dma_wait3A_1690 = arith.constant 896 : i32
    %dma_wait3A_1691 = tpu.memref_slice %arg10[%dma_wait3A_1689, %dma_wait3A_1690] : memref<8x2048xf32, #tpu.memory_space<vmem>> -> memref<1x128xf32, #tpu.memory_space<vmem>>
    %dma_wait3A_1692 = tpu.memref_squeeze %dma_wait3A_1691 : memref<1x128xf32, #tpu.memory_space<vmem>> -> memref<128xf32, #tpu.memory_space<vmem>>
    %dma_wait3A_1693 = arith.constant 0 : i32
    %dma_wait3A_1694 = tpu.memref_slice %arg9[%dma_wait3A_1687, %dma_wait3A_1688, %dma_wait3A_1693] : memref<8x16x128xi32, #tpu.memory_space<vmem>> -> memref<1x1x128xi32, #tpu.memory_space<vmem>>
    %dma_wait3A_1695 = tpu.memref_squeeze %dma_wait3A_1694 : memref<1x1x128xi32, #tpu.memory_space<vmem>> -> memref<128xi32, #tpu.memory_space<vmem>>
    %dma_wait3A_1696 = arith.constant 0 : i32
    %dma_wait3A_1697 = tpu.memref_slice %arg5[%dma_wait3A_1696] : memref<16777216xf32, #tpu.memory_space<hbm>> -> memref<16777216xf32, #tpu.memory_space<hbm>>
    tpu.wait_indirect_dma semaphore(%arg16 : memref<!tpu.dma_semaphore, #tpu.memory_space<semaphore_mem>>) src(%dma_wait3A_1697 : memref<16777216xf32, #tpu.memory_space<hbm>>) dst(%dma_wait3A_1692 : memref<128xf32, #tpu.memory_space<vmem>>)
    %dma_wait3A_1698 = arith.constant 1 : i32
    %dma_wait3A_1699 = arith.constant 7 : i32
    %dma_wait3A_1700 = arith.constant 1 : i32
    %dma_wait3A_1701 = arith.constant 896 : i32
    %dma_wait3A_1702 = tpu.memref_slice %arg10[%dma_wait3A_1700, %dma_wait3A_1701] : memref<8x2048xf32, #tpu.memory_space<vmem>> -> memref<1x128xf32, #tpu.memory_space<vmem>>
    %dma_wait3A_1703 = tpu.memref_squeeze %dma_wait3A_1702 : memref<1x128xf32, #tpu.memory_space<vmem>> -> memref<128xf32, #tpu.memory_space<vmem>>
    %dma_wait3A_1704 = arith.constant 0 : i32
    %dma_wait3A_1705 = tpu.memref_slice %arg9[%dma_wait3A_1698, %dma_wait3A_1699, %dma_wait3A_1704] : memref<8x16x128xi32, #tpu.memory_space<vmem>> -> memref<1x1x128xi32, #tpu.memory_space<vmem>>
    %dma_wait3A_1706 = tpu.memref_squeeze %dma_wait3A_1705 : memref<1x1x128xi32, #tpu.memory_space<vmem>> -> memref<128xi32, #tpu.memory_space<vmem>>
    %dma_wait3A_1707 = arith.constant 0 : i32
    %dma_wait3A_1708 = tpu.memref_slice %arg5[%dma_wait3A_1707] : memref<16777216xf32, #tpu.memory_space<hbm>> -> memref<16777216xf32, #tpu.memory_space<hbm>>
    tpu.wait_indirect_dma semaphore(%arg16 : memref<!tpu.dma_semaphore, #tpu.memory_space<semaphore_mem>>) src(%dma_wait3A_1708 : memref<16777216xf32, #tpu.memory_space<hbm>>) dst(%dma_wait3A_1703 : memref<128xf32, #tpu.memory_space<vmem>>)
    %dma_wait3A_1709 = arith.constant 2 : i32
    %dma_wait3A_1710 = arith.constant 7 : i32
    %dma_wait3A_1711 = arith.constant 2 : i32
    %dma_wait3A_1712 = arith.constant 896 : i32
    %dma_wait3A_1713 = tpu.memref_slice %arg10[%dma_wait3A_1711, %dma_wait3A_1712] : memref<8x2048xf32, #tpu.memory_space<vmem>> -> memref<1x128xf32, #tpu.memory_space<vmem>>
    %dma_wait3A_1714 = tpu.memref_squeeze %dma_wait3A_1713 : memref<1x128xf32, #tpu.memory_space<vmem>> -> memref<128xf32, #tpu.memory_space<vmem>>
    %dma_wait3A_1715 = arith.constant 0 : i32
    %dma_wait3A_1716 = tpu.memref_slice %arg9[%dma_wait3A_1709, %dma_wait3A_1710, %dma_wait3A_1715] : memref<8x16x128xi32, #tpu.memory_space<vmem>> -> memref<1x1x128xi32, #tpu.memory_space<vmem>>
    %dma_wait3A_1717 = tpu.memref_squeeze %dma_wait3A_1716 : memref<1x1x128xi32, #tpu.memory_space<vmem>> -> memref<128xi32, #tpu.memory_space<vmem>>
    %dma_wait3A_1718 = arith.constant 0 : i32
    %dma_wait3A_1719 = tpu.memref_slice %arg5[%dma_wait3A_1718] : memref<16777216xf32, #tpu.memory_space<hbm>> -> memref<16777216xf32, #tpu.memory_space<hbm>>
    tpu.wait_indirect_dma semaphore(%arg16 : memref<!tpu.dma_semaphore, #tpu.memory_space<semaphore_mem>>) src(%dma_wait3A_1719 : memref<16777216xf32, #tpu.memory_space<hbm>>) dst(%dma_wait3A_1714 : memref<128xf32, #tpu.memory_space<vmem>>)
    %dma_wait3A_1720 = arith.constant 3 : i32
    %dma_wait3A_1721 = arith.constant 7 : i32
    %dma_wait3A_1722 = arith.constant 3 : i32
    %dma_wait3A_1723 = arith.constant 896 : i32
    %dma_wait3A_1724 = tpu.memref_slice %arg10[%dma_wait3A_1722, %dma_wait3A_1723] : memref<8x2048xf32, #tpu.memory_space<vmem>> -> memref<1x128xf32, #tpu.memory_space<vmem>>
    %dma_wait3A_1725 = tpu.memref_squeeze %dma_wait3A_1724 : memref<1x128xf32, #tpu.memory_space<vmem>> -> memref<128xf32, #tpu.memory_space<vmem>>
    %dma_wait3A_1726 = arith.constant 0 : i32
    %dma_wait3A_1727 = tpu.memref_slice %arg9[%dma_wait3A_1720, %dma_wait3A_1721, %dma_wait3A_1726] : memref<8x16x128xi32, #tpu.memory_space<vmem>> -> memref<1x1x128xi32, #tpu.memory_space<vmem>>
    %dma_wait3A_1728 = tpu.memref_squeeze %dma_wait3A_1727 : memref<1x1x128xi32, #tpu.memory_space<vmem>> -> memref<128xi32, #tpu.memory_space<vmem>>
    %dma_wait3A_1729 = arith.constant 0 : i32
    %dma_wait3A_1730 = tpu.memref_slice %arg5[%dma_wait3A_1729] : memref<16777216xf32, #tpu.memory_space<hbm>> -> memref<16777216xf32, #tpu.memory_space<hbm>>
    tpu.wait_indirect_dma semaphore(%arg16 : memref<!tpu.dma_semaphore, #tpu.memory_space<semaphore_mem>>) src(%dma_wait3A_1730 : memref<16777216xf32, #tpu.memory_space<hbm>>) dst(%dma_wait3A_1725 : memref<128xf32, #tpu.memory_space<vmem>>)
    %dma_wait3A_1731 = arith.constant 4 : i32
    %dma_wait3A_1732 = arith.constant 7 : i32
    %dma_wait3A_1733 = arith.constant 4 : i32
    %dma_wait3A_1734 = arith.constant 896 : i32
    %dma_wait3A_1735 = tpu.memref_slice %arg10[%dma_wait3A_1733, %dma_wait3A_1734] : memref<8x2048xf32, #tpu.memory_space<vmem>> -> memref<1x128xf32, #tpu.memory_space<vmem>>
    %dma_wait3A_1736 = tpu.memref_squeeze %dma_wait3A_1735 : memref<1x128xf32, #tpu.memory_space<vmem>> -> memref<128xf32, #tpu.memory_space<vmem>>
    %dma_wait3A_1737 = arith.constant 0 : i32
    %dma_wait3A_1738 = tpu.memref_slice %arg9[%dma_wait3A_1731, %dma_wait3A_1732, %dma_wait3A_1737] : memref<8x16x128xi32, #tpu.memory_space<vmem>> -> memref<1x1x128xi32, #tpu.memory_space<vmem>>
    %dma_wait3A_1739 = tpu.memref_squeeze %dma_wait3A_1738 : memref<1x1x128xi32, #tpu.memory_space<vmem>> -> memref<128xi32, #tpu.memory_space<vmem>>
    %dma_wait3A_1740 = arith.constant 0 : i32
    %dma_wait3A_1741 = tpu.memref_slice %arg5[%dma_wait3A_1740] : memref<16777216xf32, #tpu.memory_space<hbm>> -> memref<16777216xf32, #tpu.memory_space<hbm>>
    tpu.wait_indirect_dma semaphore(%arg16 : memref<!tpu.dma_semaphore, #tpu.memory_space<semaphore_mem>>) src(%dma_wait3A_1741 : memref<16777216xf32, #tpu.memory_space<hbm>>) dst(%dma_wait3A_1736 : memref<128xf32, #tpu.memory_space<vmem>>)
    %dma_wait3A_1742 = arith.constant 5 : i32
    %dma_wait3A_1743 = arith.constant 7 : i32
    %dma_wait3A_1744 = arith.constant 5 : i32
    %dma_wait3A_1745 = arith.constant 896 : i32
    %dma_wait3A_1746 = tpu.memref_slice %arg10[%dma_wait3A_1744, %dma_wait3A_1745] : memref<8x2048xf32, #tpu.memory_space<vmem>> -> memref<1x128xf32, #tpu.memory_space<vmem>>
    %dma_wait3A_1747 = tpu.memref_squeeze %dma_wait3A_1746 : memref<1x128xf32, #tpu.memory_space<vmem>> -> memref<128xf32, #tpu.memory_space<vmem>>
    %dma_wait3A_1748 = arith.constant 0 : i32
    %dma_wait3A_1749 = tpu.memref_slice %arg9[%dma_wait3A_1742, %dma_wait3A_1743, %dma_wait3A_1748] : memref<8x16x128xi32, #tpu.memory_space<vmem>> -> memref<1x1x128xi32, #tpu.memory_space<vmem>>
    %dma_wait3A_1750 = tpu.memref_squeeze %dma_wait3A_1749 : memref<1x1x128xi32, #tpu.memory_space<vmem>> -> memref<128xi32, #tpu.memory_space<vmem>>
    %dma_wait3A_1751 = arith.constant 0 : i32
    %dma_wait3A_1752 = tpu.memref_slice %arg5[%dma_wait3A_1751] : memref<16777216xf32, #tpu.memory_space<hbm>> -> memref<16777216xf32, #tpu.memory_space<hbm>>
    tpu.wait_indirect_dma semaphore(%arg16 : memref<!tpu.dma_semaphore, #tpu.memory_space<semaphore_mem>>) src(%dma_wait3A_1752 : memref<16777216xf32, #tpu.memory_space<hbm>>) dst(%dma_wait3A_1747 : memref<128xf32, #tpu.memory_space<vmem>>)
    %dma_wait3A_1753 = arith.constant 6 : i32
    %dma_wait3A_1754 = arith.constant 7 : i32
    %dma_wait3A_1755 = arith.constant 6 : i32
    %dma_wait3A_1756 = arith.constant 896 : i32
    %dma_wait3A_1757 = tpu.memref_slice %arg10[%dma_wait3A_1755, %dma_wait3A_1756] : memref<8x2048xf32, #tpu.memory_space<vmem>> -> memref<1x128xf32, #tpu.memory_space<vmem>>
    %dma_wait3A_1758 = tpu.memref_squeeze %dma_wait3A_1757 : memref<1x128xf32, #tpu.memory_space<vmem>> -> memref<128xf32, #tpu.memory_space<vmem>>
    %dma_wait3A_1759 = arith.constant 0 : i32
    %dma_wait3A_1760 = tpu.memref_slice %arg9[%dma_wait3A_1753, %dma_wait3A_1754, %dma_wait3A_1759] : memref<8x16x128xi32, #tpu.memory_space<vmem>> -> memref<1x1x128xi32, #tpu.memory_space<vmem>>
    %dma_wait3A_1761 = tpu.memref_squeeze %dma_wait3A_1760 : memref<1x1x128xi32, #tpu.memory_space<vmem>> -> memref<128xi32, #tpu.memory_space<vmem>>
    %dma_wait3A_1762 = arith.constant 0 : i32
    %dma_wait3A_1763 = tpu.memref_slice %arg5[%dma_wait3A_1762] : memref<16777216xf32, #tpu.memory_space<hbm>> -> memref<16777216xf32, #tpu.memory_space<hbm>>
    tpu.wait_indirect_dma semaphore(%arg16 : memref<!tpu.dma_semaphore, #tpu.memory_space<semaphore_mem>>) src(%dma_wait3A_1763 : memref<16777216xf32, #tpu.memory_space<hbm>>) dst(%dma_wait3A_1758 : memref<128xf32, #tpu.memory_space<vmem>>)
    %dma_wait3A_1764 = arith.constant 7 : i32
    %dma_wait3A_1765 = arith.constant 7 : i32
    %dma_wait3A_1766 = arith.constant 7 : i32
    %dma_wait3A_1767 = arith.constant 896 : i32
    %dma_wait3A_1768 = tpu.memref_slice %arg10[%dma_wait3A_1766, %dma_wait3A_1767] : memref<8x2048xf32, #tpu.memory_space<vmem>> -> memref<1x128xf32, #tpu.memory_space<vmem>>
    %dma_wait3A_1769 = tpu.memref_squeeze %dma_wait3A_1768 : memref<1x128xf32, #tpu.memory_space<vmem>> -> memref<128xf32, #tpu.memory_space<vmem>>
    %dma_wait3A_1770 = arith.constant 0 : i32
    %dma_wait3A_1771 = tpu.memref_slice %arg9[%dma_wait3A_1764, %dma_wait3A_1765, %dma_wait3A_1770] : memref<8x16x128xi32, #tpu.memory_space<vmem>> -> memref<1x1x128xi32, #tpu.memory_space<vmem>>
    %dma_wait3A_1772 = tpu.memref_squeeze %dma_wait3A_1771 : memref<1x1x128xi32, #tpu.memory_space<vmem>> -> memref<128xi32, #tpu.memory_space<vmem>>
    %dma_wait3A_1773 = arith.constant 0 : i32
    %dma_wait3A_1774 = tpu.memref_slice %arg5[%dma_wait3A_1773] : memref<16777216xf32, #tpu.memory_space<hbm>> -> memref<16777216xf32, #tpu.memory_space<hbm>>
    tpu.wait_indirect_dma semaphore(%arg16 : memref<!tpu.dma_semaphore, #tpu.memory_space<semaphore_mem>>) src(%dma_wait3A_1774 : memref<16777216xf32, #tpu.memory_space<hbm>>) dst(%dma_wait3A_1769 : memref<128xf32, #tpu.memory_space<vmem>>)
    %dma_start3A_1775 = arith.constant 0 : i32
    %dma_start3A_1776 = arith.constant 9 : i32
    %dma_start3A_1777 = arith.constant 0 : i32
    %dma_start3A_1778 = arith.constant 1152 : i32
    %dma_start3A_1779 = tpu.memref_slice %arg10[%dma_start3A_1777, %dma_start3A_1778] : memref<8x2048xf32, #tpu.memory_space<vmem>> -> memref<1x128xf32, #tpu.memory_space<vmem>>
    %dma_start3A_1780 = tpu.memref_squeeze %dma_start3A_1779 : memref<1x128xf32, #tpu.memory_space<vmem>> -> memref<128xf32, #tpu.memory_space<vmem>>
    %dma_start3A_1781 = arith.constant 0 : i32
    %dma_start3A_1782 = tpu.memref_slice %arg9[%dma_start3A_1775, %dma_start3A_1776, %dma_start3A_1781] : memref<8x16x128xi32, #tpu.memory_space<vmem>> -> memref<1x1x128xi32, #tpu.memory_space<vmem>>
    %dma_start3A_1783 = tpu.memref_squeeze %dma_start3A_1782 : memref<1x1x128xi32, #tpu.memory_space<vmem>> -> memref<128xi32, #tpu.memory_space<vmem>>
    %dma_start3A_1784 = arith.constant 0 : i32
    %dma_start3A_1785 = tpu.memref_slice %arg5[%dma_start3A_1784] : memref<16777216xf32, #tpu.memory_space<hbm>> -> memref<16777216xf32, #tpu.memory_space<hbm>>
    tpu.enqueue_indirect_dma source(%dma_start3A_1785 : memref<16777216xf32, #tpu.memory_space<hbm>>) target(%dma_start3A_1780 : memref<128xf32, #tpu.memory_space<vmem>>) offsets(%dma_start3A_1783 : memref<128xi32, #tpu.memory_space<vmem>>) semaphore(%arg16 : memref<!tpu.dma_semaphore, #tpu.memory_space<semaphore_mem>>)
    %dma_start3A_1786 = arith.constant 1 : i32
    %dma_start3A_1787 = arith.constant 9 : i32
    %dma_start3A_1788 = arith.constant 1 : i32
    %dma_start3A_1789 = arith.constant 1152 : i32
    %dma_start3A_1790 = tpu.memref_slice %arg10[%dma_start3A_1788, %dma_start3A_1789] : memref<8x2048xf32, #tpu.memory_space<vmem>> -> memref<1x128xf32, #tpu.memory_space<vmem>>
    %dma_start3A_1791 = tpu.memref_squeeze %dma_start3A_1790 : memref<1x128xf32, #tpu.memory_space<vmem>> -> memref<128xf32, #tpu.memory_space<vmem>>
    %dma_start3A_1792 = arith.constant 0 : i32
    %dma_start3A_1793 = tpu.memref_slice %arg9[%dma_start3A_1786, %dma_start3A_1787, %dma_start3A_1792] : memref<8x16x128xi32, #tpu.memory_space<vmem>> -> memref<1x1x128xi32, #tpu.memory_space<vmem>>
    %dma_start3A_1794 = tpu.memref_squeeze %dma_start3A_1793 : memref<1x1x128xi32, #tpu.memory_space<vmem>> -> memref<128xi32, #tpu.memory_space<vmem>>
    %dma_start3A_1795 = arith.constant 0 : i32
    %dma_start3A_1796 = tpu.memref_slice %arg5[%dma_start3A_1795] : memref<16777216xf32, #tpu.memory_space<hbm>> -> memref<16777216xf32, #tpu.memory_space<hbm>>
    tpu.enqueue_indirect_dma source(%dma_start3A_1796 : memref<16777216xf32, #tpu.memory_space<hbm>>) target(%dma_start3A_1791 : memref<128xf32, #tpu.memory_space<vmem>>) offsets(%dma_start3A_1794 : memref<128xi32, #tpu.memory_space<vmem>>) semaphore(%arg16 : memref<!tpu.dma_semaphore, #tpu.memory_space<semaphore_mem>>)
    %dma_start3A_1797 = arith.constant 2 : i32
    %dma_start3A_1798 = arith.constant 9 : i32
    %dma_start3A_1799 = arith.constant 2 : i32
    %dma_start3A_1800 = arith.constant 1152 : i32
    %dma_start3A_1801 = tpu.memref_slice %arg10[%dma_start3A_1799, %dma_start3A_1800] : memref<8x2048xf32, #tpu.memory_space<vmem>> -> memref<1x128xf32, #tpu.memory_space<vmem>>
    %dma_start3A_1802 = tpu.memref_squeeze %dma_start3A_1801 : memref<1x128xf32, #tpu.memory_space<vmem>> -> memref<128xf32, #tpu.memory_space<vmem>>
    %dma_start3A_1803 = arith.constant 0 : i32
    %dma_start3A_1804 = tpu.memref_slice %arg9[%dma_start3A_1797, %dma_start3A_1798, %dma_start3A_1803] : memref<8x16x128xi32, #tpu.memory_space<vmem>> -> memref<1x1x128xi32, #tpu.memory_space<vmem>>
    %dma_start3A_1805 = tpu.memref_squeeze %dma_start3A_1804 : memref<1x1x128xi32, #tpu.memory_space<vmem>> -> memref<128xi32, #tpu.memory_space<vmem>>
    %dma_start3A_1806 = arith.constant 0 : i32
    %dma_start3A_1807 = tpu.memref_slice %arg5[%dma_start3A_1806] : memref<16777216xf32, #tpu.memory_space<hbm>> -> memref<16777216xf32, #tpu.memory_space<hbm>>
    tpu.enqueue_indirect_dma source(%dma_start3A_1807 : memref<16777216xf32, #tpu.memory_space<hbm>>) target(%dma_start3A_1802 : memref<128xf32, #tpu.memory_space<vmem>>) offsets(%dma_start3A_1805 : memref<128xi32, #tpu.memory_space<vmem>>) semaphore(%arg16 : memref<!tpu.dma_semaphore, #tpu.memory_space<semaphore_mem>>)
    %dma_start3A_1808 = arith.constant 3 : i32
    %dma_start3A_1809 = arith.constant 9 : i32
    %dma_start3A_1810 = arith.constant 3 : i32
    %dma_start3A_1811 = arith.constant 1152 : i32
    %dma_start3A_1812 = tpu.memref_slice %arg10[%dma_start3A_1810, %dma_start3A_1811] : memref<8x2048xf32, #tpu.memory_space<vmem>> -> memref<1x128xf32, #tpu.memory_space<vmem>>
    %dma_start3A_1813 = tpu.memref_squeeze %dma_start3A_1812 : memref<1x128xf32, #tpu.memory_space<vmem>> -> memref<128xf32, #tpu.memory_space<vmem>>
    %dma_start3A_1814 = arith.constant 0 : i32
    %dma_start3A_1815 = tpu.memref_slice %arg9[%dma_start3A_1808, %dma_start3A_1809, %dma_start3A_1814] : memref<8x16x128xi32, #tpu.memory_space<vmem>> -> memref<1x1x128xi32, #tpu.memory_space<vmem>>
    %dma_start3A_1816 = tpu.memref_squeeze %dma_start3A_1815 : memref<1x1x128xi32, #tpu.memory_space<vmem>> -> memref<128xi32, #tpu.memory_space<vmem>>
    %dma_start3A_1817 = arith.constant 0 : i32
    %dma_start3A_1818 = tpu.memref_slice %arg5[%dma_start3A_1817] : memref<16777216xf32, #tpu.memory_space<hbm>> -> memref<16777216xf32, #tpu.memory_space<hbm>>
    tpu.enqueue_indirect_dma source(%dma_start3A_1818 : memref<16777216xf32, #tpu.memory_space<hbm>>) target(%dma_start3A_1813 : memref<128xf32, #tpu.memory_space<vmem>>) offsets(%dma_start3A_1816 : memref<128xi32, #tpu.memory_space<vmem>>) semaphore(%arg16 : memref<!tpu.dma_semaphore, #tpu.memory_space<semaphore_mem>>)
    %dma_start3A_1819 = arith.constant 4 : i32
    %dma_start3A_1820 = arith.constant 9 : i32
    %dma_start3A_1821 = arith.constant 4 : i32
    %dma_start3A_1822 = arith.constant 1152 : i32
    %dma_start3A_1823 = tpu.memref_slice %arg10[%dma_start3A_1821, %dma_start3A_1822] : memref<8x2048xf32, #tpu.memory_space<vmem>> -> memref<1x128xf32, #tpu.memory_space<vmem>>
    %dma_start3A_1824 = tpu.memref_squeeze %dma_start3A_1823 : memref<1x128xf32, #tpu.memory_space<vmem>> -> memref<128xf32, #tpu.memory_space<vmem>>
    %dma_start3A_1825 = arith.constant 0 : i32
    %dma_start3A_1826 = tpu.memref_slice %arg9[%dma_start3A_1819, %dma_start3A_1820, %dma_start3A_1825] : memref<8x16x128xi32, #tpu.memory_space<vmem>> -> memref<1x1x128xi32, #tpu.memory_space<vmem>>
    %dma_start3A_1827 = tpu.memref_squeeze %dma_start3A_1826 : memref<1x1x128xi32, #tpu.memory_space<vmem>> -> memref<128xi32, #tpu.memory_space<vmem>>
    %dma_start3A_1828 = arith.constant 0 : i32
    %dma_start3A_1829 = tpu.memref_slice %arg5[%dma_start3A_1828] : memref<16777216xf32, #tpu.memory_space<hbm>> -> memref<16777216xf32, #tpu.memory_space<hbm>>
    tpu.enqueue_indirect_dma source(%dma_start3A_1829 : memref<16777216xf32, #tpu.memory_space<hbm>>) target(%dma_start3A_1824 : memref<128xf32, #tpu.memory_space<vmem>>) offsets(%dma_start3A_1827 : memref<128xi32, #tpu.memory_space<vmem>>) semaphore(%arg16 : memref<!tpu.dma_semaphore, #tpu.memory_space<semaphore_mem>>)
    %dma_start3A_1830 = arith.constant 5 : i32
    %dma_start3A_1831 = arith.constant 9 : i32
    %dma_start3A_1832 = arith.constant 5 : i32
    %dma_start3A_1833 = arith.constant 1152 : i32
    %dma_start3A_1834 = tpu.memref_slice %arg10[%dma_start3A_1832, %dma_start3A_1833] : memref<8x2048xf32, #tpu.memory_space<vmem>> -> memref<1x128xf32, #tpu.memory_space<vmem>>
    %dma_start3A_1835 = tpu.memref_squeeze %dma_start3A_1834 : memref<1x128xf32, #tpu.memory_space<vmem>> -> memref<128xf32, #tpu.memory_space<vmem>>
    %dma_start3A_1836 = arith.constant 0 : i32
    %dma_start3A_1837 = tpu.memref_slice %arg9[%dma_start3A_1830, %dma_start3A_1831, %dma_start3A_1836] : memref<8x16x128xi32, #tpu.memory_space<vmem>> -> memref<1x1x128xi32, #tpu.memory_space<vmem>>
    %dma_start3A_1838 = tpu.memref_squeeze %dma_start3A_1837 : memref<1x1x128xi32, #tpu.memory_space<vmem>> -> memref<128xi32, #tpu.memory_space<vmem>>
    %dma_start3A_1839 = arith.constant 0 : i32
    %dma_start3A_1840 = tpu.memref_slice %arg5[%dma_start3A_1839] : memref<16777216xf32, #tpu.memory_space<hbm>> -> memref<16777216xf32, #tpu.memory_space<hbm>>
    tpu.enqueue_indirect_dma source(%dma_start3A_1840 : memref<16777216xf32, #tpu.memory_space<hbm>>) target(%dma_start3A_1835 : memref<128xf32, #tpu.memory_space<vmem>>) offsets(%dma_start3A_1838 : memref<128xi32, #tpu.memory_space<vmem>>) semaphore(%arg16 : memref<!tpu.dma_semaphore, #tpu.memory_space<semaphore_mem>>)
    %dma_start3A_1841 = arith.constant 6 : i32
    %dma_start3A_1842 = arith.constant 9 : i32
    %dma_start3A_1843 = arith.constant 6 : i32
    %dma_start3A_1844 = arith.constant 1152 : i32
    %dma_start3A_1845 = tpu.memref_slice %arg10[%dma_start3A_1843, %dma_start3A_1844] : memref<8x2048xf32, #tpu.memory_space<vmem>> -> memref<1x128xf32, #tpu.memory_space<vmem>>
    %dma_start3A_1846 = tpu.memref_squeeze %dma_start3A_1845 : memref<1x128xf32, #tpu.memory_space<vmem>> -> memref<128xf32, #tpu.memory_space<vmem>>
    %dma_start3A_1847 = arith.constant 0 : i32
    %dma_start3A_1848 = tpu.memref_slice %arg9[%dma_start3A_1841, %dma_start3A_1842, %dma_start3A_1847] : memref<8x16x128xi32, #tpu.memory_space<vmem>> -> memref<1x1x128xi32, #tpu.memory_space<vmem>>
    %dma_start3A_1849 = tpu.memref_squeeze %dma_start3A_1848 : memref<1x1x128xi32, #tpu.memory_space<vmem>> -> memref<128xi32, #tpu.memory_space<vmem>>
    %dma_start3A_1850 = arith.constant 0 : i32
    %dma_start3A_1851 = tpu.memref_slice %arg5[%dma_start3A_1850] : memref<16777216xf32, #tpu.memory_space<hbm>> -> memref<16777216xf32, #tpu.memory_space<hbm>>
    tpu.enqueue_indirect_dma source(%dma_start3A_1851 : memref<16777216xf32, #tpu.memory_space<hbm>>) target(%dma_start3A_1846 : memref<128xf32, #tpu.memory_space<vmem>>) offsets(%dma_start3A_1849 : memref<128xi32, #tpu.memory_space<vmem>>) semaphore(%arg16 : memref<!tpu.dma_semaphore, #tpu.memory_space<semaphore_mem>>)
    %dma_start3A_1852 = arith.constant 7 : i32
    %dma_start3A_1853 = arith.constant 9 : i32
    %dma_start3A_1854 = arith.constant 7 : i32
    %dma_start3A_1855 = arith.constant 1152 : i32
    %dma_start3A_1856 = tpu.memref_slice %arg10[%dma_start3A_1854, %dma_start3A_1855] : memref<8x2048xf32, #tpu.memory_space<vmem>> -> memref<1x128xf32, #tpu.memory_space<vmem>>
    %dma_start3A_1857 = tpu.memref_squeeze %dma_start3A_1856 : memref<1x128xf32, #tpu.memory_space<vmem>> -> memref<128xf32, #tpu.memory_space<vmem>>
    %dma_start3A_1858 = arith.constant 0 : i32
    %dma_start3A_1859 = tpu.memref_slice %arg9[%dma_start3A_1852, %dma_start3A_1853, %dma_start3A_1858] : memref<8x16x128xi32, #tpu.memory_space<vmem>> -> memref<1x1x128xi32, #tpu.memory_space<vmem>>
    %dma_start3A_1860 = tpu.memref_squeeze %dma_start3A_1859 : memref<1x1x128xi32, #tpu.memory_space<vmem>> -> memref<128xi32, #tpu.memory_space<vmem>>
    %dma_start3A_1861 = arith.constant 0 : i32
    %dma_start3A_1862 = tpu.memref_slice %arg5[%dma_start3A_1861] : memref<16777216xf32, #tpu.memory_space<hbm>> -> memref<16777216xf32, #tpu.memory_space<hbm>>
    tpu.enqueue_indirect_dma source(%dma_start3A_1862 : memref<16777216xf32, #tpu.memory_space<hbm>>) target(%dma_start3A_1857 : memref<128xf32, #tpu.memory_space<vmem>>) offsets(%dma_start3A_1860 : memref<128xi32, #tpu.memory_space<vmem>>) semaphore(%arg16 : memref<!tpu.dma_semaphore, #tpu.memory_space<semaphore_mem>>)
    %dma_wait3A_1863 = arith.constant 0 : i32
    %dma_wait3A_1864 = arith.constant 8 : i32
    %dma_wait3A_1865 = arith.constant 0 : i32
    %dma_wait3A_1866 = arith.constant 1024 : i32
    %dma_wait3A_1867 = tpu.memref_slice %arg10[%dma_wait3A_1865, %dma_wait3A_1866] : memref<8x2048xf32, #tpu.memory_space<vmem>> -> memref<1x128xf32, #tpu.memory_space<vmem>>
    %dma_wait3A_1868 = tpu.memref_squeeze %dma_wait3A_1867 : memref<1x128xf32, #tpu.memory_space<vmem>> -> memref<128xf32, #tpu.memory_space<vmem>>
    %dma_wait3A_1869 = arith.constant 0 : i32
    %dma_wait3A_1870 = tpu.memref_slice %arg9[%dma_wait3A_1863, %dma_wait3A_1864, %dma_wait3A_1869] : memref<8x16x128xi32, #tpu.memory_space<vmem>> -> memref<1x1x128xi32, #tpu.memory_space<vmem>>
    %dma_wait3A_1871 = tpu.memref_squeeze %dma_wait3A_1870 : memref<1x1x128xi32, #tpu.memory_space<vmem>> -> memref<128xi32, #tpu.memory_space<vmem>>
    %dma_wait3A_1872 = arith.constant 0 : i32
    %dma_wait3A_1873 = tpu.memref_slice %arg5[%dma_wait3A_1872] : memref<16777216xf32, #tpu.memory_space<hbm>> -> memref<16777216xf32, #tpu.memory_space<hbm>>
    tpu.wait_indirect_dma semaphore(%arg15 : memref<!tpu.dma_semaphore, #tpu.memory_space<semaphore_mem>>) src(%dma_wait3A_1873 : memref<16777216xf32, #tpu.memory_space<hbm>>) dst(%dma_wait3A_1868 : memref<128xf32, #tpu.memory_space<vmem>>)
    %dma_wait3A_1874 = arith.constant 1 : i32
    %dma_wait3A_1875 = arith.constant 8 : i32
    %dma_wait3A_1876 = arith.constant 1 : i32
    %dma_wait3A_1877 = arith.constant 1024 : i32
    %dma_wait3A_1878 = tpu.memref_slice %arg10[%dma_wait3A_1876, %dma_wait3A_1877] : memref<8x2048xf32, #tpu.memory_space<vmem>> -> memref<1x128xf32, #tpu.memory_space<vmem>>
    %dma_wait3A_1879 = tpu.memref_squeeze %dma_wait3A_1878 : memref<1x128xf32, #tpu.memory_space<vmem>> -> memref<128xf32, #tpu.memory_space<vmem>>
    %dma_wait3A_1880 = arith.constant 0 : i32
    %dma_wait3A_1881 = tpu.memref_slice %arg9[%dma_wait3A_1874, %dma_wait3A_1875, %dma_wait3A_1880] : memref<8x16x128xi32, #tpu.memory_space<vmem>> -> memref<1x1x128xi32, #tpu.memory_space<vmem>>
    %dma_wait3A_1882 = tpu.memref_squeeze %dma_wait3A_1881 : memref<1x1x128xi32, #tpu.memory_space<vmem>> -> memref<128xi32, #tpu.memory_space<vmem>>
    %dma_wait3A_1883 = arith.constant 0 : i32
    %dma_wait3A_1884 = tpu.memref_slice %arg5[%dma_wait3A_1883] : memref<16777216xf32, #tpu.memory_space<hbm>> -> memref<16777216xf32, #tpu.memory_space<hbm>>
    tpu.wait_indirect_dma semaphore(%arg15 : memref<!tpu.dma_semaphore, #tpu.memory_space<semaphore_mem>>) src(%dma_wait3A_1884 : memref<16777216xf32, #tpu.memory_space<hbm>>) dst(%dma_wait3A_1879 : memref<128xf32, #tpu.memory_space<vmem>>)
    %dma_wait3A_1885 = arith.constant 2 : i32
    %dma_wait3A_1886 = arith.constant 8 : i32
    %dma_wait3A_1887 = arith.constant 2 : i32
    %dma_wait3A_1888 = arith.constant 1024 : i32
    %dma_wait3A_1889 = tpu.memref_slice %arg10[%dma_wait3A_1887, %dma_wait3A_1888] : memref<8x2048xf32, #tpu.memory_space<vmem>> -> memref<1x128xf32, #tpu.memory_space<vmem>>
    %dma_wait3A_1890 = tpu.memref_squeeze %dma_wait3A_1889 : memref<1x128xf32, #tpu.memory_space<vmem>> -> memref<128xf32, #tpu.memory_space<vmem>>
    %dma_wait3A_1891 = arith.constant 0 : i32
    %dma_wait3A_1892 = tpu.memref_slice %arg9[%dma_wait3A_1885, %dma_wait3A_1886, %dma_wait3A_1891] : memref<8x16x128xi32, #tpu.memory_space<vmem>> -> memref<1x1x128xi32, #tpu.memory_space<vmem>>
    %dma_wait3A_1893 = tpu.memref_squeeze %dma_wait3A_1892 : memref<1x1x128xi32, #tpu.memory_space<vmem>> -> memref<128xi32, #tpu.memory_space<vmem>>
    %dma_wait3A_1894 = arith.constant 0 : i32
    %dma_wait3A_1895 = tpu.memref_slice %arg5[%dma_wait3A_1894] : memref<16777216xf32, #tpu.memory_space<hbm>> -> memref<16777216xf32, #tpu.memory_space<hbm>>
    tpu.wait_indirect_dma semaphore(%arg15 : memref<!tpu.dma_semaphore, #tpu.memory_space<semaphore_mem>>) src(%dma_wait3A_1895 : memref<16777216xf32, #tpu.memory_space<hbm>>) dst(%dma_wait3A_1890 : memref<128xf32, #tpu.memory_space<vmem>>)
    %dma_wait3A_1896 = arith.constant 3 : i32
    %dma_wait3A_1897 = arith.constant 8 : i32
    %dma_wait3A_1898 = arith.constant 3 : i32
    %dma_wait3A_1899 = arith.constant 1024 : i32
    %dma_wait3A_1900 = tpu.memref_slice %arg10[%dma_wait3A_1898, %dma_wait3A_1899] : memref<8x2048xf32, #tpu.memory_space<vmem>> -> memref<1x128xf32, #tpu.memory_space<vmem>>
    %dma_wait3A_1901 = tpu.memref_squeeze %dma_wait3A_1900 : memref<1x128xf32, #tpu.memory_space<vmem>> -> memref<128xf32, #tpu.memory_space<vmem>>
    %dma_wait3A_1902 = arith.constant 0 : i32
    %dma_wait3A_1903 = tpu.memref_slice %arg9[%dma_wait3A_1896, %dma_wait3A_1897, %dma_wait3A_1902] : memref<8x16x128xi32, #tpu.memory_space<vmem>> -> memref<1x1x128xi32, #tpu.memory_space<vmem>>
    %dma_wait3A_1904 = tpu.memref_squeeze %dma_wait3A_1903 : memref<1x1x128xi32, #tpu.memory_space<vmem>> -> memref<128xi32, #tpu.memory_space<vmem>>
    %dma_wait3A_1905 = arith.constant 0 : i32
    %dma_wait3A_1906 = tpu.memref_slice %arg5[%dma_wait3A_1905] : memref<16777216xf32, #tpu.memory_space<hbm>> -> memref<16777216xf32, #tpu.memory_space<hbm>>
    tpu.wait_indirect_dma semaphore(%arg15 : memref<!tpu.dma_semaphore, #tpu.memory_space<semaphore_mem>>) src(%dma_wait3A_1906 : memref<16777216xf32, #tpu.memory_space<hbm>>) dst(%dma_wait3A_1901 : memref<128xf32, #tpu.memory_space<vmem>>)
    %dma_wait3A_1907 = arith.constant 4 : i32
    %dma_wait3A_1908 = arith.constant 8 : i32
    %dma_wait3A_1909 = arith.constant 4 : i32
    %dma_wait3A_1910 = arith.constant 1024 : i32
    %dma_wait3A_1911 = tpu.memref_slice %arg10[%dma_wait3A_1909, %dma_wait3A_1910] : memref<8x2048xf32, #tpu.memory_space<vmem>> -> memref<1x128xf32, #tpu.memory_space<vmem>>
    %dma_wait3A_1912 = tpu.memref_squeeze %dma_wait3A_1911 : memref<1x128xf32, #tpu.memory_space<vmem>> -> memref<128xf32, #tpu.memory_space<vmem>>
    %dma_wait3A_1913 = arith.constant 0 : i32
    %dma_wait3A_1914 = tpu.memref_slice %arg9[%dma_wait3A_1907, %dma_wait3A_1908, %dma_wait3A_1913] : memref<8x16x128xi32, #tpu.memory_space<vmem>> -> memref<1x1x128xi32, #tpu.memory_space<vmem>>
    %dma_wait3A_1915 = tpu.memref_squeeze %dma_wait3A_1914 : memref<1x1x128xi32, #tpu.memory_space<vmem>> -> memref<128xi32, #tpu.memory_space<vmem>>
    %dma_wait3A_1916 = arith.constant 0 : i32
    %dma_wait3A_1917 = tpu.memref_slice %arg5[%dma_wait3A_1916] : memref<16777216xf32, #tpu.memory_space<hbm>> -> memref<16777216xf32, #tpu.memory_space<hbm>>
    tpu.wait_indirect_dma semaphore(%arg15 : memref<!tpu.dma_semaphore, #tpu.memory_space<semaphore_mem>>) src(%dma_wait3A_1917 : memref<16777216xf32, #tpu.memory_space<hbm>>) dst(%dma_wait3A_1912 : memref<128xf32, #tpu.memory_space<vmem>>)
    %dma_wait3A_1918 = arith.constant 5 : i32
    %dma_wait3A_1919 = arith.constant 8 : i32
    %dma_wait3A_1920 = arith.constant 5 : i32
    %dma_wait3A_1921 = arith.constant 1024 : i32
    %dma_wait3A_1922 = tpu.memref_slice %arg10[%dma_wait3A_1920, %dma_wait3A_1921] : memref<8x2048xf32, #tpu.memory_space<vmem>> -> memref<1x128xf32, #tpu.memory_space<vmem>>
    %dma_wait3A_1923 = tpu.memref_squeeze %dma_wait3A_1922 : memref<1x128xf32, #tpu.memory_space<vmem>> -> memref<128xf32, #tpu.memory_space<vmem>>
    %dma_wait3A_1924 = arith.constant 0 : i32
    %dma_wait3A_1925 = tpu.memref_slice %arg9[%dma_wait3A_1918, %dma_wait3A_1919, %dma_wait3A_1924] : memref<8x16x128xi32, #tpu.memory_space<vmem>> -> memref<1x1x128xi32, #tpu.memory_space<vmem>>
    %dma_wait3A_1926 = tpu.memref_squeeze %dma_wait3A_1925 : memref<1x1x128xi32, #tpu.memory_space<vmem>> -> memref<128xi32, #tpu.memory_space<vmem>>
    %dma_wait3A_1927 = arith.constant 0 : i32
    %dma_wait3A_1928 = tpu.memref_slice %arg5[%dma_wait3A_1927] : memref<16777216xf32, #tpu.memory_space<hbm>> -> memref<16777216xf32, #tpu.memory_space<hbm>>
    tpu.wait_indirect_dma semaphore(%arg15 : memref<!tpu.dma_semaphore, #tpu.memory_space<semaphore_mem>>) src(%dma_wait3A_1928 : memref<16777216xf32, #tpu.memory_space<hbm>>) dst(%dma_wait3A_1923 : memref<128xf32, #tpu.memory_space<vmem>>)
    %dma_wait3A_1929 = arith.constant 6 : i32
    %dma_wait3A_1930 = arith.constant 8 : i32
    %dma_wait3A_1931 = arith.constant 6 : i32
    %dma_wait3A_1932 = arith.constant 1024 : i32
    %dma_wait3A_1933 = tpu.memref_slice %arg10[%dma_wait3A_1931, %dma_wait3A_1932] : memref<8x2048xf32, #tpu.memory_space<vmem>> -> memref<1x128xf32, #tpu.memory_space<vmem>>
    %dma_wait3A_1934 = tpu.memref_squeeze %dma_wait3A_1933 : memref<1x128xf32, #tpu.memory_space<vmem>> -> memref<128xf32, #tpu.memory_space<vmem>>
    %dma_wait3A_1935 = arith.constant 0 : i32
    %dma_wait3A_1936 = tpu.memref_slice %arg9[%dma_wait3A_1929, %dma_wait3A_1930, %dma_wait3A_1935] : memref<8x16x128xi32, #tpu.memory_space<vmem>> -> memref<1x1x128xi32, #tpu.memory_space<vmem>>
    %dma_wait3A_1937 = tpu.memref_squeeze %dma_wait3A_1936 : memref<1x1x128xi32, #tpu.memory_space<vmem>> -> memref<128xi32, #tpu.memory_space<vmem>>
    %dma_wait3A_1938 = arith.constant 0 : i32
    %dma_wait3A_1939 = tpu.memref_slice %arg5[%dma_wait3A_1938] : memref<16777216xf32, #tpu.memory_space<hbm>> -> memref<16777216xf32, #tpu.memory_space<hbm>>
    tpu.wait_indirect_dma semaphore(%arg15 : memref<!tpu.dma_semaphore, #tpu.memory_space<semaphore_mem>>) src(%dma_wait3A_1939 : memref<16777216xf32, #tpu.memory_space<hbm>>) dst(%dma_wait3A_1934 : memref<128xf32, #tpu.memory_space<vmem>>)
    %dma_wait3A_1940 = arith.constant 7 : i32
    %dma_wait3A_1941 = arith.constant 8 : i32
    %dma_wait3A_1942 = arith.constant 7 : i32
    %dma_wait3A_1943 = arith.constant 1024 : i32
    %dma_wait3A_1944 = tpu.memref_slice %arg10[%dma_wait3A_1942, %dma_wait3A_1943] : memref<8x2048xf32, #tpu.memory_space<vmem>> -> memref<1x128xf32, #tpu.memory_space<vmem>>
    %dma_wait3A_1945 = tpu.memref_squeeze %dma_wait3A_1944 : memref<1x128xf32, #tpu.memory_space<vmem>> -> memref<128xf32, #tpu.memory_space<vmem>>
    %dma_wait3A_1946 = arith.constant 0 : i32
    %dma_wait3A_1947 = tpu.memref_slice %arg9[%dma_wait3A_1940, %dma_wait3A_1941, %dma_wait3A_1946] : memref<8x16x128xi32, #tpu.memory_space<vmem>> -> memref<1x1x128xi32, #tpu.memory_space<vmem>>
    %dma_wait3A_1948 = tpu.memref_squeeze %dma_wait3A_1947 : memref<1x1x128xi32, #tpu.memory_space<vmem>> -> memref<128xi32, #tpu.memory_space<vmem>>
    %dma_wait3A_1949 = arith.constant 0 : i32
    %dma_wait3A_1950 = tpu.memref_slice %arg5[%dma_wait3A_1949] : memref<16777216xf32, #tpu.memory_space<hbm>> -> memref<16777216xf32, #tpu.memory_space<hbm>>
    tpu.wait_indirect_dma semaphore(%arg15 : memref<!tpu.dma_semaphore, #tpu.memory_space<semaphore_mem>>) src(%dma_wait3A_1950 : memref<16777216xf32, #tpu.memory_space<hbm>>) dst(%dma_wait3A_1945 : memref<128xf32, #tpu.memory_space<vmem>>)
    %dma_start3A_1951 = arith.constant 0 : i32
    %dma_start3A_1952 = arith.constant 10 : i32
    %dma_start3A_1953 = arith.constant 0 : i32
    %dma_start3A_1954 = arith.constant 1280 : i32
    %dma_start3A_1955 = tpu.memref_slice %arg10[%dma_start3A_1953, %dma_start3A_1954] : memref<8x2048xf32, #tpu.memory_space<vmem>> -> memref<1x128xf32, #tpu.memory_space<vmem>>
    %dma_start3A_1956 = tpu.memref_squeeze %dma_start3A_1955 : memref<1x128xf32, #tpu.memory_space<vmem>> -> memref<128xf32, #tpu.memory_space<vmem>>
    %dma_start3A_1957 = arith.constant 0 : i32
    %dma_start3A_1958 = tpu.memref_slice %arg9[%dma_start3A_1951, %dma_start3A_1952, %dma_start3A_1957] : memref<8x16x128xi32, #tpu.memory_space<vmem>> -> memref<1x1x128xi32, #tpu.memory_space<vmem>>
    %dma_start3A_1959 = tpu.memref_squeeze %dma_start3A_1958 : memref<1x1x128xi32, #tpu.memory_space<vmem>> -> memref<128xi32, #tpu.memory_space<vmem>>
    %dma_start3A_1960 = arith.constant 0 : i32
    %dma_start3A_1961 = tpu.memref_slice %arg5[%dma_start3A_1960] : memref<16777216xf32, #tpu.memory_space<hbm>> -> memref<16777216xf32, #tpu.memory_space<hbm>>
    tpu.enqueue_indirect_dma source(%dma_start3A_1961 : memref<16777216xf32, #tpu.memory_space<hbm>>) target(%dma_start3A_1956 : memref<128xf32, #tpu.memory_space<vmem>>) offsets(%dma_start3A_1959 : memref<128xi32, #tpu.memory_space<vmem>>) semaphore(%arg15 : memref<!tpu.dma_semaphore, #tpu.memory_space<semaphore_mem>>)
    %dma_start3A_1962 = arith.constant 1 : i32
    %dma_start3A_1963 = arith.constant 10 : i32
    %dma_start3A_1964 = arith.constant 1 : i32
    %dma_start3A_1965 = arith.constant 1280 : i32
    %dma_start3A_1966 = tpu.memref_slice %arg10[%dma_start3A_1964, %dma_start3A_1965] : memref<8x2048xf32, #tpu.memory_space<vmem>> -> memref<1x128xf32, #tpu.memory_space<vmem>>
    %dma_start3A_1967 = tpu.memref_squeeze %dma_start3A_1966 : memref<1x128xf32, #tpu.memory_space<vmem>> -> memref<128xf32, #tpu.memory_space<vmem>>
    %dma_start3A_1968 = arith.constant 0 : i32
    %dma_start3A_1969 = tpu.memref_slice %arg9[%dma_start3A_1962, %dma_start3A_1963, %dma_start3A_1968] : memref<8x16x128xi32, #tpu.memory_space<vmem>> -> memref<1x1x128xi32, #tpu.memory_space<vmem>>
    %dma_start3A_1970 = tpu.memref_squeeze %dma_start3A_1969 : memref<1x1x128xi32, #tpu.memory_space<vmem>> -> memref<128xi32, #tpu.memory_space<vmem>>
    %dma_start3A_1971 = arith.constant 0 : i32
    %dma_start3A_1972 = tpu.memref_slice %arg5[%dma_start3A_1971] : memref<16777216xf32, #tpu.memory_space<hbm>> -> memref<16777216xf32, #tpu.memory_space<hbm>>
    tpu.enqueue_indirect_dma source(%dma_start3A_1972 : memref<16777216xf32, #tpu.memory_space<hbm>>) target(%dma_start3A_1967 : memref<128xf32, #tpu.memory_space<vmem>>) offsets(%dma_start3A_1970 : memref<128xi32, #tpu.memory_space<vmem>>) semaphore(%arg15 : memref<!tpu.dma_semaphore, #tpu.memory_space<semaphore_mem>>)
    %dma_start3A_1973 = arith.constant 2 : i32
    %dma_start3A_1974 = arith.constant 10 : i32
    %dma_start3A_1975 = arith.constant 2 : i32
    %dma_start3A_1976 = arith.constant 1280 : i32
    %dma_start3A_1977 = tpu.memref_slice %arg10[%dma_start3A_1975, %dma_start3A_1976] : memref<8x2048xf32, #tpu.memory_space<vmem>> -> memref<1x128xf32, #tpu.memory_space<vmem>>
    %dma_start3A_1978 = tpu.memref_squeeze %dma_start3A_1977 : memref<1x128xf32, #tpu.memory_space<vmem>> -> memref<128xf32, #tpu.memory_space<vmem>>
    %dma_start3A_1979 = arith.constant 0 : i32
    %dma_start3A_1980 = tpu.memref_slice %arg9[%dma_start3A_1973, %dma_start3A_1974, %dma_start3A_1979] : memref<8x16x128xi32, #tpu.memory_space<vmem>> -> memref<1x1x128xi32, #tpu.memory_space<vmem>>
    %dma_start3A_1981 = tpu.memref_squeeze %dma_start3A_1980 : memref<1x1x128xi32, #tpu.memory_space<vmem>> -> memref<128xi32, #tpu.memory_space<vmem>>
    %dma_start3A_1982 = arith.constant 0 : i32
    %dma_start3A_1983 = tpu.memref_slice %arg5[%dma_start3A_1982] : memref<16777216xf32, #tpu.memory_space<hbm>> -> memref<16777216xf32, #tpu.memory_space<hbm>>
    tpu.enqueue_indirect_dma source(%dma_start3A_1983 : memref<16777216xf32, #tpu.memory_space<hbm>>) target(%dma_start3A_1978 : memref<128xf32, #tpu.memory_space<vmem>>) offsets(%dma_start3A_1981 : memref<128xi32, #tpu.memory_space<vmem>>) semaphore(%arg15 : memref<!tpu.dma_semaphore, #tpu.memory_space<semaphore_mem>>)
    %dma_start3A_1984 = arith.constant 3 : i32
    %dma_start3A_1985 = arith.constant 10 : i32
    %dma_start3A_1986 = arith.constant 3 : i32
    %dma_start3A_1987 = arith.constant 1280 : i32
    %dma_start3A_1988 = tpu.memref_slice %arg10[%dma_start3A_1986, %dma_start3A_1987] : memref<8x2048xf32, #tpu.memory_space<vmem>> -> memref<1x128xf32, #tpu.memory_space<vmem>>
    %dma_start3A_1989 = tpu.memref_squeeze %dma_start3A_1988 : memref<1x128xf32, #tpu.memory_space<vmem>> -> memref<128xf32, #tpu.memory_space<vmem>>
    %dma_start3A_1990 = arith.constant 0 : i32
    %dma_start3A_1991 = tpu.memref_slice %arg9[%dma_start3A_1984, %dma_start3A_1985, %dma_start3A_1990] : memref<8x16x128xi32, #tpu.memory_space<vmem>> -> memref<1x1x128xi32, #tpu.memory_space<vmem>>
    %dma_start3A_1992 = tpu.memref_squeeze %dma_start3A_1991 : memref<1x1x128xi32, #tpu.memory_space<vmem>> -> memref<128xi32, #tpu.memory_space<vmem>>
    %dma_start3A_1993 = arith.constant 0 : i32
    %dma_start3A_1994 = tpu.memref_slice %arg5[%dma_start3A_1993] : memref<16777216xf32, #tpu.memory_space<hbm>> -> memref<16777216xf32, #tpu.memory_space<hbm>>
    tpu.enqueue_indirect_dma source(%dma_start3A_1994 : memref<16777216xf32, #tpu.memory_space<hbm>>) target(%dma_start3A_1989 : memref<128xf32, #tpu.memory_space<vmem>>) offsets(%dma_start3A_1992 : memref<128xi32, #tpu.memory_space<vmem>>) semaphore(%arg15 : memref<!tpu.dma_semaphore, #tpu.memory_space<semaphore_mem>>)
    %dma_start3A_1995 = arith.constant 4 : i32
    %dma_start3A_1996 = arith.constant 10 : i32
    %dma_start3A_1997 = arith.constant 4 : i32
    %dma_start3A_1998 = arith.constant 1280 : i32
    %dma_start3A_1999 = tpu.memref_slice %arg10[%dma_start3A_1997, %dma_start3A_1998] : memref<8x2048xf32, #tpu.memory_space<vmem>> -> memref<1x128xf32, #tpu.memory_space<vmem>>
    %dma_start3A_2000 = tpu.memref_squeeze %dma_start3A_1999 : memref<1x128xf32, #tpu.memory_space<vmem>> -> memref<128xf32, #tpu.memory_space<vmem>>
    %dma_start3A_2001 = arith.constant 0 : i32
    %dma_start3A_2002 = tpu.memref_slice %arg9[%dma_start3A_1995, %dma_start3A_1996, %dma_start3A_2001] : memref<8x16x128xi32, #tpu.memory_space<vmem>> -> memref<1x1x128xi32, #tpu.memory_space<vmem>>
    %dma_start3A_2003 = tpu.memref_squeeze %dma_start3A_2002 : memref<1x1x128xi32, #tpu.memory_space<vmem>> -> memref<128xi32, #tpu.memory_space<vmem>>
    %dma_start3A_2004 = arith.constant 0 : i32
    %dma_start3A_2005 = tpu.memref_slice %arg5[%dma_start3A_2004] : memref<16777216xf32, #tpu.memory_space<hbm>> -> memref<16777216xf32, #tpu.memory_space<hbm>>
    tpu.enqueue_indirect_dma source(%dma_start3A_2005 : memref<16777216xf32, #tpu.memory_space<hbm>>) target(%dma_start3A_2000 : memref<128xf32, #tpu.memory_space<vmem>>) offsets(%dma_start3A_2003 : memref<128xi32, #tpu.memory_space<vmem>>) semaphore(%arg15 : memref<!tpu.dma_semaphore, #tpu.memory_space<semaphore_mem>>)
    %dma_start3A_2006 = arith.constant 5 : i32
    %dma_start3A_2007 = arith.constant 10 : i32
    %dma_start3A_2008 = arith.constant 5 : i32
    %dma_start3A_2009 = arith.constant 1280 : i32
    %dma_start3A_2010 = tpu.memref_slice %arg10[%dma_start3A_2008, %dma_start3A_2009] : memref<8x2048xf32, #tpu.memory_space<vmem>> -> memref<1x128xf32, #tpu.memory_space<vmem>>
    %dma_start3A_2011 = tpu.memref_squeeze %dma_start3A_2010 : memref<1x128xf32, #tpu.memory_space<vmem>> -> memref<128xf32, #tpu.memory_space<vmem>>
    %dma_start3A_2012 = arith.constant 0 : i32
    %dma_start3A_2013 = tpu.memref_slice %arg9[%dma_start3A_2006, %dma_start3A_2007, %dma_start3A_2012] : memref<8x16x128xi32, #tpu.memory_space<vmem>> -> memref<1x1x128xi32, #tpu.memory_space<vmem>>
    %dma_start3A_2014 = tpu.memref_squeeze %dma_start3A_2013 : memref<1x1x128xi32, #tpu.memory_space<vmem>> -> memref<128xi32, #tpu.memory_space<vmem>>
    %dma_start3A_2015 = arith.constant 0 : i32
    %dma_start3A_2016 = tpu.memref_slice %arg5[%dma_start3A_2015] : memref<16777216xf32, #tpu.memory_space<hbm>> -> memref<16777216xf32, #tpu.memory_space<hbm>>
    tpu.enqueue_indirect_dma source(%dma_start3A_2016 : memref<16777216xf32, #tpu.memory_space<hbm>>) target(%dma_start3A_2011 : memref<128xf32, #tpu.memory_space<vmem>>) offsets(%dma_start3A_2014 : memref<128xi32, #tpu.memory_space<vmem>>) semaphore(%arg15 : memref<!tpu.dma_semaphore, #tpu.memory_space<semaphore_mem>>)
    %dma_start3A_2017 = arith.constant 6 : i32
    %dma_start3A_2018 = arith.constant 10 : i32
    %dma_start3A_2019 = arith.constant 6 : i32
    %dma_start3A_2020 = arith.constant 1280 : i32
    %dma_start3A_2021 = tpu.memref_slice %arg10[%dma_start3A_2019, %dma_start3A_2020] : memref<8x2048xf32, #tpu.memory_space<vmem>> -> memref<1x128xf32, #tpu.memory_space<vmem>>
    %dma_start3A_2022 = tpu.memref_squeeze %dma_start3A_2021 : memref<1x128xf32, #tpu.memory_space<vmem>> -> memref<128xf32, #tpu.memory_space<vmem>>
    %dma_start3A_2023 = arith.constant 0 : i32
    %dma_start3A_2024 = tpu.memref_slice %arg9[%dma_start3A_2017, %dma_start3A_2018, %dma_start3A_2023] : memref<8x16x128xi32, #tpu.memory_space<vmem>> -> memref<1x1x128xi32, #tpu.memory_space<vmem>>
    %dma_start3A_2025 = tpu.memref_squeeze %dma_start3A_2024 : memref<1x1x128xi32, #tpu.memory_space<vmem>> -> memref<128xi32, #tpu.memory_space<vmem>>
    %dma_start3A_2026 = arith.constant 0 : i32
    %dma_start3A_2027 = tpu.memref_slice %arg5[%dma_start3A_2026] : memref<16777216xf32, #tpu.memory_space<hbm>> -> memref<16777216xf32, #tpu.memory_space<hbm>>
    tpu.enqueue_indirect_dma source(%dma_start3A_2027 : memref<16777216xf32, #tpu.memory_space<hbm>>) target(%dma_start3A_2022 : memref<128xf32, #tpu.memory_space<vmem>>) offsets(%dma_start3A_2025 : memref<128xi32, #tpu.memory_space<vmem>>) semaphore(%arg15 : memref<!tpu.dma_semaphore, #tpu.memory_space<semaphore_mem>>)
    %dma_start3A_2028 = arith.constant 7 : i32
    %dma_start3A_2029 = arith.constant 10 : i32
    %dma_start3A_2030 = arith.constant 7 : i32
    %dma_start3A_2031 = arith.constant 1280 : i32
    %dma_start3A_2032 = tpu.memref_slice %arg10[%dma_start3A_2030, %dma_start3A_2031] : memref<8x2048xf32, #tpu.memory_space<vmem>> -> memref<1x128xf32, #tpu.memory_space<vmem>>
    %dma_start3A_2033 = tpu.memref_squeeze %dma_start3A_2032 : memref<1x128xf32, #tpu.memory_space<vmem>> -> memref<128xf32, #tpu.memory_space<vmem>>
    %dma_start3A_2034 = arith.constant 0 : i32
    %dma_start3A_2035 = tpu.memref_slice %arg9[%dma_start3A_2028, %dma_start3A_2029, %dma_start3A_2034] : memref<8x16x128xi32, #tpu.memory_space<vmem>> -> memref<1x1x128xi32, #tpu.memory_space<vmem>>
    %dma_start3A_2036 = tpu.memref_squeeze %dma_start3A_2035 : memref<1x1x128xi32, #tpu.memory_space<vmem>> -> memref<128xi32, #tpu.memory_space<vmem>>
    %dma_start3A_2037 = arith.constant 0 : i32
    %dma_start3A_2038 = tpu.memref_slice %arg5[%dma_start3A_2037] : memref<16777216xf32, #tpu.memory_space<hbm>> -> memref<16777216xf32, #tpu.memory_space<hbm>>
    tpu.enqueue_indirect_dma source(%dma_start3A_2038 : memref<16777216xf32, #tpu.memory_space<hbm>>) target(%dma_start3A_2033 : memref<128xf32, #tpu.memory_space<vmem>>) offsets(%dma_start3A_2036 : memref<128xi32, #tpu.memory_space<vmem>>) semaphore(%arg15 : memref<!tpu.dma_semaphore, #tpu.memory_space<semaphore_mem>>)
    %dma_wait3A_2039 = arith.constant 0 : i32
    %dma_wait3A_2040 = arith.constant 9 : i32
    %dma_wait3A_2041 = arith.constant 0 : i32
    %dma_wait3A_2042 = arith.constant 1152 : i32
    %dma_wait3A_2043 = tpu.memref_slice %arg10[%dma_wait3A_2041, %dma_wait3A_2042] : memref<8x2048xf32, #tpu.memory_space<vmem>> -> memref<1x128xf32, #tpu.memory_space<vmem>>
    %dma_wait3A_2044 = tpu.memref_squeeze %dma_wait3A_2043 : memref<1x128xf32, #tpu.memory_space<vmem>> -> memref<128xf32, #tpu.memory_space<vmem>>
    %dma_wait3A_2045 = arith.constant 0 : i32
    %dma_wait3A_2046 = tpu.memref_slice %arg9[%dma_wait3A_2039, %dma_wait3A_2040, %dma_wait3A_2045] : memref<8x16x128xi32, #tpu.memory_space<vmem>> -> memref<1x1x128xi32, #tpu.memory_space<vmem>>
    %dma_wait3A_2047 = tpu.memref_squeeze %dma_wait3A_2046 : memref<1x1x128xi32, #tpu.memory_space<vmem>> -> memref<128xi32, #tpu.memory_space<vmem>>
    %dma_wait3A_2048 = arith.constant 0 : i32
    %dma_wait3A_2049 = tpu.memref_slice %arg5[%dma_wait3A_2048] : memref<16777216xf32, #tpu.memory_space<hbm>> -> memref<16777216xf32, #tpu.memory_space<hbm>>
    tpu.wait_indirect_dma semaphore(%arg16 : memref<!tpu.dma_semaphore, #tpu.memory_space<semaphore_mem>>) src(%dma_wait3A_2049 : memref<16777216xf32, #tpu.memory_space<hbm>>) dst(%dma_wait3A_2044 : memref<128xf32, #tpu.memory_space<vmem>>)
    %dma_wait3A_2050 = arith.constant 1 : i32
    %dma_wait3A_2051 = arith.constant 9 : i32
    %dma_wait3A_2052 = arith.constant 1 : i32
    %dma_wait3A_2053 = arith.constant 1152 : i32
    %dma_wait3A_2054 = tpu.memref_slice %arg10[%dma_wait3A_2052, %dma_wait3A_2053] : memref<8x2048xf32, #tpu.memory_space<vmem>> -> memref<1x128xf32, #tpu.memory_space<vmem>>
    %dma_wait3A_2055 = tpu.memref_squeeze %dma_wait3A_2054 : memref<1x128xf32, #tpu.memory_space<vmem>> -> memref<128xf32, #tpu.memory_space<vmem>>
    %dma_wait3A_2056 = arith.constant 0 : i32
    %dma_wait3A_2057 = tpu.memref_slice %arg9[%dma_wait3A_2050, %dma_wait3A_2051, %dma_wait3A_2056] : memref<8x16x128xi32, #tpu.memory_space<vmem>> -> memref<1x1x128xi32, #tpu.memory_space<vmem>>
    %dma_wait3A_2058 = tpu.memref_squeeze %dma_wait3A_2057 : memref<1x1x128xi32, #tpu.memory_space<vmem>> -> memref<128xi32, #tpu.memory_space<vmem>>
    %dma_wait3A_2059 = arith.constant 0 : i32
    %dma_wait3A_2060 = tpu.memref_slice %arg5[%dma_wait3A_2059] : memref<16777216xf32, #tpu.memory_space<hbm>> -> memref<16777216xf32, #tpu.memory_space<hbm>>
    tpu.wait_indirect_dma semaphore(%arg16 : memref<!tpu.dma_semaphore, #tpu.memory_space<semaphore_mem>>) src(%dma_wait3A_2060 : memref<16777216xf32, #tpu.memory_space<hbm>>) dst(%dma_wait3A_2055 : memref<128xf32, #tpu.memory_space<vmem>>)
    %dma_wait3A_2061 = arith.constant 2 : i32
    %dma_wait3A_2062 = arith.constant 9 : i32
    %dma_wait3A_2063 = arith.constant 2 : i32
    %dma_wait3A_2064 = arith.constant 1152 : i32
    %dma_wait3A_2065 = tpu.memref_slice %arg10[%dma_wait3A_2063, %dma_wait3A_2064] : memref<8x2048xf32, #tpu.memory_space<vmem>> -> memref<1x128xf32, #tpu.memory_space<vmem>>
    %dma_wait3A_2066 = tpu.memref_squeeze %dma_wait3A_2065 : memref<1x128xf32, #tpu.memory_space<vmem>> -> memref<128xf32, #tpu.memory_space<vmem>>
    %dma_wait3A_2067 = arith.constant 0 : i32
    %dma_wait3A_2068 = tpu.memref_slice %arg9[%dma_wait3A_2061, %dma_wait3A_2062, %dma_wait3A_2067] : memref<8x16x128xi32, #tpu.memory_space<vmem>> -> memref<1x1x128xi32, #tpu.memory_space<vmem>>
    %dma_wait3A_2069 = tpu.memref_squeeze %dma_wait3A_2068 : memref<1x1x128xi32, #tpu.memory_space<vmem>> -> memref<128xi32, #tpu.memory_space<vmem>>
    %dma_wait3A_2070 = arith.constant 0 : i32
    %dma_wait3A_2071 = tpu.memref_slice %arg5[%dma_wait3A_2070] : memref<16777216xf32, #tpu.memory_space<hbm>> -> memref<16777216xf32, #tpu.memory_space<hbm>>
    tpu.wait_indirect_dma semaphore(%arg16 : memref<!tpu.dma_semaphore, #tpu.memory_space<semaphore_mem>>) src(%dma_wait3A_2071 : memref<16777216xf32, #tpu.memory_space<hbm>>) dst(%dma_wait3A_2066 : memref<128xf32, #tpu.memory_space<vmem>>)
    %dma_wait3A_2072 = arith.constant 3 : i32
    %dma_wait3A_2073 = arith.constant 9 : i32
    %dma_wait3A_2074 = arith.constant 3 : i32
    %dma_wait3A_2075 = arith.constant 1152 : i32
    %dma_wait3A_2076 = tpu.memref_slice %arg10[%dma_wait3A_2074, %dma_wait3A_2075] : memref<8x2048xf32, #tpu.memory_space<vmem>> -> memref<1x128xf32, #tpu.memory_space<vmem>>
    %dma_wait3A_2077 = tpu.memref_squeeze %dma_wait3A_2076 : memref<1x128xf32, #tpu.memory_space<vmem>> -> memref<128xf32, #tpu.memory_space<vmem>>
    %dma_wait3A_2078 = arith.constant 0 : i32
    %dma_wait3A_2079 = tpu.memref_slice %arg9[%dma_wait3A_2072, %dma_wait3A_2073, %dma_wait3A_2078] : memref<8x16x128xi32, #tpu.memory_space<vmem>> -> memref<1x1x128xi32, #tpu.memory_space<vmem>>
    %dma_wait3A_2080 = tpu.memref_squeeze %dma_wait3A_2079 : memref<1x1x128xi32, #tpu.memory_space<vmem>> -> memref<128xi32, #tpu.memory_space<vmem>>
    %dma_wait3A_2081 = arith.constant 0 : i32
    %dma_wait3A_2082 = tpu.memref_slice %arg5[%dma_wait3A_2081] : memref<16777216xf32, #tpu.memory_space<hbm>> -> memref<16777216xf32, #tpu.memory_space<hbm>>
    tpu.wait_indirect_dma semaphore(%arg16 : memref<!tpu.dma_semaphore, #tpu.memory_space<semaphore_mem>>) src(%dma_wait3A_2082 : memref<16777216xf32, #tpu.memory_space<hbm>>) dst(%dma_wait3A_2077 : memref<128xf32, #tpu.memory_space<vmem>>)
    %dma_wait3A_2083 = arith.constant 4 : i32
    %dma_wait3A_2084 = arith.constant 9 : i32
    %dma_wait3A_2085 = arith.constant 4 : i32
    %dma_wait3A_2086 = arith.constant 1152 : i32
    %dma_wait3A_2087 = tpu.memref_slice %arg10[%dma_wait3A_2085, %dma_wait3A_2086] : memref<8x2048xf32, #tpu.memory_space<vmem>> -> memref<1x128xf32, #tpu.memory_space<vmem>>
    %dma_wait3A_2088 = tpu.memref_squeeze %dma_wait3A_2087 : memref<1x128xf32, #tpu.memory_space<vmem>> -> memref<128xf32, #tpu.memory_space<vmem>>
    %dma_wait3A_2089 = arith.constant 0 : i32
    %dma_wait3A_2090 = tpu.memref_slice %arg9[%dma_wait3A_2083, %dma_wait3A_2084, %dma_wait3A_2089] : memref<8x16x128xi32, #tpu.memory_space<vmem>> -> memref<1x1x128xi32, #tpu.memory_space<vmem>>
    %dma_wait3A_2091 = tpu.memref_squeeze %dma_wait3A_2090 : memref<1x1x128xi32, #tpu.memory_space<vmem>> -> memref<128xi32, #tpu.memory_space<vmem>>
    %dma_wait3A_2092 = arith.constant 0 : i32
    %dma_wait3A_2093 = tpu.memref_slice %arg5[%dma_wait3A_2092] : memref<16777216xf32, #tpu.memory_space<hbm>> -> memref<16777216xf32, #tpu.memory_space<hbm>>
    tpu.wait_indirect_dma semaphore(%arg16 : memref<!tpu.dma_semaphore, #tpu.memory_space<semaphore_mem>>) src(%dma_wait3A_2093 : memref<16777216xf32, #tpu.memory_space<hbm>>) dst(%dma_wait3A_2088 : memref<128xf32, #tpu.memory_space<vmem>>)
    %dma_wait3A_2094 = arith.constant 5 : i32
    %dma_wait3A_2095 = arith.constant 9 : i32
    %dma_wait3A_2096 = arith.constant 5 : i32
    %dma_wait3A_2097 = arith.constant 1152 : i32
    %dma_wait3A_2098 = tpu.memref_slice %arg10[%dma_wait3A_2096, %dma_wait3A_2097] : memref<8x2048xf32, #tpu.memory_space<vmem>> -> memref<1x128xf32, #tpu.memory_space<vmem>>
    %dma_wait3A_2099 = tpu.memref_squeeze %dma_wait3A_2098 : memref<1x128xf32, #tpu.memory_space<vmem>> -> memref<128xf32, #tpu.memory_space<vmem>>
    %dma_wait3A_2100 = arith.constant 0 : i32
    %dma_wait3A_2101 = tpu.memref_slice %arg9[%dma_wait3A_2094, %dma_wait3A_2095, %dma_wait3A_2100] : memref<8x16x128xi32, #tpu.memory_space<vmem>> -> memref<1x1x128xi32, #tpu.memory_space<vmem>>
    %dma_wait3A_2102 = tpu.memref_squeeze %dma_wait3A_2101 : memref<1x1x128xi32, #tpu.memory_space<vmem>> -> memref<128xi32, #tpu.memory_space<vmem>>
    %dma_wait3A_2103 = arith.constant 0 : i32
    %dma_wait3A_2104 = tpu.memref_slice %arg5[%dma_wait3A_2103] : memref<16777216xf32, #tpu.memory_space<hbm>> -> memref<16777216xf32, #tpu.memory_space<hbm>>
    tpu.wait_indirect_dma semaphore(%arg16 : memref<!tpu.dma_semaphore, #tpu.memory_space<semaphore_mem>>) src(%dma_wait3A_2104 : memref<16777216xf32, #tpu.memory_space<hbm>>) dst(%dma_wait3A_2099 : memref<128xf32, #tpu.memory_space<vmem>>)
    %dma_wait3A_2105 = arith.constant 6 : i32
    %dma_wait3A_2106 = arith.constant 9 : i32
    %dma_wait3A_2107 = arith.constant 6 : i32
    %dma_wait3A_2108 = arith.constant 1152 : i32
    %dma_wait3A_2109 = tpu.memref_slice %arg10[%dma_wait3A_2107, %dma_wait3A_2108] : memref<8x2048xf32, #tpu.memory_space<vmem>> -> memref<1x128xf32, #tpu.memory_space<vmem>>
    %dma_wait3A_2110 = tpu.memref_squeeze %dma_wait3A_2109 : memref<1x128xf32, #tpu.memory_space<vmem>> -> memref<128xf32, #tpu.memory_space<vmem>>
    %dma_wait3A_2111 = arith.constant 0 : i32
    %dma_wait3A_2112 = tpu.memref_slice %arg9[%dma_wait3A_2105, %dma_wait3A_2106, %dma_wait3A_2111] : memref<8x16x128xi32, #tpu.memory_space<vmem>> -> memref<1x1x128xi32, #tpu.memory_space<vmem>>
    %dma_wait3A_2113 = tpu.memref_squeeze %dma_wait3A_2112 : memref<1x1x128xi32, #tpu.memory_space<vmem>> -> memref<128xi32, #tpu.memory_space<vmem>>
    %dma_wait3A_2114 = arith.constant 0 : i32
    %dma_wait3A_2115 = tpu.memref_slice %arg5[%dma_wait3A_2114] : memref<16777216xf32, #tpu.memory_space<hbm>> -> memref<16777216xf32, #tpu.memory_space<hbm>>
    tpu.wait_indirect_dma semaphore(%arg16 : memref<!tpu.dma_semaphore, #tpu.memory_space<semaphore_mem>>) src(%dma_wait3A_2115 : memref<16777216xf32, #tpu.memory_space<hbm>>) dst(%dma_wait3A_2110 : memref<128xf32, #tpu.memory_space<vmem>>)
    %dma_wait3A_2116 = arith.constant 7 : i32
    %dma_wait3A_2117 = arith.constant 9 : i32
    %dma_wait3A_2118 = arith.constant 7 : i32
    %dma_wait3A_2119 = arith.constant 1152 : i32
    %dma_wait3A_2120 = tpu.memref_slice %arg10[%dma_wait3A_2118, %dma_wait3A_2119] : memref<8x2048xf32, #tpu.memory_space<vmem>> -> memref<1x128xf32, #tpu.memory_space<vmem>>
    %dma_wait3A_2121 = tpu.memref_squeeze %dma_wait3A_2120 : memref<1x128xf32, #tpu.memory_space<vmem>> -> memref<128xf32, #tpu.memory_space<vmem>>
    %dma_wait3A_2122 = arith.constant 0 : i32
    %dma_wait3A_2123 = tpu.memref_slice %arg9[%dma_wait3A_2116, %dma_wait3A_2117, %dma_wait3A_2122] : memref<8x16x128xi32, #tpu.memory_space<vmem>> -> memref<1x1x128xi32, #tpu.memory_space<vmem>>
    %dma_wait3A_2124 = tpu.memref_squeeze %dma_wait3A_2123 : memref<1x1x128xi32, #tpu.memory_space<vmem>> -> memref<128xi32, #tpu.memory_space<vmem>>
    %dma_wait3A_2125 = arith.constant 0 : i32
    %dma_wait3A_2126 = tpu.memref_slice %arg5[%dma_wait3A_2125] : memref<16777216xf32, #tpu.memory_space<hbm>> -> memref<16777216xf32, #tpu.memory_space<hbm>>
    tpu.wait_indirect_dma semaphore(%arg16 : memref<!tpu.dma_semaphore, #tpu.memory_space<semaphore_mem>>) src(%dma_wait3A_2126 : memref<16777216xf32, #tpu.memory_space<hbm>>) dst(%dma_wait3A_2121 : memref<128xf32, #tpu.memory_space<vmem>>)
    %dma_start3A_2127 = arith.constant 0 : i32
    %dma_start3A_2128 = arith.constant 11 : i32
    %dma_start3A_2129 = arith.constant 0 : i32
    %dma_start3A_2130 = arith.constant 1408 : i32
    %dma_start3A_2131 = tpu.memref_slice %arg10[%dma_start3A_2129, %dma_start3A_2130] : memref<8x2048xf32, #tpu.memory_space<vmem>> -> memref<1x128xf32, #tpu.memory_space<vmem>>
    %dma_start3A_2132 = tpu.memref_squeeze %dma_start3A_2131 : memref<1x128xf32, #tpu.memory_space<vmem>> -> memref<128xf32, #tpu.memory_space<vmem>>
    %dma_start3A_2133 = arith.constant 0 : i32
    %dma_start3A_2134 = tpu.memref_slice %arg9[%dma_start3A_2127, %dma_start3A_2128, %dma_start3A_2133] : memref<8x16x128xi32, #tpu.memory_space<vmem>> -> memref<1x1x128xi32, #tpu.memory_space<vmem>>
    %dma_start3A_2135 = tpu.memref_squeeze %dma_start3A_2134 : memref<1x1x128xi32, #tpu.memory_space<vmem>> -> memref<128xi32, #tpu.memory_space<vmem>>
    %dma_start3A_2136 = arith.constant 0 : i32
    %dma_start3A_2137 = tpu.memref_slice %arg5[%dma_start3A_2136] : memref<16777216xf32, #tpu.memory_space<hbm>> -> memref<16777216xf32, #tpu.memory_space<hbm>>
    tpu.enqueue_indirect_dma source(%dma_start3A_2137 : memref<16777216xf32, #tpu.memory_space<hbm>>) target(%dma_start3A_2132 : memref<128xf32, #tpu.memory_space<vmem>>) offsets(%dma_start3A_2135 : memref<128xi32, #tpu.memory_space<vmem>>) semaphore(%arg16 : memref<!tpu.dma_semaphore, #tpu.memory_space<semaphore_mem>>)
    %dma_start3A_2138 = arith.constant 1 : i32
    %dma_start3A_2139 = arith.constant 11 : i32
    %dma_start3A_2140 = arith.constant 1 : i32
    %dma_start3A_2141 = arith.constant 1408 : i32
    %dma_start3A_2142 = tpu.memref_slice %arg10[%dma_start3A_2140, %dma_start3A_2141] : memref<8x2048xf32, #tpu.memory_space<vmem>> -> memref<1x128xf32, #tpu.memory_space<vmem>>
    %dma_start3A_2143 = tpu.memref_squeeze %dma_start3A_2142 : memref<1x128xf32, #tpu.memory_space<vmem>> -> memref<128xf32, #tpu.memory_space<vmem>>
    %dma_start3A_2144 = arith.constant 0 : i32
    %dma_start3A_2145 = tpu.memref_slice %arg9[%dma_start3A_2138, %dma_start3A_2139, %dma_start3A_2144] : memref<8x16x128xi32, #tpu.memory_space<vmem>> -> memref<1x1x128xi32, #tpu.memory_space<vmem>>
    %dma_start3A_2146 = tpu.memref_squeeze %dma_start3A_2145 : memref<1x1x128xi32, #tpu.memory_space<vmem>> -> memref<128xi32, #tpu.memory_space<vmem>>
    %dma_start3A_2147 = arith.constant 0 : i32
    %dma_start3A_2148 = tpu.memref_slice %arg5[%dma_start3A_2147] : memref<16777216xf32, #tpu.memory_space<hbm>> -> memref<16777216xf32, #tpu.memory_space<hbm>>
    tpu.enqueue_indirect_dma source(%dma_start3A_2148 : memref<16777216xf32, #tpu.memory_space<hbm>>) target(%dma_start3A_2143 : memref<128xf32, #tpu.memory_space<vmem>>) offsets(%dma_start3A_2146 : memref<128xi32, #tpu.memory_space<vmem>>) semaphore(%arg16 : memref<!tpu.dma_semaphore, #tpu.memory_space<semaphore_mem>>)
    %dma_start3A_2149 = arith.constant 2 : i32
    %dma_start3A_2150 = arith.constant 11 : i32
    %dma_start3A_2151 = arith.constant 2 : i32
    %dma_start3A_2152 = arith.constant 1408 : i32
    %dma_start3A_2153 = tpu.memref_slice %arg10[%dma_start3A_2151, %dma_start3A_2152] : memref<8x2048xf32, #tpu.memory_space<vmem>> -> memref<1x128xf32, #tpu.memory_space<vmem>>
    %dma_start3A_2154 = tpu.memref_squeeze %dma_start3A_2153 : memref<1x128xf32, #tpu.memory_space<vmem>> -> memref<128xf32, #tpu.memory_space<vmem>>
    %dma_start3A_2155 = arith.constant 0 : i32
    %dma_start3A_2156 = tpu.memref_slice %arg9[%dma_start3A_2149, %dma_start3A_2150, %dma_start3A_2155] : memref<8x16x128xi32, #tpu.memory_space<vmem>> -> memref<1x1x128xi32, #tpu.memory_space<vmem>>
    %dma_start3A_2157 = tpu.memref_squeeze %dma_start3A_2156 : memref<1x1x128xi32, #tpu.memory_space<vmem>> -> memref<128xi32, #tpu.memory_space<vmem>>
    %dma_start3A_2158 = arith.constant 0 : i32
    %dma_start3A_2159 = tpu.memref_slice %arg5[%dma_start3A_2158] : memref<16777216xf32, #tpu.memory_space<hbm>> -> memref<16777216xf32, #tpu.memory_space<hbm>>
    tpu.enqueue_indirect_dma source(%dma_start3A_2159 : memref<16777216xf32, #tpu.memory_space<hbm>>) target(%dma_start3A_2154 : memref<128xf32, #tpu.memory_space<vmem>>) offsets(%dma_start3A_2157 : memref<128xi32, #tpu.memory_space<vmem>>) semaphore(%arg16 : memref<!tpu.dma_semaphore, #tpu.memory_space<semaphore_mem>>)
    %dma_start3A_2160 = arith.constant 3 : i32
    %dma_start3A_2161 = arith.constant 11 : i32
    %dma_start3A_2162 = arith.constant 3 : i32
    %dma_start3A_2163 = arith.constant 1408 : i32
    %dma_start3A_2164 = tpu.memref_slice %arg10[%dma_start3A_2162, %dma_start3A_2163] : memref<8x2048xf32, #tpu.memory_space<vmem>> -> memref<1x128xf32, #tpu.memory_space<vmem>>
    %dma_start3A_2165 = tpu.memref_squeeze %dma_start3A_2164 : memref<1x128xf32, #tpu.memory_space<vmem>> -> memref<128xf32, #tpu.memory_space<vmem>>
    %dma_start3A_2166 = arith.constant 0 : i32
    %dma_start3A_2167 = tpu.memref_slice %arg9[%dma_start3A_2160, %dma_start3A_2161, %dma_start3A_2166] : memref<8x16x128xi32, #tpu.memory_space<vmem>> -> memref<1x1x128xi32, #tpu.memory_space<vmem>>
    %dma_start3A_2168 = tpu.memref_squeeze %dma_start3A_2167 : memref<1x1x128xi32, #tpu.memory_space<vmem>> -> memref<128xi32, #tpu.memory_space<vmem>>
    %dma_start3A_2169 = arith.constant 0 : i32
    %dma_start3A_2170 = tpu.memref_slice %arg5[%dma_start3A_2169] : memref<16777216xf32, #tpu.memory_space<hbm>> -> memref<16777216xf32, #tpu.memory_space<hbm>>
    tpu.enqueue_indirect_dma source(%dma_start3A_2170 : memref<16777216xf32, #tpu.memory_space<hbm>>) target(%dma_start3A_2165 : memref<128xf32, #tpu.memory_space<vmem>>) offsets(%dma_start3A_2168 : memref<128xi32, #tpu.memory_space<vmem>>) semaphore(%arg16 : memref<!tpu.dma_semaphore, #tpu.memory_space<semaphore_mem>>)
    %dma_start3A_2171 = arith.constant 4 : i32
    %dma_start3A_2172 = arith.constant 11 : i32
    %dma_start3A_2173 = arith.constant 4 : i32
    %dma_start3A_2174 = arith.constant 1408 : i32
    %dma_start3A_2175 = tpu.memref_slice %arg10[%dma_start3A_2173, %dma_start3A_2174] : memref<8x2048xf32, #tpu.memory_space<vmem>> -> memref<1x128xf32, #tpu.memory_space<vmem>>
    %dma_start3A_2176 = tpu.memref_squeeze %dma_start3A_2175 : memref<1x128xf32, #tpu.memory_space<vmem>> -> memref<128xf32, #tpu.memory_space<vmem>>
    %dma_start3A_2177 = arith.constant 0 : i32
    %dma_start3A_2178 = tpu.memref_slice %arg9[%dma_start3A_2171, %dma_start3A_2172, %dma_start3A_2177] : memref<8x16x128xi32, #tpu.memory_space<vmem>> -> memref<1x1x128xi32, #tpu.memory_space<vmem>>
    %dma_start3A_2179 = tpu.memref_squeeze %dma_start3A_2178 : memref<1x1x128xi32, #tpu.memory_space<vmem>> -> memref<128xi32, #tpu.memory_space<vmem>>
    %dma_start3A_2180 = arith.constant 0 : i32
    %dma_start3A_2181 = tpu.memref_slice %arg5[%dma_start3A_2180] : memref<16777216xf32, #tpu.memory_space<hbm>> -> memref<16777216xf32, #tpu.memory_space<hbm>>
    tpu.enqueue_indirect_dma source(%dma_start3A_2181 : memref<16777216xf32, #tpu.memory_space<hbm>>) target(%dma_start3A_2176 : memref<128xf32, #tpu.memory_space<vmem>>) offsets(%dma_start3A_2179 : memref<128xi32, #tpu.memory_space<vmem>>) semaphore(%arg16 : memref<!tpu.dma_semaphore, #tpu.memory_space<semaphore_mem>>)
    %dma_start3A_2182 = arith.constant 5 : i32
    %dma_start3A_2183 = arith.constant 11 : i32
    %dma_start3A_2184 = arith.constant 5 : i32
    %dma_start3A_2185 = arith.constant 1408 : i32
    %dma_start3A_2186 = tpu.memref_slice %arg10[%dma_start3A_2184, %dma_start3A_2185] : memref<8x2048xf32, #tpu.memory_space<vmem>> -> memref<1x128xf32, #tpu.memory_space<vmem>>
    %dma_start3A_2187 = tpu.memref_squeeze %dma_start3A_2186 : memref<1x128xf32, #tpu.memory_space<vmem>> -> memref<128xf32, #tpu.memory_space<vmem>>
    %dma_start3A_2188 = arith.constant 0 : i32
    %dma_start3A_2189 = tpu.memref_slice %arg9[%dma_start3A_2182, %dma_start3A_2183, %dma_start3A_2188] : memref<8x16x128xi32, #tpu.memory_space<vmem>> -> memref<1x1x128xi32, #tpu.memory_space<vmem>>
    %dma_start3A_2190 = tpu.memref_squeeze %dma_start3A_2189 : memref<1x1x128xi32, #tpu.memory_space<vmem>> -> memref<128xi32, #tpu.memory_space<vmem>>
    %dma_start3A_2191 = arith.constant 0 : i32
    %dma_start3A_2192 = tpu.memref_slice %arg5[%dma_start3A_2191] : memref<16777216xf32, #tpu.memory_space<hbm>> -> memref<16777216xf32, #tpu.memory_space<hbm>>
    tpu.enqueue_indirect_dma source(%dma_start3A_2192 : memref<16777216xf32, #tpu.memory_space<hbm>>) target(%dma_start3A_2187 : memref<128xf32, #tpu.memory_space<vmem>>) offsets(%dma_start3A_2190 : memref<128xi32, #tpu.memory_space<vmem>>) semaphore(%arg16 : memref<!tpu.dma_semaphore, #tpu.memory_space<semaphore_mem>>)
    %dma_start3A_2193 = arith.constant 6 : i32
    %dma_start3A_2194 = arith.constant 11 : i32
    %dma_start3A_2195 = arith.constant 6 : i32
    %dma_start3A_2196 = arith.constant 1408 : i32
    %dma_start3A_2197 = tpu.memref_slice %arg10[%dma_start3A_2195, %dma_start3A_2196] : memref<8x2048xf32, #tpu.memory_space<vmem>> -> memref<1x128xf32, #tpu.memory_space<vmem>>
    %dma_start3A_2198 = tpu.memref_squeeze %dma_start3A_2197 : memref<1x128xf32, #tpu.memory_space<vmem>> -> memref<128xf32, #tpu.memory_space<vmem>>
    %dma_start3A_2199 = arith.constant 0 : i32
    %dma_start3A_2200 = tpu.memref_slice %arg9[%dma_start3A_2193, %dma_start3A_2194, %dma_start3A_2199] : memref<8x16x128xi32, #tpu.memory_space<vmem>> -> memref<1x1x128xi32, #tpu.memory_space<vmem>>
    %dma_start3A_2201 = tpu.memref_squeeze %dma_start3A_2200 : memref<1x1x128xi32, #tpu.memory_space<vmem>> -> memref<128xi32, #tpu.memory_space<vmem>>
    %dma_start3A_2202 = arith.constant 0 : i32
    %dma_start3A_2203 = tpu.memref_slice %arg5[%dma_start3A_2202] : memref<16777216xf32, #tpu.memory_space<hbm>> -> memref<16777216xf32, #tpu.memory_space<hbm>>
    tpu.enqueue_indirect_dma source(%dma_start3A_2203 : memref<16777216xf32, #tpu.memory_space<hbm>>) target(%dma_start3A_2198 : memref<128xf32, #tpu.memory_space<vmem>>) offsets(%dma_start3A_2201 : memref<128xi32, #tpu.memory_space<vmem>>) semaphore(%arg16 : memref<!tpu.dma_semaphore, #tpu.memory_space<semaphore_mem>>)
    %dma_start3A_2204 = arith.constant 7 : i32
    %dma_start3A_2205 = arith.constant 11 : i32
    %dma_start3A_2206 = arith.constant 7 : i32
    %dma_start3A_2207 = arith.constant 1408 : i32
    %dma_start3A_2208 = tpu.memref_slice %arg10[%dma_start3A_2206, %dma_start3A_2207] : memref<8x2048xf32, #tpu.memory_space<vmem>> -> memref<1x128xf32, #tpu.memory_space<vmem>>
    %dma_start3A_2209 = tpu.memref_squeeze %dma_start3A_2208 : memref<1x128xf32, #tpu.memory_space<vmem>> -> memref<128xf32, #tpu.memory_space<vmem>>
    %dma_start3A_2210 = arith.constant 0 : i32
    %dma_start3A_2211 = tpu.memref_slice %arg9[%dma_start3A_2204, %dma_start3A_2205, %dma_start3A_2210] : memref<8x16x128xi32, #tpu.memory_space<vmem>> -> memref<1x1x128xi32, #tpu.memory_space<vmem>>
    %dma_start3A_2212 = tpu.memref_squeeze %dma_start3A_2211 : memref<1x1x128xi32, #tpu.memory_space<vmem>> -> memref<128xi32, #tpu.memory_space<vmem>>
    %dma_start3A_2213 = arith.constant 0 : i32
    %dma_start3A_2214 = tpu.memref_slice %arg5[%dma_start3A_2213] : memref<16777216xf32, #tpu.memory_space<hbm>> -> memref<16777216xf32, #tpu.memory_space<hbm>>
    tpu.enqueue_indirect_dma source(%dma_start3A_2214 : memref<16777216xf32, #tpu.memory_space<hbm>>) target(%dma_start3A_2209 : memref<128xf32, #tpu.memory_space<vmem>>) offsets(%dma_start3A_2212 : memref<128xi32, #tpu.memory_space<vmem>>) semaphore(%arg16 : memref<!tpu.dma_semaphore, #tpu.memory_space<semaphore_mem>>)
    %dma_wait3A_2215 = arith.constant 0 : i32
    %dma_wait3A_2216 = arith.constant 10 : i32
    %dma_wait3A_2217 = arith.constant 0 : i32
    %dma_wait3A_2218 = arith.constant 1280 : i32
    %dma_wait3A_2219 = tpu.memref_slice %arg10[%dma_wait3A_2217, %dma_wait3A_2218] : memref<8x2048xf32, #tpu.memory_space<vmem>> -> memref<1x128xf32, #tpu.memory_space<vmem>>
    %dma_wait3A_2220 = tpu.memref_squeeze %dma_wait3A_2219 : memref<1x128xf32, #tpu.memory_space<vmem>> -> memref<128xf32, #tpu.memory_space<vmem>>
    %dma_wait3A_2221 = arith.constant 0 : i32
    %dma_wait3A_2222 = tpu.memref_slice %arg9[%dma_wait3A_2215, %dma_wait3A_2216, %dma_wait3A_2221] : memref<8x16x128xi32, #tpu.memory_space<vmem>> -> memref<1x1x128xi32, #tpu.memory_space<vmem>>
    %dma_wait3A_2223 = tpu.memref_squeeze %dma_wait3A_2222 : memref<1x1x128xi32, #tpu.memory_space<vmem>> -> memref<128xi32, #tpu.memory_space<vmem>>
    %dma_wait3A_2224 = arith.constant 0 : i32
    %dma_wait3A_2225 = tpu.memref_slice %arg5[%dma_wait3A_2224] : memref<16777216xf32, #tpu.memory_space<hbm>> -> memref<16777216xf32, #tpu.memory_space<hbm>>
    tpu.wait_indirect_dma semaphore(%arg15 : memref<!tpu.dma_semaphore, #tpu.memory_space<semaphore_mem>>) src(%dma_wait3A_2225 : memref<16777216xf32, #tpu.memory_space<hbm>>) dst(%dma_wait3A_2220 : memref<128xf32, #tpu.memory_space<vmem>>)
    %dma_wait3A_2226 = arith.constant 1 : i32
    %dma_wait3A_2227 = arith.constant 10 : i32
    %dma_wait3A_2228 = arith.constant 1 : i32
    %dma_wait3A_2229 = arith.constant 1280 : i32
    %dma_wait3A_2230 = tpu.memref_slice %arg10[%dma_wait3A_2228, %dma_wait3A_2229] : memref<8x2048xf32, #tpu.memory_space<vmem>> -> memref<1x128xf32, #tpu.memory_space<vmem>>
    %dma_wait3A_2231 = tpu.memref_squeeze %dma_wait3A_2230 : memref<1x128xf32, #tpu.memory_space<vmem>> -> memref<128xf32, #tpu.memory_space<vmem>>
    %dma_wait3A_2232 = arith.constant 0 : i32
    %dma_wait3A_2233 = tpu.memref_slice %arg9[%dma_wait3A_2226, %dma_wait3A_2227, %dma_wait3A_2232] : memref<8x16x128xi32, #tpu.memory_space<vmem>> -> memref<1x1x128xi32, #tpu.memory_space<vmem>>
    %dma_wait3A_2234 = tpu.memref_squeeze %dma_wait3A_2233 : memref<1x1x128xi32, #tpu.memory_space<vmem>> -> memref<128xi32, #tpu.memory_space<vmem>>
    %dma_wait3A_2235 = arith.constant 0 : i32
    %dma_wait3A_2236 = tpu.memref_slice %arg5[%dma_wait3A_2235] : memref<16777216xf32, #tpu.memory_space<hbm>> -> memref<16777216xf32, #tpu.memory_space<hbm>>
    tpu.wait_indirect_dma semaphore(%arg15 : memref<!tpu.dma_semaphore, #tpu.memory_space<semaphore_mem>>) src(%dma_wait3A_2236 : memref<16777216xf32, #tpu.memory_space<hbm>>) dst(%dma_wait3A_2231 : memref<128xf32, #tpu.memory_space<vmem>>)
    %dma_wait3A_2237 = arith.constant 2 : i32
    %dma_wait3A_2238 = arith.constant 10 : i32
    %dma_wait3A_2239 = arith.constant 2 : i32
    %dma_wait3A_2240 = arith.constant 1280 : i32
    %dma_wait3A_2241 = tpu.memref_slice %arg10[%dma_wait3A_2239, %dma_wait3A_2240] : memref<8x2048xf32, #tpu.memory_space<vmem>> -> memref<1x128xf32, #tpu.memory_space<vmem>>
    %dma_wait3A_2242 = tpu.memref_squeeze %dma_wait3A_2241 : memref<1x128xf32, #tpu.memory_space<vmem>> -> memref<128xf32, #tpu.memory_space<vmem>>
    %dma_wait3A_2243 = arith.constant 0 : i32
    %dma_wait3A_2244 = tpu.memref_slice %arg9[%dma_wait3A_2237, %dma_wait3A_2238, %dma_wait3A_2243] : memref<8x16x128xi32, #tpu.memory_space<vmem>> -> memref<1x1x128xi32, #tpu.memory_space<vmem>>
    %dma_wait3A_2245 = tpu.memref_squeeze %dma_wait3A_2244 : memref<1x1x128xi32, #tpu.memory_space<vmem>> -> memref<128xi32, #tpu.memory_space<vmem>>
    %dma_wait3A_2246 = arith.constant 0 : i32
    %dma_wait3A_2247 = tpu.memref_slice %arg5[%dma_wait3A_2246] : memref<16777216xf32, #tpu.memory_space<hbm>> -> memref<16777216xf32, #tpu.memory_space<hbm>>
    tpu.wait_indirect_dma semaphore(%arg15 : memref<!tpu.dma_semaphore, #tpu.memory_space<semaphore_mem>>) src(%dma_wait3A_2247 : memref<16777216xf32, #tpu.memory_space<hbm>>) dst(%dma_wait3A_2242 : memref<128xf32, #tpu.memory_space<vmem>>)
    %dma_wait3A_2248 = arith.constant 3 : i32
    %dma_wait3A_2249 = arith.constant 10 : i32
    %dma_wait3A_2250 = arith.constant 3 : i32
    %dma_wait3A_2251 = arith.constant 1280 : i32
    %dma_wait3A_2252 = tpu.memref_slice %arg10[%dma_wait3A_2250, %dma_wait3A_2251] : memref<8x2048xf32, #tpu.memory_space<vmem>> -> memref<1x128xf32, #tpu.memory_space<vmem>>
    %dma_wait3A_2253 = tpu.memref_squeeze %dma_wait3A_2252 : memref<1x128xf32, #tpu.memory_space<vmem>> -> memref<128xf32, #tpu.memory_space<vmem>>
    %dma_wait3A_2254 = arith.constant 0 : i32
    %dma_wait3A_2255 = tpu.memref_slice %arg9[%dma_wait3A_2248, %dma_wait3A_2249, %dma_wait3A_2254] : memref<8x16x128xi32, #tpu.memory_space<vmem>> -> memref<1x1x128xi32, #tpu.memory_space<vmem>>
    %dma_wait3A_2256 = tpu.memref_squeeze %dma_wait3A_2255 : memref<1x1x128xi32, #tpu.memory_space<vmem>> -> memref<128xi32, #tpu.memory_space<vmem>>
    %dma_wait3A_2257 = arith.constant 0 : i32
    %dma_wait3A_2258 = tpu.memref_slice %arg5[%dma_wait3A_2257] : memref<16777216xf32, #tpu.memory_space<hbm>> -> memref<16777216xf32, #tpu.memory_space<hbm>>
    tpu.wait_indirect_dma semaphore(%arg15 : memref<!tpu.dma_semaphore, #tpu.memory_space<semaphore_mem>>) src(%dma_wait3A_2258 : memref<16777216xf32, #tpu.memory_space<hbm>>) dst(%dma_wait3A_2253 : memref<128xf32, #tpu.memory_space<vmem>>)
    %dma_wait3A_2259 = arith.constant 4 : i32
    %dma_wait3A_2260 = arith.constant 10 : i32
    %dma_wait3A_2261 = arith.constant 4 : i32
    %dma_wait3A_2262 = arith.constant 1280 : i32
    %dma_wait3A_2263 = tpu.memref_slice %arg10[%dma_wait3A_2261, %dma_wait3A_2262] : memref<8x2048xf32, #tpu.memory_space<vmem>> -> memref<1x128xf32, #tpu.memory_space<vmem>>
    %dma_wait3A_2264 = tpu.memref_squeeze %dma_wait3A_2263 : memref<1x128xf32, #tpu.memory_space<vmem>> -> memref<128xf32, #tpu.memory_space<vmem>>
    %dma_wait3A_2265 = arith.constant 0 : i32
    %dma_wait3A_2266 = tpu.memref_slice %arg9[%dma_wait3A_2259, %dma_wait3A_2260, %dma_wait3A_2265] : memref<8x16x128xi32, #tpu.memory_space<vmem>> -> memref<1x1x128xi32, #tpu.memory_space<vmem>>
    %dma_wait3A_2267 = tpu.memref_squeeze %dma_wait3A_2266 : memref<1x1x128xi32, #tpu.memory_space<vmem>> -> memref<128xi32, #tpu.memory_space<vmem>>
    %dma_wait3A_2268 = arith.constant 0 : i32
    %dma_wait3A_2269 = tpu.memref_slice %arg5[%dma_wait3A_2268] : memref<16777216xf32, #tpu.memory_space<hbm>> -> memref<16777216xf32, #tpu.memory_space<hbm>>
    tpu.wait_indirect_dma semaphore(%arg15 : memref<!tpu.dma_semaphore, #tpu.memory_space<semaphore_mem>>) src(%dma_wait3A_2269 : memref<16777216xf32, #tpu.memory_space<hbm>>) dst(%dma_wait3A_2264 : memref<128xf32, #tpu.memory_space<vmem>>)
    %dma_wait3A_2270 = arith.constant 5 : i32
    %dma_wait3A_2271 = arith.constant 10 : i32
    %dma_wait3A_2272 = arith.constant 5 : i32
    %dma_wait3A_2273 = arith.constant 1280 : i32
    %dma_wait3A_2274 = tpu.memref_slice %arg10[%dma_wait3A_2272, %dma_wait3A_2273] : memref<8x2048xf32, #tpu.memory_space<vmem>> -> memref<1x128xf32, #tpu.memory_space<vmem>>
    %dma_wait3A_2275 = tpu.memref_squeeze %dma_wait3A_2274 : memref<1x128xf32, #tpu.memory_space<vmem>> -> memref<128xf32, #tpu.memory_space<vmem>>
    %dma_wait3A_2276 = arith.constant 0 : i32
    %dma_wait3A_2277 = tpu.memref_slice %arg9[%dma_wait3A_2270, %dma_wait3A_2271, %dma_wait3A_2276] : memref<8x16x128xi32, #tpu.memory_space<vmem>> -> memref<1x1x128xi32, #tpu.memory_space<vmem>>
    %dma_wait3A_2278 = tpu.memref_squeeze %dma_wait3A_2277 : memref<1x1x128xi32, #tpu.memory_space<vmem>> -> memref<128xi32, #tpu.memory_space<vmem>>
    %dma_wait3A_2279 = arith.constant 0 : i32
    %dma_wait3A_2280 = tpu.memref_slice %arg5[%dma_wait3A_2279] : memref<16777216xf32, #tpu.memory_space<hbm>> -> memref<16777216xf32, #tpu.memory_space<hbm>>
    tpu.wait_indirect_dma semaphore(%arg15 : memref<!tpu.dma_semaphore, #tpu.memory_space<semaphore_mem>>) src(%dma_wait3A_2280 : memref<16777216xf32, #tpu.memory_space<hbm>>) dst(%dma_wait3A_2275 : memref<128xf32, #tpu.memory_space<vmem>>)
    %dma_wait3A_2281 = arith.constant 6 : i32
    %dma_wait3A_2282 = arith.constant 10 : i32
    %dma_wait3A_2283 = arith.constant 6 : i32
    %dma_wait3A_2284 = arith.constant 1280 : i32
    %dma_wait3A_2285 = tpu.memref_slice %arg10[%dma_wait3A_2283, %dma_wait3A_2284] : memref<8x2048xf32, #tpu.memory_space<vmem>> -> memref<1x128xf32, #tpu.memory_space<vmem>>
    %dma_wait3A_2286 = tpu.memref_squeeze %dma_wait3A_2285 : memref<1x128xf32, #tpu.memory_space<vmem>> -> memref<128xf32, #tpu.memory_space<vmem>>
    %dma_wait3A_2287 = arith.constant 0 : i32
    %dma_wait3A_2288 = tpu.memref_slice %arg9[%dma_wait3A_2281, %dma_wait3A_2282, %dma_wait3A_2287] : memref<8x16x128xi32, #tpu.memory_space<vmem>> -> memref<1x1x128xi32, #tpu.memory_space<vmem>>
    %dma_wait3A_2289 = tpu.memref_squeeze %dma_wait3A_2288 : memref<1x1x128xi32, #tpu.memory_space<vmem>> -> memref<128xi32, #tpu.memory_space<vmem>>
    %dma_wait3A_2290 = arith.constant 0 : i32
    %dma_wait3A_2291 = tpu.memref_slice %arg5[%dma_wait3A_2290] : memref<16777216xf32, #tpu.memory_space<hbm>> -> memref<16777216xf32, #tpu.memory_space<hbm>>
    tpu.wait_indirect_dma semaphore(%arg15 : memref<!tpu.dma_semaphore, #tpu.memory_space<semaphore_mem>>) src(%dma_wait3A_2291 : memref<16777216xf32, #tpu.memory_space<hbm>>) dst(%dma_wait3A_2286 : memref<128xf32, #tpu.memory_space<vmem>>)
    %dma_wait3A_2292 = arith.constant 7 : i32
    %dma_wait3A_2293 = arith.constant 10 : i32
    %dma_wait3A_2294 = arith.constant 7 : i32
    %dma_wait3A_2295 = arith.constant 1280 : i32
    %dma_wait3A_2296 = tpu.memref_slice %arg10[%dma_wait3A_2294, %dma_wait3A_2295] : memref<8x2048xf32, #tpu.memory_space<vmem>> -> memref<1x128xf32, #tpu.memory_space<vmem>>
    %dma_wait3A_2297 = tpu.memref_squeeze %dma_wait3A_2296 : memref<1x128xf32, #tpu.memory_space<vmem>> -> memref<128xf32, #tpu.memory_space<vmem>>
    %dma_wait3A_2298 = arith.constant 0 : i32
    %dma_wait3A_2299 = tpu.memref_slice %arg9[%dma_wait3A_2292, %dma_wait3A_2293, %dma_wait3A_2298] : memref<8x16x128xi32, #tpu.memory_space<vmem>> -> memref<1x1x128xi32, #tpu.memory_space<vmem>>
    %dma_wait3A_2300 = tpu.memref_squeeze %dma_wait3A_2299 : memref<1x1x128xi32, #tpu.memory_space<vmem>> -> memref<128xi32, #tpu.memory_space<vmem>>
    %dma_wait3A_2301 = arith.constant 0 : i32
    %dma_wait3A_2302 = tpu.memref_slice %arg5[%dma_wait3A_2301] : memref<16777216xf32, #tpu.memory_space<hbm>> -> memref<16777216xf32, #tpu.memory_space<hbm>>
    tpu.wait_indirect_dma semaphore(%arg15 : memref<!tpu.dma_semaphore, #tpu.memory_space<semaphore_mem>>) src(%dma_wait3A_2302 : memref<16777216xf32, #tpu.memory_space<hbm>>) dst(%dma_wait3A_2297 : memref<128xf32, #tpu.memory_space<vmem>>)
    %dma_start3A_2303 = arith.constant 0 : i32
    %dma_start3A_2304 = arith.constant 12 : i32
    %dma_start3A_2305 = arith.constant 0 : i32
    %dma_start3A_2306 = arith.constant 1536 : i32
    %dma_start3A_2307 = tpu.memref_slice %arg10[%dma_start3A_2305, %dma_start3A_2306] : memref<8x2048xf32, #tpu.memory_space<vmem>> -> memref<1x128xf32, #tpu.memory_space<vmem>>
    %dma_start3A_2308 = tpu.memref_squeeze %dma_start3A_2307 : memref<1x128xf32, #tpu.memory_space<vmem>> -> memref<128xf32, #tpu.memory_space<vmem>>
    %dma_start3A_2309 = arith.constant 0 : i32
    %dma_start3A_2310 = tpu.memref_slice %arg9[%dma_start3A_2303, %dma_start3A_2304, %dma_start3A_2309] : memref<8x16x128xi32, #tpu.memory_space<vmem>> -> memref<1x1x128xi32, #tpu.memory_space<vmem>>
    %dma_start3A_2311 = tpu.memref_squeeze %dma_start3A_2310 : memref<1x1x128xi32, #tpu.memory_space<vmem>> -> memref<128xi32, #tpu.memory_space<vmem>>
    %dma_start3A_2312 = arith.constant 0 : i32
    %dma_start3A_2313 = tpu.memref_slice %arg5[%dma_start3A_2312] : memref<16777216xf32, #tpu.memory_space<hbm>> -> memref<16777216xf32, #tpu.memory_space<hbm>>
    tpu.enqueue_indirect_dma source(%dma_start3A_2313 : memref<16777216xf32, #tpu.memory_space<hbm>>) target(%dma_start3A_2308 : memref<128xf32, #tpu.memory_space<vmem>>) offsets(%dma_start3A_2311 : memref<128xi32, #tpu.memory_space<vmem>>) semaphore(%arg15 : memref<!tpu.dma_semaphore, #tpu.memory_space<semaphore_mem>>)
    %dma_start3A_2314 = arith.constant 1 : i32
    %dma_start3A_2315 = arith.constant 12 : i32
    %dma_start3A_2316 = arith.constant 1 : i32
    %dma_start3A_2317 = arith.constant 1536 : i32
    %dma_start3A_2318 = tpu.memref_slice %arg10[%dma_start3A_2316, %dma_start3A_2317] : memref<8x2048xf32, #tpu.memory_space<vmem>> -> memref<1x128xf32, #tpu.memory_space<vmem>>
    %dma_start3A_2319 = tpu.memref_squeeze %dma_start3A_2318 : memref<1x128xf32, #tpu.memory_space<vmem>> -> memref<128xf32, #tpu.memory_space<vmem>>
    %dma_start3A_2320 = arith.constant 0 : i32
    %dma_start3A_2321 = tpu.memref_slice %arg9[%dma_start3A_2314, %dma_start3A_2315, %dma_start3A_2320] : memref<8x16x128xi32, #tpu.memory_space<vmem>> -> memref<1x1x128xi32, #tpu.memory_space<vmem>>
    %dma_start3A_2322 = tpu.memref_squeeze %dma_start3A_2321 : memref<1x1x128xi32, #tpu.memory_space<vmem>> -> memref<128xi32, #tpu.memory_space<vmem>>
    %dma_start3A_2323 = arith.constant 0 : i32
    %dma_start3A_2324 = tpu.memref_slice %arg5[%dma_start3A_2323] : memref<16777216xf32, #tpu.memory_space<hbm>> -> memref<16777216xf32, #tpu.memory_space<hbm>>
    tpu.enqueue_indirect_dma source(%dma_start3A_2324 : memref<16777216xf32, #tpu.memory_space<hbm>>) target(%dma_start3A_2319 : memref<128xf32, #tpu.memory_space<vmem>>) offsets(%dma_start3A_2322 : memref<128xi32, #tpu.memory_space<vmem>>) semaphore(%arg15 : memref<!tpu.dma_semaphore, #tpu.memory_space<semaphore_mem>>)
    %dma_start3A_2325 = arith.constant 2 : i32
    %dma_start3A_2326 = arith.constant 12 : i32
    %dma_start3A_2327 = arith.constant 2 : i32
    %dma_start3A_2328 = arith.constant 1536 : i32
    %dma_start3A_2329 = tpu.memref_slice %arg10[%dma_start3A_2327, %dma_start3A_2328] : memref<8x2048xf32, #tpu.memory_space<vmem>> -> memref<1x128xf32, #tpu.memory_space<vmem>>
    %dma_start3A_2330 = tpu.memref_squeeze %dma_start3A_2329 : memref<1x128xf32, #tpu.memory_space<vmem>> -> memref<128xf32, #tpu.memory_space<vmem>>
    %dma_start3A_2331 = arith.constant 0 : i32
    %dma_start3A_2332 = tpu.memref_slice %arg9[%dma_start3A_2325, %dma_start3A_2326, %dma_start3A_2331] : memref<8x16x128xi32, #tpu.memory_space<vmem>> -> memref<1x1x128xi32, #tpu.memory_space<vmem>>
    %dma_start3A_2333 = tpu.memref_squeeze %dma_start3A_2332 : memref<1x1x128xi32, #tpu.memory_space<vmem>> -> memref<128xi32, #tpu.memory_space<vmem>>
    %dma_start3A_2334 = arith.constant 0 : i32
    %dma_start3A_2335 = tpu.memref_slice %arg5[%dma_start3A_2334] : memref<16777216xf32, #tpu.memory_space<hbm>> -> memref<16777216xf32, #tpu.memory_space<hbm>>
    tpu.enqueue_indirect_dma source(%dma_start3A_2335 : memref<16777216xf32, #tpu.memory_space<hbm>>) target(%dma_start3A_2330 : memref<128xf32, #tpu.memory_space<vmem>>) offsets(%dma_start3A_2333 : memref<128xi32, #tpu.memory_space<vmem>>) semaphore(%arg15 : memref<!tpu.dma_semaphore, #tpu.memory_space<semaphore_mem>>)
    %dma_start3A_2336 = arith.constant 3 : i32
    %dma_start3A_2337 = arith.constant 12 : i32
    %dma_start3A_2338 = arith.constant 3 : i32
    %dma_start3A_2339 = arith.constant 1536 : i32
    %dma_start3A_2340 = tpu.memref_slice %arg10[%dma_start3A_2338, %dma_start3A_2339] : memref<8x2048xf32, #tpu.memory_space<vmem>> -> memref<1x128xf32, #tpu.memory_space<vmem>>
    %dma_start3A_2341 = tpu.memref_squeeze %dma_start3A_2340 : memref<1x128xf32, #tpu.memory_space<vmem>> -> memref<128xf32, #tpu.memory_space<vmem>>
    %dma_start3A_2342 = arith.constant 0 : i32
    %dma_start3A_2343 = tpu.memref_slice %arg9[%dma_start3A_2336, %dma_start3A_2337, %dma_start3A_2342] : memref<8x16x128xi32, #tpu.memory_space<vmem>> -> memref<1x1x128xi32, #tpu.memory_space<vmem>>
    %dma_start3A_2344 = tpu.memref_squeeze %dma_start3A_2343 : memref<1x1x128xi32, #tpu.memory_space<vmem>> -> memref<128xi32, #tpu.memory_space<vmem>>
    %dma_start3A_2345 = arith.constant 0 : i32
    %dma_start3A_2346 = tpu.memref_slice %arg5[%dma_start3A_2345] : memref<16777216xf32, #tpu.memory_space<hbm>> -> memref<16777216xf32, #tpu.memory_space<hbm>>
    tpu.enqueue_indirect_dma source(%dma_start3A_2346 : memref<16777216xf32, #tpu.memory_space<hbm>>) target(%dma_start3A_2341 : memref<128xf32, #tpu.memory_space<vmem>>) offsets(%dma_start3A_2344 : memref<128xi32, #tpu.memory_space<vmem>>) semaphore(%arg15 : memref<!tpu.dma_semaphore, #tpu.memory_space<semaphore_mem>>)
    %dma_start3A_2347 = arith.constant 4 : i32
    %dma_start3A_2348 = arith.constant 12 : i32
    %dma_start3A_2349 = arith.constant 4 : i32
    %dma_start3A_2350 = arith.constant 1536 : i32
    %dma_start3A_2351 = tpu.memref_slice %arg10[%dma_start3A_2349, %dma_start3A_2350] : memref<8x2048xf32, #tpu.memory_space<vmem>> -> memref<1x128xf32, #tpu.memory_space<vmem>>
    %dma_start3A_2352 = tpu.memref_squeeze %dma_start3A_2351 : memref<1x128xf32, #tpu.memory_space<vmem>> -> memref<128xf32, #tpu.memory_space<vmem>>
    %dma_start3A_2353 = arith.constant 0 : i32
    %dma_start3A_2354 = tpu.memref_slice %arg9[%dma_start3A_2347, %dma_start3A_2348, %dma_start3A_2353] : memref<8x16x128xi32, #tpu.memory_space<vmem>> -> memref<1x1x128xi32, #tpu.memory_space<vmem>>
    %dma_start3A_2355 = tpu.memref_squeeze %dma_start3A_2354 : memref<1x1x128xi32, #tpu.memory_space<vmem>> -> memref<128xi32, #tpu.memory_space<vmem>>
    %dma_start3A_2356 = arith.constant 0 : i32
    %dma_start3A_2357 = tpu.memref_slice %arg5[%dma_start3A_2356] : memref<16777216xf32, #tpu.memory_space<hbm>> -> memref<16777216xf32, #tpu.memory_space<hbm>>
    tpu.enqueue_indirect_dma source(%dma_start3A_2357 : memref<16777216xf32, #tpu.memory_space<hbm>>) target(%dma_start3A_2352 : memref<128xf32, #tpu.memory_space<vmem>>) offsets(%dma_start3A_2355 : memref<128xi32, #tpu.memory_space<vmem>>) semaphore(%arg15 : memref<!tpu.dma_semaphore, #tpu.memory_space<semaphore_mem>>)
    %dma_start3A_2358 = arith.constant 5 : i32
    %dma_start3A_2359 = arith.constant 12 : i32
    %dma_start3A_2360 = arith.constant 5 : i32
    %dma_start3A_2361 = arith.constant 1536 : i32
    %dma_start3A_2362 = tpu.memref_slice %arg10[%dma_start3A_2360, %dma_start3A_2361] : memref<8x2048xf32, #tpu.memory_space<vmem>> -> memref<1x128xf32, #tpu.memory_space<vmem>>
    %dma_start3A_2363 = tpu.memref_squeeze %dma_start3A_2362 : memref<1x128xf32, #tpu.memory_space<vmem>> -> memref<128xf32, #tpu.memory_space<vmem>>
    %dma_start3A_2364 = arith.constant 0 : i32
    %dma_start3A_2365 = tpu.memref_slice %arg9[%dma_start3A_2358, %dma_start3A_2359, %dma_start3A_2364] : memref<8x16x128xi32, #tpu.memory_space<vmem>> -> memref<1x1x128xi32, #tpu.memory_space<vmem>>
    %dma_start3A_2366 = tpu.memref_squeeze %dma_start3A_2365 : memref<1x1x128xi32, #tpu.memory_space<vmem>> -> memref<128xi32, #tpu.memory_space<vmem>>
    %dma_start3A_2367 = arith.constant 0 : i32
    %dma_start3A_2368 = tpu.memref_slice %arg5[%dma_start3A_2367] : memref<16777216xf32, #tpu.memory_space<hbm>> -> memref<16777216xf32, #tpu.memory_space<hbm>>
    tpu.enqueue_indirect_dma source(%dma_start3A_2368 : memref<16777216xf32, #tpu.memory_space<hbm>>) target(%dma_start3A_2363 : memref<128xf32, #tpu.memory_space<vmem>>) offsets(%dma_start3A_2366 : memref<128xi32, #tpu.memory_space<vmem>>) semaphore(%arg15 : memref<!tpu.dma_semaphore, #tpu.memory_space<semaphore_mem>>)
    %dma_start3A_2369 = arith.constant 6 : i32
    %dma_start3A_2370 = arith.constant 12 : i32
    %dma_start3A_2371 = arith.constant 6 : i32
    %dma_start3A_2372 = arith.constant 1536 : i32
    %dma_start3A_2373 = tpu.memref_slice %arg10[%dma_start3A_2371, %dma_start3A_2372] : memref<8x2048xf32, #tpu.memory_space<vmem>> -> memref<1x128xf32, #tpu.memory_space<vmem>>
    %dma_start3A_2374 = tpu.memref_squeeze %dma_start3A_2373 : memref<1x128xf32, #tpu.memory_space<vmem>> -> memref<128xf32, #tpu.memory_space<vmem>>
    %dma_start3A_2375 = arith.constant 0 : i32
    %dma_start3A_2376 = tpu.memref_slice %arg9[%dma_start3A_2369, %dma_start3A_2370, %dma_start3A_2375] : memref<8x16x128xi32, #tpu.memory_space<vmem>> -> memref<1x1x128xi32, #tpu.memory_space<vmem>>
    %dma_start3A_2377 = tpu.memref_squeeze %dma_start3A_2376 : memref<1x1x128xi32, #tpu.memory_space<vmem>> -> memref<128xi32, #tpu.memory_space<vmem>>
    %dma_start3A_2378 = arith.constant 0 : i32
    %dma_start3A_2379 = tpu.memref_slice %arg5[%dma_start3A_2378] : memref<16777216xf32, #tpu.memory_space<hbm>> -> memref<16777216xf32, #tpu.memory_space<hbm>>
    tpu.enqueue_indirect_dma source(%dma_start3A_2379 : memref<16777216xf32, #tpu.memory_space<hbm>>) target(%dma_start3A_2374 : memref<128xf32, #tpu.memory_space<vmem>>) offsets(%dma_start3A_2377 : memref<128xi32, #tpu.memory_space<vmem>>) semaphore(%arg15 : memref<!tpu.dma_semaphore, #tpu.memory_space<semaphore_mem>>)
    %dma_start3A_2380 = arith.constant 7 : i32
    %dma_start3A_2381 = arith.constant 12 : i32
    %dma_start3A_2382 = arith.constant 7 : i32
    %dma_start3A_2383 = arith.constant 1536 : i32
    %dma_start3A_2384 = tpu.memref_slice %arg10[%dma_start3A_2382, %dma_start3A_2383] : memref<8x2048xf32, #tpu.memory_space<vmem>> -> memref<1x128xf32, #tpu.memory_space<vmem>>
    %dma_start3A_2385 = tpu.memref_squeeze %dma_start3A_2384 : memref<1x128xf32, #tpu.memory_space<vmem>> -> memref<128xf32, #tpu.memory_space<vmem>>
    %dma_start3A_2386 = arith.constant 0 : i32
    %dma_start3A_2387 = tpu.memref_slice %arg9[%dma_start3A_2380, %dma_start3A_2381, %dma_start3A_2386] : memref<8x16x128xi32, #tpu.memory_space<vmem>> -> memref<1x1x128xi32, #tpu.memory_space<vmem>>
    %dma_start3A_2388 = tpu.memref_squeeze %dma_start3A_2387 : memref<1x1x128xi32, #tpu.memory_space<vmem>> -> memref<128xi32, #tpu.memory_space<vmem>>
    %dma_start3A_2389 = arith.constant 0 : i32
    %dma_start3A_2390 = tpu.memref_slice %arg5[%dma_start3A_2389] : memref<16777216xf32, #tpu.memory_space<hbm>> -> memref<16777216xf32, #tpu.memory_space<hbm>>
    tpu.enqueue_indirect_dma source(%dma_start3A_2390 : memref<16777216xf32, #tpu.memory_space<hbm>>) target(%dma_start3A_2385 : memref<128xf32, #tpu.memory_space<vmem>>) offsets(%dma_start3A_2388 : memref<128xi32, #tpu.memory_space<vmem>>) semaphore(%arg15 : memref<!tpu.dma_semaphore, #tpu.memory_space<semaphore_mem>>)
    %dma_wait3A_2391 = arith.constant 0 : i32
    %dma_wait3A_2392 = arith.constant 11 : i32
    %dma_wait3A_2393 = arith.constant 0 : i32
    %dma_wait3A_2394 = arith.constant 1408 : i32
    %dma_wait3A_2395 = tpu.memref_slice %arg10[%dma_wait3A_2393, %dma_wait3A_2394] : memref<8x2048xf32, #tpu.memory_space<vmem>> -> memref<1x128xf32, #tpu.memory_space<vmem>>
    %dma_wait3A_2396 = tpu.memref_squeeze %dma_wait3A_2395 : memref<1x128xf32, #tpu.memory_space<vmem>> -> memref<128xf32, #tpu.memory_space<vmem>>
    %dma_wait3A_2397 = arith.constant 0 : i32
    %dma_wait3A_2398 = tpu.memref_slice %arg9[%dma_wait3A_2391, %dma_wait3A_2392, %dma_wait3A_2397] : memref<8x16x128xi32, #tpu.memory_space<vmem>> -> memref<1x1x128xi32, #tpu.memory_space<vmem>>
    %dma_wait3A_2399 = tpu.memref_squeeze %dma_wait3A_2398 : memref<1x1x128xi32, #tpu.memory_space<vmem>> -> memref<128xi32, #tpu.memory_space<vmem>>
    %dma_wait3A_2400 = arith.constant 0 : i32
    %dma_wait3A_2401 = tpu.memref_slice %arg5[%dma_wait3A_2400] : memref<16777216xf32, #tpu.memory_space<hbm>> -> memref<16777216xf32, #tpu.memory_space<hbm>>
    tpu.wait_indirect_dma semaphore(%arg16 : memref<!tpu.dma_semaphore, #tpu.memory_space<semaphore_mem>>) src(%dma_wait3A_2401 : memref<16777216xf32, #tpu.memory_space<hbm>>) dst(%dma_wait3A_2396 : memref<128xf32, #tpu.memory_space<vmem>>)
    %dma_wait3A_2402 = arith.constant 1 : i32
    %dma_wait3A_2403 = arith.constant 11 : i32
    %dma_wait3A_2404 = arith.constant 1 : i32
    %dma_wait3A_2405 = arith.constant 1408 : i32
    %dma_wait3A_2406 = tpu.memref_slice %arg10[%dma_wait3A_2404, %dma_wait3A_2405] : memref<8x2048xf32, #tpu.memory_space<vmem>> -> memref<1x128xf32, #tpu.memory_space<vmem>>
    %dma_wait3A_2407 = tpu.memref_squeeze %dma_wait3A_2406 : memref<1x128xf32, #tpu.memory_space<vmem>> -> memref<128xf32, #tpu.memory_space<vmem>>
    %dma_wait3A_2408 = arith.constant 0 : i32
    %dma_wait3A_2409 = tpu.memref_slice %arg9[%dma_wait3A_2402, %dma_wait3A_2403, %dma_wait3A_2408] : memref<8x16x128xi32, #tpu.memory_space<vmem>> -> memref<1x1x128xi32, #tpu.memory_space<vmem>>
    %dma_wait3A_2410 = tpu.memref_squeeze %dma_wait3A_2409 : memref<1x1x128xi32, #tpu.memory_space<vmem>> -> memref<128xi32, #tpu.memory_space<vmem>>
    %dma_wait3A_2411 = arith.constant 0 : i32
    %dma_wait3A_2412 = tpu.memref_slice %arg5[%dma_wait3A_2411] : memref<16777216xf32, #tpu.memory_space<hbm>> -> memref<16777216xf32, #tpu.memory_space<hbm>>
    tpu.wait_indirect_dma semaphore(%arg16 : memref<!tpu.dma_semaphore, #tpu.memory_space<semaphore_mem>>) src(%dma_wait3A_2412 : memref<16777216xf32, #tpu.memory_space<hbm>>) dst(%dma_wait3A_2407 : memref<128xf32, #tpu.memory_space<vmem>>)
    %dma_wait3A_2413 = arith.constant 2 : i32
    %dma_wait3A_2414 = arith.constant 11 : i32
    %dma_wait3A_2415 = arith.constant 2 : i32
    %dma_wait3A_2416 = arith.constant 1408 : i32
    %dma_wait3A_2417 = tpu.memref_slice %arg10[%dma_wait3A_2415, %dma_wait3A_2416] : memref<8x2048xf32, #tpu.memory_space<vmem>> -> memref<1x128xf32, #tpu.memory_space<vmem>>
    %dma_wait3A_2418 = tpu.memref_squeeze %dma_wait3A_2417 : memref<1x128xf32, #tpu.memory_space<vmem>> -> memref<128xf32, #tpu.memory_space<vmem>>
    %dma_wait3A_2419 = arith.constant 0 : i32
    %dma_wait3A_2420 = tpu.memref_slice %arg9[%dma_wait3A_2413, %dma_wait3A_2414, %dma_wait3A_2419] : memref<8x16x128xi32, #tpu.memory_space<vmem>> -> memref<1x1x128xi32, #tpu.memory_space<vmem>>
    %dma_wait3A_2421 = tpu.memref_squeeze %dma_wait3A_2420 : memref<1x1x128xi32, #tpu.memory_space<vmem>> -> memref<128xi32, #tpu.memory_space<vmem>>
    %dma_wait3A_2422 = arith.constant 0 : i32
    %dma_wait3A_2423 = tpu.memref_slice %arg5[%dma_wait3A_2422] : memref<16777216xf32, #tpu.memory_space<hbm>> -> memref<16777216xf32, #tpu.memory_space<hbm>>
    tpu.wait_indirect_dma semaphore(%arg16 : memref<!tpu.dma_semaphore, #tpu.memory_space<semaphore_mem>>) src(%dma_wait3A_2423 : memref<16777216xf32, #tpu.memory_space<hbm>>) dst(%dma_wait3A_2418 : memref<128xf32, #tpu.memory_space<vmem>>)
    %dma_wait3A_2424 = arith.constant 3 : i32
    %dma_wait3A_2425 = arith.constant 11 : i32
    %dma_wait3A_2426 = arith.constant 3 : i32
    %dma_wait3A_2427 = arith.constant 1408 : i32
    %dma_wait3A_2428 = tpu.memref_slice %arg10[%dma_wait3A_2426, %dma_wait3A_2427] : memref<8x2048xf32, #tpu.memory_space<vmem>> -> memref<1x128xf32, #tpu.memory_space<vmem>>
    %dma_wait3A_2429 = tpu.memref_squeeze %dma_wait3A_2428 : memref<1x128xf32, #tpu.memory_space<vmem>> -> memref<128xf32, #tpu.memory_space<vmem>>
    %dma_wait3A_2430 = arith.constant 0 : i32
    %dma_wait3A_2431 = tpu.memref_slice %arg9[%dma_wait3A_2424, %dma_wait3A_2425, %dma_wait3A_2430] : memref<8x16x128xi32, #tpu.memory_space<vmem>> -> memref<1x1x128xi32, #tpu.memory_space<vmem>>
    %dma_wait3A_2432 = tpu.memref_squeeze %dma_wait3A_2431 : memref<1x1x128xi32, #tpu.memory_space<vmem>> -> memref<128xi32, #tpu.memory_space<vmem>>
    %dma_wait3A_2433 = arith.constant 0 : i32
    %dma_wait3A_2434 = tpu.memref_slice %arg5[%dma_wait3A_2433] : memref<16777216xf32, #tpu.memory_space<hbm>> -> memref<16777216xf32, #tpu.memory_space<hbm>>
    tpu.wait_indirect_dma semaphore(%arg16 : memref<!tpu.dma_semaphore, #tpu.memory_space<semaphore_mem>>) src(%dma_wait3A_2434 : memref<16777216xf32, #tpu.memory_space<hbm>>) dst(%dma_wait3A_2429 : memref<128xf32, #tpu.memory_space<vmem>>)
    %dma_wait3A_2435 = arith.constant 4 : i32
    %dma_wait3A_2436 = arith.constant 11 : i32
    %dma_wait3A_2437 = arith.constant 4 : i32
    %dma_wait3A_2438 = arith.constant 1408 : i32
    %dma_wait3A_2439 = tpu.memref_slice %arg10[%dma_wait3A_2437, %dma_wait3A_2438] : memref<8x2048xf32, #tpu.memory_space<vmem>> -> memref<1x128xf32, #tpu.memory_space<vmem>>
    %dma_wait3A_2440 = tpu.memref_squeeze %dma_wait3A_2439 : memref<1x128xf32, #tpu.memory_space<vmem>> -> memref<128xf32, #tpu.memory_space<vmem>>
    %dma_wait3A_2441 = arith.constant 0 : i32
    %dma_wait3A_2442 = tpu.memref_slice %arg9[%dma_wait3A_2435, %dma_wait3A_2436, %dma_wait3A_2441] : memref<8x16x128xi32, #tpu.memory_space<vmem>> -> memref<1x1x128xi32, #tpu.memory_space<vmem>>
    %dma_wait3A_2443 = tpu.memref_squeeze %dma_wait3A_2442 : memref<1x1x128xi32, #tpu.memory_space<vmem>> -> memref<128xi32, #tpu.memory_space<vmem>>
    %dma_wait3A_2444 = arith.constant 0 : i32
    %dma_wait3A_2445 = tpu.memref_slice %arg5[%dma_wait3A_2444] : memref<16777216xf32, #tpu.memory_space<hbm>> -> memref<16777216xf32, #tpu.memory_space<hbm>>
    tpu.wait_indirect_dma semaphore(%arg16 : memref<!tpu.dma_semaphore, #tpu.memory_space<semaphore_mem>>) src(%dma_wait3A_2445 : memref<16777216xf32, #tpu.memory_space<hbm>>) dst(%dma_wait3A_2440 : memref<128xf32, #tpu.memory_space<vmem>>)
    %dma_wait3A_2446 = arith.constant 5 : i32
    %dma_wait3A_2447 = arith.constant 11 : i32
    %dma_wait3A_2448 = arith.constant 5 : i32
    %dma_wait3A_2449 = arith.constant 1408 : i32
    %dma_wait3A_2450 = tpu.memref_slice %arg10[%dma_wait3A_2448, %dma_wait3A_2449] : memref<8x2048xf32, #tpu.memory_space<vmem>> -> memref<1x128xf32, #tpu.memory_space<vmem>>
    %dma_wait3A_2451 = tpu.memref_squeeze %dma_wait3A_2450 : memref<1x128xf32, #tpu.memory_space<vmem>> -> memref<128xf32, #tpu.memory_space<vmem>>
    %dma_wait3A_2452 = arith.constant 0 : i32
    %dma_wait3A_2453 = tpu.memref_slice %arg9[%dma_wait3A_2446, %dma_wait3A_2447, %dma_wait3A_2452] : memref<8x16x128xi32, #tpu.memory_space<vmem>> -> memref<1x1x128xi32, #tpu.memory_space<vmem>>
    %dma_wait3A_2454 = tpu.memref_squeeze %dma_wait3A_2453 : memref<1x1x128xi32, #tpu.memory_space<vmem>> -> memref<128xi32, #tpu.memory_space<vmem>>
    %dma_wait3A_2455 = arith.constant 0 : i32
    %dma_wait3A_2456 = tpu.memref_slice %arg5[%dma_wait3A_2455] : memref<16777216xf32, #tpu.memory_space<hbm>> -> memref<16777216xf32, #tpu.memory_space<hbm>>
    tpu.wait_indirect_dma semaphore(%arg16 : memref<!tpu.dma_semaphore, #tpu.memory_space<semaphore_mem>>) src(%dma_wait3A_2456 : memref<16777216xf32, #tpu.memory_space<hbm>>) dst(%dma_wait3A_2451 : memref<128xf32, #tpu.memory_space<vmem>>)
    %dma_wait3A_2457 = arith.constant 6 : i32
    %dma_wait3A_2458 = arith.constant 11 : i32
    %dma_wait3A_2459 = arith.constant 6 : i32
    %dma_wait3A_2460 = arith.constant 1408 : i32
    %dma_wait3A_2461 = tpu.memref_slice %arg10[%dma_wait3A_2459, %dma_wait3A_2460] : memref<8x2048xf32, #tpu.memory_space<vmem>> -> memref<1x128xf32, #tpu.memory_space<vmem>>
    %dma_wait3A_2462 = tpu.memref_squeeze %dma_wait3A_2461 : memref<1x128xf32, #tpu.memory_space<vmem>> -> memref<128xf32, #tpu.memory_space<vmem>>
    %dma_wait3A_2463 = arith.constant 0 : i32
    %dma_wait3A_2464 = tpu.memref_slice %arg9[%dma_wait3A_2457, %dma_wait3A_2458, %dma_wait3A_2463] : memref<8x16x128xi32, #tpu.memory_space<vmem>> -> memref<1x1x128xi32, #tpu.memory_space<vmem>>
    %dma_wait3A_2465 = tpu.memref_squeeze %dma_wait3A_2464 : memref<1x1x128xi32, #tpu.memory_space<vmem>> -> memref<128xi32, #tpu.memory_space<vmem>>
    %dma_wait3A_2466 = arith.constant 0 : i32
    %dma_wait3A_2467 = tpu.memref_slice %arg5[%dma_wait3A_2466] : memref<16777216xf32, #tpu.memory_space<hbm>> -> memref<16777216xf32, #tpu.memory_space<hbm>>
    tpu.wait_indirect_dma semaphore(%arg16 : memref<!tpu.dma_semaphore, #tpu.memory_space<semaphore_mem>>) src(%dma_wait3A_2467 : memref<16777216xf32, #tpu.memory_space<hbm>>) dst(%dma_wait3A_2462 : memref<128xf32, #tpu.memory_space<vmem>>)
    %dma_wait3A_2468 = arith.constant 7 : i32
    %dma_wait3A_2469 = arith.constant 11 : i32
    %dma_wait3A_2470 = arith.constant 7 : i32
    %dma_wait3A_2471 = arith.constant 1408 : i32
    %dma_wait3A_2472 = tpu.memref_slice %arg10[%dma_wait3A_2470, %dma_wait3A_2471] : memref<8x2048xf32, #tpu.memory_space<vmem>> -> memref<1x128xf32, #tpu.memory_space<vmem>>
    %dma_wait3A_2473 = tpu.memref_squeeze %dma_wait3A_2472 : memref<1x128xf32, #tpu.memory_space<vmem>> -> memref<128xf32, #tpu.memory_space<vmem>>
    %dma_wait3A_2474 = arith.constant 0 : i32
    %dma_wait3A_2475 = tpu.memref_slice %arg9[%dma_wait3A_2468, %dma_wait3A_2469, %dma_wait3A_2474] : memref<8x16x128xi32, #tpu.memory_space<vmem>> -> memref<1x1x128xi32, #tpu.memory_space<vmem>>
    %dma_wait3A_2476 = tpu.memref_squeeze %dma_wait3A_2475 : memref<1x1x128xi32, #tpu.memory_space<vmem>> -> memref<128xi32, #tpu.memory_space<vmem>>
    %dma_wait3A_2477 = arith.constant 0 : i32
    %dma_wait3A_2478 = tpu.memref_slice %arg5[%dma_wait3A_2477] : memref<16777216xf32, #tpu.memory_space<hbm>> -> memref<16777216xf32, #tpu.memory_space<hbm>>
    tpu.wait_indirect_dma semaphore(%arg16 : memref<!tpu.dma_semaphore, #tpu.memory_space<semaphore_mem>>) src(%dma_wait3A_2478 : memref<16777216xf32, #tpu.memory_space<hbm>>) dst(%dma_wait3A_2473 : memref<128xf32, #tpu.memory_space<vmem>>)
    %dma_start3A_2479 = arith.constant 0 : i32
    %dma_start3A_2480 = arith.constant 13 : i32
    %dma_start3A_2481 = arith.constant 0 : i32
    %dma_start3A_2482 = arith.constant 1664 : i32
    %dma_start3A_2483 = tpu.memref_slice %arg10[%dma_start3A_2481, %dma_start3A_2482] : memref<8x2048xf32, #tpu.memory_space<vmem>> -> memref<1x128xf32, #tpu.memory_space<vmem>>
    %dma_start3A_2484 = tpu.memref_squeeze %dma_start3A_2483 : memref<1x128xf32, #tpu.memory_space<vmem>> -> memref<128xf32, #tpu.memory_space<vmem>>
    %dma_start3A_2485 = arith.constant 0 : i32
    %dma_start3A_2486 = tpu.memref_slice %arg9[%dma_start3A_2479, %dma_start3A_2480, %dma_start3A_2485] : memref<8x16x128xi32, #tpu.memory_space<vmem>> -> memref<1x1x128xi32, #tpu.memory_space<vmem>>
    %dma_start3A_2487 = tpu.memref_squeeze %dma_start3A_2486 : memref<1x1x128xi32, #tpu.memory_space<vmem>> -> memref<128xi32, #tpu.memory_space<vmem>>
    %dma_start3A_2488 = arith.constant 0 : i32
    %dma_start3A_2489 = tpu.memref_slice %arg5[%dma_start3A_2488] : memref<16777216xf32, #tpu.memory_space<hbm>> -> memref<16777216xf32, #tpu.memory_space<hbm>>
    tpu.enqueue_indirect_dma source(%dma_start3A_2489 : memref<16777216xf32, #tpu.memory_space<hbm>>) target(%dma_start3A_2484 : memref<128xf32, #tpu.memory_space<vmem>>) offsets(%dma_start3A_2487 : memref<128xi32, #tpu.memory_space<vmem>>) semaphore(%arg16 : memref<!tpu.dma_semaphore, #tpu.memory_space<semaphore_mem>>)
    %dma_start3A_2490 = arith.constant 1 : i32
    %dma_start3A_2491 = arith.constant 13 : i32
    %dma_start3A_2492 = arith.constant 1 : i32
    %dma_start3A_2493 = arith.constant 1664 : i32
    %dma_start3A_2494 = tpu.memref_slice %arg10[%dma_start3A_2492, %dma_start3A_2493] : memref<8x2048xf32, #tpu.memory_space<vmem>> -> memref<1x128xf32, #tpu.memory_space<vmem>>
    %dma_start3A_2495 = tpu.memref_squeeze %dma_start3A_2494 : memref<1x128xf32, #tpu.memory_space<vmem>> -> memref<128xf32, #tpu.memory_space<vmem>>
    %dma_start3A_2496 = arith.constant 0 : i32
    %dma_start3A_2497 = tpu.memref_slice %arg9[%dma_start3A_2490, %dma_start3A_2491, %dma_start3A_2496] : memref<8x16x128xi32, #tpu.memory_space<vmem>> -> memref<1x1x128xi32, #tpu.memory_space<vmem>>
    %dma_start3A_2498 = tpu.memref_squeeze %dma_start3A_2497 : memref<1x1x128xi32, #tpu.memory_space<vmem>> -> memref<128xi32, #tpu.memory_space<vmem>>
    %dma_start3A_2499 = arith.constant 0 : i32
    %dma_start3A_2500 = tpu.memref_slice %arg5[%dma_start3A_2499] : memref<16777216xf32, #tpu.memory_space<hbm>> -> memref<16777216xf32, #tpu.memory_space<hbm>>
    tpu.enqueue_indirect_dma source(%dma_start3A_2500 : memref<16777216xf32, #tpu.memory_space<hbm>>) target(%dma_start3A_2495 : memref<128xf32, #tpu.memory_space<vmem>>) offsets(%dma_start3A_2498 : memref<128xi32, #tpu.memory_space<vmem>>) semaphore(%arg16 : memref<!tpu.dma_semaphore, #tpu.memory_space<semaphore_mem>>)
    %dma_start3A_2501 = arith.constant 2 : i32
    %dma_start3A_2502 = arith.constant 13 : i32
    %dma_start3A_2503 = arith.constant 2 : i32
    %dma_start3A_2504 = arith.constant 1664 : i32
    %dma_start3A_2505 = tpu.memref_slice %arg10[%dma_start3A_2503, %dma_start3A_2504] : memref<8x2048xf32, #tpu.memory_space<vmem>> -> memref<1x128xf32, #tpu.memory_space<vmem>>
    %dma_start3A_2506 = tpu.memref_squeeze %dma_start3A_2505 : memref<1x128xf32, #tpu.memory_space<vmem>> -> memref<128xf32, #tpu.memory_space<vmem>>
    %dma_start3A_2507 = arith.constant 0 : i32
    %dma_start3A_2508 = tpu.memref_slice %arg9[%dma_start3A_2501, %dma_start3A_2502, %dma_start3A_2507] : memref<8x16x128xi32, #tpu.memory_space<vmem>> -> memref<1x1x128xi32, #tpu.memory_space<vmem>>
    %dma_start3A_2509 = tpu.memref_squeeze %dma_start3A_2508 : memref<1x1x128xi32, #tpu.memory_space<vmem>> -> memref<128xi32, #tpu.memory_space<vmem>>
    %dma_start3A_2510 = arith.constant 0 : i32
    %dma_start3A_2511 = tpu.memref_slice %arg5[%dma_start3A_2510] : memref<16777216xf32, #tpu.memory_space<hbm>> -> memref<16777216xf32, #tpu.memory_space<hbm>>
    tpu.enqueue_indirect_dma source(%dma_start3A_2511 : memref<16777216xf32, #tpu.memory_space<hbm>>) target(%dma_start3A_2506 : memref<128xf32, #tpu.memory_space<vmem>>) offsets(%dma_start3A_2509 : memref<128xi32, #tpu.memory_space<vmem>>) semaphore(%arg16 : memref<!tpu.dma_semaphore, #tpu.memory_space<semaphore_mem>>)
    %dma_start3A_2512 = arith.constant 3 : i32
    %dma_start3A_2513 = arith.constant 13 : i32
    %dma_start3A_2514 = arith.constant 3 : i32
    %dma_start3A_2515 = arith.constant 1664 : i32
    %dma_start3A_2516 = tpu.memref_slice %arg10[%dma_start3A_2514, %dma_start3A_2515] : memref<8x2048xf32, #tpu.memory_space<vmem>> -> memref<1x128xf32, #tpu.memory_space<vmem>>
    %dma_start3A_2517 = tpu.memref_squeeze %dma_start3A_2516 : memref<1x128xf32, #tpu.memory_space<vmem>> -> memref<128xf32, #tpu.memory_space<vmem>>
    %dma_start3A_2518 = arith.constant 0 : i32
    %dma_start3A_2519 = tpu.memref_slice %arg9[%dma_start3A_2512, %dma_start3A_2513, %dma_start3A_2518] : memref<8x16x128xi32, #tpu.memory_space<vmem>> -> memref<1x1x128xi32, #tpu.memory_space<vmem>>
    %dma_start3A_2520 = tpu.memref_squeeze %dma_start3A_2519 : memref<1x1x128xi32, #tpu.memory_space<vmem>> -> memref<128xi32, #tpu.memory_space<vmem>>
    %dma_start3A_2521 = arith.constant 0 : i32
    %dma_start3A_2522 = tpu.memref_slice %arg5[%dma_start3A_2521] : memref<16777216xf32, #tpu.memory_space<hbm>> -> memref<16777216xf32, #tpu.memory_space<hbm>>
    tpu.enqueue_indirect_dma source(%dma_start3A_2522 : memref<16777216xf32, #tpu.memory_space<hbm>>) target(%dma_start3A_2517 : memref<128xf32, #tpu.memory_space<vmem>>) offsets(%dma_start3A_2520 : memref<128xi32, #tpu.memory_space<vmem>>) semaphore(%arg16 : memref<!tpu.dma_semaphore, #tpu.memory_space<semaphore_mem>>)
    %dma_start3A_2523 = arith.constant 4 : i32
    %dma_start3A_2524 = arith.constant 13 : i32
    %dma_start3A_2525 = arith.constant 4 : i32
    %dma_start3A_2526 = arith.constant 1664 : i32
    %dma_start3A_2527 = tpu.memref_slice %arg10[%dma_start3A_2525, %dma_start3A_2526] : memref<8x2048xf32, #tpu.memory_space<vmem>> -> memref<1x128xf32, #tpu.memory_space<vmem>>
    %dma_start3A_2528 = tpu.memref_squeeze %dma_start3A_2527 : memref<1x128xf32, #tpu.memory_space<vmem>> -> memref<128xf32, #tpu.memory_space<vmem>>
    %dma_start3A_2529 = arith.constant 0 : i32
    %dma_start3A_2530 = tpu.memref_slice %arg9[%dma_start3A_2523, %dma_start3A_2524, %dma_start3A_2529] : memref<8x16x128xi32, #tpu.memory_space<vmem>> -> memref<1x1x128xi32, #tpu.memory_space<vmem>>
    %dma_start3A_2531 = tpu.memref_squeeze %dma_start3A_2530 : memref<1x1x128xi32, #tpu.memory_space<vmem>> -> memref<128xi32, #tpu.memory_space<vmem>>
    %dma_start3A_2532 = arith.constant 0 : i32
    %dma_start3A_2533 = tpu.memref_slice %arg5[%dma_start3A_2532] : memref<16777216xf32, #tpu.memory_space<hbm>> -> memref<16777216xf32, #tpu.memory_space<hbm>>
    tpu.enqueue_indirect_dma source(%dma_start3A_2533 : memref<16777216xf32, #tpu.memory_space<hbm>>) target(%dma_start3A_2528 : memref<128xf32, #tpu.memory_space<vmem>>) offsets(%dma_start3A_2531 : memref<128xi32, #tpu.memory_space<vmem>>) semaphore(%arg16 : memref<!tpu.dma_semaphore, #tpu.memory_space<semaphore_mem>>)
    %dma_start3A_2534 = arith.constant 5 : i32
    %dma_start3A_2535 = arith.constant 13 : i32
    %dma_start3A_2536 = arith.constant 5 : i32
    %dma_start3A_2537 = arith.constant 1664 : i32
    %dma_start3A_2538 = tpu.memref_slice %arg10[%dma_start3A_2536, %dma_start3A_2537] : memref<8x2048xf32, #tpu.memory_space<vmem>> -> memref<1x128xf32, #tpu.memory_space<vmem>>
    %dma_start3A_2539 = tpu.memref_squeeze %dma_start3A_2538 : memref<1x128xf32, #tpu.memory_space<vmem>> -> memref<128xf32, #tpu.memory_space<vmem>>
    %dma_start3A_2540 = arith.constant 0 : i32
    %dma_start3A_2541 = tpu.memref_slice %arg9[%dma_start3A_2534, %dma_start3A_2535, %dma_start3A_2540] : memref<8x16x128xi32, #tpu.memory_space<vmem>> -> memref<1x1x128xi32, #tpu.memory_space<vmem>>
    %dma_start3A_2542 = tpu.memref_squeeze %dma_start3A_2541 : memref<1x1x128xi32, #tpu.memory_space<vmem>> -> memref<128xi32, #tpu.memory_space<vmem>>
    %dma_start3A_2543 = arith.constant 0 : i32
    %dma_start3A_2544 = tpu.memref_slice %arg5[%dma_start3A_2543] : memref<16777216xf32, #tpu.memory_space<hbm>> -> memref<16777216xf32, #tpu.memory_space<hbm>>
    tpu.enqueue_indirect_dma source(%dma_start3A_2544 : memref<16777216xf32, #tpu.memory_space<hbm>>) target(%dma_start3A_2539 : memref<128xf32, #tpu.memory_space<vmem>>) offsets(%dma_start3A_2542 : memref<128xi32, #tpu.memory_space<vmem>>) semaphore(%arg16 : memref<!tpu.dma_semaphore, #tpu.memory_space<semaphore_mem>>)
    %dma_start3A_2545 = arith.constant 6 : i32
    %dma_start3A_2546 = arith.constant 13 : i32
    %dma_start3A_2547 = arith.constant 6 : i32
    %dma_start3A_2548 = arith.constant 1664 : i32
    %dma_start3A_2549 = tpu.memref_slice %arg10[%dma_start3A_2547, %dma_start3A_2548] : memref<8x2048xf32, #tpu.memory_space<vmem>> -> memref<1x128xf32, #tpu.memory_space<vmem>>
    %dma_start3A_2550 = tpu.memref_squeeze %dma_start3A_2549 : memref<1x128xf32, #tpu.memory_space<vmem>> -> memref<128xf32, #tpu.memory_space<vmem>>
    %dma_start3A_2551 = arith.constant 0 : i32
    %dma_start3A_2552 = tpu.memref_slice %arg9[%dma_start3A_2545, %dma_start3A_2546, %dma_start3A_2551] : memref<8x16x128xi32, #tpu.memory_space<vmem>> -> memref<1x1x128xi32, #tpu.memory_space<vmem>>
    %dma_start3A_2553 = tpu.memref_squeeze %dma_start3A_2552 : memref<1x1x128xi32, #tpu.memory_space<vmem>> -> memref<128xi32, #tpu.memory_space<vmem>>
    %dma_start3A_2554 = arith.constant 0 : i32
    %dma_start3A_2555 = tpu.memref_slice %arg5[%dma_start3A_2554] : memref<16777216xf32, #tpu.memory_space<hbm>> -> memref<16777216xf32, #tpu.memory_space<hbm>>
    tpu.enqueue_indirect_dma source(%dma_start3A_2555 : memref<16777216xf32, #tpu.memory_space<hbm>>) target(%dma_start3A_2550 : memref<128xf32, #tpu.memory_space<vmem>>) offsets(%dma_start3A_2553 : memref<128xi32, #tpu.memory_space<vmem>>) semaphore(%arg16 : memref<!tpu.dma_semaphore, #tpu.memory_space<semaphore_mem>>)
    %dma_start3A_2556 = arith.constant 7 : i32
    %dma_start3A_2557 = arith.constant 13 : i32
    %dma_start3A_2558 = arith.constant 7 : i32
    %dma_start3A_2559 = arith.constant 1664 : i32
    %dma_start3A_2560 = tpu.memref_slice %arg10[%dma_start3A_2558, %dma_start3A_2559] : memref<8x2048xf32, #tpu.memory_space<vmem>> -> memref<1x128xf32, #tpu.memory_space<vmem>>
    %dma_start3A_2561 = tpu.memref_squeeze %dma_start3A_2560 : memref<1x128xf32, #tpu.memory_space<vmem>> -> memref<128xf32, #tpu.memory_space<vmem>>
    %dma_start3A_2562 = arith.constant 0 : i32
    %dma_start3A_2563 = tpu.memref_slice %arg9[%dma_start3A_2556, %dma_start3A_2557, %dma_start3A_2562] : memref<8x16x128xi32, #tpu.memory_space<vmem>> -> memref<1x1x128xi32, #tpu.memory_space<vmem>>
    %dma_start3A_2564 = tpu.memref_squeeze %dma_start3A_2563 : memref<1x1x128xi32, #tpu.memory_space<vmem>> -> memref<128xi32, #tpu.memory_space<vmem>>
    %dma_start3A_2565 = arith.constant 0 : i32
    %dma_start3A_2566 = tpu.memref_slice %arg5[%dma_start3A_2565] : memref<16777216xf32, #tpu.memory_space<hbm>> -> memref<16777216xf32, #tpu.memory_space<hbm>>
    tpu.enqueue_indirect_dma source(%dma_start3A_2566 : memref<16777216xf32, #tpu.memory_space<hbm>>) target(%dma_start3A_2561 : memref<128xf32, #tpu.memory_space<vmem>>) offsets(%dma_start3A_2564 : memref<128xi32, #tpu.memory_space<vmem>>) semaphore(%arg16 : memref<!tpu.dma_semaphore, #tpu.memory_space<semaphore_mem>>)
    %dma_wait3A_2567 = arith.constant 0 : i32
    %dma_wait3A_2568 = arith.constant 12 : i32
    %dma_wait3A_2569 = arith.constant 0 : i32
    %dma_wait3A_2570 = arith.constant 1536 : i32
    %dma_wait3A_2571 = tpu.memref_slice %arg10[%dma_wait3A_2569, %dma_wait3A_2570] : memref<8x2048xf32, #tpu.memory_space<vmem>> -> memref<1x128xf32, #tpu.memory_space<vmem>>
    %dma_wait3A_2572 = tpu.memref_squeeze %dma_wait3A_2571 : memref<1x128xf32, #tpu.memory_space<vmem>> -> memref<128xf32, #tpu.memory_space<vmem>>
    %dma_wait3A_2573 = arith.constant 0 : i32
    %dma_wait3A_2574 = tpu.memref_slice %arg9[%dma_wait3A_2567, %dma_wait3A_2568, %dma_wait3A_2573] : memref<8x16x128xi32, #tpu.memory_space<vmem>> -> memref<1x1x128xi32, #tpu.memory_space<vmem>>
    %dma_wait3A_2575 = tpu.memref_squeeze %dma_wait3A_2574 : memref<1x1x128xi32, #tpu.memory_space<vmem>> -> memref<128xi32, #tpu.memory_space<vmem>>
    %dma_wait3A_2576 = arith.constant 0 : i32
    %dma_wait3A_2577 = tpu.memref_slice %arg5[%dma_wait3A_2576] : memref<16777216xf32, #tpu.memory_space<hbm>> -> memref<16777216xf32, #tpu.memory_space<hbm>>
    tpu.wait_indirect_dma semaphore(%arg15 : memref<!tpu.dma_semaphore, #tpu.memory_space<semaphore_mem>>) src(%dma_wait3A_2577 : memref<16777216xf32, #tpu.memory_space<hbm>>) dst(%dma_wait3A_2572 : memref<128xf32, #tpu.memory_space<vmem>>)
    %dma_wait3A_2578 = arith.constant 1 : i32
    %dma_wait3A_2579 = arith.constant 12 : i32
    %dma_wait3A_2580 = arith.constant 1 : i32
    %dma_wait3A_2581 = arith.constant 1536 : i32
    %dma_wait3A_2582 = tpu.memref_slice %arg10[%dma_wait3A_2580, %dma_wait3A_2581] : memref<8x2048xf32, #tpu.memory_space<vmem>> -> memref<1x128xf32, #tpu.memory_space<vmem>>
    %dma_wait3A_2583 = tpu.memref_squeeze %dma_wait3A_2582 : memref<1x128xf32, #tpu.memory_space<vmem>> -> memref<128xf32, #tpu.memory_space<vmem>>
    %dma_wait3A_2584 = arith.constant 0 : i32
    %dma_wait3A_2585 = tpu.memref_slice %arg9[%dma_wait3A_2578, %dma_wait3A_2579, %dma_wait3A_2584] : memref<8x16x128xi32, #tpu.memory_space<vmem>> -> memref<1x1x128xi32, #tpu.memory_space<vmem>>
    %dma_wait3A_2586 = tpu.memref_squeeze %dma_wait3A_2585 : memref<1x1x128xi32, #tpu.memory_space<vmem>> -> memref<128xi32, #tpu.memory_space<vmem>>
    %dma_wait3A_2587 = arith.constant 0 : i32
    %dma_wait3A_2588 = tpu.memref_slice %arg5[%dma_wait3A_2587] : memref<16777216xf32, #tpu.memory_space<hbm>> -> memref<16777216xf32, #tpu.memory_space<hbm>>
    tpu.wait_indirect_dma semaphore(%arg15 : memref<!tpu.dma_semaphore, #tpu.memory_space<semaphore_mem>>) src(%dma_wait3A_2588 : memref<16777216xf32, #tpu.memory_space<hbm>>) dst(%dma_wait3A_2583 : memref<128xf32, #tpu.memory_space<vmem>>)
    %dma_wait3A_2589 = arith.constant 2 : i32
    %dma_wait3A_2590 = arith.constant 12 : i32
    %dma_wait3A_2591 = arith.constant 2 : i32
    %dma_wait3A_2592 = arith.constant 1536 : i32
    %dma_wait3A_2593 = tpu.memref_slice %arg10[%dma_wait3A_2591, %dma_wait3A_2592] : memref<8x2048xf32, #tpu.memory_space<vmem>> -> memref<1x128xf32, #tpu.memory_space<vmem>>
    %dma_wait3A_2594 = tpu.memref_squeeze %dma_wait3A_2593 : memref<1x128xf32, #tpu.memory_space<vmem>> -> memref<128xf32, #tpu.memory_space<vmem>>
    %dma_wait3A_2595 = arith.constant 0 : i32
    %dma_wait3A_2596 = tpu.memref_slice %arg9[%dma_wait3A_2589, %dma_wait3A_2590, %dma_wait3A_2595] : memref<8x16x128xi32, #tpu.memory_space<vmem>> -> memref<1x1x128xi32, #tpu.memory_space<vmem>>
    %dma_wait3A_2597 = tpu.memref_squeeze %dma_wait3A_2596 : memref<1x1x128xi32, #tpu.memory_space<vmem>> -> memref<128xi32, #tpu.memory_space<vmem>>
    %dma_wait3A_2598 = arith.constant 0 : i32
    %dma_wait3A_2599 = tpu.memref_slice %arg5[%dma_wait3A_2598] : memref<16777216xf32, #tpu.memory_space<hbm>> -> memref<16777216xf32, #tpu.memory_space<hbm>>
    tpu.wait_indirect_dma semaphore(%arg15 : memref<!tpu.dma_semaphore, #tpu.memory_space<semaphore_mem>>) src(%dma_wait3A_2599 : memref<16777216xf32, #tpu.memory_space<hbm>>) dst(%dma_wait3A_2594 : memref<128xf32, #tpu.memory_space<vmem>>)
    %dma_wait3A_2600 = arith.constant 3 : i32
    %dma_wait3A_2601 = arith.constant 12 : i32
    %dma_wait3A_2602 = arith.constant 3 : i32
    %dma_wait3A_2603 = arith.constant 1536 : i32
    %dma_wait3A_2604 = tpu.memref_slice %arg10[%dma_wait3A_2602, %dma_wait3A_2603] : memref<8x2048xf32, #tpu.memory_space<vmem>> -> memref<1x128xf32, #tpu.memory_space<vmem>>
    %dma_wait3A_2605 = tpu.memref_squeeze %dma_wait3A_2604 : memref<1x128xf32, #tpu.memory_space<vmem>> -> memref<128xf32, #tpu.memory_space<vmem>>
    %dma_wait3A_2606 = arith.constant 0 : i32
    %dma_wait3A_2607 = tpu.memref_slice %arg9[%dma_wait3A_2600, %dma_wait3A_2601, %dma_wait3A_2606] : memref<8x16x128xi32, #tpu.memory_space<vmem>> -> memref<1x1x128xi32, #tpu.memory_space<vmem>>
    %dma_wait3A_2608 = tpu.memref_squeeze %dma_wait3A_2607 : memref<1x1x128xi32, #tpu.memory_space<vmem>> -> memref<128xi32, #tpu.memory_space<vmem>>
    %dma_wait3A_2609 = arith.constant 0 : i32
    %dma_wait3A_2610 = tpu.memref_slice %arg5[%dma_wait3A_2609] : memref<16777216xf32, #tpu.memory_space<hbm>> -> memref<16777216xf32, #tpu.memory_space<hbm>>
    tpu.wait_indirect_dma semaphore(%arg15 : memref<!tpu.dma_semaphore, #tpu.memory_space<semaphore_mem>>) src(%dma_wait3A_2610 : memref<16777216xf32, #tpu.memory_space<hbm>>) dst(%dma_wait3A_2605 : memref<128xf32, #tpu.memory_space<vmem>>)
    %dma_wait3A_2611 = arith.constant 4 : i32
    %dma_wait3A_2612 = arith.constant 12 : i32
    %dma_wait3A_2613 = arith.constant 4 : i32
    %dma_wait3A_2614 = arith.constant 1536 : i32
    %dma_wait3A_2615 = tpu.memref_slice %arg10[%dma_wait3A_2613, %dma_wait3A_2614] : memref<8x2048xf32, #tpu.memory_space<vmem>> -> memref<1x128xf32, #tpu.memory_space<vmem>>
    %dma_wait3A_2616 = tpu.memref_squeeze %dma_wait3A_2615 : memref<1x128xf32, #tpu.memory_space<vmem>> -> memref<128xf32, #tpu.memory_space<vmem>>
    %dma_wait3A_2617 = arith.constant 0 : i32
    %dma_wait3A_2618 = tpu.memref_slice %arg9[%dma_wait3A_2611, %dma_wait3A_2612, %dma_wait3A_2617] : memref<8x16x128xi32, #tpu.memory_space<vmem>> -> memref<1x1x128xi32, #tpu.memory_space<vmem>>
    %dma_wait3A_2619 = tpu.memref_squeeze %dma_wait3A_2618 : memref<1x1x128xi32, #tpu.memory_space<vmem>> -> memref<128xi32, #tpu.memory_space<vmem>>
    %dma_wait3A_2620 = arith.constant 0 : i32
    %dma_wait3A_2621 = tpu.memref_slice %arg5[%dma_wait3A_2620] : memref<16777216xf32, #tpu.memory_space<hbm>> -> memref<16777216xf32, #tpu.memory_space<hbm>>
    tpu.wait_indirect_dma semaphore(%arg15 : memref<!tpu.dma_semaphore, #tpu.memory_space<semaphore_mem>>) src(%dma_wait3A_2621 : memref<16777216xf32, #tpu.memory_space<hbm>>) dst(%dma_wait3A_2616 : memref<128xf32, #tpu.memory_space<vmem>>)
    %dma_wait3A_2622 = arith.constant 5 : i32
    %dma_wait3A_2623 = arith.constant 12 : i32
    %dma_wait3A_2624 = arith.constant 5 : i32
    %dma_wait3A_2625 = arith.constant 1536 : i32
    %dma_wait3A_2626 = tpu.memref_slice %arg10[%dma_wait3A_2624, %dma_wait3A_2625] : memref<8x2048xf32, #tpu.memory_space<vmem>> -> memref<1x128xf32, #tpu.memory_space<vmem>>
    %dma_wait3A_2627 = tpu.memref_squeeze %dma_wait3A_2626 : memref<1x128xf32, #tpu.memory_space<vmem>> -> memref<128xf32, #tpu.memory_space<vmem>>
    %dma_wait3A_2628 = arith.constant 0 : i32
    %dma_wait3A_2629 = tpu.memref_slice %arg9[%dma_wait3A_2622, %dma_wait3A_2623, %dma_wait3A_2628] : memref<8x16x128xi32, #tpu.memory_space<vmem>> -> memref<1x1x128xi32, #tpu.memory_space<vmem>>
    %dma_wait3A_2630 = tpu.memref_squeeze %dma_wait3A_2629 : memref<1x1x128xi32, #tpu.memory_space<vmem>> -> memref<128xi32, #tpu.memory_space<vmem>>
    %dma_wait3A_2631 = arith.constant 0 : i32
    %dma_wait3A_2632 = tpu.memref_slice %arg5[%dma_wait3A_2631] : memref<16777216xf32, #tpu.memory_space<hbm>> -> memref<16777216xf32, #tpu.memory_space<hbm>>
    tpu.wait_indirect_dma semaphore(%arg15 : memref<!tpu.dma_semaphore, #tpu.memory_space<semaphore_mem>>) src(%dma_wait3A_2632 : memref<16777216xf32, #tpu.memory_space<hbm>>) dst(%dma_wait3A_2627 : memref<128xf32, #tpu.memory_space<vmem>>)
    %dma_wait3A_2633 = arith.constant 6 : i32
    %dma_wait3A_2634 = arith.constant 12 : i32
    %dma_wait3A_2635 = arith.constant 6 : i32
    %dma_wait3A_2636 = arith.constant 1536 : i32
    %dma_wait3A_2637 = tpu.memref_slice %arg10[%dma_wait3A_2635, %dma_wait3A_2636] : memref<8x2048xf32, #tpu.memory_space<vmem>> -> memref<1x128xf32, #tpu.memory_space<vmem>>
    %dma_wait3A_2638 = tpu.memref_squeeze %dma_wait3A_2637 : memref<1x128xf32, #tpu.memory_space<vmem>> -> memref<128xf32, #tpu.memory_space<vmem>>
    %dma_wait3A_2639 = arith.constant 0 : i32
    %dma_wait3A_2640 = tpu.memref_slice %arg9[%dma_wait3A_2633, %dma_wait3A_2634, %dma_wait3A_2639] : memref<8x16x128xi32, #tpu.memory_space<vmem>> -> memref<1x1x128xi32, #tpu.memory_space<vmem>>
    %dma_wait3A_2641 = tpu.memref_squeeze %dma_wait3A_2640 : memref<1x1x128xi32, #tpu.memory_space<vmem>> -> memref<128xi32, #tpu.memory_space<vmem>>
    %dma_wait3A_2642 = arith.constant 0 : i32
    %dma_wait3A_2643 = tpu.memref_slice %arg5[%dma_wait3A_2642] : memref<16777216xf32, #tpu.memory_space<hbm>> -> memref<16777216xf32, #tpu.memory_space<hbm>>
    tpu.wait_indirect_dma semaphore(%arg15 : memref<!tpu.dma_semaphore, #tpu.memory_space<semaphore_mem>>) src(%dma_wait3A_2643 : memref<16777216xf32, #tpu.memory_space<hbm>>) dst(%dma_wait3A_2638 : memref<128xf32, #tpu.memory_space<vmem>>)
    %dma_wait3A_2644 = arith.constant 7 : i32
    %dma_wait3A_2645 = arith.constant 12 : i32
    %dma_wait3A_2646 = arith.constant 7 : i32
    %dma_wait3A_2647 = arith.constant 1536 : i32
    %dma_wait3A_2648 = tpu.memref_slice %arg10[%dma_wait3A_2646, %dma_wait3A_2647] : memref<8x2048xf32, #tpu.memory_space<vmem>> -> memref<1x128xf32, #tpu.memory_space<vmem>>
    %dma_wait3A_2649 = tpu.memref_squeeze %dma_wait3A_2648 : memref<1x128xf32, #tpu.memory_space<vmem>> -> memref<128xf32, #tpu.memory_space<vmem>>
    %dma_wait3A_2650 = arith.constant 0 : i32
    %dma_wait3A_2651 = tpu.memref_slice %arg9[%dma_wait3A_2644, %dma_wait3A_2645, %dma_wait3A_2650] : memref<8x16x128xi32, #tpu.memory_space<vmem>> -> memref<1x1x128xi32, #tpu.memory_space<vmem>>
    %dma_wait3A_2652 = tpu.memref_squeeze %dma_wait3A_2651 : memref<1x1x128xi32, #tpu.memory_space<vmem>> -> memref<128xi32, #tpu.memory_space<vmem>>
    %dma_wait3A_2653 = arith.constant 0 : i32
    %dma_wait3A_2654 = tpu.memref_slice %arg5[%dma_wait3A_2653] : memref<16777216xf32, #tpu.memory_space<hbm>> -> memref<16777216xf32, #tpu.memory_space<hbm>>
    tpu.wait_indirect_dma semaphore(%arg15 : memref<!tpu.dma_semaphore, #tpu.memory_space<semaphore_mem>>) src(%dma_wait3A_2654 : memref<16777216xf32, #tpu.memory_space<hbm>>) dst(%dma_wait3A_2649 : memref<128xf32, #tpu.memory_space<vmem>>)
    %dma_start3A_2655 = arith.constant 0 : i32
    %dma_start3A_2656 = arith.constant 14 : i32
    %dma_start3A_2657 = arith.constant 0 : i32
    %dma_start3A_2658 = arith.constant 1792 : i32
    %dma_start3A_2659 = tpu.memref_slice %arg10[%dma_start3A_2657, %dma_start3A_2658] : memref<8x2048xf32, #tpu.memory_space<vmem>> -> memref<1x128xf32, #tpu.memory_space<vmem>>
    %dma_start3A_2660 = tpu.memref_squeeze %dma_start3A_2659 : memref<1x128xf32, #tpu.memory_space<vmem>> -> memref<128xf32, #tpu.memory_space<vmem>>
    %dma_start3A_2661 = arith.constant 0 : i32
    %dma_start3A_2662 = tpu.memref_slice %arg9[%dma_start3A_2655, %dma_start3A_2656, %dma_start3A_2661] : memref<8x16x128xi32, #tpu.memory_space<vmem>> -> memref<1x1x128xi32, #tpu.memory_space<vmem>>
    %dma_start3A_2663 = tpu.memref_squeeze %dma_start3A_2662 : memref<1x1x128xi32, #tpu.memory_space<vmem>> -> memref<128xi32, #tpu.memory_space<vmem>>
    %dma_start3A_2664 = arith.constant 0 : i32
    %dma_start3A_2665 = tpu.memref_slice %arg5[%dma_start3A_2664] : memref<16777216xf32, #tpu.memory_space<hbm>> -> memref<16777216xf32, #tpu.memory_space<hbm>>
    tpu.enqueue_indirect_dma source(%dma_start3A_2665 : memref<16777216xf32, #tpu.memory_space<hbm>>) target(%dma_start3A_2660 : memref<128xf32, #tpu.memory_space<vmem>>) offsets(%dma_start3A_2663 : memref<128xi32, #tpu.memory_space<vmem>>) semaphore(%arg15 : memref<!tpu.dma_semaphore, #tpu.memory_space<semaphore_mem>>)
    %dma_start3A_2666 = arith.constant 1 : i32
    %dma_start3A_2667 = arith.constant 14 : i32
    %dma_start3A_2668 = arith.constant 1 : i32
    %dma_start3A_2669 = arith.constant 1792 : i32
    %dma_start3A_2670 = tpu.memref_slice %arg10[%dma_start3A_2668, %dma_start3A_2669] : memref<8x2048xf32, #tpu.memory_space<vmem>> -> memref<1x128xf32, #tpu.memory_space<vmem>>
    %dma_start3A_2671 = tpu.memref_squeeze %dma_start3A_2670 : memref<1x128xf32, #tpu.memory_space<vmem>> -> memref<128xf32, #tpu.memory_space<vmem>>
    %dma_start3A_2672 = arith.constant 0 : i32
    %dma_start3A_2673 = tpu.memref_slice %arg9[%dma_start3A_2666, %dma_start3A_2667, %dma_start3A_2672] : memref<8x16x128xi32, #tpu.memory_space<vmem>> -> memref<1x1x128xi32, #tpu.memory_space<vmem>>
    %dma_start3A_2674 = tpu.memref_squeeze %dma_start3A_2673 : memref<1x1x128xi32, #tpu.memory_space<vmem>> -> memref<128xi32, #tpu.memory_space<vmem>>
    %dma_start3A_2675 = arith.constant 0 : i32
    %dma_start3A_2676 = tpu.memref_slice %arg5[%dma_start3A_2675] : memref<16777216xf32, #tpu.memory_space<hbm>> -> memref<16777216xf32, #tpu.memory_space<hbm>>
    tpu.enqueue_indirect_dma source(%dma_start3A_2676 : memref<16777216xf32, #tpu.memory_space<hbm>>) target(%dma_start3A_2671 : memref<128xf32, #tpu.memory_space<vmem>>) offsets(%dma_start3A_2674 : memref<128xi32, #tpu.memory_space<vmem>>) semaphore(%arg15 : memref<!tpu.dma_semaphore, #tpu.memory_space<semaphore_mem>>)
    %dma_start3A_2677 = arith.constant 2 : i32
    %dma_start3A_2678 = arith.constant 14 : i32
    %dma_start3A_2679 = arith.constant 2 : i32
    %dma_start3A_2680 = arith.constant 1792 : i32
    %dma_start3A_2681 = tpu.memref_slice %arg10[%dma_start3A_2679, %dma_start3A_2680] : memref<8x2048xf32, #tpu.memory_space<vmem>> -> memref<1x128xf32, #tpu.memory_space<vmem>>
    %dma_start3A_2682 = tpu.memref_squeeze %dma_start3A_2681 : memref<1x128xf32, #tpu.memory_space<vmem>> -> memref<128xf32, #tpu.memory_space<vmem>>
    %dma_start3A_2683 = arith.constant 0 : i32
    %dma_start3A_2684 = tpu.memref_slice %arg9[%dma_start3A_2677, %dma_start3A_2678, %dma_start3A_2683] : memref<8x16x128xi32, #tpu.memory_space<vmem>> -> memref<1x1x128xi32, #tpu.memory_space<vmem>>
    %dma_start3A_2685 = tpu.memref_squeeze %dma_start3A_2684 : memref<1x1x128xi32, #tpu.memory_space<vmem>> -> memref<128xi32, #tpu.memory_space<vmem>>
    %dma_start3A_2686 = arith.constant 0 : i32
    %dma_start3A_2687 = tpu.memref_slice %arg5[%dma_start3A_2686] : memref<16777216xf32, #tpu.memory_space<hbm>> -> memref<16777216xf32, #tpu.memory_space<hbm>>
    tpu.enqueue_indirect_dma source(%dma_start3A_2687 : memref<16777216xf32, #tpu.memory_space<hbm>>) target(%dma_start3A_2682 : memref<128xf32, #tpu.memory_space<vmem>>) offsets(%dma_start3A_2685 : memref<128xi32, #tpu.memory_space<vmem>>) semaphore(%arg15 : memref<!tpu.dma_semaphore, #tpu.memory_space<semaphore_mem>>)
    %dma_start3A_2688 = arith.constant 3 : i32
    %dma_start3A_2689 = arith.constant 14 : i32
    %dma_start3A_2690 = arith.constant 3 : i32
    %dma_start3A_2691 = arith.constant 1792 : i32
    %dma_start3A_2692 = tpu.memref_slice %arg10[%dma_start3A_2690, %dma_start3A_2691] : memref<8x2048xf32, #tpu.memory_space<vmem>> -> memref<1x128xf32, #tpu.memory_space<vmem>>
    %dma_start3A_2693 = tpu.memref_squeeze %dma_start3A_2692 : memref<1x128xf32, #tpu.memory_space<vmem>> -> memref<128xf32, #tpu.memory_space<vmem>>
    %dma_start3A_2694 = arith.constant 0 : i32
    %dma_start3A_2695 = tpu.memref_slice %arg9[%dma_start3A_2688, %dma_start3A_2689, %dma_start3A_2694] : memref<8x16x128xi32, #tpu.memory_space<vmem>> -> memref<1x1x128xi32, #tpu.memory_space<vmem>>
    %dma_start3A_2696 = tpu.memref_squeeze %dma_start3A_2695 : memref<1x1x128xi32, #tpu.memory_space<vmem>> -> memref<128xi32, #tpu.memory_space<vmem>>
    %dma_start3A_2697 = arith.constant 0 : i32
    %dma_start3A_2698 = tpu.memref_slice %arg5[%dma_start3A_2697] : memref<16777216xf32, #tpu.memory_space<hbm>> -> memref<16777216xf32, #tpu.memory_space<hbm>>
    tpu.enqueue_indirect_dma source(%dma_start3A_2698 : memref<16777216xf32, #tpu.memory_space<hbm>>) target(%dma_start3A_2693 : memref<128xf32, #tpu.memory_space<vmem>>) offsets(%dma_start3A_2696 : memref<128xi32, #tpu.memory_space<vmem>>) semaphore(%arg15 : memref<!tpu.dma_semaphore, #tpu.memory_space<semaphore_mem>>)
    %dma_start3A_2699 = arith.constant 4 : i32
    %dma_start3A_2700 = arith.constant 14 : i32
    %dma_start3A_2701 = arith.constant 4 : i32
    %dma_start3A_2702 = arith.constant 1792 : i32
    %dma_start3A_2703 = tpu.memref_slice %arg10[%dma_start3A_2701, %dma_start3A_2702] : memref<8x2048xf32, #tpu.memory_space<vmem>> -> memref<1x128xf32, #tpu.memory_space<vmem>>
    %dma_start3A_2704 = tpu.memref_squeeze %dma_start3A_2703 : memref<1x128xf32, #tpu.memory_space<vmem>> -> memref<128xf32, #tpu.memory_space<vmem>>
    %dma_start3A_2705 = arith.constant 0 : i32
    %dma_start3A_2706 = tpu.memref_slice %arg9[%dma_start3A_2699, %dma_start3A_2700, %dma_start3A_2705] : memref<8x16x128xi32, #tpu.memory_space<vmem>> -> memref<1x1x128xi32, #tpu.memory_space<vmem>>
    %dma_start3A_2707 = tpu.memref_squeeze %dma_start3A_2706 : memref<1x1x128xi32, #tpu.memory_space<vmem>> -> memref<128xi32, #tpu.memory_space<vmem>>
    %dma_start3A_2708 = arith.constant 0 : i32
    %dma_start3A_2709 = tpu.memref_slice %arg5[%dma_start3A_2708] : memref<16777216xf32, #tpu.memory_space<hbm>> -> memref<16777216xf32, #tpu.memory_space<hbm>>
    tpu.enqueue_indirect_dma source(%dma_start3A_2709 : memref<16777216xf32, #tpu.memory_space<hbm>>) target(%dma_start3A_2704 : memref<128xf32, #tpu.memory_space<vmem>>) offsets(%dma_start3A_2707 : memref<128xi32, #tpu.memory_space<vmem>>) semaphore(%arg15 : memref<!tpu.dma_semaphore, #tpu.memory_space<semaphore_mem>>)
    %dma_start3A_2710 = arith.constant 5 : i32
    %dma_start3A_2711 = arith.constant 14 : i32
    %dma_start3A_2712 = arith.constant 5 : i32
    %dma_start3A_2713 = arith.constant 1792 : i32
    %dma_start3A_2714 = tpu.memref_slice %arg10[%dma_start3A_2712, %dma_start3A_2713] : memref<8x2048xf32, #tpu.memory_space<vmem>> -> memref<1x128xf32, #tpu.memory_space<vmem>>
    %dma_start3A_2715 = tpu.memref_squeeze %dma_start3A_2714 : memref<1x128xf32, #tpu.memory_space<vmem>> -> memref<128xf32, #tpu.memory_space<vmem>>
    %dma_start3A_2716 = arith.constant 0 : i32
    %dma_start3A_2717 = tpu.memref_slice %arg9[%dma_start3A_2710, %dma_start3A_2711, %dma_start3A_2716] : memref<8x16x128xi32, #tpu.memory_space<vmem>> -> memref<1x1x128xi32, #tpu.memory_space<vmem>>
    %dma_start3A_2718 = tpu.memref_squeeze %dma_start3A_2717 : memref<1x1x128xi32, #tpu.memory_space<vmem>> -> memref<128xi32, #tpu.memory_space<vmem>>
    %dma_start3A_2719 = arith.constant 0 : i32
    %dma_start3A_2720 = tpu.memref_slice %arg5[%dma_start3A_2719] : memref<16777216xf32, #tpu.memory_space<hbm>> -> memref<16777216xf32, #tpu.memory_space<hbm>>
    tpu.enqueue_indirect_dma source(%dma_start3A_2720 : memref<16777216xf32, #tpu.memory_space<hbm>>) target(%dma_start3A_2715 : memref<128xf32, #tpu.memory_space<vmem>>) offsets(%dma_start3A_2718 : memref<128xi32, #tpu.memory_space<vmem>>) semaphore(%arg15 : memref<!tpu.dma_semaphore, #tpu.memory_space<semaphore_mem>>)
    %dma_start3A_2721 = arith.constant 6 : i32
    %dma_start3A_2722 = arith.constant 14 : i32
    %dma_start3A_2723 = arith.constant 6 : i32
    %dma_start3A_2724 = arith.constant 1792 : i32
    %dma_start3A_2725 = tpu.memref_slice %arg10[%dma_start3A_2723, %dma_start3A_2724] : memref<8x2048xf32, #tpu.memory_space<vmem>> -> memref<1x128xf32, #tpu.memory_space<vmem>>
    %dma_start3A_2726 = tpu.memref_squeeze %dma_start3A_2725 : memref<1x128xf32, #tpu.memory_space<vmem>> -> memref<128xf32, #tpu.memory_space<vmem>>
    %dma_start3A_2727 = arith.constant 0 : i32
    %dma_start3A_2728 = tpu.memref_slice %arg9[%dma_start3A_2721, %dma_start3A_2722, %dma_start3A_2727] : memref<8x16x128xi32, #tpu.memory_space<vmem>> -> memref<1x1x128xi32, #tpu.memory_space<vmem>>
    %dma_start3A_2729 = tpu.memref_squeeze %dma_start3A_2728 : memref<1x1x128xi32, #tpu.memory_space<vmem>> -> memref<128xi32, #tpu.memory_space<vmem>>
    %dma_start3A_2730 = arith.constant 0 : i32
    %dma_start3A_2731 = tpu.memref_slice %arg5[%dma_start3A_2730] : memref<16777216xf32, #tpu.memory_space<hbm>> -> memref<16777216xf32, #tpu.memory_space<hbm>>
    tpu.enqueue_indirect_dma source(%dma_start3A_2731 : memref<16777216xf32, #tpu.memory_space<hbm>>) target(%dma_start3A_2726 : memref<128xf32, #tpu.memory_space<vmem>>) offsets(%dma_start3A_2729 : memref<128xi32, #tpu.memory_space<vmem>>) semaphore(%arg15 : memref<!tpu.dma_semaphore, #tpu.memory_space<semaphore_mem>>)
    %dma_start3A_2732 = arith.constant 7 : i32
    %dma_start3A_2733 = arith.constant 14 : i32
    %dma_start3A_2734 = arith.constant 7 : i32
    %dma_start3A_2735 = arith.constant 1792 : i32
    %dma_start3A_2736 = tpu.memref_slice %arg10[%dma_start3A_2734, %dma_start3A_2735] : memref<8x2048xf32, #tpu.memory_space<vmem>> -> memref<1x128xf32, #tpu.memory_space<vmem>>
    %dma_start3A_2737 = tpu.memref_squeeze %dma_start3A_2736 : memref<1x128xf32, #tpu.memory_space<vmem>> -> memref<128xf32, #tpu.memory_space<vmem>>
    %dma_start3A_2738 = arith.constant 0 : i32
    %dma_start3A_2739 = tpu.memref_slice %arg9[%dma_start3A_2732, %dma_start3A_2733, %dma_start3A_2738] : memref<8x16x128xi32, #tpu.memory_space<vmem>> -> memref<1x1x128xi32, #tpu.memory_space<vmem>>
    %dma_start3A_2740 = tpu.memref_squeeze %dma_start3A_2739 : memref<1x1x128xi32, #tpu.memory_space<vmem>> -> memref<128xi32, #tpu.memory_space<vmem>>
    %dma_start3A_2741 = arith.constant 0 : i32
    %dma_start3A_2742 = tpu.memref_slice %arg5[%dma_start3A_2741] : memref<16777216xf32, #tpu.memory_space<hbm>> -> memref<16777216xf32, #tpu.memory_space<hbm>>
    tpu.enqueue_indirect_dma source(%dma_start3A_2742 : memref<16777216xf32, #tpu.memory_space<hbm>>) target(%dma_start3A_2737 : memref<128xf32, #tpu.memory_space<vmem>>) offsets(%dma_start3A_2740 : memref<128xi32, #tpu.memory_space<vmem>>) semaphore(%arg15 : memref<!tpu.dma_semaphore, #tpu.memory_space<semaphore_mem>>)
    %dma_wait3A_2743 = arith.constant 0 : i32
    %dma_wait3A_2744 = arith.constant 13 : i32
    %dma_wait3A_2745 = arith.constant 0 : i32
    %dma_wait3A_2746 = arith.constant 1664 : i32
    %dma_wait3A_2747 = tpu.memref_slice %arg10[%dma_wait3A_2745, %dma_wait3A_2746] : memref<8x2048xf32, #tpu.memory_space<vmem>> -> memref<1x128xf32, #tpu.memory_space<vmem>>
    %dma_wait3A_2748 = tpu.memref_squeeze %dma_wait3A_2747 : memref<1x128xf32, #tpu.memory_space<vmem>> -> memref<128xf32, #tpu.memory_space<vmem>>
    %dma_wait3A_2749 = arith.constant 0 : i32
    %dma_wait3A_2750 = tpu.memref_slice %arg9[%dma_wait3A_2743, %dma_wait3A_2744, %dma_wait3A_2749] : memref<8x16x128xi32, #tpu.memory_space<vmem>> -> memref<1x1x128xi32, #tpu.memory_space<vmem>>
    %dma_wait3A_2751 = tpu.memref_squeeze %dma_wait3A_2750 : memref<1x1x128xi32, #tpu.memory_space<vmem>> -> memref<128xi32, #tpu.memory_space<vmem>>
    %dma_wait3A_2752 = arith.constant 0 : i32
    %dma_wait3A_2753 = tpu.memref_slice %arg5[%dma_wait3A_2752] : memref<16777216xf32, #tpu.memory_space<hbm>> -> memref<16777216xf32, #tpu.memory_space<hbm>>
    tpu.wait_indirect_dma semaphore(%arg16 : memref<!tpu.dma_semaphore, #tpu.memory_space<semaphore_mem>>) src(%dma_wait3A_2753 : memref<16777216xf32, #tpu.memory_space<hbm>>) dst(%dma_wait3A_2748 : memref<128xf32, #tpu.memory_space<vmem>>)
    %dma_wait3A_2754 = arith.constant 1 : i32
    %dma_wait3A_2755 = arith.constant 13 : i32
    %dma_wait3A_2756 = arith.constant 1 : i32
    %dma_wait3A_2757 = arith.constant 1664 : i32
    %dma_wait3A_2758 = tpu.memref_slice %arg10[%dma_wait3A_2756, %dma_wait3A_2757] : memref<8x2048xf32, #tpu.memory_space<vmem>> -> memref<1x128xf32, #tpu.memory_space<vmem>>
    %dma_wait3A_2759 = tpu.memref_squeeze %dma_wait3A_2758 : memref<1x128xf32, #tpu.memory_space<vmem>> -> memref<128xf32, #tpu.memory_space<vmem>>
    %dma_wait3A_2760 = arith.constant 0 : i32
    %dma_wait3A_2761 = tpu.memref_slice %arg9[%dma_wait3A_2754, %dma_wait3A_2755, %dma_wait3A_2760] : memref<8x16x128xi32, #tpu.memory_space<vmem>> -> memref<1x1x128xi32, #tpu.memory_space<vmem>>
    %dma_wait3A_2762 = tpu.memref_squeeze %dma_wait3A_2761 : memref<1x1x128xi32, #tpu.memory_space<vmem>> -> memref<128xi32, #tpu.memory_space<vmem>>
    %dma_wait3A_2763 = arith.constant 0 : i32
    %dma_wait3A_2764 = tpu.memref_slice %arg5[%dma_wait3A_2763] : memref<16777216xf32, #tpu.memory_space<hbm>> -> memref<16777216xf32, #tpu.memory_space<hbm>>
    tpu.wait_indirect_dma semaphore(%arg16 : memref<!tpu.dma_semaphore, #tpu.memory_space<semaphore_mem>>) src(%dma_wait3A_2764 : memref<16777216xf32, #tpu.memory_space<hbm>>) dst(%dma_wait3A_2759 : memref<128xf32, #tpu.memory_space<vmem>>)
    %dma_wait3A_2765 = arith.constant 2 : i32
    %dma_wait3A_2766 = arith.constant 13 : i32
    %dma_wait3A_2767 = arith.constant 2 : i32
    %dma_wait3A_2768 = arith.constant 1664 : i32
    %dma_wait3A_2769 = tpu.memref_slice %arg10[%dma_wait3A_2767, %dma_wait3A_2768] : memref<8x2048xf32, #tpu.memory_space<vmem>> -> memref<1x128xf32, #tpu.memory_space<vmem>>
    %dma_wait3A_2770 = tpu.memref_squeeze %dma_wait3A_2769 : memref<1x128xf32, #tpu.memory_space<vmem>> -> memref<128xf32, #tpu.memory_space<vmem>>
    %dma_wait3A_2771 = arith.constant 0 : i32
    %dma_wait3A_2772 = tpu.memref_slice %arg9[%dma_wait3A_2765, %dma_wait3A_2766, %dma_wait3A_2771] : memref<8x16x128xi32, #tpu.memory_space<vmem>> -> memref<1x1x128xi32, #tpu.memory_space<vmem>>
    %dma_wait3A_2773 = tpu.memref_squeeze %dma_wait3A_2772 : memref<1x1x128xi32, #tpu.memory_space<vmem>> -> memref<128xi32, #tpu.memory_space<vmem>>
    %dma_wait3A_2774 = arith.constant 0 : i32
    %dma_wait3A_2775 = tpu.memref_slice %arg5[%dma_wait3A_2774] : memref<16777216xf32, #tpu.memory_space<hbm>> -> memref<16777216xf32, #tpu.memory_space<hbm>>
    tpu.wait_indirect_dma semaphore(%arg16 : memref<!tpu.dma_semaphore, #tpu.memory_space<semaphore_mem>>) src(%dma_wait3A_2775 : memref<16777216xf32, #tpu.memory_space<hbm>>) dst(%dma_wait3A_2770 : memref<128xf32, #tpu.memory_space<vmem>>)
    %dma_wait3A_2776 = arith.constant 3 : i32
    %dma_wait3A_2777 = arith.constant 13 : i32
    %dma_wait3A_2778 = arith.constant 3 : i32
    %dma_wait3A_2779 = arith.constant 1664 : i32
    %dma_wait3A_2780 = tpu.memref_slice %arg10[%dma_wait3A_2778, %dma_wait3A_2779] : memref<8x2048xf32, #tpu.memory_space<vmem>> -> memref<1x128xf32, #tpu.memory_space<vmem>>
    %dma_wait3A_2781 = tpu.memref_squeeze %dma_wait3A_2780 : memref<1x128xf32, #tpu.memory_space<vmem>> -> memref<128xf32, #tpu.memory_space<vmem>>
    %dma_wait3A_2782 = arith.constant 0 : i32
    %dma_wait3A_2783 = tpu.memref_slice %arg9[%dma_wait3A_2776, %dma_wait3A_2777, %dma_wait3A_2782] : memref<8x16x128xi32, #tpu.memory_space<vmem>> -> memref<1x1x128xi32, #tpu.memory_space<vmem>>
    %dma_wait3A_2784 = tpu.memref_squeeze %dma_wait3A_2783 : memref<1x1x128xi32, #tpu.memory_space<vmem>> -> memref<128xi32, #tpu.memory_space<vmem>>
    %dma_wait3A_2785 = arith.constant 0 : i32
    %dma_wait3A_2786 = tpu.memref_slice %arg5[%dma_wait3A_2785] : memref<16777216xf32, #tpu.memory_space<hbm>> -> memref<16777216xf32, #tpu.memory_space<hbm>>
    tpu.wait_indirect_dma semaphore(%arg16 : memref<!tpu.dma_semaphore, #tpu.memory_space<semaphore_mem>>) src(%dma_wait3A_2786 : memref<16777216xf32, #tpu.memory_space<hbm>>) dst(%dma_wait3A_2781 : memref<128xf32, #tpu.memory_space<vmem>>)
    %dma_wait3A_2787 = arith.constant 4 : i32
    %dma_wait3A_2788 = arith.constant 13 : i32
    %dma_wait3A_2789 = arith.constant 4 : i32
    %dma_wait3A_2790 = arith.constant 1664 : i32
    %dma_wait3A_2791 = tpu.memref_slice %arg10[%dma_wait3A_2789, %dma_wait3A_2790] : memref<8x2048xf32, #tpu.memory_space<vmem>> -> memref<1x128xf32, #tpu.memory_space<vmem>>
    %dma_wait3A_2792 = tpu.memref_squeeze %dma_wait3A_2791 : memref<1x128xf32, #tpu.memory_space<vmem>> -> memref<128xf32, #tpu.memory_space<vmem>>
    %dma_wait3A_2793 = arith.constant 0 : i32
    %dma_wait3A_2794 = tpu.memref_slice %arg9[%dma_wait3A_2787, %dma_wait3A_2788, %dma_wait3A_2793] : memref<8x16x128xi32, #tpu.memory_space<vmem>> -> memref<1x1x128xi32, #tpu.memory_space<vmem>>
    %dma_wait3A_2795 = tpu.memref_squeeze %dma_wait3A_2794 : memref<1x1x128xi32, #tpu.memory_space<vmem>> -> memref<128xi32, #tpu.memory_space<vmem>>
    %dma_wait3A_2796 = arith.constant 0 : i32
    %dma_wait3A_2797 = tpu.memref_slice %arg5[%dma_wait3A_2796] : memref<16777216xf32, #tpu.memory_space<hbm>> -> memref<16777216xf32, #tpu.memory_space<hbm>>
    tpu.wait_indirect_dma semaphore(%arg16 : memref<!tpu.dma_semaphore, #tpu.memory_space<semaphore_mem>>) src(%dma_wait3A_2797 : memref<16777216xf32, #tpu.memory_space<hbm>>) dst(%dma_wait3A_2792 : memref<128xf32, #tpu.memory_space<vmem>>)
    %dma_wait3A_2798 = arith.constant 5 : i32
    %dma_wait3A_2799 = arith.constant 13 : i32
    %dma_wait3A_2800 = arith.constant 5 : i32
    %dma_wait3A_2801 = arith.constant 1664 : i32
    %dma_wait3A_2802 = tpu.memref_slice %arg10[%dma_wait3A_2800, %dma_wait3A_2801] : memref<8x2048xf32, #tpu.memory_space<vmem>> -> memref<1x128xf32, #tpu.memory_space<vmem>>
    %dma_wait3A_2803 = tpu.memref_squeeze %dma_wait3A_2802 : memref<1x128xf32, #tpu.memory_space<vmem>> -> memref<128xf32, #tpu.memory_space<vmem>>
    %dma_wait3A_2804 = arith.constant 0 : i32
    %dma_wait3A_2805 = tpu.memref_slice %arg9[%dma_wait3A_2798, %dma_wait3A_2799, %dma_wait3A_2804] : memref<8x16x128xi32, #tpu.memory_space<vmem>> -> memref<1x1x128xi32, #tpu.memory_space<vmem>>
    %dma_wait3A_2806 = tpu.memref_squeeze %dma_wait3A_2805 : memref<1x1x128xi32, #tpu.memory_space<vmem>> -> memref<128xi32, #tpu.memory_space<vmem>>
    %dma_wait3A_2807 = arith.constant 0 : i32
    %dma_wait3A_2808 = tpu.memref_slice %arg5[%dma_wait3A_2807] : memref<16777216xf32, #tpu.memory_space<hbm>> -> memref<16777216xf32, #tpu.memory_space<hbm>>
    tpu.wait_indirect_dma semaphore(%arg16 : memref<!tpu.dma_semaphore, #tpu.memory_space<semaphore_mem>>) src(%dma_wait3A_2808 : memref<16777216xf32, #tpu.memory_space<hbm>>) dst(%dma_wait3A_2803 : memref<128xf32, #tpu.memory_space<vmem>>)
    %dma_wait3A_2809 = arith.constant 6 : i32
    %dma_wait3A_2810 = arith.constant 13 : i32
    %dma_wait3A_2811 = arith.constant 6 : i32
    %dma_wait3A_2812 = arith.constant 1664 : i32
    %dma_wait3A_2813 = tpu.memref_slice %arg10[%dma_wait3A_2811, %dma_wait3A_2812] : memref<8x2048xf32, #tpu.memory_space<vmem>> -> memref<1x128xf32, #tpu.memory_space<vmem>>
    %dma_wait3A_2814 = tpu.memref_squeeze %dma_wait3A_2813 : memref<1x128xf32, #tpu.memory_space<vmem>> -> memref<128xf32, #tpu.memory_space<vmem>>
    %dma_wait3A_2815 = arith.constant 0 : i32
    %dma_wait3A_2816 = tpu.memref_slice %arg9[%dma_wait3A_2809, %dma_wait3A_2810, %dma_wait3A_2815] : memref<8x16x128xi32, #tpu.memory_space<vmem>> -> memref<1x1x128xi32, #tpu.memory_space<vmem>>
    %dma_wait3A_2817 = tpu.memref_squeeze %dma_wait3A_2816 : memref<1x1x128xi32, #tpu.memory_space<vmem>> -> memref<128xi32, #tpu.memory_space<vmem>>
    %dma_wait3A_2818 = arith.constant 0 : i32
    %dma_wait3A_2819 = tpu.memref_slice %arg5[%dma_wait3A_2818] : memref<16777216xf32, #tpu.memory_space<hbm>> -> memref<16777216xf32, #tpu.memory_space<hbm>>
    tpu.wait_indirect_dma semaphore(%arg16 : memref<!tpu.dma_semaphore, #tpu.memory_space<semaphore_mem>>) src(%dma_wait3A_2819 : memref<16777216xf32, #tpu.memory_space<hbm>>) dst(%dma_wait3A_2814 : memref<128xf32, #tpu.memory_space<vmem>>)
    %dma_wait3A_2820 = arith.constant 7 : i32
    %dma_wait3A_2821 = arith.constant 13 : i32
    %dma_wait3A_2822 = arith.constant 7 : i32
    %dma_wait3A_2823 = arith.constant 1664 : i32
    %dma_wait3A_2824 = tpu.memref_slice %arg10[%dma_wait3A_2822, %dma_wait3A_2823] : memref<8x2048xf32, #tpu.memory_space<vmem>> -> memref<1x128xf32, #tpu.memory_space<vmem>>
    %dma_wait3A_2825 = tpu.memref_squeeze %dma_wait3A_2824 : memref<1x128xf32, #tpu.memory_space<vmem>> -> memref<128xf32, #tpu.memory_space<vmem>>
    %dma_wait3A_2826 = arith.constant 0 : i32
    %dma_wait3A_2827 = tpu.memref_slice %arg9[%dma_wait3A_2820, %dma_wait3A_2821, %dma_wait3A_2826] : memref<8x16x128xi32, #tpu.memory_space<vmem>> -> memref<1x1x128xi32, #tpu.memory_space<vmem>>
    %dma_wait3A_2828 = tpu.memref_squeeze %dma_wait3A_2827 : memref<1x1x128xi32, #tpu.memory_space<vmem>> -> memref<128xi32, #tpu.memory_space<vmem>>
    %dma_wait3A_2829 = arith.constant 0 : i32
    %dma_wait3A_2830 = tpu.memref_slice %arg5[%dma_wait3A_2829] : memref<16777216xf32, #tpu.memory_space<hbm>> -> memref<16777216xf32, #tpu.memory_space<hbm>>
    tpu.wait_indirect_dma semaphore(%arg16 : memref<!tpu.dma_semaphore, #tpu.memory_space<semaphore_mem>>) src(%dma_wait3A_2830 : memref<16777216xf32, #tpu.memory_space<hbm>>) dst(%dma_wait3A_2825 : memref<128xf32, #tpu.memory_space<vmem>>)
    %dma_start3A_2831 = arith.constant 0 : i32
    %dma_start3A_2832 = arith.constant 15 : i32
    %dma_start3A_2833 = arith.constant 0 : i32
    %dma_start3A_2834 = arith.constant 1920 : i32
    %dma_start3A_2835 = tpu.memref_slice %arg10[%dma_start3A_2833, %dma_start3A_2834] : memref<8x2048xf32, #tpu.memory_space<vmem>> -> memref<1x128xf32, #tpu.memory_space<vmem>>
    %dma_start3A_2836 = tpu.memref_squeeze %dma_start3A_2835 : memref<1x128xf32, #tpu.memory_space<vmem>> -> memref<128xf32, #tpu.memory_space<vmem>>
    %dma_start3A_2837 = arith.constant 0 : i32
    %dma_start3A_2838 = tpu.memref_slice %arg9[%dma_start3A_2831, %dma_start3A_2832, %dma_start3A_2837] : memref<8x16x128xi32, #tpu.memory_space<vmem>> -> memref<1x1x128xi32, #tpu.memory_space<vmem>>
    %dma_start3A_2839 = tpu.memref_squeeze %dma_start3A_2838 : memref<1x1x128xi32, #tpu.memory_space<vmem>> -> memref<128xi32, #tpu.memory_space<vmem>>
    %dma_start3A_2840 = arith.constant 0 : i32
    %dma_start3A_2841 = tpu.memref_slice %arg5[%dma_start3A_2840] : memref<16777216xf32, #tpu.memory_space<hbm>> -> memref<16777216xf32, #tpu.memory_space<hbm>>
    tpu.enqueue_indirect_dma source(%dma_start3A_2841 : memref<16777216xf32, #tpu.memory_space<hbm>>) target(%dma_start3A_2836 : memref<128xf32, #tpu.memory_space<vmem>>) offsets(%dma_start3A_2839 : memref<128xi32, #tpu.memory_space<vmem>>) semaphore(%arg16 : memref<!tpu.dma_semaphore, #tpu.memory_space<semaphore_mem>>)
    %dma_start3A_2842 = arith.constant 1 : i32
    %dma_start3A_2843 = arith.constant 15 : i32
    %dma_start3A_2844 = arith.constant 1 : i32
    %dma_start3A_2845 = arith.constant 1920 : i32
    %dma_start3A_2846 = tpu.memref_slice %arg10[%dma_start3A_2844, %dma_start3A_2845] : memref<8x2048xf32, #tpu.memory_space<vmem>> -> memref<1x128xf32, #tpu.memory_space<vmem>>
    %dma_start3A_2847 = tpu.memref_squeeze %dma_start3A_2846 : memref<1x128xf32, #tpu.memory_space<vmem>> -> memref<128xf32, #tpu.memory_space<vmem>>
    %dma_start3A_2848 = arith.constant 0 : i32
    %dma_start3A_2849 = tpu.memref_slice %arg9[%dma_start3A_2842, %dma_start3A_2843, %dma_start3A_2848] : memref<8x16x128xi32, #tpu.memory_space<vmem>> -> memref<1x1x128xi32, #tpu.memory_space<vmem>>
    %dma_start3A_2850 = tpu.memref_squeeze %dma_start3A_2849 : memref<1x1x128xi32, #tpu.memory_space<vmem>> -> memref<128xi32, #tpu.memory_space<vmem>>
    %dma_start3A_2851 = arith.constant 0 : i32
    %dma_start3A_2852 = tpu.memref_slice %arg5[%dma_start3A_2851] : memref<16777216xf32, #tpu.memory_space<hbm>> -> memref<16777216xf32, #tpu.memory_space<hbm>>
    tpu.enqueue_indirect_dma source(%dma_start3A_2852 : memref<16777216xf32, #tpu.memory_space<hbm>>) target(%dma_start3A_2847 : memref<128xf32, #tpu.memory_space<vmem>>) offsets(%dma_start3A_2850 : memref<128xi32, #tpu.memory_space<vmem>>) semaphore(%arg16 : memref<!tpu.dma_semaphore, #tpu.memory_space<semaphore_mem>>)
    %dma_start3A_2853 = arith.constant 2 : i32
    %dma_start3A_2854 = arith.constant 15 : i32
    %dma_start3A_2855 = arith.constant 2 : i32
    %dma_start3A_2856 = arith.constant 1920 : i32
    %dma_start3A_2857 = tpu.memref_slice %arg10[%dma_start3A_2855, %dma_start3A_2856] : memref<8x2048xf32, #tpu.memory_space<vmem>> -> memref<1x128xf32, #tpu.memory_space<vmem>>
    %dma_start3A_2858 = tpu.memref_squeeze %dma_start3A_2857 : memref<1x128xf32, #tpu.memory_space<vmem>> -> memref<128xf32, #tpu.memory_space<vmem>>
    %dma_start3A_2859 = arith.constant 0 : i32
    %dma_start3A_2860 = tpu.memref_slice %arg9[%dma_start3A_2853, %dma_start3A_2854, %dma_start3A_2859] : memref<8x16x128xi32, #tpu.memory_space<vmem>> -> memref<1x1x128xi32, #tpu.memory_space<vmem>>
    %dma_start3A_2861 = tpu.memref_squeeze %dma_start3A_2860 : memref<1x1x128xi32, #tpu.memory_space<vmem>> -> memref<128xi32, #tpu.memory_space<vmem>>
    %dma_start3A_2862 = arith.constant 0 : i32
    %dma_start3A_2863 = tpu.memref_slice %arg5[%dma_start3A_2862] : memref<16777216xf32, #tpu.memory_space<hbm>> -> memref<16777216xf32, #tpu.memory_space<hbm>>
    tpu.enqueue_indirect_dma source(%dma_start3A_2863 : memref<16777216xf32, #tpu.memory_space<hbm>>) target(%dma_start3A_2858 : memref<128xf32, #tpu.memory_space<vmem>>) offsets(%dma_start3A_2861 : memref<128xi32, #tpu.memory_space<vmem>>) semaphore(%arg16 : memref<!tpu.dma_semaphore, #tpu.memory_space<semaphore_mem>>)
    %dma_start3A_2864 = arith.constant 3 : i32
    %dma_start3A_2865 = arith.constant 15 : i32
    %dma_start3A_2866 = arith.constant 3 : i32
    %dma_start3A_2867 = arith.constant 1920 : i32
    %dma_start3A_2868 = tpu.memref_slice %arg10[%dma_start3A_2866, %dma_start3A_2867] : memref<8x2048xf32, #tpu.memory_space<vmem>> -> memref<1x128xf32, #tpu.memory_space<vmem>>
    %dma_start3A_2869 = tpu.memref_squeeze %dma_start3A_2868 : memref<1x128xf32, #tpu.memory_space<vmem>> -> memref<128xf32, #tpu.memory_space<vmem>>
    %dma_start3A_2870 = arith.constant 0 : i32
    %dma_start3A_2871 = tpu.memref_slice %arg9[%dma_start3A_2864, %dma_start3A_2865, %dma_start3A_2870] : memref<8x16x128xi32, #tpu.memory_space<vmem>> -> memref<1x1x128xi32, #tpu.memory_space<vmem>>
    %dma_start3A_2872 = tpu.memref_squeeze %dma_start3A_2871 : memref<1x1x128xi32, #tpu.memory_space<vmem>> -> memref<128xi32, #tpu.memory_space<vmem>>
    %dma_start3A_2873 = arith.constant 0 : i32
    %dma_start3A_2874 = tpu.memref_slice %arg5[%dma_start3A_2873] : memref<16777216xf32, #tpu.memory_space<hbm>> -> memref<16777216xf32, #tpu.memory_space<hbm>>
    tpu.enqueue_indirect_dma source(%dma_start3A_2874 : memref<16777216xf32, #tpu.memory_space<hbm>>) target(%dma_start3A_2869 : memref<128xf32, #tpu.memory_space<vmem>>) offsets(%dma_start3A_2872 : memref<128xi32, #tpu.memory_space<vmem>>) semaphore(%arg16 : memref<!tpu.dma_semaphore, #tpu.memory_space<semaphore_mem>>)
    %dma_start3A_2875 = arith.constant 4 : i32
    %dma_start3A_2876 = arith.constant 15 : i32
    %dma_start3A_2877 = arith.constant 4 : i32
    %dma_start3A_2878 = arith.constant 1920 : i32
    %dma_start3A_2879 = tpu.memref_slice %arg10[%dma_start3A_2877, %dma_start3A_2878] : memref<8x2048xf32, #tpu.memory_space<vmem>> -> memref<1x128xf32, #tpu.memory_space<vmem>>
    %dma_start3A_2880 = tpu.memref_squeeze %dma_start3A_2879 : memref<1x128xf32, #tpu.memory_space<vmem>> -> memref<128xf32, #tpu.memory_space<vmem>>
    %dma_start3A_2881 = arith.constant 0 : i32
    %dma_start3A_2882 = tpu.memref_slice %arg9[%dma_start3A_2875, %dma_start3A_2876, %dma_start3A_2881] : memref<8x16x128xi32, #tpu.memory_space<vmem>> -> memref<1x1x128xi32, #tpu.memory_space<vmem>>
    %dma_start3A_2883 = tpu.memref_squeeze %dma_start3A_2882 : memref<1x1x128xi32, #tpu.memory_space<vmem>> -> memref<128xi32, #tpu.memory_space<vmem>>
    %dma_start3A_2884 = arith.constant 0 : i32
    %dma_start3A_2885 = tpu.memref_slice %arg5[%dma_start3A_2884] : memref<16777216xf32, #tpu.memory_space<hbm>> -> memref<16777216xf32, #tpu.memory_space<hbm>>
    tpu.enqueue_indirect_dma source(%dma_start3A_2885 : memref<16777216xf32, #tpu.memory_space<hbm>>) target(%dma_start3A_2880 : memref<128xf32, #tpu.memory_space<vmem>>) offsets(%dma_start3A_2883 : memref<128xi32, #tpu.memory_space<vmem>>) semaphore(%arg16 : memref<!tpu.dma_semaphore, #tpu.memory_space<semaphore_mem>>)
    %dma_start3A_2886 = arith.constant 5 : i32
    %dma_start3A_2887 = arith.constant 15 : i32
    %dma_start3A_2888 = arith.constant 5 : i32
    %dma_start3A_2889 = arith.constant 1920 : i32
    %dma_start3A_2890 = tpu.memref_slice %arg10[%dma_start3A_2888, %dma_start3A_2889] : memref<8x2048xf32, #tpu.memory_space<vmem>> -> memref<1x128xf32, #tpu.memory_space<vmem>>
    %dma_start3A_2891 = tpu.memref_squeeze %dma_start3A_2890 : memref<1x128xf32, #tpu.memory_space<vmem>> -> memref<128xf32, #tpu.memory_space<vmem>>
    %dma_start3A_2892 = arith.constant 0 : i32
    %dma_start3A_2893 = tpu.memref_slice %arg9[%dma_start3A_2886, %dma_start3A_2887, %dma_start3A_2892] : memref<8x16x128xi32, #tpu.memory_space<vmem>> -> memref<1x1x128xi32, #tpu.memory_space<vmem>>
    %dma_start3A_2894 = tpu.memref_squeeze %dma_start3A_2893 : memref<1x1x128xi32, #tpu.memory_space<vmem>> -> memref<128xi32, #tpu.memory_space<vmem>>
    %dma_start3A_2895 = arith.constant 0 : i32
    %dma_start3A_2896 = tpu.memref_slice %arg5[%dma_start3A_2895] : memref<16777216xf32, #tpu.memory_space<hbm>> -> memref<16777216xf32, #tpu.memory_space<hbm>>
    tpu.enqueue_indirect_dma source(%dma_start3A_2896 : memref<16777216xf32, #tpu.memory_space<hbm>>) target(%dma_start3A_2891 : memref<128xf32, #tpu.memory_space<vmem>>) offsets(%dma_start3A_2894 : memref<128xi32, #tpu.memory_space<vmem>>) semaphore(%arg16 : memref<!tpu.dma_semaphore, #tpu.memory_space<semaphore_mem>>)
    %dma_start3A_2897 = arith.constant 6 : i32
    %dma_start3A_2898 = arith.constant 15 : i32
    %dma_start3A_2899 = arith.constant 6 : i32
    %dma_start3A_2900 = arith.constant 1920 : i32
    %dma_start3A_2901 = tpu.memref_slice %arg10[%dma_start3A_2899, %dma_start3A_2900] : memref<8x2048xf32, #tpu.memory_space<vmem>> -> memref<1x128xf32, #tpu.memory_space<vmem>>
    %dma_start3A_2902 = tpu.memref_squeeze %dma_start3A_2901 : memref<1x128xf32, #tpu.memory_space<vmem>> -> memref<128xf32, #tpu.memory_space<vmem>>
    %dma_start3A_2903 = arith.constant 0 : i32
    %dma_start3A_2904 = tpu.memref_slice %arg9[%dma_start3A_2897, %dma_start3A_2898, %dma_start3A_2903] : memref<8x16x128xi32, #tpu.memory_space<vmem>> -> memref<1x1x128xi32, #tpu.memory_space<vmem>>
    %dma_start3A_2905 = tpu.memref_squeeze %dma_start3A_2904 : memref<1x1x128xi32, #tpu.memory_space<vmem>> -> memref<128xi32, #tpu.memory_space<vmem>>
    %dma_start3A_2906 = arith.constant 0 : i32
    %dma_start3A_2907 = tpu.memref_slice %arg5[%dma_start3A_2906] : memref<16777216xf32, #tpu.memory_space<hbm>> -> memref<16777216xf32, #tpu.memory_space<hbm>>
    tpu.enqueue_indirect_dma source(%dma_start3A_2907 : memref<16777216xf32, #tpu.memory_space<hbm>>) target(%dma_start3A_2902 : memref<128xf32, #tpu.memory_space<vmem>>) offsets(%dma_start3A_2905 : memref<128xi32, #tpu.memory_space<vmem>>) semaphore(%arg16 : memref<!tpu.dma_semaphore, #tpu.memory_space<semaphore_mem>>)
    %dma_start3A_2908 = arith.constant 7 : i32
    %dma_start3A_2909 = arith.constant 15 : i32
    %dma_start3A_2910 = arith.constant 7 : i32
    %dma_start3A_2911 = arith.constant 1920 : i32
    %dma_start3A_2912 = tpu.memref_slice %arg10[%dma_start3A_2910, %dma_start3A_2911] : memref<8x2048xf32, #tpu.memory_space<vmem>> -> memref<1x128xf32, #tpu.memory_space<vmem>>
    %dma_start3A_2913 = tpu.memref_squeeze %dma_start3A_2912 : memref<1x128xf32, #tpu.memory_space<vmem>> -> memref<128xf32, #tpu.memory_space<vmem>>
    %dma_start3A_2914 = arith.constant 0 : i32
    %dma_start3A_2915 = tpu.memref_slice %arg9[%dma_start3A_2908, %dma_start3A_2909, %dma_start3A_2914] : memref<8x16x128xi32, #tpu.memory_space<vmem>> -> memref<1x1x128xi32, #tpu.memory_space<vmem>>
    %dma_start3A_2916 = tpu.memref_squeeze %dma_start3A_2915 : memref<1x1x128xi32, #tpu.memory_space<vmem>> -> memref<128xi32, #tpu.memory_space<vmem>>
    %dma_start3A_2917 = arith.constant 0 : i32
    %dma_start3A_2918 = tpu.memref_slice %arg5[%dma_start3A_2917] : memref<16777216xf32, #tpu.memory_space<hbm>> -> memref<16777216xf32, #tpu.memory_space<hbm>>
    tpu.enqueue_indirect_dma source(%dma_start3A_2918 : memref<16777216xf32, #tpu.memory_space<hbm>>) target(%dma_start3A_2913 : memref<128xf32, #tpu.memory_space<vmem>>) offsets(%dma_start3A_2916 : memref<128xi32, #tpu.memory_space<vmem>>) semaphore(%arg16 : memref<!tpu.dma_semaphore, #tpu.memory_space<semaphore_mem>>)
    %dma_wait3A_2919 = arith.constant 0 : i32
    %dma_wait3A_2920 = arith.constant 14 : i32
    %dma_wait3A_2921 = arith.constant 0 : i32
    %dma_wait3A_2922 = arith.constant 1792 : i32
    %dma_wait3A_2923 = tpu.memref_slice %arg10[%dma_wait3A_2921, %dma_wait3A_2922] : memref<8x2048xf32, #tpu.memory_space<vmem>> -> memref<1x128xf32, #tpu.memory_space<vmem>>
    %dma_wait3A_2924 = tpu.memref_squeeze %dma_wait3A_2923 : memref<1x128xf32, #tpu.memory_space<vmem>> -> memref<128xf32, #tpu.memory_space<vmem>>
    %dma_wait3A_2925 = arith.constant 0 : i32
    %dma_wait3A_2926 = tpu.memref_slice %arg9[%dma_wait3A_2919, %dma_wait3A_2920, %dma_wait3A_2925] : memref<8x16x128xi32, #tpu.memory_space<vmem>> -> memref<1x1x128xi32, #tpu.memory_space<vmem>>
    %dma_wait3A_2927 = tpu.memref_squeeze %dma_wait3A_2926 : memref<1x1x128xi32, #tpu.memory_space<vmem>> -> memref<128xi32, #tpu.memory_space<vmem>>
    %dma_wait3A_2928 = arith.constant 0 : i32
    %dma_wait3A_2929 = tpu.memref_slice %arg5[%dma_wait3A_2928] : memref<16777216xf32, #tpu.memory_space<hbm>> -> memref<16777216xf32, #tpu.memory_space<hbm>>
    tpu.wait_indirect_dma semaphore(%arg15 : memref<!tpu.dma_semaphore, #tpu.memory_space<semaphore_mem>>) src(%dma_wait3A_2929 : memref<16777216xf32, #tpu.memory_space<hbm>>) dst(%dma_wait3A_2924 : memref<128xf32, #tpu.memory_space<vmem>>)
    %dma_wait3A_2930 = arith.constant 1 : i32
    %dma_wait3A_2931 = arith.constant 14 : i32
    %dma_wait3A_2932 = arith.constant 1 : i32
    %dma_wait3A_2933 = arith.constant 1792 : i32
    %dma_wait3A_2934 = tpu.memref_slice %arg10[%dma_wait3A_2932, %dma_wait3A_2933] : memref<8x2048xf32, #tpu.memory_space<vmem>> -> memref<1x128xf32, #tpu.memory_space<vmem>>
    %dma_wait3A_2935 = tpu.memref_squeeze %dma_wait3A_2934 : memref<1x128xf32, #tpu.memory_space<vmem>> -> memref<128xf32, #tpu.memory_space<vmem>>
    %dma_wait3A_2936 = arith.constant 0 : i32
    %dma_wait3A_2937 = tpu.memref_slice %arg9[%dma_wait3A_2930, %dma_wait3A_2931, %dma_wait3A_2936] : memref<8x16x128xi32, #tpu.memory_space<vmem>> -> memref<1x1x128xi32, #tpu.memory_space<vmem>>
    %dma_wait3A_2938 = tpu.memref_squeeze %dma_wait3A_2937 : memref<1x1x128xi32, #tpu.memory_space<vmem>> -> memref<128xi32, #tpu.memory_space<vmem>>
    %dma_wait3A_2939 = arith.constant 0 : i32
    %dma_wait3A_2940 = tpu.memref_slice %arg5[%dma_wait3A_2939] : memref<16777216xf32, #tpu.memory_space<hbm>> -> memref<16777216xf32, #tpu.memory_space<hbm>>
    tpu.wait_indirect_dma semaphore(%arg15 : memref<!tpu.dma_semaphore, #tpu.memory_space<semaphore_mem>>) src(%dma_wait3A_2940 : memref<16777216xf32, #tpu.memory_space<hbm>>) dst(%dma_wait3A_2935 : memref<128xf32, #tpu.memory_space<vmem>>)
    %dma_wait3A_2941 = arith.constant 2 : i32
    %dma_wait3A_2942 = arith.constant 14 : i32
    %dma_wait3A_2943 = arith.constant 2 : i32
    %dma_wait3A_2944 = arith.constant 1792 : i32
    %dma_wait3A_2945 = tpu.memref_slice %arg10[%dma_wait3A_2943, %dma_wait3A_2944] : memref<8x2048xf32, #tpu.memory_space<vmem>> -> memref<1x128xf32, #tpu.memory_space<vmem>>
    %dma_wait3A_2946 = tpu.memref_squeeze %dma_wait3A_2945 : memref<1x128xf32, #tpu.memory_space<vmem>> -> memref<128xf32, #tpu.memory_space<vmem>>
    %dma_wait3A_2947 = arith.constant 0 : i32
    %dma_wait3A_2948 = tpu.memref_slice %arg9[%dma_wait3A_2941, %dma_wait3A_2942, %dma_wait3A_2947] : memref<8x16x128xi32, #tpu.memory_space<vmem>> -> memref<1x1x128xi32, #tpu.memory_space<vmem>>
    %dma_wait3A_2949 = tpu.memref_squeeze %dma_wait3A_2948 : memref<1x1x128xi32, #tpu.memory_space<vmem>> -> memref<128xi32, #tpu.memory_space<vmem>>
    %dma_wait3A_2950 = arith.constant 0 : i32
    %dma_wait3A_2951 = tpu.memref_slice %arg5[%dma_wait3A_2950] : memref<16777216xf32, #tpu.memory_space<hbm>> -> memref<16777216xf32, #tpu.memory_space<hbm>>
    tpu.wait_indirect_dma semaphore(%arg15 : memref<!tpu.dma_semaphore, #tpu.memory_space<semaphore_mem>>) src(%dma_wait3A_2951 : memref<16777216xf32, #tpu.memory_space<hbm>>) dst(%dma_wait3A_2946 : memref<128xf32, #tpu.memory_space<vmem>>)
    %dma_wait3A_2952 = arith.constant 3 : i32
    %dma_wait3A_2953 = arith.constant 14 : i32
    %dma_wait3A_2954 = arith.constant 3 : i32
    %dma_wait3A_2955 = arith.constant 1792 : i32
    %dma_wait3A_2956 = tpu.memref_slice %arg10[%dma_wait3A_2954, %dma_wait3A_2955] : memref<8x2048xf32, #tpu.memory_space<vmem>> -> memref<1x128xf32, #tpu.memory_space<vmem>>
    %dma_wait3A_2957 = tpu.memref_squeeze %dma_wait3A_2956 : memref<1x128xf32, #tpu.memory_space<vmem>> -> memref<128xf32, #tpu.memory_space<vmem>>
    %dma_wait3A_2958 = arith.constant 0 : i32
    %dma_wait3A_2959 = tpu.memref_slice %arg9[%dma_wait3A_2952, %dma_wait3A_2953, %dma_wait3A_2958] : memref<8x16x128xi32, #tpu.memory_space<vmem>> -> memref<1x1x128xi32, #tpu.memory_space<vmem>>
    %dma_wait3A_2960 = tpu.memref_squeeze %dma_wait3A_2959 : memref<1x1x128xi32, #tpu.memory_space<vmem>> -> memref<128xi32, #tpu.memory_space<vmem>>
    %dma_wait3A_2961 = arith.constant 0 : i32
    %dma_wait3A_2962 = tpu.memref_slice %arg5[%dma_wait3A_2961] : memref<16777216xf32, #tpu.memory_space<hbm>> -> memref<16777216xf32, #tpu.memory_space<hbm>>
    tpu.wait_indirect_dma semaphore(%arg15 : memref<!tpu.dma_semaphore, #tpu.memory_space<semaphore_mem>>) src(%dma_wait3A_2962 : memref<16777216xf32, #tpu.memory_space<hbm>>) dst(%dma_wait3A_2957 : memref<128xf32, #tpu.memory_space<vmem>>)
    %dma_wait3A_2963 = arith.constant 4 : i32
    %dma_wait3A_2964 = arith.constant 14 : i32
    %dma_wait3A_2965 = arith.constant 4 : i32
    %dma_wait3A_2966 = arith.constant 1792 : i32
    %dma_wait3A_2967 = tpu.memref_slice %arg10[%dma_wait3A_2965, %dma_wait3A_2966] : memref<8x2048xf32, #tpu.memory_space<vmem>> -> memref<1x128xf32, #tpu.memory_space<vmem>>
    %dma_wait3A_2968 = tpu.memref_squeeze %dma_wait3A_2967 : memref<1x128xf32, #tpu.memory_space<vmem>> -> memref<128xf32, #tpu.memory_space<vmem>>
    %dma_wait3A_2969 = arith.constant 0 : i32
    %dma_wait3A_2970 = tpu.memref_slice %arg9[%dma_wait3A_2963, %dma_wait3A_2964, %dma_wait3A_2969] : memref<8x16x128xi32, #tpu.memory_space<vmem>> -> memref<1x1x128xi32, #tpu.memory_space<vmem>>
    %dma_wait3A_2971 = tpu.memref_squeeze %dma_wait3A_2970 : memref<1x1x128xi32, #tpu.memory_space<vmem>> -> memref<128xi32, #tpu.memory_space<vmem>>
    %dma_wait3A_2972 = arith.constant 0 : i32
    %dma_wait3A_2973 = tpu.memref_slice %arg5[%dma_wait3A_2972] : memref<16777216xf32, #tpu.memory_space<hbm>> -> memref<16777216xf32, #tpu.memory_space<hbm>>
    tpu.wait_indirect_dma semaphore(%arg15 : memref<!tpu.dma_semaphore, #tpu.memory_space<semaphore_mem>>) src(%dma_wait3A_2973 : memref<16777216xf32, #tpu.memory_space<hbm>>) dst(%dma_wait3A_2968 : memref<128xf32, #tpu.memory_space<vmem>>)
    %dma_wait3A_2974 = arith.constant 5 : i32
    %dma_wait3A_2975 = arith.constant 14 : i32
    %dma_wait3A_2976 = arith.constant 5 : i32
    %dma_wait3A_2977 = arith.constant 1792 : i32
    %dma_wait3A_2978 = tpu.memref_slice %arg10[%dma_wait3A_2976, %dma_wait3A_2977] : memref<8x2048xf32, #tpu.memory_space<vmem>> -> memref<1x128xf32, #tpu.memory_space<vmem>>
    %dma_wait3A_2979 = tpu.memref_squeeze %dma_wait3A_2978 : memref<1x128xf32, #tpu.memory_space<vmem>> -> memref<128xf32, #tpu.memory_space<vmem>>
    %dma_wait3A_2980 = arith.constant 0 : i32
    %dma_wait3A_2981 = tpu.memref_slice %arg9[%dma_wait3A_2974, %dma_wait3A_2975, %dma_wait3A_2980] : memref<8x16x128xi32, #tpu.memory_space<vmem>> -> memref<1x1x128xi32, #tpu.memory_space<vmem>>
    %dma_wait3A_2982 = tpu.memref_squeeze %dma_wait3A_2981 : memref<1x1x128xi32, #tpu.memory_space<vmem>> -> memref<128xi32, #tpu.memory_space<vmem>>
    %dma_wait3A_2983 = arith.constant 0 : i32
    %dma_wait3A_2984 = tpu.memref_slice %arg5[%dma_wait3A_2983] : memref<16777216xf32, #tpu.memory_space<hbm>> -> memref<16777216xf32, #tpu.memory_space<hbm>>
    tpu.wait_indirect_dma semaphore(%arg15 : memref<!tpu.dma_semaphore, #tpu.memory_space<semaphore_mem>>) src(%dma_wait3A_2984 : memref<16777216xf32, #tpu.memory_space<hbm>>) dst(%dma_wait3A_2979 : memref<128xf32, #tpu.memory_space<vmem>>)
    %dma_wait3A_2985 = arith.constant 6 : i32
    %dma_wait3A_2986 = arith.constant 14 : i32
    %dma_wait3A_2987 = arith.constant 6 : i32
    %dma_wait3A_2988 = arith.constant 1792 : i32
    %dma_wait3A_2989 = tpu.memref_slice %arg10[%dma_wait3A_2987, %dma_wait3A_2988] : memref<8x2048xf32, #tpu.memory_space<vmem>> -> memref<1x128xf32, #tpu.memory_space<vmem>>
    %dma_wait3A_2990 = tpu.memref_squeeze %dma_wait3A_2989 : memref<1x128xf32, #tpu.memory_space<vmem>> -> memref<128xf32, #tpu.memory_space<vmem>>
    %dma_wait3A_2991 = arith.constant 0 : i32
    %dma_wait3A_2992 = tpu.memref_slice %arg9[%dma_wait3A_2985, %dma_wait3A_2986, %dma_wait3A_2991] : memref<8x16x128xi32, #tpu.memory_space<vmem>> -> memref<1x1x128xi32, #tpu.memory_space<vmem>>
    %dma_wait3A_2993 = tpu.memref_squeeze %dma_wait3A_2992 : memref<1x1x128xi32, #tpu.memory_space<vmem>> -> memref<128xi32, #tpu.memory_space<vmem>>
    %dma_wait3A_2994 = arith.constant 0 : i32
    %dma_wait3A_2995 = tpu.memref_slice %arg5[%dma_wait3A_2994] : memref<16777216xf32, #tpu.memory_space<hbm>> -> memref<16777216xf32, #tpu.memory_space<hbm>>
    tpu.wait_indirect_dma semaphore(%arg15 : memref<!tpu.dma_semaphore, #tpu.memory_space<semaphore_mem>>) src(%dma_wait3A_2995 : memref<16777216xf32, #tpu.memory_space<hbm>>) dst(%dma_wait3A_2990 : memref<128xf32, #tpu.memory_space<vmem>>)
    %dma_wait3A_2996 = arith.constant 7 : i32
    %dma_wait3A_2997 = arith.constant 14 : i32
    %dma_wait3A_2998 = arith.constant 7 : i32
    %dma_wait3A_2999 = arith.constant 1792 : i32
    %dma_wait3A_3000 = tpu.memref_slice %arg10[%dma_wait3A_2998, %dma_wait3A_2999] : memref<8x2048xf32, #tpu.memory_space<vmem>> -> memref<1x128xf32, #tpu.memory_space<vmem>>
    %dma_wait3A_3001 = tpu.memref_squeeze %dma_wait3A_3000 : memref<1x128xf32, #tpu.memory_space<vmem>> -> memref<128xf32, #tpu.memory_space<vmem>>
    %dma_wait3A_3002 = arith.constant 0 : i32
    %dma_wait3A_3003 = tpu.memref_slice %arg9[%dma_wait3A_2996, %dma_wait3A_2997, %dma_wait3A_3002] : memref<8x16x128xi32, #tpu.memory_space<vmem>> -> memref<1x1x128xi32, #tpu.memory_space<vmem>>
    %dma_wait3A_3004 = tpu.memref_squeeze %dma_wait3A_3003 : memref<1x1x128xi32, #tpu.memory_space<vmem>> -> memref<128xi32, #tpu.memory_space<vmem>>
    %dma_wait3A_3005 = arith.constant 0 : i32
    %dma_wait3A_3006 = tpu.memref_slice %arg5[%dma_wait3A_3005] : memref<16777216xf32, #tpu.memory_space<hbm>> -> memref<16777216xf32, #tpu.memory_space<hbm>>
    tpu.wait_indirect_dma semaphore(%arg15 : memref<!tpu.dma_semaphore, #tpu.memory_space<semaphore_mem>>) src(%dma_wait3A_3006 : memref<16777216xf32, #tpu.memory_space<hbm>>) dst(%dma_wait3A_3001 : memref<128xf32, #tpu.memory_space<vmem>>)
    %dma_wait3A_3007 = arith.constant 0 : i32
    %dma_wait3A_3008 = arith.constant 15 : i32
    %dma_wait3A_3009 = arith.constant 0 : i32
    %dma_wait3A_3010 = arith.constant 1920 : i32
    %dma_wait3A_3011 = tpu.memref_slice %arg10[%dma_wait3A_3009, %dma_wait3A_3010] : memref<8x2048xf32, #tpu.memory_space<vmem>> -> memref<1x128xf32, #tpu.memory_space<vmem>>
    %dma_wait3A_3012 = tpu.memref_squeeze %dma_wait3A_3011 : memref<1x128xf32, #tpu.memory_space<vmem>> -> memref<128xf32, #tpu.memory_space<vmem>>
    %dma_wait3A_3013 = arith.constant 0 : i32
    %dma_wait3A_3014 = tpu.memref_slice %arg9[%dma_wait3A_3007, %dma_wait3A_3008, %dma_wait3A_3013] : memref<8x16x128xi32, #tpu.memory_space<vmem>> -> memref<1x1x128xi32, #tpu.memory_space<vmem>>
    %dma_wait3A_3015 = tpu.memref_squeeze %dma_wait3A_3014 : memref<1x1x128xi32, #tpu.memory_space<vmem>> -> memref<128xi32, #tpu.memory_space<vmem>>
    %dma_wait3A_3016 = arith.constant 0 : i32
    %dma_wait3A_3017 = tpu.memref_slice %arg5[%dma_wait3A_3016] : memref<16777216xf32, #tpu.memory_space<hbm>> -> memref<16777216xf32, #tpu.memory_space<hbm>>
    tpu.wait_indirect_dma semaphore(%arg16 : memref<!tpu.dma_semaphore, #tpu.memory_space<semaphore_mem>>) src(%dma_wait3A_3017 : memref<16777216xf32, #tpu.memory_space<hbm>>) dst(%dma_wait3A_3012 : memref<128xf32, #tpu.memory_space<vmem>>)
    %dma_wait3A_3018 = arith.constant 1 : i32
    %dma_wait3A_3019 = arith.constant 15 : i32
    %dma_wait3A_3020 = arith.constant 1 : i32
    %dma_wait3A_3021 = arith.constant 1920 : i32
    %dma_wait3A_3022 = tpu.memref_slice %arg10[%dma_wait3A_3020, %dma_wait3A_3021] : memref<8x2048xf32, #tpu.memory_space<vmem>> -> memref<1x128xf32, #tpu.memory_space<vmem>>
    %dma_wait3A_3023 = tpu.memref_squeeze %dma_wait3A_3022 : memref<1x128xf32, #tpu.memory_space<vmem>> -> memref<128xf32, #tpu.memory_space<vmem>>
    %dma_wait3A_3024 = arith.constant 0 : i32
    %dma_wait3A_3025 = tpu.memref_slice %arg9[%dma_wait3A_3018, %dma_wait3A_3019, %dma_wait3A_3024] : memref<8x16x128xi32, #tpu.memory_space<vmem>> -> memref<1x1x128xi32, #tpu.memory_space<vmem>>
    %dma_wait3A_3026 = tpu.memref_squeeze %dma_wait3A_3025 : memref<1x1x128xi32, #tpu.memory_space<vmem>> -> memref<128xi32, #tpu.memory_space<vmem>>
    %dma_wait3A_3027 = arith.constant 0 : i32
    %dma_wait3A_3028 = tpu.memref_slice %arg5[%dma_wait3A_3027] : memref<16777216xf32, #tpu.memory_space<hbm>> -> memref<16777216xf32, #tpu.memory_space<hbm>>
    tpu.wait_indirect_dma semaphore(%arg16 : memref<!tpu.dma_semaphore, #tpu.memory_space<semaphore_mem>>) src(%dma_wait3A_3028 : memref<16777216xf32, #tpu.memory_space<hbm>>) dst(%dma_wait3A_3023 : memref<128xf32, #tpu.memory_space<vmem>>)
    %dma_wait3A_3029 = arith.constant 2 : i32
    %dma_wait3A_3030 = arith.constant 15 : i32
    %dma_wait3A_3031 = arith.constant 2 : i32
    %dma_wait3A_3032 = arith.constant 1920 : i32
    %dma_wait3A_3033 = tpu.memref_slice %arg10[%dma_wait3A_3031, %dma_wait3A_3032] : memref<8x2048xf32, #tpu.memory_space<vmem>> -> memref<1x128xf32, #tpu.memory_space<vmem>>
    %dma_wait3A_3034 = tpu.memref_squeeze %dma_wait3A_3033 : memref<1x128xf32, #tpu.memory_space<vmem>> -> memref<128xf32, #tpu.memory_space<vmem>>
    %dma_wait3A_3035 = arith.constant 0 : i32
    %dma_wait3A_3036 = tpu.memref_slice %arg9[%dma_wait3A_3029, %dma_wait3A_3030, %dma_wait3A_3035] : memref<8x16x128xi32, #tpu.memory_space<vmem>> -> memref<1x1x128xi32, #tpu.memory_space<vmem>>
    %dma_wait3A_3037 = tpu.memref_squeeze %dma_wait3A_3036 : memref<1x1x128xi32, #tpu.memory_space<vmem>> -> memref<128xi32, #tpu.memory_space<vmem>>
    %dma_wait3A_3038 = arith.constant 0 : i32
    %dma_wait3A_3039 = tpu.memref_slice %arg5[%dma_wait3A_3038] : memref<16777216xf32, #tpu.memory_space<hbm>> -> memref<16777216xf32, #tpu.memory_space<hbm>>
    tpu.wait_indirect_dma semaphore(%arg16 : memref<!tpu.dma_semaphore, #tpu.memory_space<semaphore_mem>>) src(%dma_wait3A_3039 : memref<16777216xf32, #tpu.memory_space<hbm>>) dst(%dma_wait3A_3034 : memref<128xf32, #tpu.memory_space<vmem>>)
    %dma_wait3A_3040 = arith.constant 3 : i32
    %dma_wait3A_3041 = arith.constant 15 : i32
    %dma_wait3A_3042 = arith.constant 3 : i32
    %dma_wait3A_3043 = arith.constant 1920 : i32
    %dma_wait3A_3044 = tpu.memref_slice %arg10[%dma_wait3A_3042, %dma_wait3A_3043] : memref<8x2048xf32, #tpu.memory_space<vmem>> -> memref<1x128xf32, #tpu.memory_space<vmem>>
    %dma_wait3A_3045 = tpu.memref_squeeze %dma_wait3A_3044 : memref<1x128xf32, #tpu.memory_space<vmem>> -> memref<128xf32, #tpu.memory_space<vmem>>
    %dma_wait3A_3046 = arith.constant 0 : i32
    %dma_wait3A_3047 = tpu.memref_slice %arg9[%dma_wait3A_3040, %dma_wait3A_3041, %dma_wait3A_3046] : memref<8x16x128xi32, #tpu.memory_space<vmem>> -> memref<1x1x128xi32, #tpu.memory_space<vmem>>
    %dma_wait3A_3048 = tpu.memref_squeeze %dma_wait3A_3047 : memref<1x1x128xi32, #tpu.memory_space<vmem>> -> memref<128xi32, #tpu.memory_space<vmem>>
    %dma_wait3A_3049 = arith.constant 0 : i32
    %dma_wait3A_3050 = tpu.memref_slice %arg5[%dma_wait3A_3049] : memref<16777216xf32, #tpu.memory_space<hbm>> -> memref<16777216xf32, #tpu.memory_space<hbm>>
    tpu.wait_indirect_dma semaphore(%arg16 : memref<!tpu.dma_semaphore, #tpu.memory_space<semaphore_mem>>) src(%dma_wait3A_3050 : memref<16777216xf32, #tpu.memory_space<hbm>>) dst(%dma_wait3A_3045 : memref<128xf32, #tpu.memory_space<vmem>>)
    %dma_wait3A_3051 = arith.constant 4 : i32
    %dma_wait3A_3052 = arith.constant 15 : i32
    %dma_wait3A_3053 = arith.constant 4 : i32
    %dma_wait3A_3054 = arith.constant 1920 : i32
    %dma_wait3A_3055 = tpu.memref_slice %arg10[%dma_wait3A_3053, %dma_wait3A_3054] : memref<8x2048xf32, #tpu.memory_space<vmem>> -> memref<1x128xf32, #tpu.memory_space<vmem>>
    %dma_wait3A_3056 = tpu.memref_squeeze %dma_wait3A_3055 : memref<1x128xf32, #tpu.memory_space<vmem>> -> memref<128xf32, #tpu.memory_space<vmem>>
    %dma_wait3A_3057 = arith.constant 0 : i32
    %dma_wait3A_3058 = tpu.memref_slice %arg9[%dma_wait3A_3051, %dma_wait3A_3052, %dma_wait3A_3057] : memref<8x16x128xi32, #tpu.memory_space<vmem>> -> memref<1x1x128xi32, #tpu.memory_space<vmem>>
    %dma_wait3A_3059 = tpu.memref_squeeze %dma_wait3A_3058 : memref<1x1x128xi32, #tpu.memory_space<vmem>> -> memref<128xi32, #tpu.memory_space<vmem>>
    %dma_wait3A_3060 = arith.constant 0 : i32
    %dma_wait3A_3061 = tpu.memref_slice %arg5[%dma_wait3A_3060] : memref<16777216xf32, #tpu.memory_space<hbm>> -> memref<16777216xf32, #tpu.memory_space<hbm>>
    tpu.wait_indirect_dma semaphore(%arg16 : memref<!tpu.dma_semaphore, #tpu.memory_space<semaphore_mem>>) src(%dma_wait3A_3061 : memref<16777216xf32, #tpu.memory_space<hbm>>) dst(%dma_wait3A_3056 : memref<128xf32, #tpu.memory_space<vmem>>)
    %dma_wait3A_3062 = arith.constant 5 : i32
    %dma_wait3A_3063 = arith.constant 15 : i32
    %dma_wait3A_3064 = arith.constant 5 : i32
    %dma_wait3A_3065 = arith.constant 1920 : i32
    %dma_wait3A_3066 = tpu.memref_slice %arg10[%dma_wait3A_3064, %dma_wait3A_3065] : memref<8x2048xf32, #tpu.memory_space<vmem>> -> memref<1x128xf32, #tpu.memory_space<vmem>>
    %dma_wait3A_3067 = tpu.memref_squeeze %dma_wait3A_3066 : memref<1x128xf32, #tpu.memory_space<vmem>> -> memref<128xf32, #tpu.memory_space<vmem>>
    %dma_wait3A_3068 = arith.constant 0 : i32
    %dma_wait3A_3069 = tpu.memref_slice %arg9[%dma_wait3A_3062, %dma_wait3A_3063, %dma_wait3A_3068] : memref<8x16x128xi32, #tpu.memory_space<vmem>> -> memref<1x1x128xi32, #tpu.memory_space<vmem>>
    %dma_wait3A_3070 = tpu.memref_squeeze %dma_wait3A_3069 : memref<1x1x128xi32, #tpu.memory_space<vmem>> -> memref<128xi32, #tpu.memory_space<vmem>>
    %dma_wait3A_3071 = arith.constant 0 : i32
    %dma_wait3A_3072 = tpu.memref_slice %arg5[%dma_wait3A_3071] : memref<16777216xf32, #tpu.memory_space<hbm>> -> memref<16777216xf32, #tpu.memory_space<hbm>>
    tpu.wait_indirect_dma semaphore(%arg16 : memref<!tpu.dma_semaphore, #tpu.memory_space<semaphore_mem>>) src(%dma_wait3A_3072 : memref<16777216xf32, #tpu.memory_space<hbm>>) dst(%dma_wait3A_3067 : memref<128xf32, #tpu.memory_space<vmem>>)
    %dma_wait3A_3073 = arith.constant 6 : i32
    %dma_wait3A_3074 = arith.constant 15 : i32
    %dma_wait3A_3075 = arith.constant 6 : i32
    %dma_wait3A_3076 = arith.constant 1920 : i32
    %dma_wait3A_3077 = tpu.memref_slice %arg10[%dma_wait3A_3075, %dma_wait3A_3076] : memref<8x2048xf32, #tpu.memory_space<vmem>> -> memref<1x128xf32, #tpu.memory_space<vmem>>
    %dma_wait3A_3078 = tpu.memref_squeeze %dma_wait3A_3077 : memref<1x128xf32, #tpu.memory_space<vmem>> -> memref<128xf32, #tpu.memory_space<vmem>>
    %dma_wait3A_3079 = arith.constant 0 : i32
    %dma_wait3A_3080 = tpu.memref_slice %arg9[%dma_wait3A_3073, %dma_wait3A_3074, %dma_wait3A_3079] : memref<8x16x128xi32, #tpu.memory_space<vmem>> -> memref<1x1x128xi32, #tpu.memory_space<vmem>>
    %dma_wait3A_3081 = tpu.memref_squeeze %dma_wait3A_3080 : memref<1x1x128xi32, #tpu.memory_space<vmem>> -> memref<128xi32, #tpu.memory_space<vmem>>
    %dma_wait3A_3082 = arith.constant 0 : i32
    %dma_wait3A_3083 = tpu.memref_slice %arg5[%dma_wait3A_3082] : memref<16777216xf32, #tpu.memory_space<hbm>> -> memref<16777216xf32, #tpu.memory_space<hbm>>
    tpu.wait_indirect_dma semaphore(%arg16 : memref<!tpu.dma_semaphore, #tpu.memory_space<semaphore_mem>>) src(%dma_wait3A_3083 : memref<16777216xf32, #tpu.memory_space<hbm>>) dst(%dma_wait3A_3078 : memref<128xf32, #tpu.memory_space<vmem>>)
    %dma_wait3A_3084 = arith.constant 7 : i32
    %dma_wait3A_3085 = arith.constant 15 : i32
    %dma_wait3A_3086 = arith.constant 7 : i32
    %dma_wait3A_3087 = arith.constant 1920 : i32
    %dma_wait3A_3088 = tpu.memref_slice %arg10[%dma_wait3A_3086, %dma_wait3A_3087] : memref<8x2048xf32, #tpu.memory_space<vmem>> -> memref<1x128xf32, #tpu.memory_space<vmem>>
    %dma_wait3A_3089 = tpu.memref_squeeze %dma_wait3A_3088 : memref<1x128xf32, #tpu.memory_space<vmem>> -> memref<128xf32, #tpu.memory_space<vmem>>
    %dma_wait3A_3090 = arith.constant 0 : i32
    %dma_wait3A_3091 = tpu.memref_slice %arg9[%dma_wait3A_3084, %dma_wait3A_3085, %dma_wait3A_3090] : memref<8x16x128xi32, #tpu.memory_space<vmem>> -> memref<1x1x128xi32, #tpu.memory_space<vmem>>
    %dma_wait3A_3092 = tpu.memref_squeeze %dma_wait3A_3091 : memref<1x1x128xi32, #tpu.memory_space<vmem>> -> memref<128xi32, #tpu.memory_space<vmem>>
    %dma_wait3A_3093 = arith.constant 0 : i32
    %dma_wait3A_3094 = tpu.memref_slice %arg5[%dma_wait3A_3093] : memref<16777216xf32, #tpu.memory_space<hbm>> -> memref<16777216xf32, #tpu.memory_space<hbm>>
    tpu.wait_indirect_dma semaphore(%arg16 : memref<!tpu.dma_semaphore, #tpu.memory_space<semaphore_mem>>) src(%dma_wait3A_3094 : memref<16777216xf32, #tpu.memory_space<hbm>>) dst(%dma_wait3A_3089 : memref<128xf32, #tpu.memory_space<vmem>>)
    %mul3A_3095 = arith.constant 8 : i32
    %mul3A_3096 = arith.muli %arg0, %mul3A_3095 : i32
    %mul3A_3097 = arith.constant 2048 : i32
    %mul3A_3098 = arith.muli %arg1, %mul3A_3097 : i32
    "tpu.region"() ({
      %run_scoped3A = tpu.sem_alloc : memref<!tpu.dma_semaphore, #tpu.memory_space<semaphore_mem>>
      %dma_start3A_3099 = tpu.memref_slice %arg4[%mul3A_3096, %mul3A_3098] : memref<16x32768xf32, #tpu.memory_space<hbm>> -> memref<8x2048xf32, #tpu.memory_space<hbm>>
      %dma_start3A_3100 = tpu.memref_slice %arg4[%mul3A_3096, %mul3A_3098] : memref<16x32768xf32, #tpu.memory_space<hbm>> -> memref<8x2048xf32, #tpu.memory_space<hbm>>
      tpu.enqueue_dma source(%arg10 : memref<8x2048xf32, #tpu.memory_space<vmem>>) target(%dma_start3A_3100 : memref<8x2048xf32, #tpu.memory_space<hbm>>) target_semaphore(%run_scoped3A : memref<!tpu.dma_semaphore, #tpu.memory_space<semaphore_mem>>)
      %dma_wait3A_3101 = tpu.memref_slice %arg4[%mul3A_3096, %mul3A_3098] : memref<16x32768xf32, #tpu.memory_space<hbm>> -> memref<8x2048xf32, #tpu.memory_space<hbm>>
      %dma_wait3A_3102 = tpu.memref_slice %arg4[%mul3A_3096, %mul3A_3098] : memref<16x32768xf32, #tpu.memory_space<hbm>> -> memref<8x2048xf32, #tpu.memory_space<hbm>>
      tpu.wait_dma2 semaphore(%run_scoped3A : memref<!tpu.dma_semaphore, #tpu.memory_space<semaphore_mem>>) src(%arg10 : memref<8x2048xf32, #tpu.memory_space<vmem>>) dst(%dma_wait3A_3102 : memref<8x2048xf32, #tpu.memory_space<hbm>>)
      tpu.yield
    }) : () -> ()
    return
  }
}

module attributes {stable_mosaic.version = 14 : i64} {
  func.func @_mlp_body(%arg0: i32, %arg1: memref<22x16384xf32, #tpu.memory_space<vmem>>, %arg2: memref<16x16384xf32, #tpu.memory_space<vmem>>, %arg3: memref<16x16384xf32, #tpu.memory_space<vmem>>, %arg4: memref<16x22xf32, #tpu.memory_space<vmem>>, %arg5: memref<16x1xf32, #tpu.memory_space<vmem>>, %arg6: memref<8x16xf32, #tpu.memory_space<vmem>>, %arg7: memref<8x1xf32, #tpu.memory_space<vmem>>, %arg8: memref<8x16xf32, #tpu.memory_space<vmem>>, %arg9: memref<8x16xf32, #tpu.memory_space<vmem>>, %arg10: memref<8x8xf32, #tpu.memory_space<vmem>>, %arg11: memref<8x1xf32, #tpu.memory_space<vmem>>, %arg12: memref<1x8xf32, #tpu.memory_space<vmem>>, %arg13: memref<1x1xf32, #tpu.memory_space<vmem>>, %arg14: memref<1x16384xf32, #tpu.memory_space<vmem>>) attributes {dimension_semantics = [#tpu.dimension_semantics<arbitrary>], iteration_bounds = array<i64: 1>, scalar_prefetch = 0 : i64, scratch_operands = 0 : i64, tpu.core_type = #tpu.core_type<tc>, window_params = [{transform_indices = @transform_0, window_bounds = array<i64: 22, 16384>}, {transform_indices = @transform_1, window_bounds = array<i64: 16, 16384>}, {transform_indices = @transform_2, window_bounds = array<i64: 16, 16384>}, {pipeline_mode = #tpu.pipeline_mode<synchronous>, transform_indices = @transform_3, window_bounds = array<i64: 16, 22>}, {pipeline_mode = #tpu.pipeline_mode<synchronous>, transform_indices = @transform_4, window_bounds = array<i64: 16, 1>}, {pipeline_mode = #tpu.pipeline_mode<synchronous>, transform_indices = @transform_5, window_bounds = array<i64: 8, 16>}, {pipeline_mode = #tpu.pipeline_mode<synchronous>, transform_indices = @transform_6, window_bounds = array<i64: 8, 1>}, {pipeline_mode = #tpu.pipeline_mode<synchronous>, transform_indices = @transform_7, window_bounds = array<i64: 8, 16>}, {pipeline_mode = #tpu.pipeline_mode<synchronous>, transform_indices = @transform_8, window_bounds = array<i64: 8, 16>}, {pipeline_mode = #tpu.pipeline_mode<synchronous>, transform_indices = @transform_9, window_bounds = array<i64: 8, 8>}, {pipeline_mode = #tpu.pipeline_mode<synchronous>, transform_indices = @transform_10, window_bounds = array<i64: 8, 1>}, {pipeline_mode = #tpu.pipeline_mode<synchronous>, transform_indices = @transform_11, window_bounds = array<i64: 1, 8>}, {pipeline_mode = #tpu.pipeline_mode<synchronous>, transform_indices = @transform_12, window_bounds = array<i64: 1, 1>}, {transform_indices = @transform_13, window_bounds = array<i64: 1, 16384>}]} {
    %get3A = arith.constant 0 : index
    %get3A_0 = arith.constant 0 : index
    %get3A_1 = vector.load %arg4[%get3A, %get3A_0] : memref<16x22xf32, #tpu.memory_space<vmem>>, vector<16x22xf32>
    %get3A_2 = arith.constant 0 : index
    %get3A_3 = arith.constant 0 : index
    %get3A_4 = vector.load %arg1[%get3A_2, %get3A_3] : memref<22x16384xf32, #tpu.memory_space<vmem>>, vector<22x16384xf32>
    %dot_general3A = arith.constant dense<0.000000e+00> : vector<16x16384xf32>
    %dot_general3A_5 = tpu.matmul %get3A_1, %get3A_4, %dot_general3A {dimension_numbers = #tpu.dot_dimension_numbers<[1], [0], [0], [1], [0, 0, 1, 1], [], []>, transpose_lhs_hint = false} : vector<16x22xf32>, vector<22x16384xf32>, vector<16x16384xf32> -> vector<16x16384xf32>
    %get3A_6 = arith.constant 0 : index
    %get3A_7 = arith.constant 0 : index
    %get3A_8 = vector.load %arg5[%get3A_6, %get3A_7] : memref<16x1xf32, #tpu.memory_space<vmem>>, vector<16x1xf32>
    %add3A = vector.broadcast %get3A_8 : vector<16x1xf32> to vector<16x16384xf32>
    %add3A_9 = arith.addf %dot_general3A_5, %add3A : vector<16x16384xf32>
    %max3A = arith.constant 0.000000e+00 : f32
    %max3A_10 = vector.broadcast %max3A : f32 to vector<16x16384xf32>
    %max3A_11 = arith.maximumf %add3A_9, %max3A_10 : vector<16x16384xf32>
    %get3A_12 = arith.constant 0 : index
    %get3A_13 = arith.constant 0 : index
    %get3A_14 = vector.load %arg6[%get3A_12, %get3A_13] : memref<8x16xf32, #tpu.memory_space<vmem>>, vector<8x16xf32>
    %dot_general3A_15 = arith.constant dense<0.000000e+00> : vector<8x16384xf32>
    %dot_general3A_16 = tpu.matmul %get3A_14, %max3A_11, %dot_general3A_15 {dimension_numbers = #tpu.dot_dimension_numbers<[1], [0], [0], [1], [0, 0, 1, 1], [], []>, transpose_lhs_hint = false} : vector<8x16xf32>, vector<16x16384xf32>, vector<8x16384xf32> -> vector<8x16384xf32>
    %get3A_17 = arith.constant 0 : index
    %get3A_18 = arith.constant 0 : index
    %get3A_19 = vector.load %arg7[%get3A_17, %get3A_18] : memref<8x1xf32, #tpu.memory_space<vmem>>, vector<8x1xf32>
    %add3A_20 = vector.broadcast %get3A_19 : vector<8x1xf32> to vector<8x16384xf32>
    %add3A_21 = arith.addf %dot_general3A_16, %add3A_20 : vector<8x16384xf32>
    %get3A_22 = arith.constant 0 : index
    %get3A_23 = arith.constant 0 : index
    %get3A_24 = vector.load %arg8[%get3A_22, %get3A_23] : memref<8x16xf32, #tpu.memory_space<vmem>>, vector<8x16xf32>
    %get3A_25 = arith.constant 0 : index
    %get3A_26 = arith.constant 0 : index
    %get3A_27 = vector.load %arg2[%get3A_25, %get3A_26] : memref<16x16384xf32, #tpu.memory_space<vmem>>, vector<16x16384xf32>
    %dot_general3A_28 = arith.constant dense<0.000000e+00> : vector<8x16384xf32>
    %dot_general3A_29 = tpu.matmul %get3A_24, %get3A_27, %dot_general3A_28 {dimension_numbers = #tpu.dot_dimension_numbers<[1], [0], [0], [1], [0, 0, 1, 1], [], []>, transpose_lhs_hint = false} : vector<8x16xf32>, vector<16x16384xf32>, vector<8x16384xf32> -> vector<8x16384xf32>
    %get3A_30 = arith.constant 0 : index
    %get3A_31 = arith.constant 0 : index
    %get3A_32 = vector.load %arg9[%get3A_30, %get3A_31] : memref<8x16xf32, #tpu.memory_space<vmem>>, vector<8x16xf32>
    %get3A_33 = arith.constant 0 : index
    %get3A_34 = arith.constant 0 : index
    %get3A_35 = vector.load %arg3[%get3A_33, %get3A_34] : memref<16x16384xf32, #tpu.memory_space<vmem>>, vector<16x16384xf32>
    %dot_general3A_36 = arith.constant dense<0.000000e+00> : vector<8x16384xf32>
    %dot_general3A_37 = tpu.matmul %get3A_32, %get3A_35, %dot_general3A_36 {dimension_numbers = #tpu.dot_dimension_numbers<[1], [0], [0], [1], [0, 0, 1, 1], [], []>, transpose_lhs_hint = false} : vector<8x16xf32>, vector<16x16384xf32>, vector<8x16384xf32> -> vector<8x16384xf32>
    %add3A_38 = arith.addf %dot_general3A_29, %dot_general3A_37 : vector<8x16384xf32>
    %get3A_39 = arith.constant 0 : index
    %get3A_40 = arith.constant 0 : index
    %get3A_41 = vector.load %arg10[%get3A_39, %get3A_40] : memref<8x8xf32, #tpu.memory_space<vmem>>, vector<8x8xf32>
    %dot_general3A_42 = arith.constant dense<0.000000e+00> : vector<8x16384xf32>
    %dot_general3A_43 = tpu.matmul %get3A_41, %add3A_21, %dot_general3A_42 {dimension_numbers = #tpu.dot_dimension_numbers<[1], [0], [0], [1], [0, 0, 1, 1], [], []>, transpose_lhs_hint = false} : vector<8x8xf32>, vector<8x16384xf32>, vector<8x16384xf32> -> vector<8x16384xf32>
    %add3A_44 = arith.addf %add3A_38, %dot_general3A_43 : vector<8x16384xf32>
    %get3A_45 = arith.constant 0 : index
    %get3A_46 = arith.constant 0 : index
    %get3A_47 = vector.load %arg11[%get3A_45, %get3A_46] : memref<8x1xf32, #tpu.memory_space<vmem>>, vector<8x1xf32>
    %add3A_48 = vector.broadcast %get3A_47 : vector<8x1xf32> to vector<8x16384xf32>
    %add3A_49 = arith.addf %add3A_44, %add3A_48 : vector<8x16384xf32>
    %max3A_50 = arith.constant 0.000000e+00 : f32
    %max3A_51 = vector.broadcast %max3A_50 : f32 to vector<8x16384xf32>
    %max3A_52 = arith.maximumf %add3A_49, %max3A_51 : vector<8x16384xf32>
    %get3A_53 = arith.constant 0 : index
    %get3A_54 = arith.constant 0 : index
    %get3A_55 = vector.load %arg12[%get3A_53, %get3A_54] : memref<1x8xf32, #tpu.memory_space<vmem>>, vector<1x8xf32>
    %dot_general3A_56 = arith.constant dense<0.000000e+00> : vector<1x16384xf32>
    %dot_general3A_57 = tpu.matmul %get3A_55, %max3A_52, %dot_general3A_56 {dimension_numbers = #tpu.dot_dimension_numbers<[1], [0], [0], [1], [0, 0, 1, 1], [], []>, transpose_lhs_hint = false} : vector<1x8xf32>, vector<8x16384xf32>, vector<1x16384xf32> -> vector<1x16384xf32>
    %get3A_58 = arith.constant 0 : index
    %get3A_59 = arith.constant 0 : index
    %get3A_60 = vector.load %arg13[%get3A_58, %get3A_59] : memref<1x1xf32, #tpu.memory_space<vmem>>, vector<1x1xf32>
    %add3A_61 = vector.broadcast %get3A_60 : vector<1x1xf32> to vector<1x16384xf32>
    %add3A_62 = arith.addf %dot_general3A_57, %add3A_61 : vector<1x16384xf32>
    %swap3A = arith.constant 0 : index
    %swap3A_63 = arith.constant 0 : index
    %swap3A_64 = vector.load %arg14[%swap3A, %swap3A_63] : memref<1x16384xf32, #tpu.memory_space<vmem>>, vector<1x16384xf32>
    tpu.vector_store %arg14[%swap3A, %swap3A_63], %add3A_62 {strides = array<i32>} : memref<1x16384xf32, #tpu.memory_space<vmem>>, vector<1x16384xf32>,
    return
  }
  func.func @transform_0(%arg0: i32) -> (i32, i32) {
    %c0_i32 = arith.constant 0 : i32
    %c0_i32_0 = arith.constant 0 : i32
    return %c0_i32, %arg0 : i32, i32
  }
  func.func @transform_1(%arg0: i32) -> (i32, i32) {
    %c0_i32 = arith.constant 0 : i32
    %c0_i32_0 = arith.constant 0 : i32
    return %c0_i32, %arg0 : i32, i32
  }
  func.func @transform_2(%arg0: i32) -> (i32, i32) {
    %add3A = arith.constant 1 : i32
    %add3A_0 = arith.addi %arg0, %add3A : i32
    %c0_i32 = arith.constant 0 : i32
    %c0_i32_1 = arith.constant 0 : i32
    return %c0_i32, %add3A_0 : i32, i32
  }
  func.func @transform_3(%arg0: i32) -> (i32, i32) {
    %c0_i32 = arith.constant 0 : i32
    %c0_i32_0 = arith.constant 0 : i32
    %c0_i32_1 = arith.constant 0 : i32
    return %c0_i32, %c0_i32_0 : i32, i32
  }
  func.func @transform_4(%arg0: i32) -> (i32, i32) {
    %c0_i32 = arith.constant 0 : i32
    %c0_i32_0 = arith.constant 0 : i32
    %c0_i32_1 = arith.constant 0 : i32
    return %c0_i32, %c0_i32_0 : i32, i32
  }
  func.func @transform_5(%arg0: i32) -> (i32, i32) {
    %c0_i32 = arith.constant 0 : i32
    %c0_i32_0 = arith.constant 0 : i32
    %c0_i32_1 = arith.constant 0 : i32
    return %c0_i32, %c0_i32_0 : i32, i32
  }
  func.func @transform_6(%arg0: i32) -> (i32, i32) {
    %c0_i32 = arith.constant 0 : i32
    %c0_i32_0 = arith.constant 0 : i32
    %c0_i32_1 = arith.constant 0 : i32
    return %c0_i32, %c0_i32_0 : i32, i32
  }
  func.func @transform_7(%arg0: i32) -> (i32, i32) {
    %c0_i32 = arith.constant 0 : i32
    %c0_i32_0 = arith.constant 0 : i32
    %c0_i32_1 = arith.constant 0 : i32
    return %c0_i32, %c0_i32_0 : i32, i32
  }
  func.func @transform_8(%arg0: i32) -> (i32, i32) {
    %c0_i32 = arith.constant 0 : i32
    %c0_i32_0 = arith.constant 0 : i32
    %c0_i32_1 = arith.constant 0 : i32
    return %c0_i32, %c0_i32_0 : i32, i32
  }
  func.func @transform_9(%arg0: i32) -> (i32, i32) {
    %c0_i32 = arith.constant 0 : i32
    %c0_i32_0 = arith.constant 0 : i32
    %c0_i32_1 = arith.constant 0 : i32
    return %c0_i32, %c0_i32_0 : i32, i32
  }
  func.func @transform_10(%arg0: i32) -> (i32, i32) {
    %c0_i32 = arith.constant 0 : i32
    %c0_i32_0 = arith.constant 0 : i32
    %c0_i32_1 = arith.constant 0 : i32
    return %c0_i32, %c0_i32_0 : i32, i32
  }
  func.func @transform_11(%arg0: i32) -> (i32, i32) {
    %c0_i32 = arith.constant 0 : i32
    %c0_i32_0 = arith.constant 0 : i32
    %c0_i32_1 = arith.constant 0 : i32
    return %c0_i32, %c0_i32_0 : i32, i32
  }
  func.func @transform_12(%arg0: i32) -> (i32, i32) {
    %c0_i32 = arith.constant 0 : i32
    %c0_i32_0 = arith.constant 0 : i32
    %c0_i32_1 = arith.constant 0 : i32
    return %c0_i32, %c0_i32_0 : i32, i32
  }
  func.func @transform_13(%arg0: i32) -> (i32, i32) {
    %c0_i32 = arith.constant 0 : i32
    %c0_i32_0 = arith.constant 0 : i32
    return %c0_i32, %arg0 : i32, i32
  }
}

</mosaic_0001>

<sc_bundles>
// kernel: kernel.4.cloned.1.call-start
scs
__scs_entry_jumppad:
0x0: {  	(pc) =	sbr.rel $0x88, $3  }
0x1: {  	(tag) =	ssettag $0x0;
	lr =	simm.s32 $0x1  }
0x2: {  	[smem:$0x3F95] =	sst lr;
	_ =	strace $0xD0000000  }
0x3: {  	_ = 	snop  }
0x4: {  	_ = 	snop  }
0x5: {  	_ = 	snop  }
0x6: {  	_ = 	snop  }
0x7: {  	_ = 	snop  }
__scs_overlays_trampoline_lowered:
0x8: {  	[smem:$0x3FA4] =	sst s0  }
0x9: {  	[smem:$0x3FA5] =	sst s1  }
0xa: {  	[smem:$0x3FA6] =	sst s2  }
0xb: {  	[smem:$0x3FA7] =	sst s3  }
0xc: {  	[smem:$0x3FA8] =	sst s4  }
0xd: {  	[smem:$0x3FA9] =	sst s5  }
0xe: {  	[smem:$0x3FAA] =	sst s6  }
0xf: {  	[smem:$0x3FAB] =	sst s7  }
0x10: {  	[smem:$0x3FAC] =	sst s8  }
0x11: {  	[smem:$0x3FAD] =	sst s9;
	s0 =	simm.s32 @!p0 $0x0  }
0x12: {  	s1 =	sld [smem:$0x3F93];
	s0 =	simm.s32 @p0 $0x1  }
0x13: {  	[smem:$0x3FAE] =	sst s0;
	s0 =	simm.s32 @!p1 $0x0  }
0x14: {  	s2 =	sld [smem:$0x3F92];
	s0 =	simm.s32 @p1 $0x1  }
0x15: {  	[smem:$0x3FAF] =	sst s0;
	s0 =	simm.s32 @!p2 $0x0  }
0x16: {  	s3 =	sld [smem:$0x3FDB];
	s0 =	simm.s32 @p2 $0x1  }
0x17: {  	s4 =	simm.s32 $0x1BF5;
	[smem:$0x3FB1] =	sst s0  }
0x18: {  	s0 =	sld [smem:$0x3F94];
	_ =	swait.ge [sflag:s4], $0x0  }
0x19: {  	s7 =	sld [smem:$0x3F95]  }
0x1a: {  	s8 =	sadd.s32 $0xFFFFE003, lr  }
0x1b: {  	s9 =	sadd.s32 $0xFFFFFEF7, lr;
	s5 =	simm.s32 $0xFFFFFFFF;
	p2 =	slt.u32 s8, $0xFFFFF086  }
0x1c: {  	p1 =	slt.u32 s9, $0xF7A;
	s5 =	simm.s32 @!p2 $0x0  }
0x1d: {  	s5 =	simm.s32 @p1 $0x1;
	p0 =	seq.s32 s7, s2  }
0x1e: {  	s7 =	smul.u32 @!p0 $0xF7A, s2;
	p2 =	seq.s32 @!p0 s5, $0x0  }
0x1f: {  	s9 =	smul.u32 $0xF7A, s1;
	s8 =	simm.s32 @!p0 $0x1BF5;
	p2 =	por !p2, p0  }
0x20: {  	[sflag:s8] =	ssyncset.s32 @!p0 $0xFFFFF086;
	s6 =	sadd.s32 @!p0 s3, s7;
	s7 =	simm.s32 @!p0 $0x108  }
0x21: {  	s3 =	sadd.s32 s3, s9;
	s6 =	sadd.s32 @!p0 $0x88, s6;
	s7 =	simm.s32 @p2 $0x1082  }
0x22: {  	[simem:s7], [sflag:s8] =	dma.local @!p0 [hbm:s6], $0xF7A  }
0x23: {  	s9 =	sor.u32 $0xD0000000, s2;
	s6 =	simm.s32 $0x108;
	_ =	swait.ge @!p0 [sflag:s8], $0x0  }
0x24: {  	s3 =	sadd.s32 $0x88, s3;
	s6 =	simm.s32 @!p1 $0x1082;
	[sflag:s4] =	ssyncset.s32 $0xFFFFF086  }
0x25: {  	[simem:s6], [sflag:s4] =	dma.local [hbm:s3], $0xF7A  }
0x26: {  	[smem:$0x3F95] =	sst s1;
	(tag) =	ssettag s2;
	_ =	strace s9  }
0x27: {  	s1 =	sld [smem:$0x3FA5]  }
0x28: {  	s2 =	sld [smem:$0x3FA6]  }
0x29: {  	s4 =	sld [smem:$0x3FA8]  }
0x2a: {  	p0 =	seq.s32 s5, $0x0;
	s5 =	sld [smem:$0x3FA9]  }
0x2b: {  	s6 =	sld [smem:$0x3FAA]  }
0x2c: {  	s7 =	sld [smem:$0x3FAB]  }
0x2d: {  	s3 =	simm.s32 $0x108;
	s8 =	sld [smem:$0x3FAC]  }
0x2e: {  	s3 =	simm.s32 @!p0 $0x1082;
	s9 =	sld [smem:$0x3FAD]  }
0x2f: {  	lr =	sadd.s32 s0, s3;
	s0 =	sld [smem:$0x3FA4]  }
0x30: {  	s3 =	sld [smem:$0x3FA7]  }
0x31: {  	[smem:$0x3FB0] =	sst s10  }
0x32: {  	s10 =	sld [smem:$0x3FAE];
	_ =	sdelay $0x3  }
0x33: {  	p0 =	seq.s32 s10, $0x1;
	s10 =	sld [smem:$0x3FB0];
	_ =	sdelay $0x3  }
0x34: {  	[smem:$0x3FB0] =	sst s10  }
0x35: {  	s10 =	sld [smem:$0x3FAF];
	_ =	sdelay $0x3  }
0x36: {  	p1 =	seq.s32 s10, $0x1;
	s10 =	sld [smem:$0x3FB0];
	_ =	sdelay $0x3  }
0x37: {  	[smem:$0x3FB0] =	sst s10  }
0x38: {  	s10 =	sld [smem:$0x3FB1]  }
0x39: {  	_ = 	snop;
	(pc) =	sbr.ind lr, $3  }
0x3a: {  	_ = 	snop  }
0x3b: {  	_ = 	snop  }
0x3c: {  	p2 =	seq.s32 s10, $0x1;
	s10 =	sld [smem:$0x3FB0]  }
0x3d: {  	_ =	shalt  }
0x3e: {  	_ =	shalt  }
0x3f: {  	_ =	shalt  }
0x40: {  	_ =	shalt  }
0x41: {  	_ =	shalt  }
0x42: {  	_ =	shalt  }
0x43: {  	_ =	shalt  }
0x44: {  	_ =	shalt  }
0x45: {  	_ =	shalt  }
0x46: {  	_ =	shalt  }
0x47: {  	_ =	shalt  }
0x48: {  	_ =	shalt  }
0x49: {  	_ =	shalt  }
0x4a: {  	_ =	shalt  }
0x4b: {  	_ =	shalt  }
0x4c: {  	_ =	shalt  }
0x4d: {  	_ =	shalt  }
0x4e: {  	_ =	shalt  }
0x4f: {  	_ =	shalt  }
0x50: {  	_ =	shalt  }
0x51: {  	_ =	shalt  }
0x52: {  	_ =	shalt  }
0x53: {  	_ =	shalt  }
0x54: {  	_ =	shalt  }
0x55: {  	_ =	shalt  }
0x56: {  	_ =	shalt  }
0x57: {  	_ =	shalt  }
0x58: {  	_ =	shalt  }
0x59: {  	_ =	shalt  }
0x5a: {  	_ =	shalt  }
0x5b: {  	_ =	shalt  }
0x5c: {  	_ =	shalt  }
0x5d: {  	_ =	shalt  }
0x5e: {  	_ =	shalt  }
0x5f: {  	_ =	shalt  }
0x60: {  	_ =	shalt  }
0x61: {  	_ =	shalt  }
0x62: {  	_ =	shalt  }
0x63: {  	_ =	shalt  }
0x64: {  	_ =	shalt  }
0x65: {  	_ =	shalt  }
0x66: {  	_ =	shalt  }
0x67: {  	_ =	shalt  }
0x68: {  	_ =	shalt  }
0x69: {  	_ =	shalt  }
0x6a: {  	_ =	shalt  }
0x6b: {  	_ =	shalt  }
0x6c: {  	_ =	shalt  }
0x6d: {  	_ =	shalt  }
0x6e: {  	_ =	shalt  }
0x6f: {  	_ =	shalt  }
0x70: {  	_ =	shalt  }
0x71: {  	_ =	shalt  }
0x72: {  	_ =	shalt  }
0x73: {  	_ =	shalt  }
0x74: {  	_ =	shalt  }
0x75: {  	_ =	shalt  }
0x76: {  	_ =	shalt  }
0x77: {  	_ =	shalt  }
0x78: {  	_ =	shalt  }
0x79: {  	_ =	shalt  }
0x7a: {  	_ =	shalt  }
0x7b: {  	_ =	shalt  }
0x7c: {  	_ =	shalt  }
0x7d: {  	_ =	shalt  }
0x7e: {  	_ =	shalt  }
0x7f: {  	_ =	shalt  }
0x80: {  	_ =	shalt  }
0x81: {  	_ =	shalt  }
0x82: {  	_ =	shalt  }
0x83: {  	_ =	shalt  }
0x84: {  	_ =	shalt  }
0x85: {  	_ =	shalt  }
0x86: {  	_ =	shalt  }
0x87: {  	_ =	shalt  }
.Lfunc_end0:
.L_simem_size_0:
called_computation_lowered:
.L_overlay_start_0:
0x88: {  	s2 =	sld [smem:$0x3FD9]  }
0x89: {  	s3 =	sld [smem:$0x3FFE];
	_ =	sdelay $0x1  }
0x8a: {  	s1 =	srdreg.scid  }
0x8b: {  	s0 =	sand.u32 $0x1, s1  }
0x8c: {  	s17 =	sshll.u32 s0, $0xA;
	s2 =	sadd.s32 s3, s2  }
0x8d: {  	s2 =	sadd.s32 s2, s17  }
0x8e: {  	[smem:$0x3FBC] =	sst s2  }
0x8f: {  	_ = 	snop  }
0x90: {  	s2 =	sld [smem:$0x3FC6];
	(tm) =	ssettm $0x1  }
0x91: {  	s18 =	sld [smem:$0x3FFB];
	_ =	sdelay $0x3  }
0x92: {  	_ =	strace s18  }
0x93: {  	s3 =	sld [smem:$0x3FFC];
	_ =	sdelay $0x3  }
0x94: {  	_ =	strace s3  }
0x95: {  	s3 =	sld [smem:$0x3FFD];
	_ =	sdelay $0x3  }
0x96: {  	_ =	strace s3  }
0x97: {  	_ =	strace $0x8FFFFFFF  }
0x98: {  	s19 =	sld [smem:$0x3FDB];
	_ =	sdelay $0x1  }
0x99: {  	s4 =	simm.s32 $_scs_section_size  }
0x9a: {  	s5 =	simm.s32 $_size__tile_overlayer_lowered;
	s6 =	simm.s32 $_tile_overlayer_lowered  }
0x9b: {  	s22 =	simm.s32 $0x1BFF;
	s21 =	sshll.u32 s6, $0x1;
	s3 =	sadd.s32 s4, s19  }
0x9c: {  	s7 =	simm.s32 $0x0;
	s20 =	sshll.u32 s5, $0x1;
	s5 =	sadd.s32 s21, s3  }
0x9d: {  	[timem:s7], [sflag:s22] =	dma.local [hbm:s5], s20  }
0x9e: {  	_ =	swait.ge [sflag:s22], s20  }
0x9f: {  	s4 =	ssub.s32 $0x0, s20;
	[sflag:s22] =	ssyncset.done $0x0  }
0xa0: {  	[sflag:s22] =	ssyncadd.s32 s4;
	_ =	sdelay $0x1  }
0xa1: {  	s23 =	simm.s32 $0x1B8B  }
0xa2: {  	_ =	swait.ge [sflag:s23], $0x1  }
0xa3: {  	[sflag:s23] =	ssyncset.done $0x0  }
0xa4: {  	s25 =	simm.s32 $0x1B8E;
	s24 =	sld [smem:$0x3FFE];
	[sflag:s23] =	ssyncadd.s32 $0xFFFFFFFF  }
0xa5: {  	s26 =	simm.s32 $execute0_lowered;
	[smem:$0x3FD2] =	sst s25  }
0xa6: {  	s5 =	sshll.u32 s26, $0x1;
	_ =	strace $0x80000046;
	[dreg:$0x1] =	wrdreg $0xFFFFFFFF  }
0xa7: {  	s28 =	simm.s32 $_size_execute0_lowered;
	s3 =	sadd.s32 s3, s5;
	[dreg:$0x0] =	wrdreg $0x0  }
0xa8: {  	s5 =	sshll.u32 s28, $0x1;
	[dreg:$0x2] =	wrdreg s3  }
0xa9: {  	[dreg:$0x3] =	wrdreg s5  }
0xaa: {  	[dreg:$0x4] =	wrdreg $0xC0  }
0xab: {  	_ =	task [dreg:s7], $0x5FFFF  }
0xac: {  	[dreg:$0x1] =	wrdreg $0xFFFFFFFF  }
0xad: {  	[dreg:$0x0] =	wrdreg $0x60  }
0xae: {  	[dreg:$0x2] =	wrdreg s2  }
0xaf: {  	[dreg:$0x3] =	wrdreg s24  }
0xb0: {  	[dreg:$0x4] =	wrdreg $0x9  }
0xb1: {  	_ =	task.clear_ibuf [dreg:s7], $0x5FFFF;
	_ =	strace $0x90000046  }
0xb2: {  	s29 =	simm.s32 $0x9;
	_ =	strace $0x80000048  }
0xb3: {  	_ =	swait.ge [sflag:s29], $0x1  }
0xb4: {  	[sflag:s29] =	ssyncadd.s32 $0xFFFFFFFF  }
0xb5: {  	_ =	strace $0x90000048  }
0xb6: {  	_ =	sfence  }
0xb7: {  	s30 =	sld [smem:$0x0];
	_ =	sdelay $0x2  }
0xb8: {  	s31 =	sshll.u32 s1, $0xD;
	s1 =	sshrl.u32 s1, $0x2  }
0xb9: {  	s3 =	sand.u32 $0x4000, s31;
	s1 =	sadd.s32 s1, s30  }
0xba: {  	s0 =	sor.u32 s3, s0;
	s1 =	sshll.u32 s1, $0x11  }
0xbb: {  	s0 =	sor.u32 s1, s0  }
0xbc: {  	s0 =	sadd.s32 $0x8F2B, s0  }
0xbd: {  	[sflag:s0] =	ssyncadd.remote.s32 $0x1  }
0xbe: {  	_ =	sfence.sel $0xFFFF  }
0xbf: {  	[dreg:$0x0] =	wrdreg $0xFFFFFFFF;
	(pc) =	sbr.abs _section_cstart, $3  }
0xc0: {  	[dreg:$0x1] =	wrdreg $0xFFFFFFFF  }
0xc1: {  	_ =	task.clear_ibuf [dreg:s7], $0x2FFFF;
	_ =	strace $0x9FFFFFFF  }
0xc2: {  	(tm) =	ssettm $0x7FFFFFFF  }
0xc3: {  	_ =	shalt  }
tec
execute0_lowered:
.L_overlay_start_1:
0x0: {  	(tag) =	ssettag $0x1  }
0x1: {  	s7 =	rddreg [dreg:$0x0]  }
0x2: {  	s3 =	rddreg [dreg:$0x1];
	s1 =	simm.s32 $0x0;
	s2 =	srdreg.scid  }
0x3: {  	[smem:$0x7FF] =	sst s1;
	s5 =	sand.u32 $0x1, s2;
	s2 =	stileid.u32  }
0x4: {  	_ =	strace $0x80000047;
	s4 =	sshll.u32 s5, $0xB;
	s6 =	sand.u32 $0x1, s2  }
0x5: {  	s10 =	smul.u32 $0x7A1400, s5;
	s29 =	sshll.u32 s2, $0xB;
	s30 =	sshrl.u32 s2, $0x1  }
0x6: {  	s15 =	sshll.u32 s5, $0x17;
	s9 =	sadd.s32 s4, s3;
	s11 =	smul.u32 $0x3CF000, s6  }
0x7: {  	s8 =	sadd.s32 s29, s3;
	s3 =	sadd.s32 $0x11C00, s3;
	s14 =	smul.u32 $0x79E00, s6  }
0x8: {  	s12 =	sshll.u32 s30, $0x7;
	s4 =	sshll.u32 s30, $0x14;
	s11 =	sadd.s32 s10, s11  }
0x9: {  	s10 =	sor.u32 s12, s10;
	s13 =	sor.u32 s12, s11;
	s11 =	sor.u32 s15, s4  }
0xa: {  	s31 =	sshrl.u32 s13, $0x3;
	s0 =	sadd.s32 $0x51400, s13;
	s14 =	sor.u32 s14, s11  }
0xb: {  	s17 =	sadd.s32 $0xA2800, s13;
	s12 =	sshrl.u32 s11, $0x3;
	s11 =	simm.s32 $0x15400  }
0xc: {  	s20 =	sadd.s32 $0xF3C00, s13;
	s4 =	sadd.s32 s7, s31;
	[smem:$0x71A] =	sst s11  }
0xd: {  	s15 =	sshrl.u32 s0, $0x3;
	s11 =	simm.s32 $0x19580;
	[dreg:$0x3] =	wrdreg s4  }
0xe: {  	s19 =	sshrl.u32 s17, $0x3;
	s16 =	sadd.s32 s7, s15;
	[smem:$0x731] =	sst s11  }
0xf: {  	s18 =	sshrl.u32 s14, $0x3;
	s14 =	sadd.s32 s7, s19;
	[dreg:$0x4] =	wrdreg s16  }
0x10: {  	s4 =	sadd.s32 s3, s18;
	s11 =	simm.s32 $0x14D80;
	[dreg:$0x5] =	wrdreg s14  }
0x11: {  	s15 =	sshrl.u32 s20, $0x3;
	s21 =	sadd.s32 $0x1450, s4;
	[smem:$0x748] =	sst s11  }
0x12: {  	s22 =	sadd.s32 s7, s15;
	[dreg:$0x6] =	wrdreg s21  }
0x13: {  	s24 =	sadd.s32 $0x28A0, s4;
	[dreg:$0x7] =	wrdreg s22  }
0x14: {  	s29 =	sadd.s32 $0x3CF0, s4;
	[dreg:$0x8] =	wrdreg s24  }
0x15: {  	s0 =	sadd.s32 $0x5140, s4;
	[dreg:$0xa] =	wrdreg s29  }
0x16: {  	s17 =	sadd.s32 $0x6590, s4;
	[dreg:$0xc] =	wrdreg s0  }
0x17: {  	s23 =	sadd.s32 $0x145000, s13;
	s20 =	sadd.s32 $0x79E0, s4;
	[dreg:$0xe] =	wrdreg s17  }
0x18: {  	s15 =	sshrl.u32 s23, $0x3;
	s23 =	sadd.s32 $0x8E30, s4;
	[dreg:$0x10] =	wrdreg s20  }
0x19: {  	s11 =	simm.s32 $0x1A100;
	[dreg:$0x12] =	wrdreg s23  }
0x1a: {  	s26 =	sadd.s32 $0x196400, s13;
	s25 =	sadd.s32 s7, s15;
	[smem:$0x75F] =	sst s11  }
0x1b: {  	s15 =	sshrl.u32 s26, $0x3;
	s26 =	sadd.s32 $0xA280, s4;
	[dreg:$0x9] =	wrdreg s25  }
0x1c: {  	s0 =	sadd.s32 $0xDF70, s4;
	[dreg:$0x14] =	wrdreg s26  }
0x1d: {  	s20 =	simm.s32 $0x15B80;
	[dreg:$0x19] =	wrdreg s0  }
0x1e: {  	s14 =	sshll.u32 s2, $0xC;
	s23 =	simm.s32 $0x18D00;
	[smem:$0x70C] =	sst s20  }
0x1f: {  	s9 =	sadd.s32 s14, s9;
	s14 =	simm.s32 $0x19080;
	[smem:$0x70F] =	sst s23  }
0x20: {  	s11 =	simm.s32 $0x18680;
	[smem:$0x71D] =	sst s14  }
0x21: {  	s31 =	sadd.s32 $0x1E7800, s13;
	s30 =	sadd.s32 s7, s15;
	[smem:$0x776] =	sst s11  }
0x22: {  	s15 =	sshrl.u32 s31, $0x3;
	s31 =	sadd.s32 $0xCB20, s4;
	[dreg:$0xb] =	wrdreg s30  }
0x23: {  	s26 =	simm.s32 $0x17380;
	[dreg:$0x18] =	wrdreg s31  }
0x24: {  	s0 =	simm.s32 $0x18380;
	[smem:$0x712] =	sst s26  }
0x25: {  	s20 =	simm.s32 $0x19200;
	[smem:$0x716] =	sst s0  }
0x26: {  	s23 =	simm.s32 $0x18400;
	[smem:$0x723] =	sst s20  }
0x27: {  	s14 =	simm.s32 $0x17C80;
	[smem:$0x726] =	sst s23  }
0x28: {  	s11 =	simm.s32 $0x1AC80;
	[smem:$0x734] =	sst s14  }
0x29: {  	s15 =	sadd.s32 s7, s15;
	[smem:$0x78D] =	sst s11  }
0x2a: {  	s30 =	sadd.s32 $0xB6D0, s4;
	[dreg:$0xd] =	wrdreg s15  }
0x2b: {  	s31 =	simm.s32 $0x18E80;
	[dreg:$0x16] =	wrdreg s30  }
0x2c: {  	s19 =	sadd.s32 $0x28A000, s13;
	s26 =	simm.s32 $0x19380;
	[smem:$0x715] =	sst s31  }
0x2d: {  	s16 =	sadd.s32 $0x238C00, s13;
	s0 =	simm.s32 $0x19480;
	[smem:$0x729] =	sst s26  }
0x2e: {  	s22 =	sadd.s32 $0x2DB400, s13;
	s20 =	simm.s32 $0x15500;
	[smem:$0x72D] =	sst s0  }
0x2f: {  	s25 =	sadd.s32 $0x32C800, s13;
	s23 =	simm.s32 $0x19880;
	[smem:$0x73A] =	sst s20  }
0x30: {  	s13 =	sadd.s32 $0x37DC00, s13;
	s14 =	simm.s32 $0x19C00;
	[smem:$0x73D] =	sst s23  }
0x31: {  	s13 =	sshrl.u32 s13, $0x3;
	s11 =	simm.s32 $0x18000;
	[smem:$0x74B] =	sst s14  }
0x32: {  	s13 =	sadd.s32 s7, s13;
	[smem:$0x7A4] =	sst s11  }
0x33: {  	s15 =	sshrl.u32 s16, $0x3;
	s16 =	sadd.s32 $0x1C00, s9;
	[dreg:$0x17] =	wrdreg s13  }
0x34: {  	s30 =	simm.s32 $0x17B80;
	[dreg:$0x1c] =	wrdreg s16  }
0x35: {  	s9 =	simm.s32 $0x14C00;
	[smem:$0x714] =	sst s30  }
0x36: {  	s31 =	simm.s32 $0x15C80;
	[smem:$0x718] =	sst s9  }
0x37: {  	s26 =	simm.s32 $0x16D00;
	[smem:$0x72C] =	sst s31  }
0x38: {  	s0 =	simm.s32 $0x17D00;
	[smem:$0x740] =	sst s26  }
0x39: {  	s20 =	simm.s32 $0x19D80;
	[smem:$0x744] =	sst s0  }
0x3a: {  	s23 =	simm.s32 $0x17D80;
	[smem:$0x751] =	sst s20  }
0x3b: {  	s14 =	simm.s32 $0x17600;
	[smem:$0x754] =	sst s23  }
0x3c: {  	s11 =	simm.s32 $0x1B800;
	[smem:$0x762] =	sst s14  }
0x3d: {  	s18 =	sadd.s32 s7, s15;
	[smem:$0x7BB] =	sst s11  }
0x3e: {  	s15 =	sshrl.u32 s19, $0x3;
	s19 =	simm.s32 $0x18C00;
	[dreg:$0xf] =	wrdreg s18  }
0x3f: {  	s13 =	sadd.s32 s12, s3;
	s12 =	simm.s32 $0x19000;
	[dreg:$0x1f] =	wrdreg s19  }
0x40: {  	s16 =	simm.s32 $0x19100;
	[smem:$0x71B] =	sst s12  }
0x41: {  	s30 =	simm.s32 $0x19400;
	[smem:$0x71F] =	sst s16  }
0x42: {  	s9 =	simm.s32 $0x19500;
	[smem:$0x72B] =	sst s30  }
0x43: {  	s31 =	simm.s32 $0x19A00;
	[smem:$0x72F] =	sst s9  }
0x44: {  	s26 =	simm.s32 $0x19F00;
	[smem:$0x743] =	sst s31  }
0x45: {  	s0 =	simm.s32 $0x1A000;
	[smem:$0x757] =	sst s26  }
0x46: {  	s20 =	simm.s32 $0x14E80;
	[smem:$0x75B] =	sst s0  }
0x47: {  	s23 =	simm.s32 $0x1A400;
	[smem:$0x768] =	sst s20  }
0x48: {  	s14 =	simm.s32 $0x1A780;
	[smem:$0x76B] =	sst s23  }
0x49: {  	s11 =	simm.s32 $0x17980;
	[smem:$0x779] =	sst s14  }
0x4a: {  	s21 =	sadd.s32 s7, s15;
	[smem:$0x7D2] =	sst s11  }
0x4b: {  	s18 =	simm.s32 $0x15380;
	[dreg:$0x11] =	wrdreg s21  }
0x4c: {  	s15 =	sshrl.u32 s22, $0x3;
	s22 =	simm.s32 $0x16380;
	[dreg:$0x1e] =	wrdreg s18  }
0x4d: {  	s19 =	simm.s32 $0x17400;
	[smem:$0x70E] =	sst s22  }
0x4e: {  	s12 =	simm.s32 $0x17480;
	[smem:$0x722] =	sst s19  }
0x4f: {  	s16 =	simm.s32 $0x18480;
	[smem:$0x732] =	sst s12  }
0x50: {  	s30 =	simm.s32 $0x17500;
	[smem:$0x736] =	sst s16  }
0x51: {  	s9 =	simm.s32 $0x18500;
	[smem:$0x742] =	sst s30  }
0x52: {  	s31 =	simm.s32 $0x15600;
	[smem:$0x746] =	sst s9  }
0x53: {  	s26 =	simm.s32 $0x16680;
	[smem:$0x75A] =	sst s31  }
0x54: {  	s0 =	simm.s32 $0x17680;
	[smem:$0x76E] =	sst s26  }
0x55: {  	s20 =	simm.s32 $0x1A900;
	[smem:$0x772] =	sst s0  }
0x56: {  	s23 =	simm.s32 $0x17700;
	[smem:$0x77F] =	sst s20  }
0x57: {  	s14 =	simm.s32 $0x16F80;
	[smem:$0x782] =	sst s23  }
0x58: {  	s11 =	simm.s32 $0x1C380;
	[smem:$0x790] =	sst s14  }
0x59: {  	s24 =	sadd.s32 s7, s15;
	[smem:$0x7E9] =	sst s11  }
0x5a: {  	s21 =	simm.s32 $0x18C80;
	[dreg:$0x13] =	wrdreg s24  }
0x5b: {  	s15 =	sshrl.u32 s25, $0x3;
	s25 =	simm.s32 $0x18D80;
	[smem:$0x70D] =	sst s21  }
0x5c: {  	s18 =	simm.s32 $0x19180;
	[smem:$0x711] =	sst s25  }
0x5d: {  	s22 =	simm.s32 $0x19280;
	[smem:$0x721] =	sst s18  }
0x5e: {  	s19 =	simm.s32 $0x19780;
	[smem:$0x725] =	sst s22  }
0x5f: {  	s12 =	simm.s32 $0x19B80;
	[smem:$0x739] =	sst s19  }
0x60: {  	s16 =	simm.s32 $0x19C80;
	[smem:$0x749] =	sst s12  }
0x61: {  	s30 =	simm.s32 $0x19F80;
	[smem:$0x74D] =	sst s16  }
0x62: {  	s9 =	simm.s32 $0x1A080;
	[smem:$0x759] =	sst s30  }
0x63: {  	s31 =	simm.s32 $0x1A580;
	[smem:$0x75D] =	sst s9  }
0x64: {  	s26 =	simm.s32 $0x1AA80;
	[smem:$0x771] =	sst s31  }
0x65: {  	s0 =	simm.s32 $0x1AB80;
	[smem:$0x785] =	sst s26  }
0x66: {  	s20 =	simm.s32 $0x18780;
	[smem:$0x789] =	sst s0  }
0x67: {  	s23 =	simm.s32 $0x1AF80;
	[smem:$0x796] =	sst s20  }
0x68: {  	s10 =	sadd.s32 $0x79E000, s10;
	s14 =	simm.s32 $0x1B300;
	[smem:$0x799] =	sst s23  }
0x69: {  	s10 =	sshrl.u32 s10, $0x3;
	s29 =	sadd.s32 s7, s15;
	[smem:$0x7A7] =	sst s14  }
0x6a: {  	s7 =	sadd.s32 s7, s10;
	[dreg:$0x15] =	wrdreg s29  }
0x6b: {  	s24 =	simm.s32 $0x16B80;
	[dreg:$0x1a] =	wrdreg s7  }
0x6c: {  	s10 =	simm.s32 $0x18F80;
	[smem:$0x710] =	sst s24  }
0x6d: {  	s21 =	simm.s32 $0x17C00;
	[smem:$0x719] =	sst s10  }
0x6e: {  	s25 =	simm.s32 $0x14C80;
	[smem:$0x724] =	sst s21  }
0x6f: {  	s18 =	simm.s32 $0x14D00;
	[smem:$0x728] =	sst s25  }
0x70: {  	s22 =	simm.s32 $0x15D00;
	[smem:$0x738] =	sst s18  }
0x71: {  	s19 =	simm.s32 $0x16D80;
	[smem:$0x73C] =	sst s22  }
0x72: {  	s12 =	simm.s32 $0x16E00;
	[smem:$0x750] =	sst s19  }
0x73: {  	s16 =	simm.s32 $0x17E00;
	[smem:$0x760] =	sst s12  }
0x74: {  	s30 =	simm.s32 $0x16E80;
	[smem:$0x764] =	sst s16  }
0x75: {  	s9 =	simm.s32 $0x17E80;
	[smem:$0x770] =	sst s30  }
0x76: {  	s31 =	simm.s32 $0x14F80;
	[smem:$0x774] =	sst s9  }
0x77: {  	s26 =	simm.s32 $0x16000;
	[smem:$0x788] =	sst s31  }
0x78: {  	s0 =	simm.s32 $0x17000;
	[smem:$0x79C] =	sst s26  }
0x79: {  	s20 =	simm.s32 $0x1B480;
	[smem:$0x7A0] =	sst s0  }
0x7a: {  	s23 =	simm.s32 $0x17080;
	[smem:$0x7AD] =	sst s20  }
0x7b: {  	s14 =	simm.s32 $0x16900;
	[smem:$0x7B0] =	sst s23  }
0x7c: {  	s7 =	sadd.s32 $0x1E780, s13;
	[smem:$0x7BE] =	sst s14  }
0x7d: {  	s29 =	simm.s32 $0x18E00;
	[dreg:$0x1b] =	wrdreg s7  }
0x7e: {  	s15 =	sshll.u32 s5, $0xF;
	s13 =	simm.s32 $0x15C00;
	[smem:$0x713] =	sst s29  }
0x7f: {  	s8 =	sadd.s32 s15, s8;
	s15 =	simm.s32 $0x16400;
	[smem:$0x71C] =	sst s13  }
0x80: {  	s24 =	simm.s32 $0x19300;
	[smem:$0x71E] =	sst s15  }
0x81: {  	s10 =	simm.s32 $0x16C80;
	[smem:$0x727] =	sst s24  }
0x82: {  	s21 =	simm.s32 $0x19800;
	[smem:$0x730] =	sst s10  }
0x83: {  	s25 =	simm.s32 $0x19900;
	[smem:$0x73B] =	sst s21  }
0x84: {  	s18 =	simm.s32 $0x19D00;
	[smem:$0x73F] =	sst s25  }
0x85: {  	s22 =	simm.s32 $0x19E00;
	[smem:$0x74F] =	sst s18  }
0x86: {  	s19 =	simm.s32 $0x1A300;
	[smem:$0x753] =	sst s22  }
0x87: {  	s12 =	simm.s32 $0x1A700;
	[smem:$0x767] =	sst s19  }
0x88: {  	s16 =	simm.s32 $0x1A800;
	[smem:$0x777] =	sst s12  }
0x89: {  	s30 =	simm.s32 $0x1AB00;
	[smem:$0x77B] =	sst s16  }
0x8a: {  	s9 =	simm.s32 $0x1AC00;
	[smem:$0x787] =	sst s30  }
0x8b: {  	s31 =	simm.s32 $0x1B100;
	[smem:$0x78B] =	sst s9  }
0x8c: {  	s26 =	simm.s32 $0x1B600;
	[smem:$0x79F] =	sst s31  }
0x8d: {  	s0 =	simm.s32 $0x1B700;
	[smem:$0x7B3] =	sst s26  }
0x8e: {  	s20 =	simm.s32 $0x18100;
	[smem:$0x7B7] =	sst s0  }
0x8f: {  	s23 =	simm.s32 $0x1BB00;
	[smem:$0x7C4] =	sst s20  }
0x90: {  	s14 =	simm.s32 $0x1BE80;
	[smem:$0x7C7] =	sst s23  }
0x91: {  	s17 =	sadd.s32 $0x211C00, s8;
	[smem:$0x7D5] =	sst s14  }
0x92: {  	s8 =	simm.s32 $0x18F00;
	[dreg:$0x1d] =	wrdreg s17  }
0x93: {  	s29 =	simm.s32 $0x15480;
	[smem:$0x717] =	sst s8  }
0x94: {  	s13 =	simm.s32 $0x19600;
	[smem:$0x72A] =	sst s29  }
0x95: {  	s15 =	simm.s32 $0x19680;
	[smem:$0x733] =	sst s13  }
0x96: {  	s24 =	simm.s32 $0x16500;
	[smem:$0x735] =	sst s15  }
0x97: {  	s10 =	simm.s32 $0x19B00;
	[smem:$0x73E] =	sst s24  }
0x98: {  	s21 =	simm.s32 $0x17580;
	[smem:$0x747] =	sst s10  }
0x99: {  	s25 =	simm.s32 $0x18580;
	[smem:$0x752] =	sst s21  }
0x9a: {  	s18 =	simm.s32 $0x18600;
	[smem:$0x756] =	sst s25  }
0x9b: {  	s22 =	simm.s32 $0x15680;
	[smem:$0x766] =	sst s18  }
0x9c: {  	s19 =	simm.s32 $0x16700;
	[smem:$0x76A] =	sst s22  }
0x9d: {  	s12 =	simm.s32 $0x16780;
	[smem:$0x77E] =	sst s19  }
0x9e: {  	s16 =	simm.s32 $0x17780;
	[smem:$0x78E] =	sst s12  }
0x9f: {  	s30 =	simm.s32 $0x16800;
	[smem:$0x792] =	sst s16  }
0xa0: {  	s9 =	simm.s32 $0x17800;
	[smem:$0x79E] =	sst s30  }
0xa1: {  	s31 =	simm.s32 $0x18880;
	[smem:$0x7A2] =	sst s9  }
0xa2: {  	s26 =	simm.s32 $0x15980;
	[smem:$0x7B6] =	sst s31  }
0xa3: {  	s0 =	simm.s32 $0x16980;
	[smem:$0x7CA] =	sst s26  }
0xa4: {  	s20 =	simm.s32 $0x1C000;
	[smem:$0x7CE] =	sst s0  }
0xa5: {  	s23 =	simm.s32 $0x16A00;
	[smem:$0x7DB] =	sst s20  }
0xa6: {  	s14 =	simm.s32 $0x16280;
	[smem:$0x7DE] =	sst s23  }
0xa7: {  	s17 =	simm.s32 $0x16C00;
	[smem:$0x7EC] =	sst s14  }
0xa8: {  	s8 =	simm.s32 $0x16480;
	[smem:$0x720] =	sst s17  }
0xa9: {  	s29 =	simm.s32 $0x19980;
	[smem:$0x72E] =	sst s8  }
0xaa: {  	s13 =	simm.s32 $0x15580;
	[smem:$0x741] =	sst s29  }
0xab: {  	s15 =	simm.s32 $0x15D80;
	[smem:$0x74A] =	sst s13  }
0xac: {  	s24 =	simm.s32 $0x19E80;
	[smem:$0x74C] =	sst s15  }
0xad: {  	s10 =	simm.s32 $0x16600;
	[smem:$0x755] =	sst s24  }
0xae: {  	s21 =	simm.s32 $0x1A380;
	[smem:$0x75E] =	sst s10  }
0xaf: {  	s25 =	simm.s32 $0x1A480;
	[smem:$0x769] =	sst s21  }
0xb0: {  	s18 =	simm.s32 $0x1A880;
	[smem:$0x76D] =	sst s25  }
0xb1: {  	s22 =	simm.s32 $0x1A980;
	[smem:$0x77D] =	sst s18  }
0xb2: {  	s19 =	simm.s32 $0x1AE80;
	[smem:$0x781] =	sst s22  }
0xb3: {  	s12 =	simm.s32 $0x1B280;
	[smem:$0x795] =	sst s19  }
0xb4: {  	s16 =	simm.s32 $0x1B380;
	[smem:$0x7A5] =	sst s12  }
0xb5: {  	s30 =	simm.s32 $0x1B680;
	[smem:$0x7A9] =	sst s16  }
0xb6: {  	s9 =	simm.s32 $0x1B780;
	[smem:$0x7B5] =	sst s30  }
0xb7: {  	s31 =	simm.s32 $0x1BC80;
	[smem:$0x7B9] =	sst s9  }
0xb8: {  	s26 =	simm.s32 $0x1C180;
	[smem:$0x7CD] =	sst s31  }
0xb9: {  	s0 =	simm.s32 $0x1C280;
	[smem:$0x7E1] =	sst s26  }
0xba: {  	s20 =	simm.s32 $0x1C800;
	[smem:$0x7E5] =	sst s0  }
0xbb: {  	s23 =	simm.s32 $0x17280;
	[smem:$0x7F1] =	sst s20  }
0xbc: {  	s17 =	simm.s32 $0x19700;
	[smem:$0x7F4] =	sst s23  }
0xbd: {  	s8 =	simm.s32 $0x19A80;
	[smem:$0x737] =	sst s17  }
0xbe: {  	s29 =	simm.s32 $0x14E00;
	[smem:$0x745] =	sst s8  }
0xbf: {  	s13 =	simm.s32 $0x1A180;
	[smem:$0x758] =	sst s29  }
0xc0: {  	s15 =	simm.s32 $0x1A200;
	[smem:$0x761] =	sst s13  }
0xc1: {  	s24 =	simm.s32 $0x15E80;
	[smem:$0x763] =	sst s15  }
0xc2: {  	s10 =	simm.s32 $0x1A680;
	[smem:$0x76C] =	sst s24  }
0xc3: {  	s21 =	simm.s32 $0x16F00;
	[smem:$0x775] =	sst s10  }
0xc4: {  	s25 =	simm.s32 $0x17F00;
	[smem:$0x780] =	sst s21  }
0xc5: {  	s18 =	simm.s32 $0x17F80;
	[smem:$0x784] =	sst s25  }
0xc6: {  	s22 =	simm.s32 $0x15000;
	[smem:$0x794] =	sst s18  }
0xc7: {  	s19 =	simm.s32 $0x16080;
	[smem:$0x798] =	sst s22  }
0xc8: {  	s12 =	simm.s32 $0x16100;
	[smem:$0x7AC] =	sst s19  }
0xc9: {  	s16 =	simm.s32 $0x17100;
	[smem:$0x7BC] =	sst s12  }
0xca: {  	s30 =	simm.s32 $0x16180;
	[smem:$0x7C0] =	sst s16  }
0xcb: {  	s9 =	simm.s32 $0x17180;
	[smem:$0x7CC] =	sst s30  }
0xcc: {  	s31 =	simm.s32 $0x18200;
	[smem:$0x7D0] =	sst s9  }
0xcd: {  	s26 =	simm.s32 $0x1C600;
	[smem:$0x7E4] =	sst s31  }
0xce: {  	s17 =	simm.s32 $0x16580;
	[smem:$0x7F7] =	sst s26  }
0xcf: {  	s8 =	simm.s32 $0x15E00;
	[smem:$0x74E] =	sst s17  }
0xd0: {  	s29 =	simm.s32 $0x1A500;
	[smem:$0x75C] =	sst s8  }
0xd1: {  	s13 =	simm.s32 $0x14F00;
	[smem:$0x76F] =	sst s29  }
0xd2: {  	s15 =	simm.s32 $0x15700;
	[smem:$0x778] =	sst s13  }
0xd3: {  	s24 =	simm.s32 $0x1AA00;
	[smem:$0x77A] =	sst s15  }
0xd4: {  	s10 =	simm.s32 $0x15F80;
	[smem:$0x783] =	sst s24  }
0xd5: {  	s21 =	simm.s32 $0x1AF00;
	[smem:$0x78C] =	sst s10  }
0xd6: {  	s25 =	simm.s32 $0x1B000;
	[smem:$0x797] =	sst s21  }
0xd7: {  	s18 =	simm.s32 $0x1B400;
	[smem:$0x79B] =	sst s25  }
0xd8: {  	s22 =	simm.s32 $0x1B500;
	[smem:$0x7AB] =	sst s18  }
0xd9: {  	s19 =	simm.s32 $0x1BA00;
	[smem:$0x7AF] =	sst s22  }
0xda: {  	s12 =	simm.s32 $0x1BE00;
	[smem:$0x7C3] =	sst s19  }
0xdb: {  	s16 =	simm.s32 $0x1BF00;
	[smem:$0x7D3] =	sst s12  }
0xdc: {  	s30 =	simm.s32 $0x1C200;
	[smem:$0x7D7] =	sst s16  }
0xdd: {  	s9 =	simm.s32 $0x1C300;
	[smem:$0x7E3] =	sst s30  }
0xde: {  	s31 =	simm.s32 $0x18A80;
	[smem:$0x7E7] =	sst s9  }
0xdf: {  	s17 =	simm.s32 $0x1A280;
	[smem:$0x7FA] =	sst s31  }
0xe0: {  	s8 =	simm.s32 $0x1A600;
	[smem:$0x765] =	sst s17  }
0xe1: {  	s29 =	simm.s32 $0x18700;
	[smem:$0x773] =	sst s8  }
0xe2: {  	s13 =	simm.s32 $0x1AD00;
	[smem:$0x786] =	sst s29  }
0xe3: {  	s15 =	simm.s32 $0x1AD80;
	[smem:$0x78F] =	sst s13  }
0xe4: {  	s24 =	simm.s32 $0x15800;
	[smem:$0x791] =	sst s15  }
0xe5: {  	s10 =	simm.s32 $0x1B200;
	[smem:$0x79A] =	sst s24  }
0xe6: {  	s21 =	simm.s32 $0x16880;
	[smem:$0x7A3] =	sst s10  }
0xe7: {  	s25 =	simm.s32 $0x17880;
	[smem:$0x7AE] =	sst s21  }
0xe8: {  	s18 =	simm.s32 $0x17900;
	[smem:$0x7B2] =	sst s25  }
0xe9: {  	s22 =	simm.s32 $0x18900;
	[smem:$0x7C2] =	sst s18  }
0xea: {  	s19 =	simm.s32 $0x15A00;
	[smem:$0x7C6] =	sst s22  }
0xeb: {  	s12 =	simm.s32 $0x15A80;
	[smem:$0x7DA] =	sst s19  }
0xec: {  	s16 =	simm.s32 $0x16A80;
	[smem:$0x7EA] =	sst s12  }
0xed: {  	s30 =	simm.s32 $0x1C680;
	[smem:$0x7EE] =	sst s16  }
0xee: {  	s17 =	simm.s32 $0x15F00;
	[smem:$0x7F9] =	sst s30  }
0xef: {  	s8 =	simm.s32 $0x15780;
	[smem:$0x77C] =	sst s17  }
0xf0: {  	s29 =	simm.s32 $0x1B080;
	[smem:$0x78A] =	sst s8  }
0xf1: {  	s13 =	simm.s32 $0x18800;
	[smem:$0x79D] =	sst s29  }
0xf2: {  	s15 =	simm.s32 $0x15080;
	[smem:$0x7A6] =	sst s13  }
0xf3: {  	s24 =	simm.s32 $0x1B580;
	[smem:$0x7A8] =	sst s15  }
0xf4: {  	s10 =	simm.s32 $0x15900;
	[smem:$0x7B1] =	sst s24  }
0xf5: {  	s21 =	simm.s32 $0x1BA80;
	[smem:$0x7BA] =	sst s10  }
0xf6: {  	s25 =	simm.s32 $0x1BB80;
	[smem:$0x7C5] =	sst s21  }
0xf7: {  	s18 =	simm.s32 $0x1BF80;
	[smem:$0x7C9] =	sst s25  }
0xf8: {  	s22 =	simm.s32 $0x1C080;
	[smem:$0x7D9] =	sst s18  }
0xf9: {  	s19 =	simm.s32 $0x1C780;
	[smem:$0x7DD] =	sst s22  }
0xfa: {  	s16 =	simm.s32 $0x1C700;
	[smem:$0x7F0] =	sst s19  }
0xfb: {  	s17 =	simm.s32 $0x1AE00;
	[smem:$0x7FB] =	sst s16  }
0xfc: {  	s8 =	simm.s32 $0x1B180;
	[smem:$0x793] =	sst s17  }
0xfd: {  	s29 =	simm.s32 $0x18080;
	[smem:$0x7A1] =	sst s8  }
0xfe: {  	s13 =	simm.s32 $0x1B880;
	[smem:$0x7B4] =	sst s29  }
0xff: {  	s15 =	simm.s32 $0x1B900;
	[smem:$0x7BD] =	sst s13  }
0x100: {  	s24 =	simm.s32 $0x15180;
	[smem:$0x7BF] =	sst s15  }
0x101: {  	s28 =	simm.s32 $0x1CB00;
	s10 =	simm.s32 $0x1BD80;
	[smem:$0x7C8] =	sst s24  }
0x102: {  	p0 =	seq.s32 s6, $0x0;
	s21 =	simm.s32 $0x16200;
	[smem:$0x7D1] =	sst s10  }
0x103: {  	s6 =	simm.s32 $0x80;
	s25 =	simm.s32 $0x17200;
	[smem:$0x7DC] =	sst s21  }
0x104: {  	s11 =	simm.s32 $0x2;
	s18 =	simm.s32 $0x1C500;
	[smem:$0x7E0] =	sst s25  }
0x105: {  	s5 =	ssub.s32 $0x2, s5;
	s22 =	simm.s32 $0x15300;
	[smem:$0x7EF] =	sst s18  }
0x106: {  	s7 =	simm.s32 $0x400;
	s17 =	simm.s32 $0x15880;
	[smem:$0x7F3] =	sst s22  }
0x107: {  	s14 =	simm.s32 $0x7;
	s8 =	simm.s32 $0x15100;
	[smem:$0x7AA] =	sst s17  }
0x108: {  	s20 =	simm.s32 $0x17300;
	s29 =	simm.s32 $0x1BC00;
	[smem:$0x7B8] =	sst s8  }
0x109: {  	s23 =	simm.s32 $0x1CA00;
	s13 =	simm.s32 $0x18180;
	[smem:$0x7CB] =	sst s29  }
0x10a: {  	s26 =	simm.s32 $0x18B00;
	s15 =	simm.s32 $0x18980;
	[smem:$0x7D4] =	sst s13  }
0x10b: {  	s9 =	simm.s32 $0x1;
	s24 =	simm.s32 $0x1C100;
	[smem:$0x7D6] =	sst s15  }
0x10c: {  	s12 =	simm.s32 $0x4;
	s10 =	simm.s32 $0x15280;
	[smem:$0x7DF] =	sst s24  }
0x10d: {  	s16 =	simm.s32 $0x5;
	s21 =	simm.s32 $0x15B00;
	[smem:$0x7E8] =	sst s10  }
0x10e: {  	s19 =	simm.s32 $0x1C900;
	s25 =	simm.s32 $0x17A80;
	[smem:$0x7F2] =	sst s21  }
0x10f: {  	s18 =	simm.s32 $0x1C880;
	s22 =	simm.s32 $0x17B00;
	[smem:$0x7F6] =	sst s25  }
0x110: {  	s17 =	simm.s32 $0x1B980;
	s8 =	simm.s32 $0x1BD00;
	[smem:$0x7FD] =	sst s18  }
0x111: {  	s29 =	simm.s32 $0x17A00;
	s13 =	simm.s32 $0x1C400;
	[smem:$0x7C1] =	sst s17  }
0x112: {  	s15 =	simm.s32 $0x1C480;
	s24 =	simm.s32 $0x1C580;
	[smem:$0x7CF] =	sst s8  }
0x113: {  	s10 =	simm.s32 $0x3;
	s18 =	simm.s32 $0x16B00;
	[smem:$0x7E2] =	sst s29  }
0x114: {  	s21 =	simm.s32 $0x1C980;
	s25 =	simm.s32 $0x1CA80;
	[smem:$0x7EB] =	sst s13  }
0x115: {  	s17 =	simm.s32 $0x15200;
	s8 =	simm.s32 $0x18A00;
	[smem:$0x7ED] =	sst s15  }
0x116: {  	[smem:$0x7F5] =	sst s24;
	s29 =	simm.s32 $0x18280;
	s13 =	simm.s32 $0x14B80  }
0x117: {  	s15 =	simm.s32 $0x18B80;
	s24 =	simm.s32 $0x18300;
	[smem:$0x7D8] =	sst s17  }
0x118: {  	[smem:$0x7E6] =	sst s8;
	s17 =	sshrl.u32 s5, $0x1;
	s8 =	simm.s32 $0xA280  }
0x119: {  	[smem:$0x7F8] =	sst s29;
	s5 =	ssub.s32 s5, s17;
	s17 =	simm.s32 $0x16300  }
0x11a: {  	s5 =	smax.u32 s5, $0x1;
	[smem:$0x7FC] =	sst s17;
	s17 =	simm.s32 $0x6  }
.LBB2_1:
0x11b: {  	s29 =	rddreg [dreg:$0x3]  }
0x11c: {  	[tilespmem:s1], [sflag:$0x1] =	stream.strided.gather [hbm4b:s29+s6], $0xA280, s7, s6, $0x38;
	[tilespmem:$0x1CB80] =	vst v63  }
0x11d: {  	s30 =	rddreg [dreg:$0x4]  }
0x11e: {  	[tilespmem:s8], [sflag:$0x2] =	stream.strided.gather [hbm4b:s30+s6], $0xA280, s7, s6, $0x38;
	[tilespmem:$0x1CB80] =	vst v63  }
0x11f: {  	_ =	swait.ge [sflag:s9], $0xA280  }
0x120: {  	[sflag:s9] =	ssyncset.done $0x0  }
0x121: {  	[sflag:s9] =	ssyncadd.s32 $0xFFFF5D80  }
0x122: {  	[hbm4b:s4+s1] =	stream.linear.scatter [tilespmem:s1], [sflag:$0x3], $0xA280, $0x38;
	[tilespmem:$0x1CB80] =	vst v63  }
0x123: {  	_ =	swait.ge [sflag:s10], $0xA280  }
0x124: {  	[sflag:s10] =	ssyncset.done $0x0  }
0x125: {  	s30 =	rddreg [dreg:$0x5];
	[sflag:s10] =	ssyncadd.s32 $0xFFFF5D80  }
0x126: {  	[tilespmem:s1], [sflag:$0x1] =	stream.strided.gather [hbm4b:s30+s6], $0xA280, s7, s6, $0x38;
	[tilespmem:$0x1CB80] =	vst v63  }
0x127: {  	_ =	swait.ge [sflag:s11], $0xA280  }
0x128: {  	[sflag:s11] =	ssyncset.done $0x0  }
0x129: {  	s31 =	rddreg [dreg:$0x6];
	[sflag:s11] =	ssyncadd.s32 $0xFFFF5D80  }
0x12a: {  	[hbm4b:s31+s1] =	stream.linear.scatter [tilespmem:s8], [sflag:$0x4], $0xA280, $0x38;
	[tilespmem:$0x1CB80] =	vst v63  }
0x12b: {  	_ =	swait.ge [sflag:s12], $0xA280  }
0x12c: {  	[sflag:s12] =	ssyncset.done $0x0  }
0x12d: {  	s0 =	rddreg [dreg:$0x7];
	[sflag:s12] =	ssyncadd.s32 $0xFFFF5D80  }
0x12e: {  	[tilespmem:s8], [sflag:$0x2] =	stream.strided.gather [hbm4b:s0+s6], $0xA280, s7, s6, $0x38;
	[tilespmem:$0x1CB80] =	vst v63  }
0x12f: {  	_ =	swait.ge [sflag:s9], $0xA280  }
0x130: {  	[sflag:s9] =	ssyncset.done $0x0  }
0x131: {  	s30 =	rddreg [dreg:$0x8];
	[sflag:s9] =	ssyncadd.s32 $0xFFFF5D80  }
0x132: {  	[hbm4b:s30+s1] =	stream.linear.scatter [tilespmem:s1], [sflag:$0x3], $0xA280, $0x38;
	[tilespmem:$0x1CB80] =	vst v63  }
0x133: {  	_ =	swait.ge [sflag:s10], $0xA280  }
0x134: {  	[sflag:s10] =	ssyncset.done $0x0  }
0x135: {  	s31 =	rddreg [dreg:$0x9];
	[sflag:s10] =	ssyncadd.s32 $0xFFFF5D80  }
0x136: {  	[tilespmem:s1], [sflag:$0x1] =	stream.strided.gather [hbm4b:s31+s6], $0xA280, s7, s6, $0x38;
	[tilespmem:$0x1CB80] =	vst v63  }
0x137: {  	_ =	swait.ge [sflag:s11], $0xA280  }
0x138: {  	[sflag:s11] =	ssyncset.done $0x0  }
0x139: {  	s0 =	rddreg [dreg:$0xa];
	[sflag:s11] =	ssyncadd.s32 $0xFFFF5D80  }
0x13a: {  	[hbm4b:s0+s1] =	stream.linear.scatter [tilespmem:s8], [sflag:$0x4], $0xA280, $0x38;
	[tilespmem:$0x1CB80] =	vst v63  }
0x13b: {  	_ =	swait.ge [sflag:s12], $0xA280  }
0x13c: {  	[sflag:s12] =	ssyncset.done $0x0  }
0x13d: {  	s30 =	rddreg [dreg:$0xb];
	[sflag:s12] =	ssyncadd.s32 $0xFFFF5D80  }
0x13e: {  	[tilespmem:s8], [sflag:$0x2] =	stream.strided.gather [hbm4b:s30+s6], $0xA280, s7, s6, $0x38;
	[tilespmem:$0x1CB80] =	vst v63  }
0x13f: {  	_ =	swait.ge [sflag:s9], $0xA280  }
0x140: {  	[sflag:s9] =	ssyncset.done $0x0  }
0x141: {  	s31 =	rddreg [dreg:$0xc];
	[sflag:s9] =	ssyncadd.s32 $0xFFFF5D80  }
0x142: {  	[hbm4b:s31+s1] =	stream.linear.scatter [tilespmem:s1], [sflag:$0x3], $0xA280, $0x38;
	[tilespmem:$0x1CB80] =	vst v63  }
0x143: {  	_ =	swait.ge [sflag:s10], $0xA280  }
0x144: {  	[sflag:s10] =	ssyncset.done $0x0  }
0x145: {  	s0 =	rddreg [dreg:$0xd];
	[sflag:s10] =	ssyncadd.s32 $0xFFFF5D80  }
0x146: {  	[tilespmem:s1], [sflag:$0x1] =	stream.strided.gather [hbm4b:s0+s6], $0xA280, s7, s6, $0x38;
	[tilespmem:$0x1CB80] =	vst v63  }
0x147: {  	_ =	swait.ge [sflag:s11], $0xA280  }
0x148: {  	[sflag:s11] =	ssyncset.done $0x0  }
0x149: {  	s30 =	rddreg [dreg:$0xe];
	[sflag:s11] =	ssyncadd.s32 $0xFFFF5D80  }
0x14a: {  	[hbm4b:s30+s1] =	stream.linear.scatter [tilespmem:s8], [sflag:$0x4], $0xA280, $0x38;
	[tilespmem:$0x1CB80] =	vst v63  }
0x14b: {  	_ =	swait.ge [sflag:s12], $0xA280  }
0x14c: {  	[sflag:s12] =	ssyncset.done $0x0  }
0x14d: {  	s31 =	rddreg [dreg:$0xf];
	[sflag:s12] =	ssyncadd.s32 $0xFFFF5D80  }
0x14e: {  	[tilespmem:s8], [sflag:$0x2] =	stream.strided.gather [hbm4b:s31+s6], $0xA280, s7, s6, $0x38;
	[tilespmem:$0x1CB80] =	vst v63  }
0x14f: {  	_ =	swait.ge [sflag:s9], $0xA280  }
0x150: {  	[sflag:s9] =	ssyncset.done $0x0  }
0x151: {  	s0 =	rddreg [dreg:$0x10];
	[sflag:s9] =	ssyncadd.s32 $0xFFFF5D80  }
0x152: {  	[hbm4b:s0+s1] =	stream.linear.scatter [tilespmem:s1], [sflag:$0x3], $0xA280, $0x38;
	[tilespmem:$0x1CB80] =	vst v63  }
0x153: {  	_ =	swait.ge [sflag:s10], $0xA280  }
0x154: {  	[sflag:s10] =	ssyncset.done $0x0  }
0x155: {  	s30 =	rddreg [dreg:$0x11];
	[sflag:s10] =	ssyncadd.s32 $0xFFFF5D80  }
0x156: {  	[tilespmem:s1], [sflag:$0x1] =	stream.strided.gather [hbm4b:s30+s6], $0xA280, s7, s6, $0x38;
	[tilespmem:$0x1CB80] =	vst v63  }
0x157: {  	_ =	swait.ge [sflag:s11], $0xA280  }
0x158: {  	[sflag:s11] =	ssyncset.done $0x0  }
0x159: {  	s31 =	rddreg [dreg:$0x12];
	[sflag:s11] =	ssyncadd.s32 $0xFFFF5D80  }
0x15a: {  	[hbm4b:s31+s1] =	stream.linear.scatter [tilespmem:s8], [sflag:$0x4], $0xA280, $0x38;
	[tilespmem:$0x1CB80] =	vst v63  }
0x15b: {  	_ =	swait.ge [sflag:s12], $0xA280  }
0x15c: {  	[sflag:s12] =	ssyncset.done $0x0  }
0x15d: {  	s0 =	rddreg [dreg:$0x13];
	[sflag:s12] =	ssyncadd.s32 $0xFFFF5D80  }
0x15e: {  	[tilespmem:s8], [sflag:$0x2] =	stream.strided.gather [hbm4b:s0+s6], $0xA280, s7, s6, $0x38;
	[tilespmem:$0x1CB80] =	vst v63  }
0x15f: {  	_ =	swait.ge [sflag:s9], $0xA280  }
0x160: {  	[sflag:s9] =	ssyncset.done $0x0  }
0x161: {  	s30 =	rddreg [dreg:$0x14];
	[sflag:s9] =	ssyncadd.s32 $0xFFFF5D80  }
0x162: {  	[hbm4b:s30+s1] =	stream.linear.scatter [tilespmem:s1], [sflag:$0x3], $0xA280, $0x38;
	[tilespmem:$0x1CB80] =	vst v63  }
0x163: {  	_ =	swait.ge [sflag:s10], $0xA280  }
0x164: {  	[sflag:s10] =	ssyncset.done $0x0  }
0x165: {  	s31 =	rddreg [dreg:$0x15];
	[sflag:s10] =	ssyncadd.s32 $0xFFFF5D80  }
0x166: {  	[tilespmem:s1], [sflag:$0x1] =	stream.strided.gather [hbm4b:s31+s6], $0xA280, s7, s6, $0x38;
	[tilespmem:$0x1CB80] =	vst v63  }
0x167: {  	_ =	swait.ge [sflag:s11], $0xA280  }
0x168: {  	[sflag:s11] =	ssyncset.done $0x0  }
0x169: {  	s0 =	rddreg [dreg:$0x16];
	[sflag:s11] =	ssyncadd.s32 $0xFFFF5D80  }
0x16a: {  	[hbm4b:s0+s1] =	stream.linear.scatter [tilespmem:s8], [sflag:$0x4], $0xA280, $0x38;
	[tilespmem:$0x1CB80] =	vst v63  }
0x16b: {  	_ =	swait.ge [sflag:s12], $0xA280  }
0x16c: {  	[sflag:s12] =	ssyncset.done $0x0  }
0x16d: {  	s30 =	rddreg [dreg:$0x17];
	[sflag:s12] =	ssyncadd.s32 $0xFFFF5D80  }
0x16e: {  	[tilespmem:s8], [sflag:$0x2] =	stream.strided.gather [hbm4b:s30+s6], $0xA280, s7, s6, $0x38;
	[tilespmem:$0x1CB80] =	vst v63  }
0x16f: {  	_ =	swait.ge [sflag:s9], $0xA280  }
0x170: {  	[sflag:s9] =	ssyncset.done $0x0  }
0x171: {  	s31 =	rddreg [dreg:$0x18];
	[sflag:s9] =	ssyncadd.s32 $0xFFFF5D80  }
0x172: {  	[hbm4b:s31+s1] =	stream.linear.scatter [tilespmem:s1], [sflag:$0x3], $0xA280, $0x38;
	[tilespmem:$0x1CB80] =	vst v63  }
0x173: {  	_ =	swait.ge [sflag:s11], $0xA280  }
0x174: {  	[sflag:s11] =	ssyncset.done $0x0  }
0x175: {  	s0 =	rddreg [dreg:$0x19];
	[sflag:s11] =	ssyncadd.s32 $0xFFFF5D80  }
0x176: {  	[hbm4b:s0+s1] =	stream.linear.scatter [tilespmem:s8], [sflag:$0x4], $0xA280, $0x38;
	[tilespmem:$0x1CB80] =	vst v63  }
0x177: {  	_ =	swait.ge [sflag:s10], $0xA280  }
0x178: {  	[sflag:s10] =	ssyncset.done $0x0  }
0x179: {  	[sflag:s10] =	ssyncadd.s32 $0xFFFF5D80  }
0x17a: {  	_ =	swait.ge [sflag:s12], $0xA280  }
0x17b: {  	s30 =	simm.s32 @!p0 $0x80;
	s31 =	simm.s32 @!p0 $0x400;
	[sflag:s12] =	ssyncset.done $0x0  }
0x17c: {  	s0 =	simm.s32 @!p0 $0x14500;
	s29 =	rddreg [dreg:$0x1a];
	[sflag:s12] =	ssyncadd.s32 $0xFFFF5D80  }
0x17d: {  	[tilespmem:s0], [sflag:$0x7] =	stream.strided.gather @!p0 [hbm4b:s29+s30], $0x680, s31, s30, $0x38;
	[tilespmem:$0x1CB80] =	vst v63  }
0x17e: {  	s29 =	simm.s32 @!p0 $0x7  }
0x17f: {  	_ =	swait.ge @!p0 [sflag:s29], $0x680  }
0x180: {  	[sflag:s29] =	ssyncset.done @!p0 $0x0  }
0x181: {  	s31 =	simm.s32 @!p0 $0x0;
	s30 =	rddreg [dreg:$0x1b];
	[sflag:s29] =	ssyncadd.s32 @!p0 $0xFFFFF980  }
0x182: {  	[hbm4b:s30+s31] =	stream.linear.scatter @!p0 [tilespmem:s0], [sflag:$0x7], $0x640, $0x38;
	[tilespmem:$0x1CB80] =	vst v63  }
0x183: {  	_ =	swait.ge @!p0 [sflag:s29], $0x640  }
0x184: {  	[sflag:s29] =	ssyncset.done @!p0 $0x0  }
0x185: {  	[sflag:s29] =	ssyncadd.s32 @!p0 $0xFFFFF9C0  }
0x186: {  	[bflag:$0x0] =	sbarrier.arrive $0xFFFF  }
0x187: {  	s30 =	rddreg [dreg:$0x1c]  }
0x188: {  	[tilespmem:s13], [sflag:$0x7] =	stream.linear.gather [hbm4b:s30+s1], $0x4000, $0x38;
	[tilespmem:$0x1CB80] =	vst v63  }
0x189: {  	_ =	swait.ge [sflag:s14], $0x4000  }
0x18a: {  	s31 =	rddreg [dreg:$0x1e]  }
0x18b: {  	[sflag:s14] =	ssyncset.done $0x0;
	s30 =	rddreg [dreg:$0x1f]  }
0x18c: {  	s0 =	sld [smem:$0x70C];
	[sflag:s14] =	ssyncadd.s32 $0xFFFFC000  }
0x18d: {  	[tilespmem:s15], [sflag:$0x5] =	stream.indirect.gather [hbm4b:s3+s6], $0x1, s13, s6, $0xb8;
	[tilespmem:$0x1CB80] =	vst v63  }
0x18e: {  	s29 =	sld [smem:$0x70D]  }
0x18f: {  	[tilespmem:s30], [sflag:$0x5] =	stream.indirect.gather [hbm4b:s3+s6], $0x1, s31, s6, $0xb8;
	[tilespmem:$0x1CB80] =	vst v63  }
0x190: {  	s30 =	sld [smem:$0x70E]  }
0x191: {  	s31 =	sld [smem:$0x70F]  }
0x192: {  	[tilespmem:s29], [sflag:$0x5] =	stream.indirect.gather [hbm4b:s3+s6], $0x1, s0, s6, $0xb8;
	[tilespmem:$0x1CB80] =	vst v63  }
0x193: {  	s0 =	sld [smem:$0x710]  }
0x194: {  	s29 =	sld [smem:$0x711]  }
0x195: {  	[tilespmem:s31], [sflag:$0x5] =	stream.indirect.gather [hbm4b:s3+s6], $0x1, s30, s6, $0xb8;
	[tilespmem:$0x1CB80] =	vst v63  }
0x196: {  	s30 =	sld [smem:$0x712]  }
0x197: {  	s31 =	sld [smem:$0x713]  }
0x198: {  	[tilespmem:s29], [sflag:$0x5] =	stream.indirect.gather [hbm4b:s3+s6], $0x1, s0, s6, $0xb8;
	[tilespmem:$0x1CB80] =	vst v63  }
0x199: {  	s0 =	sld [smem:$0x714]  }
0x19a: {  	s29 =	sld [smem:$0x715]  }
0x19b: {  	[tilespmem:s31], [sflag:$0x5] =	stream.indirect.gather [hbm4b:s3+s6], $0x1, s30, s6, $0xb8;
	[tilespmem:$0x1CB80] =	vst v63  }
0x19c: {  	s30 =	sld [smem:$0x716]  }
0x19d: {  	s31 =	sld [smem:$0x717]  }
0x19e: {  	[tilespmem:s29], [sflag:$0x5] =	stream.indirect.gather [hbm4b:s3+s6], $0x1, s0, s6, $0xb8;
	[tilespmem:$0x1CB80] =	vst v63  }
0x19f: {  	s0 =	sld [smem:$0x718]  }
0x1a0: {  	s29 =	sld [smem:$0x719]  }
0x1a1: {  	[tilespmem:s31], [sflag:$0x5] =	stream.indirect.gather [hbm4b:s3+s6], $0x1, s30, s6, $0xb8;
	[tilespmem:$0x1CB80] =	vst v63  }
0x1a2: {  	s30 =	sld [smem:$0x71A]  }
0x1a3: {  	s31 =	sld [smem:$0x71B]  }
0x1a4: {  	[tilespmem:s29], [sflag:$0x6] =	stream.indirect.gather [hbm4b:s3+s6], $0x1, s0, s6, $0xb8;
	[tilespmem:$0x1CB80] =	vst v63  }
0x1a5: {  	s0 =	sld [smem:$0x71C]  }
0x1a6: {  	s29 =	sld [smem:$0x71D]  }
0x1a7: {  	[tilespmem:s31], [sflag:$0x6] =	stream.indirect.gather [hbm4b:s3+s6], $0x1, s30, s6, $0xb8;
	[tilespmem:$0x1CB80] =	vst v63  }
0x1a8: {  	s30 =	sld [smem:$0x71E]  }
0x1a9: {  	s31 =	sld [smem:$0x71F]  }
0x1aa: {  	[tilespmem:s29], [sflag:$0x6] =	stream.indirect.gather [hbm4b:s3+s6], $0x1, s0, s6, $0xb8;
	[tilespmem:$0x1CB80] =	vst v63  }
0x1ab: {  	s0 =	sld [smem:$0x720]  }
0x1ac: {  	s29 =	sld [smem:$0x721]  }
0x1ad: {  	[tilespmem:s31], [sflag:$0x6] =	stream.indirect.gather [hbm4b:s3+s6], $0x1, s30, s6, $0xb8;
	[tilespmem:$0x1CB80] =	vst v63  }
0x1ae: {  	s30 =	sld [smem:$0x722]  }
0x1af: {  	s31 =	sld [smem:$0x723]  }
0x1b0: {  	[tilespmem:s29], [sflag:$0x6] =	stream.indirect.gather [hbm4b:s3+s6], $0x1, s0, s6, $0xb8;
	[tilespmem:$0x1CB80] =	vst v63  }
0x1b1: {  	s0 =	sld [smem:$0x724]  }
0x1b2: {  	s29 =	sld [smem:$0x725]  }
0x1b3: {  	[tilespmem:s31], [sflag:$0x6] =	stream.indirect.gather [hbm4b:s3+s6], $0x1, s30, s6, $0xb8;
	[tilespmem:$0x1CB80] =	vst v63  }
0x1b4: {  	s30 =	sld [smem:$0x726]  }
0x1b5: {  	s31 =	sld [smem:$0x727]  }
0x1b6: {  	[tilespmem:s29], [sflag:$0x6] =	stream.indirect.gather [hbm4b:s3+s6], $0x1, s0, s6, $0xb8;
	[tilespmem:$0x1CB80] =	vst v63  }
0x1b7: {  	_ = 	snop  }
0x1b8: {  	[tilespmem:s31], [sflag:$0x6] =	stream.indirect.gather [hbm4b:s3+s6], $0x1, s30, s6, $0xb8;
	[tilespmem:$0x1CB80] =	vst v63  }
0x1b9: {  	_ =	swait.ge [sflag:s16], $0x80  }
0x1ba: {  	[sflag:s16] =	ssyncset.done $0x0  }
0x1bb: {  	[sflag:s16] =	ssyncadd.s32 $0xFFFFFF80  }
0x1bc: {  	_ =	swait.ge [sflag:s16], $0x80  }
0x1bd: {  	[sflag:s16] =	ssyncset.done $0x0  }
0x1be: {  	[sflag:s16] =	ssyncadd.s32 $0xFFFFFF80  }
0x1bf: {  	_ =	swait.ge [sflag:s16], $0x80  }
0x1c0: {  	[sflag:s16] =	ssyncset.done $0x0  }
0x1c1: {  	[sflag:s16] =	ssyncadd.s32 $0xFFFFFF80  }
0x1c2: {  	_ =	swait.ge [sflag:s16], $0x80  }
0x1c3: {  	[sflag:s16] =	ssyncset.done $0x0  }
0x1c4: {  	[sflag:s16] =	ssyncadd.s32 $0xFFFFFF80  }
0x1c5: {  	_ =	swait.ge [sflag:s16], $0x80  }
0x1c6: {  	[sflag:s16] =	ssyncset.done $0x0  }
0x1c7: {  	[sflag:s16] =	ssyncadd.s32 $0xFFFFFF80  }
0x1c8: {  	_ =	swait.ge [sflag:s16], $0x80  }
0x1c9: {  	[sflag:s16] =	ssyncset.done $0x0  }
0x1ca: {  	[sflag:s16] =	ssyncadd.s32 $0xFFFFFF80  }
0x1cb: {  	_ =	swait.ge [sflag:s16], $0x80  }
0x1cc: {  	[sflag:s16] =	ssyncset.done $0x0  }
0x1cd: {  	[sflag:s16] =	ssyncadd.s32 $0xFFFFFF80  }
0x1ce: {  	_ =	swait.ge [sflag:s16], $0x80  }
0x1cf: {  	s0 =	sld [smem:$0x728]  }
0x1d0: {  	s29 =	sld [smem:$0x729]  }
0x1d1: {  	[sflag:s16] =	ssyncset.done $0x0;
	s30 =	sld [smem:$0x72A]  }
0x1d2: {  	s31 =	sld [smem:$0x72B];
	[sflag:s16] =	ssyncadd.s32 $0xFFFFFF80  }
0x1d3: {  	[tilespmem:s29], [sflag:$0x5] =	stream.indirect.gather [hbm4b:s3+s6], $0x1, s0, s6, $0xb8;
	[tilespmem:$0x1CB80] =	vst v63  }
0x1d4: {  	s0 =	sld [smem:$0x72C]  }
0x1d5: {  	s29 =	sld [smem:$0x72D]  }
0x1d6: {  	[tilespmem:s31], [sflag:$0x5] =	stream.indirect.gather [hbm4b:s3+s6], $0x1, s30, s6, $0xb8;
	[tilespmem:$0x1CB80] =	vst v63  }
0x1d7: {  	s30 =	sld [smem:$0x72E]  }
0x1d8: {  	s31 =	sld [smem:$0x72F]  }
0x1d9: {  	[tilespmem:s29], [sflag:$0x5] =	stream.indirect.gather [hbm4b:s3+s6], $0x1, s0, s6, $0xb8;
	[tilespmem:$0x1CB80] =	vst v63  }
0x1da: {  	s0 =	sld [smem:$0x730]  }
0x1db: {  	s29 =	sld [smem:$0x731]  }
0x1dc: {  	[tilespmem:s31], [sflag:$0x5] =	stream.indirect.gather [hbm4b:s3+s6], $0x1, s30, s6, $0xb8;
	[tilespmem:$0x1CB80] =	vst v63  }
0x1dd: {  	s30 =	sld [smem:$0x732]  }
0x1de: {  	s31 =	sld [smem:$0x733]  }
0x1df: {  	[tilespmem:s29], [sflag:$0x5] =	stream.indirect.gather [hbm4b:s3+s6], $0x1, s0, s6, $0xb8;
	[tilespmem:$0x1CB80] =	vst v63  }
0x1e0: {  	s0 =	sld [smem:$0x734]  }
0x1e1: {  	s29 =	sld [smem:$0x735]  }
0x1e2: {  	[tilespmem:s31], [sflag:$0x5] =	stream.indirect.gather [hbm4b:s3+s6], $0x1, s30, s6, $0xb8;
	[tilespmem:$0x1CB80] =	vst v63  }
0x1e3: {  	s30 =	sld [smem:$0x736]  }
0x1e4: {  	s31 =	sld [smem:$0x737]  }
0x1e5: {  	[tilespmem:s29], [sflag:$0x5] =	stream.indirect.gather [hbm4b:s3+s6], $0x1, s0, s6, $0xb8;
	[tilespmem:$0x1CB80] =	vst v63  }
0x1e6: {  	_ = 	snop  }
0x1e7: {  	[tilespmem:s31], [sflag:$0x5] =	stream.indirect.gather [hbm4b:s3+s6], $0x1, s30, s6, $0xb8;
	[tilespmem:$0x1CB80] =	vst v63  }
0x1e8: {  	_ =	swait.ge [sflag:s17], $0x80  }
0x1e9: {  	[sflag:s17] =	ssyncset.done $0x0  }
0x1ea: {  	[sflag:s17] =	ssyncadd.s32 $0xFFFFFF80  }
0x1eb: {  	_ =	swait.ge [sflag:s17], $0x80  }
0x1ec: {  	[sflag:s17] =	ssyncset.done $0x0  }
0x1ed: {  	[sflag:s17] =	ssyncadd.s32 $0xFFFFFF80  }
0x1ee: {  	_ =	swait.ge [sflag:s17], $0x80  }
0x1ef: {  	[sflag:s17] =	ssyncset.done $0x0  }
0x1f0: {  	[sflag:s17] =	ssyncadd.s32 $0xFFFFFF80  }
0x1f1: {  	_ =	swait.ge [sflag:s17], $0x80  }
0x1f2: {  	[sflag:s17] =	ssyncset.done $0x0  }
0x1f3: {  	[sflag:s17] =	ssyncadd.s32 $0xFFFFFF80  }
0x1f4: {  	_ =	swait.ge [sflag:s17], $0x80  }
0x1f5: {  	[sflag:s17] =	ssyncset.done $0x0  }
0x1f6: {  	[sflag:s17] =	ssyncadd.s32 $0xFFFFFF80  }
0x1f7: {  	_ =	swait.ge [sflag:s17], $0x80  }
0x1f8: {  	[sflag:s17] =	ssyncset.done $0x0  }
0x1f9: {  	[sflag:s17] =	ssyncadd.s32 $0xFFFFFF80  }
0x1fa: {  	_ =	swait.ge [sflag:s17], $0x80  }
0x1fb: {  	[sflag:s17] =	ssyncset.done $0x0  }
0x1fc: {  	[sflag:s17] =	ssyncadd.s32 $0xFFFFFF80  }
0x1fd: {  	_ =	swait.ge [sflag:s17], $0x80  }
0x1fe: {  	s0 =	sld [smem:$0x738]  }
0x1ff: {  	s29 =	sld [smem:$0x739]  }
0x200: {  	[sflag:s17] =	ssyncset.done $0x0;
	s30 =	sld [smem:$0x73A]  }
0x201: {  	s31 =	sld [smem:$0x73B];
	[sflag:s17] =	ssyncadd.s32 $0xFFFFFF80  }
0x202: {  	[tilespmem:s29], [sflag:$0x6] =	stream.indirect.gather [hbm4b:s3+s6], $0x1, s0, s6, $0xb8;
	[tilespmem:$0x1CB80] =	vst v63  }
0x203: {  	s0 =	sld [smem:$0x73C]  }
0x204: {  	s29 =	sld [smem:$0x73D]  }
0x205: {  	[tilespmem:s31], [sflag:$0x6] =	stream.indirect.gather [hbm4b:s3+s6], $0x1, s30, s6, $0xb8;
	[tilespmem:$0x1CB80] =	vst v63  }
0x206: {  	s30 =	sld [smem:$0x73E]  }
0x207: {  	s31 =	sld [smem:$0x73F]  }
0x208: {  	[tilespmem:s29], [sflag:$0x6] =	stream.indirect.gather [hbm4b:s3+s6], $0x1, s0, s6, $0xb8;
	[tilespmem:$0x1CB80] =	vst v63  }
0x209: {  	s0 =	sld [smem:$0x740]  }
0x20a: {  	s29 =	sld [smem:$0x741]  }
0x20b: {  	[tilespmem:s31], [sflag:$0x6] =	stream.indirect.gather [hbm4b:s3+s6], $0x1, s30, s6, $0xb8;
	[tilespmem:$0x1CB80] =	vst v63  }
0x20c: {  	s30 =	sld [smem:$0x742]  }
0x20d: {  	s31 =	sld [smem:$0x743]  }
0x20e: {  	[tilespmem:s29], [sflag:$0x6] =	stream.indirect.gather [hbm4b:s3+s6], $0x1, s0, s6, $0xb8;
	[tilespmem:$0x1CB80] =	vst v63  }
0x20f: {  	s0 =	sld [smem:$0x744]  }
0x210: {  	s29 =	sld [smem:$0x745]  }
0x211: {  	[tilespmem:s31], [sflag:$0x6] =	stream.indirect.gather [hbm4b:s3+s6], $0x1, s30, s6, $0xb8;
	[tilespmem:$0x1CB80] =	vst v63  }
0x212: {  	s30 =	sld [smem:$0x746]  }
0x213: {  	s31 =	sld [smem:$0x747]  }
0x214: {  	[tilespmem:s29], [sflag:$0x6] =	stream.indirect.gather [hbm4b:s3+s6], $0x1, s0, s6, $0xb8;
	[tilespmem:$0x1CB80] =	vst v63  }
0x215: {  	_ = 	snop  }
0x216: {  	[tilespmem:s31], [sflag:$0x6] =	stream.indirect.gather [hbm4b:s3+s6], $0x1, s30, s6, $0xb8;
	[tilespmem:$0x1CB80] =	vst v63  }
0x217: {  	_ =	swait.ge [sflag:s16], $0x80  }
0x218: {  	[sflag:s16] =	ssyncset.done $0x0  }
0x219: {  	[sflag:s16] =	ssyncadd.s32 $0xFFFFFF80  }
0x21a: {  	_ =	swait.ge [sflag:s16], $0x80  }
0x21b: {  	[sflag:s16] =	ssyncset.done $0x0  }
0x21c: {  	[sflag:s16] =	ssyncadd.s32 $0xFFFFFF80  }
0x21d: {  	_ =	swait.ge [sflag:s16], $0x80  }
0x21e: {  	[sflag:s16] =	ssyncset.done $0x0  }
0x21f: {  	[sflag:s16] =	ssyncadd.s32 $0xFFFFFF80  }
0x220: {  	_ =	swait.ge [sflag:s16], $0x80  }
0x221: {  	[sflag:s16] =	ssyncset.done $0x0  }
0x222: {  	[sflag:s16] =	ssyncadd.s32 $0xFFFFFF80  }
0x223: {  	_ =	swait.ge [sflag:s16], $0x80  }
0x224: {  	[sflag:s16] =	ssyncset.done $0x0  }
0x225: {  	[sflag:s16] =	ssyncadd.s32 $0xFFFFFF80  }
0x226: {  	_ =	swait.ge [sflag:s16], $0x80  }
0x227: {  	[sflag:s16] =	ssyncset.done $0x0  }
0x228: {  	[sflag:s16] =	ssyncadd.s32 $0xFFFFFF80  }
0x229: {  	_ =	swait.ge [sflag:s16], $0x80  }
0x22a: {  	[sflag:s16] =	ssyncset.done $0x0  }
0x22b: {  	[sflag:s16] =	ssyncadd.s32 $0xFFFFFF80  }
0x22c: {  	_ =	swait.ge [sflag:s16], $0x80  }
0x22d: {  	s0 =	sld [smem:$0x748]  }
0x22e: {  	s29 =	sld [smem:$0x749]  }
0x22f: {  	[sflag:s16] =	ssyncset.done $0x0;
	s30 =	sld [smem:$0x74A]  }
0x230: {  	s31 =	sld [smem:$0x74B];
	[sflag:s16] =	ssyncadd.s32 $0xFFFFFF80  }
0x231: {  	[tilespmem:s29], [sflag:$0x5] =	stream.indirect.gather [hbm4b:s3+s6], $0x1, s0, s6, $0xb8;
	[tilespmem:$0x1CB80] =	vst v63  }
0x232: {  	s0 =	sld [smem:$0x74C]  }
0x233: {  	s29 =	sld [smem:$0x74D]  }
0x234: {  	[tilespmem:s31], [sflag:$0x5] =	stream.indirect.gather [hbm4b:s3+s6], $0x1, s30, s6, $0xb8;
	[tilespmem:$0x1CB80] =	vst v63  }
0x235: {  	s30 =	sld [smem:$0x74E]  }
0x236: {  	s31 =	sld [smem:$0x74F]  }
0x237: {  	[tilespmem:s29], [sflag:$0x5] =	stream.indirect.gather [hbm4b:s3+s6], $0x1, s0, s6, $0xb8;
	[tilespmem:$0x1CB80] =	vst v63  }
0x238: {  	s0 =	sld [smem:$0x750]  }
0x239: {  	s29 =	sld [smem:$0x751]  }
0x23a: {  	[tilespmem:s31], [sflag:$0x5] =	stream.indirect.gather [hbm4b:s3+s6], $0x1, s30, s6, $0xb8;
	[tilespmem:$0x1CB80] =	vst v63  }
0x23b: {  	s30 =	sld [smem:$0x752]  }
0x23c: {  	s31 =	sld [smem:$0x753]  }
0x23d: {  	[tilespmem:s29], [sflag:$0x5] =	stream.indirect.gather [hbm4b:s3+s6], $0x1, s0, s6, $0xb8;
	[tilespmem:$0x1CB80] =	vst v63  }
0x23e: {  	s0 =	sld [smem:$0x754]  }
0x23f: {  	s29 =	sld [smem:$0x755]  }
0x240: {  	[tilespmem:s31], [sflag:$0x5] =	stream.indirect.gather [hbm4b:s3+s6], $0x1, s30, s6, $0xb8;
	[tilespmem:$0x1CB80] =	vst v63  }
0x241: {  	s30 =	sld [smem:$0x756]  }
0x242: {  	s31 =	sld [smem:$0x757]  }
0x243: {  	[tilespmem:s29], [sflag:$0x5] =	stream.indirect.gather [hbm4b:s3+s6], $0x1, s0, s6, $0xb8;
	[tilespmem:$0x1CB80] =	vst v63  }
0x244: {  	_ = 	snop  }
0x245: {  	[tilespmem:s31], [sflag:$0x5] =	stream.indirect.gather [hbm4b:s3+s6], $0x1, s30, s6, $0xb8;
	[tilespmem:$0x1CB80] =	vst v63  }
0x246: {  	_ =	swait.ge [sflag:s17], $0x80  }
0x247: {  	[sflag:s17] =	ssyncset.done $0x0  }
0x248: {  	[sflag:s17] =	ssyncadd.s32 $0xFFFFFF80  }
0x249: {  	_ =	swait.ge [sflag:s17], $0x80  }
0x24a: {  	[sflag:s17] =	ssyncset.done $0x0  }
0x24b: {  	[sflag:s17] =	ssyncadd.s32 $0xFFFFFF80  }
0x24c: {  	_ =	swait.ge [sflag:s17], $0x80  }
0x24d: {  	[sflag:s17] =	ssyncset.done $0x0  }
0x24e: {  	[sflag:s17] =	ssyncadd.s32 $0xFFFFFF80  }
0x24f: {  	_ =	swait.ge [sflag:s17], $0x80  }
0x250: {  	[sflag:s17] =	ssyncset.done $0x0  }
0x251: {  	[sflag:s17] =	ssyncadd.s32 $0xFFFFFF80  }
0x252: {  	_ =	swait.ge [sflag:s17], $0x80  }
0x253: {  	[sflag:s17] =	ssyncset.done $0x0  }
0x254: {  	[sflag:s17] =	ssyncadd.s32 $0xFFFFFF80  }
0x255: {  	_ =	swait.ge [sflag:s17], $0x80  }
0x256: {  	[sflag:s17] =	ssyncset.done $0x0  }
0x257: {  	[sflag:s17] =	ssyncadd.s32 $0xFFFFFF80  }
0x258: {  	_ =	swait.ge [sflag:s17], $0x80  }
0x259: {  	[sflag:s17] =	ssyncset.done $0x0  }
0x25a: {  	[sflag:s17] =	ssyncadd.s32 $0xFFFFFF80  }
0x25b: {  	_ =	swait.ge [sflag:s17], $0x80  }
0x25c: {  	s0 =	sld [smem:$0x758]  }
0x25d: {  	s29 =	sld [smem:$0x759]  }
0x25e: {  	[sflag:s17] =	ssyncset.done $0x0;
	s30 =	sld [smem:$0x75A]  }
0x25f: {  	s31 =	sld [smem:$0x75B];
	[sflag:s17] =	ssyncadd.s32 $0xFFFFFF80  }
0x260: {  	[tilespmem:s29], [sflag:$0x6] =	stream.indirect.gather [hbm4b:s3+s6], $0x1, s0, s6, $0xb8;
	[tilespmem:$0x1CB80] =	vst v63  }
0x261: {  	s0 =	sld [smem:$0x75C]  }
0x262: {  	s29 =	sld [smem:$0x75D]  }
0x263: {  	[tilespmem:s31], [sflag:$0x6] =	stream.indirect.gather [hbm4b:s3+s6], $0x1, s30, s6, $0xb8;
	[tilespmem:$0x1CB80] =	vst v63  }
0x264: {  	s30 =	sld [smem:$0x75E]  }
0x265: {  	s31 =	sld [smem:$0x75F]  }
0x266: {  	[tilespmem:s29], [sflag:$0x6] =	stream.indirect.gather [hbm4b:s3+s6], $0x1, s0, s6, $0xb8;
	[tilespmem:$0x1CB80] =	vst v63  }
0x267: {  	s0 =	sld [smem:$0x760]  }
0x268: {  	s29 =	sld [smem:$0x761]  }
0x269: {  	[tilespmem:s31], [sflag:$0x6] =	stream.indirect.gather [hbm4b:s3+s6], $0x1, s30, s6, $0xb8;
	[tilespmem:$0x1CB80] =	vst v63  }
0x26a: {  	s30 =	sld [smem:$0x762]  }
0x26b: {  	s31 =	sld [smem:$0x763]  }
0x26c: {  	[tilespmem:s29], [sflag:$0x6] =	stream.indirect.gather [hbm4b:s3+s6], $0x1, s0, s6, $0xb8;
	[tilespmem:$0x1CB80] =	vst v63  }
0x26d: {  	s0 =	sld [smem:$0x764]  }
0x26e: {  	s29 =	sld [smem:$0x765]  }
0x26f: {  	[tilespmem:s31], [sflag:$0x6] =	stream.indirect.gather [hbm4b:s3+s6], $0x1, s30, s6, $0xb8;
	[tilespmem:$0x1CB80] =	vst v63  }
0x270: {  	s30 =	sld [smem:$0x766]  }
0x271: {  	s31 =	sld [smem:$0x767]  }
0x272: {  	[tilespmem:s29], [sflag:$0x6] =	stream.indirect.gather [hbm4b:s3+s6], $0x1, s0, s6, $0xb8;
	[tilespmem:$0x1CB80] =	vst v63  }
0x273: {  	_ = 	snop  }
0x274: {  	[tilespmem:s31], [sflag:$0x6] =	stream.indirect.gather [hbm4b:s3+s6], $0x1, s30, s6, $0xb8;
	[tilespmem:$0x1CB80] =	vst v63  }
0x275: {  	_ =	swait.ge [sflag:s16], $0x80  }
0x276: {  	[sflag:s16] =	ssyncset.done $0x0  }
0x277: {  	[sflag:s16] =	ssyncadd.s32 $0xFFFFFF80  }
0x278: {  	_ =	swait.ge [sflag:s16], $0x80  }
0x279: {  	[sflag:s16] =	ssyncset.done $0x0  }
0x27a: {  	[sflag:s16] =	ssyncadd.s32 $0xFFFFFF80  }
0x27b: {  	_ =	swait.ge [sflag:s16], $0x80  }
0x27c: {  	[sflag:s16] =	ssyncset.done $0x0  }
0x27d: {  	[sflag:s16] =	ssyncadd.s32 $0xFFFFFF80  }
0x27e: {  	_ =	swait.ge [sflag:s16], $0x80  }
0x27f: {  	[sflag:s16] =	ssyncset.done $0x0  }
0x280: {  	[sflag:s16] =	ssyncadd.s32 $0xFFFFFF80  }
0x281: {  	_ =	swait.ge [sflag:s16], $0x80  }
0x282: {  	[sflag:s16] =	ssyncset.done $0x0  }
0x283: {  	[sflag:s16] =	ssyncadd.s32 $0xFFFFFF80  }
0x284: {  	_ =	swait.ge [sflag:s16], $0x80  }
0x285: {  	[sflag:s16] =	ssyncset.done $0x0  }
0x286: {  	[sflag:s16] =	ssyncadd.s32 $0xFFFFFF80  }
0x287: {  	_ =	swait.ge [sflag:s16], $0x80  }
0x288: {  	[sflag:s16] =	ssyncset.done $0x0  }
0x289: {  	[sflag:s16] =	ssyncadd.s32 $0xFFFFFF80  }
0x28a: {  	_ =	swait.ge [sflag:s16], $0x80  }
0x28b: {  	s0 =	sld [smem:$0x768]  }
0x28c: {  	s29 =	sld [smem:$0x769]  }
0x28d: {  	[sflag:s16] =	ssyncset.done $0x0;
	s30 =	sld [smem:$0x76A]  }
0x28e: {  	s31 =	sld [smem:$0x76B];
	[sflag:s16] =	ssyncadd.s32 $0xFFFFFF80  }
0x28f: {  	[tilespmem:s29], [sflag:$0x5] =	stream.indirect.gather [hbm4b:s3+s6], $0x1, s0, s6, $0xb8;
	[tilespmem:$0x1CB80] =	vst v63  }
0x290: {  	s0 =	sld [smem:$0x76C]  }
0x291: {  	s29 =	sld [smem:$0x76D]  }
0x292: {  	[tilespmem:s31], [sflag:$0x5] =	stream.indirect.gather [hbm4b:s3+s6], $0x1, s30, s6, $0xb8;
	[tilespmem:$0x1CB80] =	vst v63  }
0x293: {  	s30 =	sld [smem:$0x76E]  }
0x294: {  	s31 =	sld [smem:$0x76F]  }
0x295: {  	[tilespmem:s29], [sflag:$0x5] =	stream.indirect.gather [hbm4b:s3+s6], $0x1, s0, s6, $0xb8;
	[tilespmem:$0x1CB80] =	vst v63  }
0x296: {  	s0 =	sld [smem:$0x770]  }
0x297: {  	s29 =	sld [smem:$0x771]  }
0x298: {  	[tilespmem:s31], [sflag:$0x5] =	stream.indirect.gather [hbm4b:s3+s6], $0x1, s30, s6, $0xb8;
	[tilespmem:$0x1CB80] =	vst v63  }
0x299: {  	s30 =	sld [smem:$0x772]  }
0x29a: {  	s31 =	sld [smem:$0x773]  }
0x29b: {  	[tilespmem:s29], [sflag:$0x5] =	stream.indirect.gather [hbm4b:s3+s6], $0x1, s0, s6, $0xb8;
	[tilespmem:$0x1CB80] =	vst v63  }
0x29c: {  	s0 =	sld [smem:$0x774]  }
0x29d: {  	s29 =	sld [smem:$0x775]  }
0x29e: {  	[tilespmem:s31], [sflag:$0x5] =	stream.indirect.gather [hbm4b:s3+s6], $0x1, s30, s6, $0xb8;
	[tilespmem:$0x1CB80] =	vst v63  }
0x29f: {  	s30 =	sld [smem:$0x776]  }
0x2a0: {  	s31 =	sld [smem:$0x777]  }
0x2a1: {  	[tilespmem:s29], [sflag:$0x5] =	stream.indirect.gather [hbm4b:s3+s6], $0x1, s0, s6, $0xb8;
	[tilespmem:$0x1CB80] =	vst v63  }
0x2a2: {  	_ = 	snop  }
0x2a3: {  	[tilespmem:s31], [sflag:$0x5] =	stream.indirect.gather [hbm4b:s3+s6], $0x1, s30, s6, $0xb8;
	[tilespmem:$0x1CB80] =	vst v63  }
0x2a4: {  	_ =	swait.ge [sflag:s17], $0x80  }
0x2a5: {  	[sflag:s17] =	ssyncset.done $0x0  }
0x2a6: {  	[sflag:s17] =	ssyncadd.s32 $0xFFFFFF80  }
0x2a7: {  	_ =	swait.ge [sflag:s17], $0x80  }
0x2a8: {  	[sflag:s17] =	ssyncset.done $0x0  }
0x2a9: {  	[sflag:s17] =	ssyncadd.s32 $0xFFFFFF80  }
0x2aa: {  	_ =	swait.ge [sflag:s17], $0x80  }
0x2ab: {  	[sflag:s17] =	ssyncset.done $0x0  }
0x2ac: {  	[sflag:s17] =	ssyncadd.s32 $0xFFFFFF80  }
0x2ad: {  	_ =	swait.ge [sflag:s17], $0x80  }
0x2ae: {  	[sflag:s17] =	ssyncset.done $0x0  }
0x2af: {  	[sflag:s17] =	ssyncadd.s32 $0xFFFFFF80  }
0x2b0: {  	_ =	swait.ge [sflag:s17], $0x80  }
0x2b1: {  	[sflag:s17] =	ssyncset.done $0x0  }
0x2b2: {  	[sflag:s17] =	ssyncadd.s32 $0xFFFFFF80  }
0x2b3: {  	_ =	swait.ge [sflag:s17], $0x80  }
0x2b4: {  	[sflag:s17] =	ssyncset.done $0x0  }
0x2b5: {  	[sflag:s17] =	ssyncadd.s32 $0xFFFFFF80  }
0x2b6: {  	_ =	swait.ge [sflag:s17], $0x80  }
0x2b7: {  	[sflag:s17] =	ssyncset.done $0x0  }
0x2b8: {  	[sflag:s17] =	ssyncadd.s32 $0xFFFFFF80  }
0x2b9: {  	_ =	swait.ge [sflag:s17], $0x80  }
0x2ba: {  	s0 =	sld [smem:$0x778]  }
0x2bb: {  	s29 =	sld [smem:$0x779]  }
0x2bc: {  	[sflag:s17] =	ssyncset.done $0x0;
	s30 =	sld [smem:$0x77A]  }
0x2bd: {  	s31 =	sld [smem:$0x77B];
	[sflag:s17] =	ssyncadd.s32 $0xFFFFFF80  }
0x2be: {  	[tilespmem:s29], [sflag:$0x6] =	stream.indirect.gather [hbm4b:s3+s6], $0x1, s0, s6, $0xb8;
	[tilespmem:$0x1CB80] =	vst v63  }
0x2bf: {  	s0 =	sld [smem:$0x77C]  }
0x2c0: {  	s29 =	sld [smem:$0x77D]  }
0x2c1: {  	[tilespmem:s31], [sflag:$0x6] =	stream.indirect.gather [hbm4b:s3+s6], $0x1, s30, s6, $0xb8;
	[tilespmem:$0x1CB80] =	vst v63  }
0x2c2: {  	s30 =	sld [smem:$0x77E]  }
0x2c3: {  	s31 =	sld [smem:$0x77F]  }
0x2c4: {  	[tilespmem:s29], [sflag:$0x6] =	stream.indirect.gather [hbm4b:s3+s6], $0x1, s0, s6, $0xb8;
	[tilespmem:$0x1CB80] =	vst v63  }
0x2c5: {  	s0 =	sld [smem:$0x780]  }
0x2c6: {  	s29 =	sld [smem:$0x781]  }
0x2c7: {  	[tilespmem:s31], [sflag:$0x6] =	stream.indirect.gather [hbm4b:s3+s6], $0x1, s30, s6, $0xb8;
	[tilespmem:$0x1CB80] =	vst v63  }
0x2c8: {  	s30 =	sld [smem:$0x782]  }
0x2c9: {  	s31 =	sld [smem:$0x783]  }
0x2ca: {  	[tilespmem:s29], [sflag:$0x6] =	stream.indirect.gather [hbm4b:s3+s6], $0x1, s0, s6, $0xb8;
	[tilespmem:$0x1CB80] =	vst v63  }
0x2cb: {  	s0 =	sld [smem:$0x784]  }
0x2cc: {  	s29 =	sld [smem:$0x785]  }
0x2cd: {  	[tilespmem:s31], [sflag:$0x6] =	stream.indirect.gather [hbm4b:s3+s6], $0x1, s30, s6, $0xb8;
	[tilespmem:$0x1CB80] =	vst v63  }
0x2ce: {  	s30 =	sld [smem:$0x786]  }
0x2cf: {  	s31 =	sld [smem:$0x787]  }
0x2d0: {  	[tilespmem:s29], [sflag:$0x6] =	stream.indirect.gather [hbm4b:s3+s6], $0x1, s0, s6, $0xb8;
	[tilespmem:$0x1CB80] =	vst v63  }
0x2d1: {  	_ = 	snop  }
0x2d2: {  	[tilespmem:s31], [sflag:$0x6] =	stream.indirect.gather [hbm4b:s3+s6], $0x1, s30, s6, $0xb8;
	[tilespmem:$0x1CB80] =	vst v63  }
0x2d3: {  	_ =	swait.ge [sflag:s16], $0x80  }
0x2d4: {  	[sflag:s16] =	ssyncset.done $0x0  }
0x2d5: {  	[sflag:s16] =	ssyncadd.s32 $0xFFFFFF80  }
0x2d6: {  	_ =	swait.ge [sflag:s16], $0x80  }
0x2d7: {  	[sflag:s16] =	ssyncset.done $0x0  }
0x2d8: {  	[sflag:s16] =	ssyncadd.s32 $0xFFFFFF80  }
0x2d9: {  	_ =	swait.ge [sflag:s16], $0x80  }
0x2da: {  	[sflag:s16] =	ssyncset.done $0x0  }
0x2db: {  	[sflag:s16] =	ssyncadd.s32 $0xFFFFFF80  }
0x2dc: {  	_ =	swait.ge [sflag:s16], $0x80  }
0x2dd: {  	[sflag:s16] =	ssyncset.done $0x0  }
0x2de: {  	[sflag:s16] =	ssyncadd.s32 $0xFFFFFF80  }
0x2df: {  	_ =	swait.ge [sflag:s16], $0x80  }
0x2e0: {  	[sflag:s16] =	ssyncset.done $0x0  }
0x2e1: {  	[sflag:s16] =	ssyncadd.s32 $0xFFFFFF80  }
0x2e2: {  	_ =	swait.ge [sflag:s16], $0x80  }
0x2e3: {  	[sflag:s16] =	ssyncset.done $0x0  }
0x2e4: {  	[sflag:s16] =	ssyncadd.s32 $0xFFFFFF80  }
0x2e5: {  	_ =	swait.ge [sflag:s16], $0x80  }
0x2e6: {  	[sflag:s16] =	ssyncset.done $0x0  }
0x2e7: {  	[sflag:s16] =	ssyncadd.s32 $0xFFFFFF80  }
0x2e8: {  	_ =	swait.ge [sflag:s16], $0x80  }
0x2e9: {  	s0 =	sld [smem:$0x788]  }
0x2ea: {  	s29 =	sld [smem:$0x789]  }
0x2eb: {  	[sflag:s16] =	ssyncset.done $0x0;
	s30 =	sld [smem:$0x78A]  }
0x2ec: {  	s31 =	sld [smem:$0x78B];
	[sflag:s16] =	ssyncadd.s32 $0xFFFFFF80  }
0x2ed: {  	[tilespmem:s29], [sflag:$0x5] =	stream.indirect.gather [hbm4b:s3+s6], $0x1, s0, s6, $0xb8;
	[tilespmem:$0x1CB80] =	vst v63  }
0x2ee: {  	s0 =	sld [smem:$0x78C]  }
0x2ef: {  	s29 =	sld [smem:$0x78D]  }
0x2f0: {  	[tilespmem:s31], [sflag:$0x5] =	stream.indirect.gather [hbm4b:s3+s6], $0x1, s30, s6, $0xb8;
	[tilespmem:$0x1CB80] =	vst v63  }
0x2f1: {  	s30 =	sld [smem:$0x78E]  }
0x2f2: {  	s31 =	sld [smem:$0x78F]  }
0x2f3: {  	[tilespmem:s29], [sflag:$0x5] =	stream.indirect.gather [hbm4b:s3+s6], $0x1, s0, s6, $0xb8;
	[tilespmem:$0x1CB80] =	vst v63  }
0x2f4: {  	s0 =	sld [smem:$0x790]  }
0x2f5: {  	s29 =	sld [smem:$0x791]  }
0x2f6: {  	[tilespmem:s31], [sflag:$0x5] =	stream.indirect.gather [hbm4b:s3+s6], $0x1, s30, s6, $0xb8;
	[tilespmem:$0x1CB80] =	vst v63  }
0x2f7: {  	s30 =	sld [smem:$0x792]  }
0x2f8: {  	s31 =	sld [smem:$0x793]  }
0x2f9: {  	[tilespmem:s29], [sflag:$0x5] =	stream.indirect.gather [hbm4b:s3+s6], $0x1, s0, s6, $0xb8;
	[tilespmem:$0x1CB80] =	vst v63  }
0x2fa: {  	s0 =	sld [smem:$0x794]  }
0x2fb: {  	s29 =	sld [smem:$0x795]  }
0x2fc: {  	[tilespmem:s31], [sflag:$0x5] =	stream.indirect.gather [hbm4b:s3+s6], $0x1, s30, s6, $0xb8;
	[tilespmem:$0x1CB80] =	vst v63  }
0x2fd: {  	s30 =	sld [smem:$0x796]  }
0x2fe: {  	s31 =	sld [smem:$0x797]  }
0x2ff: {  	[tilespmem:s29], [sflag:$0x5] =	stream.indirect.gather [hbm4b:s3+s6], $0x1, s0, s6, $0xb8;
	[tilespmem:$0x1CB80] =	vst v63  }
0x300: {  	_ = 	snop  }
0x301: {  	[tilespmem:s31], [sflag:$0x5] =	stream.indirect.gather [hbm4b:s3+s6], $0x1, s30, s6, $0xb8;
	[tilespmem:$0x1CB80] =	vst v63  }
0x302: {  	_ =	swait.ge [sflag:s17], $0x80  }
0x303: {  	[sflag:s17] =	ssyncset.done $0x0  }
0x304: {  	[sflag:s17] =	ssyncadd.s32 $0xFFFFFF80  }
0x305: {  	_ =	swait.ge [sflag:s17], $0x80  }
0x306: {  	[sflag:s17] =	ssyncset.done $0x0  }
0x307: {  	[sflag:s17] =	ssyncadd.s32 $0xFFFFFF80  }
0x308: {  	_ =	swait.ge [sflag:s17], $0x80  }
0x309: {  	[sflag:s17] =	ssyncset.done $0x0  }
0x30a: {  	[sflag:s17] =	ssyncadd.s32 $0xFFFFFF80  }
0x30b: {  	_ =	swait.ge [sflag:s17], $0x80  }
0x30c: {  	[sflag:s17] =	ssyncset.done $0x0  }
0x30d: {  	[sflag:s17] =	ssyncadd.s32 $0xFFFFFF80  }
0x30e: {  	_ =	swait.ge [sflag:s17], $0x80  }
0x30f: {  	[sflag:s17] =	ssyncset.done $0x0  }
0x310: {  	[sflag:s17] =	ssyncadd.s32 $0xFFFFFF80  }
0x311: {  	_ =	swait.ge [sflag:s17], $0x80  }
0x312: {  	[sflag:s17] =	ssyncset.done $0x0  }
0x313: {  	[sflag:s17] =	ssyncadd.s32 $0xFFFFFF80  }
0x314: {  	_ =	swait.ge [sflag:s17], $0x80  }
0x315: {  	[sflag:s17] =	ssyncset.done $0x0  }
0x316: {  	[sflag:s17] =	ssyncadd.s32 $0xFFFFFF80  }
0x317: {  	_ =	swait.ge [sflag:s17], $0x80  }
0x318: {  	s0 =	sld [smem:$0x798]  }
0x319: {  	s29 =	sld [smem:$0x799]  }
0x31a: {  	[sflag:s17] =	ssyncset.done $0x0;
	s30 =	sld [smem:$0x79A]  }
0x31b: {  	s31 =	sld [smem:$0x79B];
	[sflag:s17] =	ssyncadd.s32 $0xFFFFFF80  }
0x31c: {  	[tilespmem:s29], [sflag:$0x6] =	stream.indirect.gather [hbm4b:s3+s6], $0x1, s0, s6, $0xb8;
	[tilespmem:$0x1CB80] =	vst v63  }
0x31d: {  	s0 =	sld [smem:$0x79C]  }
0x31e: {  	s29 =	sld [smem:$0x79D]  }
0x31f: {  	[tilespmem:s31], [sflag:$0x6] =	stream.indirect.gather [hbm4b:s3+s6], $0x1, s30, s6, $0xb8;
	[tilespmem:$0x1CB80] =	vst v63  }
0x320: {  	s30 =	sld [smem:$0x79E]  }
0x321: {  	s31 =	sld [smem:$0x79F]  }
0x322: {  	[tilespmem:s29], [sflag:$0x6] =	stream.indirect.gather [hbm4b:s3+s6], $0x1, s0, s6, $0xb8;
	[tilespmem:$0x1CB80] =	vst v63  }
0x323: {  	s0 =	sld [smem:$0x7A0]  }
0x324: {  	s29 =	sld [smem:$0x7A1]  }
0x325: {  	[tilespmem:s31], [sflag:$0x6] =	stream.indirect.gather [hbm4b:s3+s6], $0x1, s30, s6, $0xb8;
	[tilespmem:$0x1CB80] =	vst v63  }
0x326: {  	s30 =	sld [smem:$0x7A2]  }
0x327: {  	s31 =	sld [smem:$0x7A3]  }
0x328: {  	[tilespmem:s29], [sflag:$0x6] =	stream.indirect.gather [hbm4b:s3+s6], $0x1, s0, s6, $0xb8;
	[tilespmem:$0x1CB80] =	vst v63  }
0x329: {  	s0 =	sld [smem:$0x7A4]  }
0x32a: {  	s29 =	sld [smem:$0x7A5]  }
0x32b: {  	[tilespmem:s31], [sflag:$0x6] =	stream.indirect.gather [hbm4b:s3+s6], $0x1, s30, s6, $0xb8;
	[tilespmem:$0x1CB80] =	vst v63  }
0x32c: {  	s30 =	sld [smem:$0x7A6]  }
0x32d: {  	s31 =	sld [smem:$0x7A7]  }
0x32e: {  	[tilespmem:s29], [sflag:$0x6] =	stream.indirect.gather [hbm4b:s3+s6], $0x1, s0, s6, $0xb8;
	[tilespmem:$0x1CB80] =	vst v63  }
0x32f: {  	_ = 	snop  }
0x330: {  	[tilespmem:s31], [sflag:$0x6] =	stream.indirect.gather [hbm4b:s3+s6], $0x1, s30, s6, $0xb8;
	[tilespmem:$0x1CB80] =	vst v63  }
0x331: {  	_ =	swait.ge [sflag:s16], $0x80  }
0x332: {  	[sflag:s16] =	ssyncset.done $0x0  }
0x333: {  	[sflag:s16] =	ssyncadd.s32 $0xFFFFFF80  }
0x334: {  	_ =	swait.ge [sflag:s16], $0x80  }
0x335: {  	[sflag:s16] =	ssyncset.done $0x0  }
0x336: {  	[sflag:s16] =	ssyncadd.s32 $0xFFFFFF80  }
0x337: {  	_ =	swait.ge [sflag:s16], $0x80  }
0x338: {  	[sflag:s16] =	ssyncset.done $0x0  }
0x339: {  	[sflag:s16] =	ssyncadd.s32 $0xFFFFFF80  }
0x33a: {  	_ =	swait.ge [sflag:s16], $0x80  }
0x33b: {  	[sflag:s16] =	ssyncset.done $0x0  }
0x33c: {  	[sflag:s16] =	ssyncadd.s32 $0xFFFFFF80  }
0x33d: {  	_ =	swait.ge [sflag:s16], $0x80  }
0x33e: {  	[sflag:s16] =	ssyncset.done $0x0  }
0x33f: {  	[sflag:s16] =	ssyncadd.s32 $0xFFFFFF80  }
0x340: {  	_ =	swait.ge [sflag:s16], $0x80  }
0x341: {  	[sflag:s16] =	ssyncset.done $0x0  }
0x342: {  	[sflag:s16] =	ssyncadd.s32 $0xFFFFFF80  }
0x343: {  	_ =	swait.ge [sflag:s16], $0x80  }
0x344: {  	[sflag:s16] =	ssyncset.done $0x0  }
0x345: {  	[sflag:s16] =	ssyncadd.s32 $0xFFFFFF80  }
0x346: {  	_ =	swait.ge [sflag:s16], $0x80  }
0x347: {  	s0 =	sld [smem:$0x7A8]  }
0x348: {  	s29 =	sld [smem:$0x7A9]  }
0x349: {  	[sflag:s16] =	ssyncset.done $0x0;
	s30 =	sld [smem:$0x7AA]  }
0x34a: {  	s31 =	sld [smem:$0x7AB];
	[sflag:s16] =	ssyncadd.s32 $0xFFFFFF80  }
0x34b: {  	[tilespmem:s29], [sflag:$0x5] =	stream.indirect.gather [hbm4b:s3+s6], $0x1, s0, s6, $0xb8;
	[tilespmem:$0x1CB80] =	vst v63  }
0x34c: {  	s0 =	sld [smem:$0x7AC]  }
0x34d: {  	s29 =	sld [smem:$0x7AD]  }
0x34e: {  	[tilespmem:s31], [sflag:$0x5] =	stream.indirect.gather [hbm4b:s3+s6], $0x1, s30, s6, $0xb8;
	[tilespmem:$0x1CB80] =	vst v63  }
0x34f: {  	s30 =	sld [smem:$0x7AE]  }
0x350: {  	s31 =	sld [smem:$0x7AF]  }
0x351: {  	[tilespmem:s29], [sflag:$0x5] =	stream.indirect.gather [hbm4b:s3+s6], $0x1, s0, s6, $0xb8;
	[tilespmem:$0x1CB80] =	vst v63  }
0x352: {  	s0 =	sld [smem:$0x7B0]  }
0x353: {  	s29 =	sld [smem:$0x7B1]  }
0x354: {  	[tilespmem:s31], [sflag:$0x5] =	stream.indirect.gather [hbm4b:s3+s6], $0x1, s30, s6, $0xb8;
	[tilespmem:$0x1CB80] =	vst v63  }
0x355: {  	s30 =	sld [smem:$0x7B2]  }
0x356: {  	s31 =	sld [smem:$0x7B3]  }
0x357: {  	[tilespmem:s29], [sflag:$0x5] =	stream.indirect.gather [hbm4b:s3+s6], $0x1, s0, s6, $0xb8;
	[tilespmem:$0x1CB80] =	vst v63  }
0x358: {  	s0 =	sld [smem:$0x7B4]  }
0x359: {  	s29 =	sld [smem:$0x7B5]  }
0x35a: {  	[tilespmem:s31], [sflag:$0x5] =	stream.indirect.gather [hbm4b:s3+s6], $0x1, s30, s6, $0xb8;
	[tilespmem:$0x1CB80] =	vst v63  }
0x35b: {  	s30 =	sld [smem:$0x7B6]  }
0x35c: {  	s31 =	sld [smem:$0x7B7]  }
0x35d: {  	[tilespmem:s29], [sflag:$0x5] =	stream.indirect.gather [hbm4b:s3+s6], $0x1, s0, s6, $0xb8;
	[tilespmem:$0x1CB80] =	vst v63  }
0x35e: {  	_ = 	snop  }
0x35f: {  	[tilespmem:s31], [sflag:$0x5] =	stream.indirect.gather [hbm4b:s3+s6], $0x1, s30, s6, $0xb8;
	[tilespmem:$0x1CB80] =	vst v63  }
0x360: {  	_ =	swait.ge [sflag:s17], $0x80  }
0x361: {  	[sflag:s17] =	ssyncset.done $0x0  }
0x362: {  	[sflag:s17] =	ssyncadd.s32 $0xFFFFFF80  }
0x363: {  	_ =	swait.ge [sflag:s17], $0x80  }
0x364: {  	[sflag:s17] =	ssyncset.done $0x0  }
0x365: {  	[sflag:s17] =	ssyncadd.s32 $0xFFFFFF80  }
0x366: {  	_ =	swait.ge [sflag:s17], $0x80  }
0x367: {  	[sflag:s17] =	ssyncset.done $0x0  }
0x368: {  	[sflag:s17] =	ssyncadd.s32 $0xFFFFFF80  }
0x369: {  	_ =	swait.ge [sflag:s17], $0x80  }
0x36a: {  	[sflag:s17] =	ssyncset.done $0x0  }
0x36b: {  	[sflag:s17] =	ssyncadd.s32 $0xFFFFFF80  }
0x36c: {  	_ =	swait.ge [sflag:s17], $0x80  }
0x36d: {  	[sflag:s17] =	ssyncset.done $0x0  }
0x36e: {  	[sflag:s17] =	ssyncadd.s32 $0xFFFFFF80  }
0x36f: {  	_ =	swait.ge [sflag:s17], $0x80  }
0x370: {  	[sflag:s17] =	ssyncset.done $0x0  }
0x371: {  	[sflag:s17] =	ssyncadd.s32 $0xFFFFFF80  }
0x372: {  	_ =	swait.ge [sflag:s17], $0x80  }
0x373: {  	[sflag:s17] =	ssyncset.done $0x0  }
0x374: {  	[sflag:s17] =	ssyncadd.s32 $0xFFFFFF80  }
0x375: {  	_ =	swait.ge [sflag:s17], $0x80  }
0x376: {  	s0 =	sld [smem:$0x7B8]  }
0x377: {  	s29 =	sld [smem:$0x7B9]  }
0x378: {  	[sflag:s17] =	ssyncset.done $0x0;
	s30 =	sld [smem:$0x7BA]  }
0x379: {  	s31 =	sld [smem:$0x7BB];
	[sflag:s17] =	ssyncadd.s32 $0xFFFFFF80  }
0x37a: {  	[tilespmem:s29], [sflag:$0x6] =	stream.indirect.gather [hbm4b:s3+s6], $0x1, s0, s6, $0xb8;
	[tilespmem:$0x1CB80] =	vst v63  }
0x37b: {  	s0 =	sld [smem:$0x7BC]  }
0x37c: {  	s29 =	sld [smem:$0x7BD]  }
0x37d: {  	[tilespmem:s31], [sflag:$0x6] =	stream.indirect.gather [hbm4b:s3+s6], $0x1, s30, s6, $0xb8;
	[tilespmem:$0x1CB80] =	vst v63  }
0x37e: {  	s30 =	sld [smem:$0x7BE]  }
0x37f: {  	s31 =	sld [smem:$0x7BF]  }
0x380: {  	[tilespmem:s29], [sflag:$0x6] =	stream.indirect.gather [hbm4b:s3+s6], $0x1, s0, s6, $0xb8;
	[tilespmem:$0x1CB80] =	vst v63  }
0x381: {  	s0 =	sld [smem:$0x7C0]  }
0x382: {  	s29 =	sld [smem:$0x7C1]  }
0x383: {  	[tilespmem:s31], [sflag:$0x6] =	stream.indirect.gather [hbm4b:s3+s6], $0x1, s30, s6, $0xb8;
	[tilespmem:$0x1CB80] =	vst v63  }
0x384: {  	s30 =	sld [smem:$0x7C2]  }
0x385: {  	s31 =	sld [smem:$0x7C3]  }
0x386: {  	[tilespmem:s29], [sflag:$0x6] =	stream.indirect.gather [hbm4b:s3+s6], $0x1, s0, s6, $0xb8;
	[tilespmem:$0x1CB80] =	vst v63  }
0x387: {  	s0 =	sld [smem:$0x7C4]  }
0x388: {  	s29 =	sld [smem:$0x7C5]  }
0x389: {  	[tilespmem:s31], [sflag:$0x6] =	stream.indirect.gather [hbm4b:s3+s6], $0x1, s30, s6, $0xb8;
	[tilespmem:$0x1CB80] =	vst v63  }
0x38a: {  	s30 =	sld [smem:$0x7C6]  }
0x38b: {  	s31 =	sld [smem:$0x7C7]  }
0x38c: {  	[tilespmem:s29], [sflag:$0x6] =	stream.indirect.gather [hbm4b:s3+s6], $0x1, s0, s6, $0xb8;
	[tilespmem:$0x1CB80] =	vst v63  }
0x38d: {  	_ = 	snop  }
0x38e: {  	[tilespmem:s31], [sflag:$0x6] =	stream.indirect.gather [hbm4b:s3+s6], $0x1, s30, s6, $0xb8;
	[tilespmem:$0x1CB80] =	vst v63  }
0x38f: {  	_ =	swait.ge [sflag:s16], $0x80  }
0x390: {  	[sflag:s16] =	ssyncset.done $0x0  }
0x391: {  	[sflag:s16] =	ssyncadd.s32 $0xFFFFFF80  }
0x392: {  	_ =	swait.ge [sflag:s16], $0x80  }
0x393: {  	[sflag:s16] =	ssyncset.done $0x0  }
0x394: {  	[sflag:s16] =	ssyncadd.s32 $0xFFFFFF80  }
0x395: {  	_ =	swait.ge [sflag:s16], $0x80  }
0x396: {  	[sflag:s16] =	ssyncset.done $0x0  }
0x397: {  	[sflag:s16] =	ssyncadd.s32 $0xFFFFFF80  }
0x398: {  	_ =	swait.ge [sflag:s16], $0x80  }
0x399: {  	[sflag:s16] =	ssyncset.done $0x0  }
0x39a: {  	[sflag:s16] =	ssyncadd.s32 $0xFFFFFF80  }
0x39b: {  	_ =	swait.ge [sflag:s16], $0x80  }
0x39c: {  	[sflag:s16] =	ssyncset.done $0x0  }
0x39d: {  	[sflag:s16] =	ssyncadd.s32 $0xFFFFFF80  }
0x39e: {  	_ =	swait.ge [sflag:s16], $0x80  }
0x39f: {  	[sflag:s16] =	ssyncset.done $0x0  }
0x3a0: {  	[sflag:s16] =	ssyncadd.s32 $0xFFFFFF80  }
0x3a1: {  	_ =	swait.ge [sflag:s16], $0x80  }
0x3a2: {  	[sflag:s16] =	ssyncset.done $0x0  }
0x3a3: {  	[sflag:s16] =	ssyncadd.s32 $0xFFFFFF80  }
0x3a4: {  	_ =	swait.ge [sflag:s16], $0x80  }
0x3a5: {  	s0 =	sld [smem:$0x7C8]  }
0x3a6: {  	s29 =	sld [smem:$0x7C9]  }
0x3a7: {  	[sflag:s16] =	ssyncset.done $0x0;
	s30 =	sld [smem:$0x7CA]  }
0x3a8: {  	s31 =	sld [smem:$0x7CB];
	[sflag:s16] =	ssyncadd.s32 $0xFFFFFF80  }
0x3a9: {  	[tilespmem:s29], [sflag:$0x5] =	stream.indirect.gather [hbm4b:s3+s6], $0x1, s0, s6, $0xb8;
	[tilespmem:$0x1CB80] =	vst v63  }
0x3aa: {  	s0 =	sld [smem:$0x7CC]  }
0x3ab: {  	s29 =	sld [smem:$0x7CD]  }
0x3ac: {  	[tilespmem:s31], [sflag:$0x5] =	stream.indirect.gather [hbm4b:s3+s6], $0x1, s30, s6, $0xb8;
	[tilespmem:$0x1CB80] =	vst v63  }
0x3ad: {  	s30 =	sld [smem:$0x7CE]  }
0x3ae: {  	s31 =	sld [smem:$0x7CF]  }
0x3af: {  	[tilespmem:s29], [sflag:$0x5] =	stream.indirect.gather [hbm4b:s3+s6], $0x1, s0, s6, $0xb8;
	[tilespmem:$0x1CB80] =	vst v63  }
0x3b0: {  	s0 =	sld [smem:$0x7D0]  }
0x3b1: {  	s29 =	sld [smem:$0x7D1]  }
0x3b2: {  	[tilespmem:s31], [sflag:$0x5] =	stream.indirect.gather [hbm4b:s3+s6], $0x1, s30, s6, $0xb8;
	[tilespmem:$0x1CB80] =	vst v63  }
0x3b3: {  	s30 =	sld [smem:$0x7D2]  }
0x3b4: {  	s31 =	sld [smem:$0x7D3]  }
0x3b5: {  	[tilespmem:s29], [sflag:$0x5] =	stream.indirect.gather [hbm4b:s3+s6], $0x1, s0, s6, $0xb8;
	[tilespmem:$0x1CB80] =	vst v63  }
0x3b6: {  	s0 =	sld [smem:$0x7D4]  }
0x3b7: {  	s29 =	sld [smem:$0x7D5]  }
0x3b8: {  	[tilespmem:s31], [sflag:$0x5] =	stream.indirect.gather [hbm4b:s3+s6], $0x1, s30, s6, $0xb8;
	[tilespmem:$0x1CB80] =	vst v63  }
0x3b9: {  	s30 =	sld [smem:$0x7D6]  }
0x3ba: {  	s31 =	sld [smem:$0x7D7]  }
0x3bb: {  	[tilespmem:s29], [sflag:$0x5] =	stream.indirect.gather [hbm4b:s3+s6], $0x1, s0, s6, $0xb8;
	[tilespmem:$0x1CB80] =	vst v63  }
0x3bc: {  	_ = 	snop  }
0x3bd: {  	[tilespmem:s31], [sflag:$0x5] =	stream.indirect.gather [hbm4b:s3+s6], $0x1, s30, s6, $0xb8;
	[tilespmem:$0x1CB80] =	vst v63  }
0x3be: {  	_ =	swait.ge [sflag:s17], $0x80  }
0x3bf: {  	[sflag:s17] =	ssyncset.done $0x0  }
0x3c0: {  	[sflag:s17] =	ssyncadd.s32 $0xFFFFFF80  }
0x3c1: {  	_ =	swait.ge [sflag:s17], $0x80  }
0x3c2: {  	[sflag:s17] =	ssyncset.done $0x0  }
0x3c3: {  	[sflag:s17] =	ssyncadd.s32 $0xFFFFFF80  }
0x3c4: {  	_ =	swait.ge [sflag:s17], $0x80  }
0x3c5: {  	[sflag:s17] =	ssyncset.done $0x0  }
0x3c6: {  	[sflag:s17] =	ssyncadd.s32 $0xFFFFFF80  }
0x3c7: {  	_ =	swait.ge [sflag:s17], $0x80  }
0x3c8: {  	[sflag:s17] =	ssyncset.done $0x0  }
0x3c9: {  	[sflag:s17] =	ssyncadd.s32 $0xFFFFFF80  }
0x3ca: {  	_ =	swait.ge [sflag:s17], $0x80  }
0x3cb: {  	[sflag:s17] =	ssyncset.done $0x0  }
0x3cc: {  	[sflag:s17] =	ssyncadd.s32 $0xFFFFFF80  }
0x3cd: {  	_ =	swait.ge [sflag:s17], $0x80  }
0x3ce: {  	[sflag:s17] =	ssyncset.done $0x0  }
0x3cf: {  	[sflag:s17] =	ssyncadd.s32 $0xFFFFFF80  }
0x3d0: {  	_ =	swait.ge [sflag:s17], $0x80  }
0x3d1: {  	[sflag:s17] =	ssyncset.done $0x0  }
0x3d2: {  	[sflag:s17] =	ssyncadd.s32 $0xFFFFFF80  }
0x3d3: {  	_ =	swait.ge [sflag:s17], $0x80  }
0x3d4: {  	s0 =	sld [smem:$0x7D8]  }
0x3d5: {  	s29 =	sld [smem:$0x7D9]  }
0x3d6: {  	[sflag:s17] =	ssyncset.done $0x0;
	s30 =	sld [smem:$0x7DA]  }
0x3d7: {  	s31 =	sld [smem:$0x7DB];
	[sflag:s17] =	ssyncadd.s32 $0xFFFFFF80  }
0x3d8: {  	[tilespmem:s29], [sflag:$0x6] =	stream.indirect.gather [hbm4b:s3+s6], $0x1, s0, s6, $0xb8;
	[tilespmem:$0x1CB80] =	vst v63  }
0x3d9: {  	s0 =	sld [smem:$0x7DC]  }
0x3da: {  	s29 =	sld [smem:$0x7DD]  }
0x3db: {  	[tilespmem:s31], [sflag:$0x6] =	stream.indirect.gather [hbm4b:s3+s6], $0x1, s30, s6, $0xb8;
	[tilespmem:$0x1CB80] =	vst v63  }
0x3dc: {  	s30 =	sld [smem:$0x7DE]  }
0x3dd: {  	s31 =	sld [smem:$0x7DF]  }
0x3de: {  	[tilespmem:s29], [sflag:$0x6] =	stream.indirect.gather [hbm4b:s3+s6], $0x1, s0, s6, $0xb8;
	[tilespmem:$0x1CB80] =	vst v63  }
0x3df: {  	s0 =	sld [smem:$0x7E0]  }
0x3e0: {  	s29 =	sld [smem:$0x7E1]  }
0x3e1: {  	[tilespmem:s31], [sflag:$0x6] =	stream.indirect.gather [hbm4b:s3+s6], $0x1, s30, s6, $0xb8;
	[tilespmem:$0x1CB80] =	vst v63  }
0x3e2: {  	s30 =	sld [smem:$0x7E2]  }
0x3e3: {  	s31 =	sld [smem:$0x7E3]  }
0x3e4: {  	[tilespmem:s29], [sflag:$0x6] =	stream.indirect.gather [hbm4b:s3+s6], $0x1, s0, s6, $0xb8;
	[tilespmem:$0x1CB80] =	vst v63  }
0x3e5: {  	s0 =	sld [smem:$0x7E4]  }
0x3e6: {  	s29 =	sld [smem:$0x7E5]  }
0x3e7: {  	[tilespmem:s31], [sflag:$0x6] =	stream.indirect.gather [hbm4b:s3+s6], $0x1, s30, s6, $0xb8;
	[tilespmem:$0x1CB80] =	vst v63  }
0x3e8: {  	s30 =	sld [smem:$0x7E6]  }
0x3e9: {  	s31 =	sld [smem:$0x7E7]  }
0x3ea: {  	[tilespmem:s29], [sflag:$0x6] =	stream.indirect.gather [hbm4b:s3+s6], $0x1, s0, s6, $0xb8;
	[tilespmem:$0x1CB80] =	vst v63  }
0x3eb: {  	_ = 	snop  }
0x3ec: {  	[tilespmem:s31], [sflag:$0x6] =	stream.indirect.gather [hbm4b:s3+s6], $0x1, s30, s6, $0xb8;
	[tilespmem:$0x1CB80] =	vst v63  }
0x3ed: {  	_ =	swait.ge [sflag:s16], $0x80  }
0x3ee: {  	[sflag:s16] =	ssyncset.done $0x0  }
0x3ef: {  	[sflag:s16] =	ssyncadd.s32 $0xFFFFFF80  }
0x3f0: {  	_ =	swait.ge [sflag:s16], $0x80  }
0x3f1: {  	[sflag:s16] =	ssyncset.done $0x0  }
0x3f2: {  	[sflag:s16] =	ssyncadd.s32 $0xFFFFFF80  }
0x3f3: {  	_ =	swait.ge [sflag:s16], $0x80  }
0x3f4: {  	[sflag:s16] =	ssyncset.done $0x0  }
0x3f5: {  	[sflag:s16] =	ssyncadd.s32 $0xFFFFFF80  }
0x3f6: {  	_ =	swait.ge [sflag:s16], $0x80  }
0x3f7: {  	[sflag:s16] =	ssyncset.done $0x0  }
0x3f8: {  	[sflag:s16] =	ssyncadd.s32 $0xFFFFFF80  }
0x3f9: {  	_ =	swait.ge [sflag:s16], $0x80  }
0x3fa: {  	[sflag:s16] =	ssyncset.done $0x0  }
0x3fb: {  	[sflag:s16] =	ssyncadd.s32 $0xFFFFFF80  }
0x3fc: {  	_ =	swait.ge [sflag:s16], $0x80  }
0x3fd: {  	[sflag:s16] =	ssyncset.done $0x0  }
0x3fe: {  	[sflag:s16] =	ssyncadd.s32 $0xFFFFFF80  }
0x3ff: {  	_ =	swait.ge [sflag:s16], $0x80  }
0x400: {  	[sflag:s16] =	ssyncset.done $0x0  }
0x401: {  	[sflag:s16] =	ssyncadd.s32 $0xFFFFFF80  }
0x402: {  	_ =	swait.ge [sflag:s16], $0x80  }
0x403: {  	s0 =	sld [smem:$0x7E8]  }
0x404: {  	s29 =	sld [smem:$0x7E9]  }
0x405: {  	[sflag:s16] =	ssyncset.done $0x0;
	s30 =	sld [smem:$0x7EA]  }
0x406: {  	s31 =	sld [smem:$0x7EB];
	[sflag:s16] =	ssyncadd.s32 $0xFFFFFF80  }
0x407: {  	[tilespmem:s29], [sflag:$0x5] =	stream.indirect.gather [hbm4b:s3+s6], $0x1, s0, s6, $0xb8;
	[tilespmem:$0x1CB80] =	vst v63  }
0x408: {  	s0 =	sld [smem:$0x7EC]  }
0x409: {  	s29 =	sld [smem:$0x7ED]  }
0x40a: {  	[tilespmem:s31], [sflag:$0x5] =	stream.indirect.gather [hbm4b:s3+s6], $0x1, s30, s6, $0xb8;
	[tilespmem:$0x1CB80] =	vst v63  }
0x40b: {  	s30 =	sld [smem:$0x7EE]  }
0x40c: {  	s31 =	sld [smem:$0x7EF]  }
0x40d: {  	[tilespmem:s29], [sflag:$0x5] =	stream.indirect.gather [hbm4b:s3+s6], $0x1, s0, s6, $0xb8;
	[tilespmem:$0x1CB80] =	vst v63  }
0x40e: {  	s0 =	sld [smem:$0x7F4]  }
0x40f: {  	s29 =	sld [smem:$0x7F5]  }
0x410: {  	[tilespmem:s31], [sflag:$0x5] =	stream.indirect.gather [hbm4b:s3+s6], $0x1, s30, s6, $0xb8;
	[tilespmem:$0x1CB80] =	vst v63  }
0x411: {  	s30 =	sld [smem:$0x7F6]  }
0x412: {  	s31 =	sld [smem:$0x7F7]  }
0x413: {  	[tilespmem:s29], [sflag:$0x5] =	stream.indirect.gather [hbm4b:s3+s6], $0x1, s0, s6, $0xb8;
	[tilespmem:$0x1CB80] =	vst v63  }
0x414: {  	s0 =	sld [smem:$0x7F8]  }
0x415: {  	s29 =	sld [smem:$0x7F9]  }
0x416: {  	[tilespmem:s31], [sflag:$0x5] =	stream.indirect.gather [hbm4b:s3+s6], $0x1, s30, s6, $0xb8;
	[tilespmem:$0x1CB80] =	vst v63  }
0x417: {  	s30 =	sld [smem:$0x7FA]  }
0x418: {  	s31 =	sld [smem:$0x7FB]  }
0x419: {  	[tilespmem:s29], [sflag:$0x5] =	stream.indirect.gather [hbm4b:s3+s6], $0x1, s0, s6, $0xb8;
	[tilespmem:$0x1CB80] =	vst v63  }
0x41a: {  	_ = 	snop  }
0x41b: {  	[tilespmem:s31], [sflag:$0x5] =	stream.indirect.gather [hbm4b:s3+s6], $0x1, s30, s6, $0xb8;
	[tilespmem:$0x1CB80] =	vst v63  }
0x41c: {  	_ =	swait.ge [sflag:s17], $0x80  }
0x41d: {  	[sflag:s17] =	ssyncset.done $0x0  }
0x41e: {  	[sflag:s17] =	ssyncadd.s32 $0xFFFFFF80  }
0x41f: {  	_ =	swait.ge [sflag:s17], $0x80  }
0x420: {  	[sflag:s17] =	ssyncset.done $0x0  }
0x421: {  	[sflag:s17] =	ssyncadd.s32 $0xFFFFFF80  }
0x422: {  	_ =	swait.ge [sflag:s17], $0x80  }
0x423: {  	[sflag:s17] =	ssyncset.done $0x0  }
0x424: {  	[sflag:s17] =	ssyncadd.s32 $0xFFFFFF80  }
0x425: {  	_ =	swait.ge [sflag:s17], $0x80  }
0x426: {  	[sflag:s17] =	ssyncset.done $0x0  }
0x427: {  	[sflag:s17] =	ssyncadd.s32 $0xFFFFFF80  }
0x428: {  	_ =	swait.ge [sflag:s17], $0x80  }
0x429: {  	[sflag:s17] =	ssyncset.done $0x0  }
0x42a: {  	[sflag:s17] =	ssyncadd.s32 $0xFFFFFF80  }
0x42b: {  	_ =	swait.ge [sflag:s17], $0x80  }
0x42c: {  	[sflag:s17] =	ssyncset.done $0x0  }
0x42d: {  	[sflag:s17] =	ssyncadd.s32 $0xFFFFFF80  }
0x42e: {  	_ =	swait.ge [sflag:s17], $0x80  }
0x42f: {  	[sflag:s17] =	ssyncset.done $0x0  }
0x430: {  	[sflag:s17] =	ssyncadd.s32 $0xFFFFFF80  }
0x431: {  	_ =	swait.ge [sflag:s17], $0x80  }
0x432: {  	s31 =	sld [smem:$0x7F3]  }
0x433: {  	s30 =	sld [smem:$0x7F0]  }
0x434: {  	[sflag:s17] =	ssyncset.done $0x0;
	s0 =	sld [smem:$0x7F2]  }
0x435: {  	s29 =	sld [smem:$0x7F1];
	[sflag:s17] =	ssyncadd.s32 $0xFFFFFF80  }
0x436: {  	[tilespmem:s30], [sflag:$0x6] =	stream.indirect.gather [hbm4b:s3+s6], $0x1, s31, s6, $0xb8;
	[tilespmem:$0x1CB80] =	vst v63  }
0x437: {  	s30 =	sld [smem:$0x7FC]  }
0x438: {  	s31 =	sld [smem:$0x7FD]  }
0x439: {  	[tilespmem:s29], [sflag:$0x6] =	stream.indirect.gather [hbm4b:s3+s6], $0x1, s0, s6, $0xb8;
	[tilespmem:$0x1CB80] =	vst v63  }
0x43a: {  	_ = 	snop  }
0x43b: {  	[tilespmem:s31], [sflag:$0x6] =	stream.indirect.gather [hbm4b:s3+s6], $0x1, s30, s6, $0xb8;
	[tilespmem:$0x1CB80] =	vst v63  }
0x43c: {  	_ = 	snop  }
0x43d: {  	[tilespmem:s19], [sflag:$0x6] =	stream.indirect.gather [hbm4b:s3+s6], $0x1, s18, s6, $0xb8;
	[tilespmem:$0x1CB80] =	vst v63  }
0x43e: {  	_ = 	snop  }
0x43f: {  	[tilespmem:s21], [sflag:$0x6] =	stream.indirect.gather [hbm4b:s3+s6], $0x1, s20, s6, $0xb8;
	[tilespmem:$0x1CB80] =	vst v63  }
0x440: {  	_ = 	snop  }
0x441: {  	[tilespmem:s23], [sflag:$0x6] =	stream.indirect.gather [hbm4b:s3+s6], $0x1, s22, s6, $0xb8;
	[tilespmem:$0x1CB80] =	vst v63  }
0x442: {  	_ = 	snop  }
0x443: {  	[tilespmem:s25], [sflag:$0x6] =	stream.indirect.gather [hbm4b:s3+s6], $0x1, s24, s6, $0xb8;
	[tilespmem:$0x1CB80] =	vst v63  }
0x444: {  	_ = 	snop  }
0x445: {  	[tilespmem:s28], [sflag:$0x6] =	stream.indirect.gather [hbm4b:s3+s6], $0x1, s26, s6, $0xb8;
	[tilespmem:$0x1CB80] =	vst v63  }
0x446: {  	_ =	swait.ge [sflag:s16], $0x80  }
0x447: {  	[sflag:s16] =	ssyncset.done $0x0  }
0x448: {  	[sflag:s16] =	ssyncadd.s32 $0xFFFFFF80  }
0x449: {  	_ =	swait.ge [sflag:s16], $0x80  }
0x44a: {  	[sflag:s16] =	ssyncset.done $0x0  }
0x44b: {  	[sflag:s16] =	ssyncadd.s32 $0xFFFFFF80  }
0x44c: {  	_ =	swait.ge [sflag:s16], $0x80  }
0x44d: {  	[sflag:s16] =	ssyncset.done $0x0  }
0x44e: {  	[sflag:s16] =	ssyncadd.s32 $0xFFFFFF80  }
0x44f: {  	_ =	swait.ge [sflag:s16], $0x80  }
0x450: {  	[sflag:s16] =	ssyncset.done $0x0  }
0x451: {  	[sflag:s16] =	ssyncadd.s32 $0xFFFFFF80  }
0x452: {  	_ =	swait.ge [sflag:s16], $0x80  }
0x453: {  	[sflag:s16] =	ssyncset.done $0x0  }
0x454: {  	[sflag:s16] =	ssyncadd.s32 $0xFFFFFF80  }
0x455: {  	_ =	swait.ge [sflag:s16], $0x80  }
0x456: {  	[sflag:s16] =	ssyncset.done $0x0  }
0x457: {  	[sflag:s16] =	ssyncadd.s32 $0xFFFFFF80  }
0x458: {  	_ =	swait.ge [sflag:s16], $0x80  }
0x459: {  	[sflag:s16] =	ssyncset.done $0x0  }
0x45a: {  	[sflag:s16] =	ssyncadd.s32 $0xFFFFFF80  }
0x45b: {  	_ =	swait.ge [sflag:s16], $0x80  }
0x45c: {  	[sflag:s16] =	ssyncset.done $0x0  }
0x45d: {  	[sflag:s16] =	ssyncadd.s32 $0xFFFFFF80  }
0x45e: {  	_ =	swait.ge [sflag:s17], $0x80  }
0x45f: {  	[sflag:s17] =	ssyncset.done $0x0  }
0x460: {  	[sflag:s17] =	ssyncadd.s32 $0xFFFFFF80  }
0x461: {  	_ =	swait.ge [sflag:s17], $0x80  }
0x462: {  	[sflag:s17] =	ssyncset.done $0x0  }
0x463: {  	[sflag:s17] =	ssyncadd.s32 $0xFFFFFF80  }
0x464: {  	_ =	swait.ge [sflag:s17], $0x80  }
0x465: {  	[sflag:s17] =	ssyncset.done $0x0  }
0x466: {  	[sflag:s17] =	ssyncadd.s32 $0xFFFFFF80  }
0x467: {  	_ =	swait.ge [sflag:s17], $0x80  }
0x468: {  	[sflag:s17] =	ssyncset.done $0x0  }
0x469: {  	[sflag:s17] =	ssyncadd.s32 $0xFFFFFF80  }
0x46a: {  	_ =	swait.ge [sflag:s17], $0x80  }
0x46b: {  	[sflag:s17] =	ssyncset.done $0x0  }
0x46c: {  	[sflag:s17] =	ssyncadd.s32 $0xFFFFFF80  }
0x46d: {  	_ =	swait.ge [sflag:s17], $0x80  }
0x46e: {  	[sflag:s17] =	ssyncset.done $0x0  }
0x46f: {  	[sflag:s17] =	ssyncadd.s32 $0xFFFFFF80  }
0x470: {  	_ =	swait.ge [sflag:s17], $0x80  }
0x471: {  	[sflag:s17] =	ssyncset.done $0x0  }
0x472: {  	[sflag:s17] =	ssyncadd.s32 $0xFFFFFF80  }
0x473: {  	s5 =	sadd.s32 $0xFFFFFFFF, s5;
	_ =	swait.ge [sflag:s17], $0x80  }
0x474: {  	p1 =	sne.s32 s5, $0x0;
	[sflag:s17] =	ssyncset.done $0x0  }
.Ltmp0:
0x475: {  	s31 =	rddreg [dreg:$0x1d];
	[sflag:s17] =	ssyncadd.s32 $0xFFFFFF80;
	(pc) =	sbr.rel @p1 .LBB2_1-.Ltmp0, $4  }
0x476: {  	[hbm4b:s31+s1] =	stream.linear.scatter [tilespmem:s15], [sflag:$0x7], $0x4000, $0x38;
	[tilespmem:$0x1CB80] =	vst v63  }
0x477: {  	_ =	swait.ge [sflag:s14], $0x4000  }
0x478: {  	[sflag:s14] =	ssyncset.done $0x0  }
0x479: {  	[sflag:s14] =	ssyncadd.s32 $0xFFFFC000  }
0x47a: {  	_ =	sfence.sel $0x180000  }
0x47b: {  	[bflag:$0x0] =	sbarrier.arrive $0xFFFF  }
0x47c: {  	_ =	strace $0x90000047  }
0x47d: {  	[bflag:$0x2] =	sbarrier.arrive $0xFFFF  }
0x47e: {  	p0 =	sne.s32 s2, $0x0;
	s0 =	rddreg [dreg:$0x2]  }
0x47f: {  	s0 =	sadd.s32 @!p0 $0x100000, s0  }
0x480: {  	[sflag:s0] =	ssyncadd.tile.s32 @!p0 $0x1;
	_ =	shalt  }
.Lfunc_end2:
_tile_overlayer_lowered:
.L_overlay_start_2:
0x481: {  	(tag) =	ssettag $0x2  }
0x482: {  	s0 =	rddreg [dreg:$0x0];
	s2 =	stileid.u32  }
0x483: {  	s1 =	rddreg [dreg:$0x1];
	p0 =	sne.s32 s2, $0x0  }
0x484: {  	s3 =	rddreg [dreg:$0x2];
	[bflag:$0x3] =	sbarrier.arrive $0xFFFF;
	s2 =	simm.s32 @!p0 $0x1C07  }
0x485: {  	[timem:s3], [sflag:s2] =	dma.local @!p0 [hbm:s0], s1  }
0x486: {  	s0 =	simm.s32 @!p0 $0x7  }
0x487: {  	_ =	swait.ge @!p0 [sflag:s0], s1  }
0x488: {  	s1 =	ssub.s32 @!p0 $0x0, s1;
	[sflag:s0] =	ssyncset.done @!p0 $0x0  }
0x489: {  	[sflag:s0] =	ssyncadd.s32 @!p0 s1  }
0x48a: {  	[bflag:$0x3] =	sbarrier.arrive $0xFFFF  }
0x48b: {  	_ =	shalt  }

</sc_bundles>
